<compile_context>
chip_gen: v7x
topology: tpu7x:2x2x1
jax: 0.10.2.dev20260603
libtpu: 0.0.44.dev20260713+nightly
codegen_flags: <defaults>
</compile_context>

<pallas_src>
import functools

import jax
import jax.numpy as jnp
from jax import lax
from jax.experimental import pallas as pl
from jax.experimental.pallas import tpu as pltpu
from jax.experimental.pallas import tpu_sc as plsc

ND = 10000
E = 320000
MSG = 16
H = 48
NR = 2
OUT = 64
NC = 2
NS = 16
CH = 80
NCHUNK = ND // CH
EW = E // NS
ECHUNK = EW // CH
_NBUF = 5

_f32 = jnp.float32
_i32 = jnp.int32

_MESH = plsc.VectorSubcoreMesh(core_axis_name="c", subcore_axis_name="s")
_SC_PARAMS = pltpu.CompilerParams(use_tc_tiling_on_sc=False)


def _w_body(att_ref, basis_ref, cjd_ref, cjs_ref, w_ref, cjdb_ref, cjsb_ref):
    w_ref[...] = jnp.dot(att_ref[...], basis_ref[...],
                         preferred_element_type=_f32)
    cjdb_ref[...] = jnp.broadcast_to(cjd_ref[...], (ND, MSG))
    cjsb_ref[...] = jnp.broadcast_to(cjs_ref[...], (ND, MSG))


def _compute_w(att, basis_flat, cj_drug, cj_dis):
    return pl.pallas_call(
        _w_body,
        out_shape=(jax.ShapeDtypeStruct((NR, ND * MSG), _f32),
                   jax.ShapeDtypeStruct((ND, MSG), _f32),
                   jax.ShapeDtypeStruct((ND, MSG), _f32)),
    )(att, basis_flat, cj_drug, cj_dis)


@functools.partial(
    pl.kernel,
    out_type=(jax.ShapeDtypeStruct((4, ND, H), _f32),
              jax.ShapeDtypeStruct((4, ND, H), _f32)),
    mesh=_MESH,
    compiler_params=_SC_PARAMS,
    scratch_types=[
        pltpu.VMEM_SHARED((ND, H), _f32),
        pltpu.VMEM_SHARED((ND, H), _f32),
        pltpu.VMEM((ECHUNK, CH), _i32),
        pltpu.VMEM((ECHUNK, CH), _i32),
        pltpu.VMEM((_NBUF, CH, H), _f32),
        pltpu.VMEM((CH,), _i32),
        pltpu.VMEM((CH,), _i32),
        pltpu.VMEM((CH,), _i32),
        pltpu.VMEM((CH, MSG), _f32),
        pltpu.VMEM((CH, MSG), _f32),
        pltpu.VMEM((CH, MSG), _f32),
        pltpu.VMEM((CH, MSG), _f32),
        pltpu.SemaphoreType.DMA,
        pltpu.SemaphoreType.DMA,
        pltpu.SemaphoreType.DMA,
        pltpu.SemaphoreType.DMA,
        pltpu.SemaphoreType.DMA,
        pltpu.SemaphoreType.DMA,
    ],
)
def _sc_main(w0, w1, fd0, fd1, fd2, fs0, fs1, fs2, cjdb, cjsb,
             es0, es1, es2, es3, ed0, ed1, ed2, ed3,
             parts, h_out, accA, accB, srcall, dstall, msg,
             i0, i1, i2, cjv, g0, g1, g2, s0, s1, s2, s3, s4, s5):
    cid = lax.axis_index("c")
    sid = lax.axis_index("s")
    gsem = (s0, s1, s2, s3, s4)
    hbuf = msg.at[0]
    zbuf = msg.at[1]

    def build_table(f0, f1, f2, cj, w, t):
        def chunk_body(jj, _):
            j = sid + jj * NS

            @pl.when(j < NCHUNK)
            def _():
                off = pl.multiple_of(j * CH, 8)
                pltpu.async_copy(f0.at[pl.ds(off, CH)], i0, s0)
                pltpu.async_copy(f1.at[pl.ds(off, CH)], i1, s1)
                pltpu.async_copy(f2.at[pl.ds(off, CH)], i2, s2)
                pltpu.async_copy(cj.at[pl.ds(off, CH)], cjv, s3)
                pltpu.make_async_copy(f0.at[pl.ds(off, CH)], i0, s0).wait()
                pltpu.make_async_copy(f1.at[pl.ds(off, CH)], i1, s1).wait()
                pltpu.make_async_copy(f2.at[pl.ds(off, CH)], i2, s2).wait()
                pltpu.async_copy(w.at[i0], g0, s0)
                pltpu.async_copy(w.at[i1], g1, s1)
                pltpu.async_copy(w.at[i2], g2, s2)
                pltpu.make_async_copy(w.at[i0], g0, s0).wait()
                pltpu.make_async_copy(w.at[i1], g1, s1).wait()
                pltpu.make_async_copy(w.at[i2], g2, s2).wait()
                pltpu.make_async_copy(cj.at[pl.ds(off, CH)], cjv, s3).wait()

                def row(i, _):
                    c = cjv[i, :]
                    hbuf[i, 0:MSG] = g0[i, :] * c
                    hbuf[i, MSG:2 * MSG] = g1[i, :] * c
                    hbuf[i, 2 * MSG:H] = g2[i, :] * c
                    return 0

                lax.fori_loop(0, CH, row, 0)
                pltpu.sync_copy(hbuf, h_out.at[t, pl.ds(off, CH)])
            return 0

        lax.fori_loop(0, (NCHUNK + NS - 1) // NS, chunk_body, 0)

    @pl.when(cid == 0)
    def _():
        build_table(fd0, fd1, fd2, cjdb, w0, 0)
        build_table(fd0, fd1, fd2, cjdb, w1, 1)
    @pl.when(cid == 1)
    def _():
        build_table(fs0, fs1, fs2, cjsb, w0, 2)
        build_table(fs0, fs1, fs2, cjsb, w1, 3)

    def zrow(i, _):
        z = jnp.zeros((MSG,), _f32)
        zbuf[i, 0:MSG] = z
        zbuf[i, MSG:2 * MSG] = z
        zbuf[i, 2 * MSG:H] = z
        return 0

    lax.fori_loop(0, CH, zrow, 0)

    def zchunk(jj, _):
        j = sid + jj * NS

        @pl.when(j < NCHUNK)
        def _():
            off = pl.multiple_of(j * CH, 8)
            pltpu.sync_copy(zbuf, accA.at[pl.ds(off, CH)])
            pltpu.sync_copy(zbuf, accB.at[pl.ds(off, CH)])
        return 0

    lax.fori_loop(0, (NCHUNK + NS - 1) // NS, zchunk, 0)
    plsc.subcore_barrier()

    rowbase = sid * ECHUNK
    orow = pl.multiple_of(sid * (ND // NS), 8)

    def run_conv(t, es, ed, accum):
        pltpu.sync_copy(es.at[pl.ds(rowbase, ECHUNK)], srcall)
        pltpu.sync_copy(ed.at[pl.ds(rowbase, ECHUNK)], dstall)
        hh = h_out.at[t]
        for b in range(_NBUF):
            pltpu.async_copy(hh.at[srcall.at[b]], msg.at[b], gsem[b])

        def egroup(g, _):
            for b in range(_NBUF):
                j = g * _NBUF + b
                pltpu.make_async_copy(hh.at[srcall.at[j]], msg.at[b],
                                      gsem[b]).wait()
                pltpu.sync_copy(msg.at[b], accum.at[dstall.at[j]], add=True)

                @pl.when(j + _NBUF < ECHUNK)
                def _(b=b, j=j):
                    pltpu.async_copy(hh.at[srcall.at[j + _NBUF]], msg.at[b],
                                     gsem[b])
            return 0

        lax.fori_loop(0, ECHUNK // _NBUF, egroup, 0)
        plsc.subcore_barrier()

    def core_work(t0, e0, e1):
        run_conv(t0, e0[0], e0[1], accA)
        pltpu.async_copy(accA.at[pl.ds(orow, ND // NS)],
                         parts.at[t0, pl.ds(orow, ND // NS)], s5)
        run_conv(t0 + 1, e1[0], e1[1], accB)
        pltpu.make_async_copy(accA.at[pl.ds(orow, ND // NS)],
                              parts.at[t0, pl.ds(orow, ND // NS)], s5).wait()
        pltpu.sync_copy(accB.at[pl.ds(orow, ND // NS)],
                        parts.at[t0 + 1, pl.ds(orow, ND // NS)])

    @pl.when(cid == 0)
    def _():
        core_work(0, (es0, ed0), (es1, ed1))
    @pl.when(cid == 1)
    def _():
        core_work(2, (es2, ed2), (es3, ed3))


_RB = 1000


def _post_body(p_ref, ci_ref, w_ref, b_ref, o_ref):
    p = p_ref[...]
    w = w_ref[...]
    b = b_ref[...]
    ci = ci_ref[0]
    hcat = jnp.concatenate([p[0], p[1]], axis=1)
    o_ref[0] = ci * jnp.dot(hcat, w, preferred_element_type=_f32) + b


def _post(parts, ci2, ufc_w, ufc_b):
    return pl.pallas_call(
        _post_body,
        grid=(2, ND // _RB),
        in_specs=[
            pl.BlockSpec((2, _RB, H), lambda s, r: (s, r, 0)),
            pl.BlockSpec((1, _RB, 1), lambda s, r: (s, r, 0)),
            pl.BlockSpec((NR * H, OUT), lambda s, r: (0, 0)),
            pl.BlockSpec((1, OUT), lambda s, r: (0, 0)),
        ],
        out_specs=pl.BlockSpec((1, _RB, OUT), lambda s, r: (s, r, 0)),
        out_shape=jax.ShapeDtypeStruct((2, ND, OUT), _f32),
    )(parts, ci2, ufc_w, ufc_b.reshape(1, OUT))


def kernel(drug_feat, dis_feat, edge_index_r1, edge_index_r2,
           cj_drug, ci_drug, cj_dis, ci_dis, att, basis, ufc_w, ufc_b):
    w_flat, cjdb, cjsb = _compute_w(att, basis.reshape(4, -1),
                                    cj_drug, cj_dis)
    w3 = w_flat.reshape(NR, ND, MSG)
    w0, w1 = w3[0], w3[1]

    fd0, fd1, fd2 = drug_feat[:, 0], drug_feat[:, 1], drug_feat[:, 2]
    fs0, fs1, fs2 = dis_feat[:, 0], dis_feat[:, 1], dis_feat[:, 2]

    s1, d1 = (edge_index_r1[0].reshape(E // CH, CH),
              edge_index_r1[1].reshape(E // CH, CH))
    s2, d2 = (edge_index_r2[0].reshape(E // CH, CH),
              edge_index_r2[1].reshape(E // CH, CH))

    parts, _ = _sc_main(w0, w1, fd0, fd1, fd2, fs0, fs1, fs2, cjdb, cjsb,
                        s1, s2, d1, d2,
                        d1, d2, s1, s2)

    ci2 = jnp.stack([ci_dis, ci_drug], axis=0)
    out = _post(parts, ci2, ufc_w, ufc_b)
    return out[1], out[0]

# --- scband reference (transcript-rebuilt; emitter-appended) ---
"""Pipeline reference for scband-sedr-49117245997357 (READ-ONLY COPY).

The authoritative reference and input builder live on the scoring server;
editing this copy changes nothing except your own understanding.
"""

import jax, jax.numpy as jnp
import numpy as np

ND = 10000
NDIS = 10000
E = 320000
MSG = 16
BASIS = 4
NR = 2
OUT = 64


def setup_inputs(seed: int = 0) -> dict:
    key = jax.random.key(seed)
    ks = jax.random.split(key, 12)
    drug_feat = jax.random.randint(ks[0], (ND, 3), 0, ND)
    dis_feat = jax.random.randint(ks[1], (NDIS, 3), 0, NDIS)
    edge_index_r1 = jax.random.randint(ks[2], (2, E), 0, ND)
    edge_index_r2 = jax.random.randint(ks[3], (2, E), 0, ND)
    cj_drug = jax.random.uniform(ks[4], (ND, 1), dtype=jnp.float32)
    ci_drug = jax.random.uniform(ks[5], (ND, 1), dtype=jnp.float32)
    cj_dis = jax.random.uniform(ks[6], (NDIS, 1), dtype=jnp.float32)
    ci_dis = jax.random.uniform(ks[7], (NDIS, 1), dtype=jnp.float32)
    att = jax.random.normal(ks[8], (NR, BASIS), dtype=jnp.float32) * 0.1
    basis = jax.random.normal(ks[9], (BASIS, ND, MSG), dtype=jnp.float32) * 0.05
    ufc_w = jax.random.normal(ks[10], (NR * 3 * MSG, OUT), dtype=jnp.float32) * 0.05
    ufc_b = jnp.zeros((OUT,), dtype=jnp.float32)
    return {
        'drug_feat': drug_feat, 'dis_feat': dis_feat,
        'edge_index_r1': edge_index_r1, 'edge_index_r2': edge_index_r2,
        'cj_drug': cj_drug, 'ci_drug': ci_drug, 'cj_dis': cj_dis, 'ci_dis': ci_dis,
        'att': att, 'basis': basis, 'ufc_w': ufc_w, 'ufc_b': ufc_b,
    }


def _gather3(idx, W):
    # dot_or_identity: feat[:, k] are indices into the (composed) weight rows
    return jnp.concatenate([W[idx[:, 0]], W[idx[:, 1]], W[idx[:, 2]]], axis=1)


def _gcmc_conv(feat_idx, W_i, cj_src, ci_dst, src, dst, num_dst):
    h = _gather3(feat_idx, W_i)          # [N_src, 3*MSG]
    h = h * cj_src                       # per-src normalizer (dropout_rate=0)
    m = h[src]                           # gather messages along edges
    rst = jax.ops.segment_sum(m, dst, num_segments=num_dst)
    return rst * ci_dst                  # per-dst normalizer


def reference(drug_feat, dis_feat, edge_index_r1, edge_index_r2,
              cj_drug, ci_drug, cj_dis, ci_dis, att, basis, ufc_w, ufc_b):
    # W = att @ basis (basis-decomposed per-rating weight), shared user/item params
    W = jnp.matmul(att, basis.reshape(BASIS, -1)).reshape(NR, ND, MSG)
    # rating edges: drug -> disease ; rev-rating: disease -> drug
    dis_r1 = _gcmc_conv(drug_feat, W[0], cj_drug, ci_dis, edge_index_r1[0], edge_index_r1[1], NDIS)
    dis_r2 = _gcmc_conv(drug_feat, W[1], cj_drug, ci_dis, edge_index_r2[0], edge_index_r2[1], NDIS)
    drug_r1 = _gcmc_conv(dis_feat, W[0], cj_dis, ci_drug, edge_index_r1[1], edge_index_r1[0], ND)
    drug_r2 = _gcmc_conv(dis_feat, W[1], cj_dis, ci_drug, edge_index_r2[1], edge_index_r2[0], ND)
    # HeteroGraphConv aggregate='stack' over ratings, then flatten to msg_units
    dis_h = jnp.stack([dis_r1, dis_r2], axis=1).reshape(NDIS, NR * 3 * MSG)
    drug_h = jnp.stack([drug_r1, drug_r2], axis=1).reshape(ND, NR * 3 * MSG)
    # agg_act=None -> identity; shared output projection (ifc = ufc)
    drug_out = drug_h @ ufc_w + ufc_b
    dis_out = dis_h @ ufc_w + ufc_b
    return drug_out, dis_out

if __name__ == "__main__":
    import jax
    _d = setup_inputs()
    print(jax.jit(kernel)(*tuple(_d.values())))

</pallas_src>

<mosaic_0001>
#map = affine_map<(d0, d1) -> (0, 0)>
#map1 = affine_map<(d0, d1) -> (0)>
#map2 = affine_map<(d0, d1) -> (0, 0, 0)>
module attributes {stable_mosaic.version = 14 : i64} {
  func.func @_sc_main(%arg0: i32, %arg1: i32, %arg2: memref<10000x16xf32, #tpu.memory_space<hbm>>, %arg3: memref<10000x16xf32, #tpu.memory_space<hbm>>, %arg4: memref<10000xi32, #tpu.memory_space<hbm>>, %arg5: memref<10000xi32, #tpu.memory_space<hbm>>, %arg6: memref<10000xi32, #tpu.memory_space<hbm>>, %arg7: memref<10000xi32, #tpu.memory_space<hbm>>, %arg8: memref<10000xi32, #tpu.memory_space<hbm>>, %arg9: memref<10000xi32, #tpu.memory_space<hbm>>, %arg10: memref<10000x16xf32, #tpu.memory_space<hbm>>, %arg11: memref<10000x16xf32, #tpu.memory_space<hbm>>, %arg12: memref<4000x80xi32, #tpu.memory_space<hbm>>, %arg13: memref<4000x80xi32, #tpu.memory_space<hbm>>, %arg14: memref<4000x80xi32, #tpu.memory_space<hbm>>, %arg15: memref<4000x80xi32, #tpu.memory_space<hbm>>, %arg16: memref<4000x80xi32, #tpu.memory_space<hbm>>, %arg17: memref<4000x80xi32, #tpu.memory_space<hbm>>, %arg18: memref<4000x80xi32, #tpu.memory_space<hbm>>, %arg19: memref<4000x80xi32, #tpu.memory_space<hbm>>, %arg20: memref<4x10000x48xf32, #tpu.memory_space<hbm>>, %arg21: memref<4x10000x48xf32, #tpu.memory_space<hbm>>, %arg22: memref<10000x48xf32, #tpu.memory_space<vmem_shared>>, %arg23: memref<10000x48xf32, #tpu.memory_space<vmem_shared>>, %arg24: memref<250x80xi32, #tpu.memory_space<vmem>>, %arg25: memref<250x80xi32, #tpu.memory_space<vmem>>, %arg26: memref<5x80x48xf32, #tpu.memory_space<vmem>>, %arg27: memref<80xi32, #tpu.memory_space<vmem>>, %arg28: memref<80xi32, #tpu.memory_space<vmem>>, %arg29: memref<80xi32, #tpu.memory_space<vmem>>, %arg30: memref<80x16xf32, #tpu.memory_space<vmem>>, %arg31: memref<80x16xf32, #tpu.memory_space<vmem>>, %arg32: memref<80x16xf32, #tpu.memory_space<vmem>>, %arg33: memref<80x16xf32, #tpu.memory_space<vmem>>, %arg34: memref<!tpu.dma_semaphore, #tpu.memory_space<semaphore_mem>>, %arg35: memref<!tpu.dma_semaphore, #tpu.memory_space<semaphore_mem>>, %arg36: memref<!tpu.dma_semaphore, #tpu.memory_space<semaphore_mem>>, %arg37: memref<!tpu.dma_semaphore, #tpu.memory_space<semaphore_mem>>, %arg38: memref<!tpu.dma_semaphore, #tpu.memory_space<semaphore_mem>>, %arg39: memref<!tpu.dma_semaphore, #tpu.memory_space<semaphore_mem>>) attributes {dimension_semantics = [#tpu.dimension_semantics<core_parallel>, #tpu.dimension_semantics<subcore_parallel>], iteration_bounds = array<i64: 2, 16>, scalar_prefetch = 0 : i64, scratch_operands = 18 : i64, tpu.core_type = #tpu.core_type<sc_vector_subcore>, window_params = [{transform_indices = #map}, {transform_indices = #map}, {transform_indices = #map1}, {transform_indices = #map1}, {transform_indices = #map1}, {transform_indices = #map1}, {transform_indices = #map1}, {transform_indices = #map1}, {transform_indices = #map}, {transform_indices = #map}, {transform_indices = #map}, {transform_indices = #map}, {transform_indices = #map}, {transform_indices = #map}, {transform_indices = #map}, {transform_indices = #map}, {transform_indices = #map}, {transform_indices = #map}, {transform_indices = #map2}, {transform_indices = #map2}]} {
    %eq3A = arith.constant 0 : i32
    %eq3A_0 = arith.cmpi eq, %arg0, %eq3A : i32
    %convert_element_type3A = arith.extui %eq3A_0 : i1 to i32
    %cond3A = arith.constant 0 : i32
    %cond3A_1 = arith.constant 0 : i32
    %cond3A_2 = arith.cmpi ne, %convert_element_type3A, %cond3A_1 : i32
    scf.if %cond3A_2 {
      %scan3A_37 = arith.constant 0 : i32
      %scan3A_38 = arith.constant 0 : i32
      %scan3A_39 = arith.constant 8 : i32
      %scan3A_40 = arith.addi %scan3A_38, %scan3A_39 : i32
      %scan3A_41 = arith.constant 1 : i32
      %scan3A_42 = scf.for %scan3A_51 = %scan3A_38 to %scan3A_40 step %scan3A_41 iter_args(%scan3A_52 = %scan3A_37) -> (i32)  : i32 {
        %mul3A_53 = arith.constant 16 : i32
        %mul3A_54 = arith.muli %scan3A_51, %mul3A_53 : i32
        %add3A = arith.addi %arg1, %mul3A_54 : i32
        %lt3A = arith.constant 125 : i32
        %lt3A_55 = arith.cmpi slt, %add3A, %lt3A : i32
        %convert_element_type3A_56 = arith.extui %lt3A_55 : i1 to i32
        %cond3A_57 = arith.constant 0 : i32
        %cond3A_58 = arith.cmpi ne, %convert_element_type3A_56, %cond3A_57 : i32
        scf.if %cond3A_58 {
          %mul3A_60 = arith.constant 80 : i32
          %mul3A_61 = arith.muli %add3A, %mul3A_60 : i32
          %multiple_of3A_62 = tpu.assume_multiple %mul3A_61, 8 : i32
          %dma_start3A = tpu.memref_slice %arg4[%multiple_of3A_62] : memref<10000xi32, #tpu.memory_space<hbm>> -> memref<80xi32, #tpu.memory_space<hbm>>
          %dma_start3A_63 = tpu.memref_slice %arg4[%multiple_of3A_62] : memref<10000xi32, #tpu.memory_space<hbm>> -> memref<80xi32, #tpu.memory_space<hbm>>
          tpu.enqueue_dma source(%dma_start3A_63 : memref<80xi32, #tpu.memory_space<hbm>>) target(%arg27 : memref<80xi32, #tpu.memory_space<vmem>>) target_semaphore(%arg34 : memref<!tpu.dma_semaphore, #tpu.memory_space<semaphore_mem>>)
          %dma_start3A_64 = tpu.memref_slice %arg5[%multiple_of3A_62] : memref<10000xi32, #tpu.memory_space<hbm>> -> memref<80xi32, #tpu.memory_space<hbm>>
          %dma_start3A_65 = tpu.memref_slice %arg5[%multiple_of3A_62] : memref<10000xi32, #tpu.memory_space<hbm>> -> memref<80xi32, #tpu.memory_space<hbm>>
          tpu.enqueue_dma source(%dma_start3A_65 : memref<80xi32, #tpu.memory_space<hbm>>) target(%arg28 : memref<80xi32, #tpu.memory_space<vmem>>) target_semaphore(%arg35 : memref<!tpu.dma_semaphore, #tpu.memory_space<semaphore_mem>>)
          %dma_start3A_66 = tpu.memref_slice %arg6[%multiple_of3A_62] : memref<10000xi32, #tpu.memory_space<hbm>> -> memref<80xi32, #tpu.memory_space<hbm>>
          %dma_start3A_67 = tpu.memref_slice %arg6[%multiple_of3A_62] : memref<10000xi32, #tpu.memory_space<hbm>> -> memref<80xi32, #tpu.memory_space<hbm>>
          tpu.enqueue_dma source(%dma_start3A_67 : memref<80xi32, #tpu.memory_space<hbm>>) target(%arg29 : memref<80xi32, #tpu.memory_space<vmem>>) target_semaphore(%arg36 : memref<!tpu.dma_semaphore, #tpu.memory_space<semaphore_mem>>)
          %dma_start3A_68 = arith.constant 0 : i32
          %dma_start3A_69 = tpu.memref_slice %arg10[%multiple_of3A_62, %dma_start3A_68] : memref<10000x16xf32, #tpu.memory_space<hbm>> -> memref<80x16xf32, #tpu.memory_space<hbm>>
          %dma_start3A_70 = arith.constant 0 : i32
          %dma_start3A_71 = tpu.memref_slice %arg10[%multiple_of3A_62, %dma_start3A_70] : memref<10000x16xf32, #tpu.memory_space<hbm>> -> memref<80x16xf32, #tpu.memory_space<hbm>>
          tpu.enqueue_dma source(%dma_start3A_71 : memref<80x16xf32, #tpu.memory_space<hbm>>) target(%arg30 : memref<80x16xf32, #tpu.memory_space<vmem>>) target_semaphore(%arg37 : memref<!tpu.dma_semaphore, #tpu.memory_space<semaphore_mem>>)
          %dma_wait3A = tpu.memref_slice %arg4[%multiple_of3A_62] : memref<10000xi32, #tpu.memory_space<hbm>> -> memref<80xi32, #tpu.memory_space<hbm>>
          %dma_wait3A_72 = tpu.memref_slice %arg4[%multiple_of3A_62] : memref<10000xi32, #tpu.memory_space<hbm>> -> memref<80xi32, #tpu.memory_space<hbm>>
          tpu.wait_dma2 semaphore(%arg34 : memref<!tpu.dma_semaphore, #tpu.memory_space<semaphore_mem>>) src(%dma_wait3A_72 : memref<80xi32, #tpu.memory_space<hbm>>) dst(%arg27 : memref<80xi32, #tpu.memory_space<vmem>>)
          %dma_wait3A_73 = tpu.memref_slice %arg5[%multiple_of3A_62] : memref<10000xi32, #tpu.memory_space<hbm>> -> memref<80xi32, #tpu.memory_space<hbm>>
          %dma_wait3A_74 = tpu.memref_slice %arg5[%multiple_of3A_62] : memref<10000xi32, #tpu.memory_space<hbm>> -> memref<80xi32, #tpu.memory_space<hbm>>
          tpu.wait_dma2 semaphore(%arg35 : memref<!tpu.dma_semaphore, #tpu.memory_space<semaphore_mem>>) src(%dma_wait3A_74 : memref<80xi32, #tpu.memory_space<hbm>>) dst(%arg28 : memref<80xi32, #tpu.memory_space<vmem>>)
          %dma_wait3A_75 = tpu.memref_slice %arg6[%multiple_of3A_62] : memref<10000xi32, #tpu.memory_space<hbm>> -> memref<80xi32, #tpu.memory_space<hbm>>
          %dma_wait3A_76 = tpu.memref_slice %arg6[%multiple_of3A_62] : memref<10000xi32, #tpu.memory_space<hbm>> -> memref<80xi32, #tpu.memory_space<hbm>>
          tpu.wait_dma2 semaphore(%arg36 : memref<!tpu.dma_semaphore, #tpu.memory_space<semaphore_mem>>) src(%dma_wait3A_76 : memref<80xi32, #tpu.memory_space<hbm>>) dst(%arg29 : memref<80xi32, #tpu.memory_space<vmem>>)
          %dma_start3A_77 = arith.constant 0 : i32
          %dma_start3A_78 = arith.constant 0 : i32
          %dma_start3A_79 = tpu.memref_slice %arg2[%dma_start3A_77, %dma_start3A_78] : memref<10000x16xf32, #tpu.memory_space<hbm>> -> memref<10000x16xf32, #tpu.memory_space<hbm>>
          tpu.enqueue_indirect_dma source(%dma_start3A_79 : memref<10000x16xf32, #tpu.memory_space<hbm>>) target(%arg31 : memref<80x16xf32, #tpu.memory_space<vmem>>) offsets(%arg27 : memref<80xi32, #tpu.memory_space<vmem>>) semaphore(%arg34 : memref<!tpu.dma_semaphore, #tpu.memory_space<semaphore_mem>>)
          %dma_start3A_80 = arith.constant 0 : i32
          %dma_start3A_81 = arith.constant 0 : i32
          %dma_start3A_82 = tpu.memref_slice %arg2[%dma_start3A_80, %dma_start3A_81] : memref<10000x16xf32, #tpu.memory_space<hbm>> -> memref<10000x16xf32, #tpu.memory_space<hbm>>
          tpu.enqueue_indirect_dma source(%dma_start3A_82 : memref<10000x16xf32, #tpu.memory_space<hbm>>) target(%arg32 : memref<80x16xf32, #tpu.memory_space<vmem>>) offsets(%arg28 : memref<80xi32, #tpu.memory_space<vmem>>) semaphore(%arg35 : memref<!tpu.dma_semaphore, #tpu.memory_space<semaphore_mem>>)
          %dma_start3A_83 = arith.constant 0 : i32
          %dma_start3A_84 = arith.constant 0 : i32
          %dma_start3A_85 = tpu.memref_slice %arg2[%dma_start3A_83, %dma_start3A_84] : memref<10000x16xf32, #tpu.memory_space<hbm>> -> memref<10000x16xf32, #tpu.memory_space<hbm>>
          tpu.enqueue_indirect_dma source(%dma_start3A_85 : memref<10000x16xf32, #tpu.memory_space<hbm>>) target(%arg33 : memref<80x16xf32, #tpu.memory_space<vmem>>) offsets(%arg29 : memref<80xi32, #tpu.memory_space<vmem>>) semaphore(%arg36 : memref<!tpu.dma_semaphore, #tpu.memory_space<semaphore_mem>>)
          %dma_wait3A_86 = arith.constant 0 : i32
          %dma_wait3A_87 = arith.constant 0 : i32
          %dma_wait3A_88 = tpu.memref_slice %arg2[%dma_wait3A_86, %dma_wait3A_87] : memref<10000x16xf32, #tpu.memory_space<hbm>> -> memref<10000x16xf32, #tpu.memory_space<hbm>>
          tpu.wait_indirect_dma semaphore(%arg34 : memref<!tpu.dma_semaphore, #tpu.memory_space<semaphore_mem>>) src(%dma_wait3A_88 : memref<10000x16xf32, #tpu.memory_space<hbm>>) dst(%arg31 : memref<80x16xf32, #tpu.memory_space<vmem>>)
          %dma_wait3A_89 = arith.constant 0 : i32
          %dma_wait3A_90 = arith.constant 0 : i32
          %dma_wait3A_91 = tpu.memref_slice %arg2[%dma_wait3A_89, %dma_wait3A_90] : memref<10000x16xf32, #tpu.memory_space<hbm>> -> memref<10000x16xf32, #tpu.memory_space<hbm>>
          tpu.wait_indirect_dma semaphore(%arg35 : memref<!tpu.dma_semaphore, #tpu.memory_space<semaphore_mem>>) src(%dma_wait3A_91 : memref<10000x16xf32, #tpu.memory_space<hbm>>) dst(%arg32 : memref<80x16xf32, #tpu.memory_space<vmem>>)
          %dma_wait3A_92 = arith.constant 0 : i32
          %dma_wait3A_93 = arith.constant 0 : i32
          %dma_wait3A_94 = tpu.memref_slice %arg2[%dma_wait3A_92, %dma_wait3A_93] : memref<10000x16xf32, #tpu.memory_space<hbm>> -> memref<10000x16xf32, #tpu.memory_space<hbm>>
          tpu.wait_indirect_dma semaphore(%arg36 : memref<!tpu.dma_semaphore, #tpu.memory_space<semaphore_mem>>) src(%dma_wait3A_94 : memref<10000x16xf32, #tpu.memory_space<hbm>>) dst(%arg33 : memref<80x16xf32, #tpu.memory_space<vmem>>)
          %dma_wait3A_95 = arith.constant 0 : i32
          %dma_wait3A_96 = tpu.memref_slice %arg10[%multiple_of3A_62, %dma_wait3A_95] : memref<10000x16xf32, #tpu.memory_space<hbm>> -> memref<80x16xf32, #tpu.memory_space<hbm>>
          %dma_wait3A_97 = arith.constant 0 : i32
          %dma_wait3A_98 = tpu.memref_slice %arg10[%multiple_of3A_62, %dma_wait3A_97] : memref<10000x16xf32, #tpu.memory_space<hbm>> -> memref<80x16xf32, #tpu.memory_space<hbm>>
          tpu.wait_dma2 semaphore(%arg37 : memref<!tpu.dma_semaphore, #tpu.memory_space<semaphore_mem>>) src(%dma_wait3A_98 : memref<80x16xf32, #tpu.memory_space<hbm>>) dst(%arg30 : memref<80x16xf32, #tpu.memory_space<vmem>>)
          %scan3A_99 = arith.constant 0 : i32
          %scan3A_100 = arith.constant 0 : i32
          %scan3A_101 = arith.constant 80 : i32
          %scan3A_102 = arith.addi %scan3A_100, %scan3A_101 : i32
          %scan3A_103 = arith.constant 1 : i32
          %scan3A_104 = scf.for %scan3A_106 = %scan3A_100 to %scan3A_102 step %scan3A_103 iter_args(%scan3A_107 = %scan3A_99) -> (i32)  : i32 {
            %get3A = arith.index_cast %scan3A_106 : i32 to index
            %get3A_108 = arith.constant 0 : index
            %get3A_109 = tpu.vector_load %arg30[%get3A, %get3A_108] {strides = array<i32>} : memref<80x16xf32, #tpu.memory_space<vmem>>, vector<1x16xf32>,
            %get3A_110 = vector.shape_cast %get3A_109 : vector<1x16xf32> to vector<16xf32>
            %get3A_111 = arith.index_cast %scan3A_106 : i32 to index
            %get3A_112 = arith.constant 0 : index
            %get3A_113 = tpu.vector_load %arg31[%get3A_111, %get3A_112] {strides = array<i32>} : memref<80x16xf32, #tpu.memory_space<vmem>>, vector<1x16xf32>,
            %get3A_114 = vector.shape_cast %get3A_113 : vector<1x16xf32> to vector<16xf32>
            %mul3A_115 = arith.mulf %get3A_114, %get3A_110 : vector<16xf32>
            %swap3A = arith.constant 0 : i32
            %swap3A_116 = arith.constant 0 : i32
            %swap3A_117 = tpu.memref_slice %arg26[%cond3A, %swap3A, %swap3A_116] : memref<5x80x48xf32, #tpu.memory_space<vmem>> -> memref<1x80x48xf32, #tpu.memory_space<vmem>>
            %swap3A_118 = tpu.memref_squeeze %swap3A_117 : memref<1x80x48xf32, #tpu.memory_space<vmem>> -> memref<80x48xf32, #tpu.memory_space<vmem>>
            %swap3A_119 = arith.index_cast %scan3A_106 : i32 to index
            %swap3A_120 = arith.constant 0 : index
            %swap3A_121 = tpu.vector_load %swap3A_118[%swap3A_119, %swap3A_120] {strides = array<i32>} : memref<80x48xf32, #tpu.memory_space<vmem>>, vector<1x16xf32>,
            %swap3A_122 = vector.shape_cast %swap3A_121 : vector<1x16xf32> to vector<16xf32>
            %swap3A_123 = vector.shape_cast %mul3A_115 : vector<16xf32> to vector<1x16xf32>
            tpu.vector_store %swap3A_118[%swap3A_119, %swap3A_120], %swap3A_123 {strides = array<i32>} : memref<80x48xf32, #tpu.memory_space<vmem>>, vector<1x16xf32>,
            %get3A_124 = arith.index_cast %scan3A_106 : i32 to index
            %get3A_125 = arith.constant 0 : index
            %get3A_126 = tpu.vector_load %arg32[%get3A_124, %get3A_125] {strides = array<i32>} : memref<80x16xf32, #tpu.memory_space<vmem>>, vector<1x16xf32>,
            %get3A_127 = vector.shape_cast %get3A_126 : vector<1x16xf32> to vector<16xf32>
            %mul3A_128 = arith.mulf %get3A_127, %get3A_110 : vector<16xf32>
            %swap3A_129 = arith.constant 0 : i32
            %swap3A_130 = arith.constant 0 : i32
            %swap3A_131 = tpu.memref_slice %arg26[%cond3A, %swap3A_129, %swap3A_130] : memref<5x80x48xf32, #tpu.memory_space<vmem>> -> memref<1x80x48xf32, #tpu.memory_space<vmem>>
            %swap3A_132 = tpu.memref_squeeze %swap3A_131 : memref<1x80x48xf32, #tpu.memory_space<vmem>> -> memref<80x48xf32, #tpu.memory_space<vmem>>
            %swap3A_133 = arith.index_cast %scan3A_106 : i32 to index
            %swap3A_134 = arith.constant 16 : index
            %swap3A_135 = tpu.vector_load %swap3A_132[%swap3A_133, %swap3A_134] {strides = array<i32>} : memref<80x48xf32, #tpu.memory_space<vmem>>, vector<1x16xf32>,
            %swap3A_136 = vector.shape_cast %swap3A_135 : vector<1x16xf32> to vector<16xf32>
            %swap3A_137 = vector.shape_cast %mul3A_128 : vector<16xf32> to vector<1x16xf32>
            tpu.vector_store %swap3A_132[%swap3A_133, %swap3A_134], %swap3A_137 {strides = array<i32>} : memref<80x48xf32, #tpu.memory_space<vmem>>, vector<1x16xf32>,
            %get3A_138 = arith.index_cast %scan3A_106 : i32 to index
            %get3A_139 = arith.constant 0 : index
            %get3A_140 = tpu.vector_load %arg33[%get3A_138, %get3A_139] {strides = array<i32>} : memref<80x16xf32, #tpu.memory_space<vmem>>, vector<1x16xf32>,
            %get3A_141 = vector.shape_cast %get3A_140 : vector<1x16xf32> to vector<16xf32>
            %mul3A_142 = arith.mulf %get3A_141, %get3A_110 : vector<16xf32>
            %swap3A_143 = arith.constant 0 : i32
            %swap3A_144 = arith.constant 0 : i32
            %swap3A_145 = tpu.memref_slice %arg26[%cond3A, %swap3A_143, %swap3A_144] : memref<5x80x48xf32, #tpu.memory_space<vmem>> -> memref<1x80x48xf32, #tpu.memory_space<vmem>>
            %swap3A_146 = tpu.memref_squeeze %swap3A_145 : memref<1x80x48xf32, #tpu.memory_space<vmem>> -> memref<80x48xf32, #tpu.memory_space<vmem>>
            %swap3A_147 = arith.index_cast %scan3A_106 : i32 to index
            %swap3A_148 = arith.constant 32 : index
            %swap3A_149 = tpu.vector_load %swap3A_146[%swap3A_147, %swap3A_148] {strides = array<i32>} : memref<80x48xf32, #tpu.memory_space<vmem>>, vector<1x16xf32>,
            %swap3A_150 = vector.shape_cast %swap3A_149 : vector<1x16xf32> to vector<16xf32>
            %swap3A_151 = vector.shape_cast %mul3A_142 : vector<16xf32> to vector<1x16xf32>
            tpu.vector_store %swap3A_146[%swap3A_147, %swap3A_148], %swap3A_151 {strides = array<i32>} : memref<80x48xf32, #tpu.memory_space<vmem>>, vector<1x16xf32>,
            %scan3A_152 = arith.constant 0 : i32
            scf.yield %scan3A_152 : i32
          }
          %scan3A_105 = arith.constant 80 : i32
          %run_scoped3A = arith.constant 0 : i32
          "tpu.region"() ({
            %run_scoped3A_106 = tpu.sem_alloc : memref<!tpu.dma_semaphore, #tpu.memory_space<semaphore_mem>>
            %dma_start3A_107 = arith.constant 0 : i32
            %dma_start3A_108 = arith.constant 0 : i32
            %dma_start3A_109 = tpu.memref_slice %arg26[%cond3A, %dma_start3A_107, %dma_start3A_108] : memref<5x80x48xf32, #tpu.memory_space<vmem>> -> memref<1x80x48xf32, #tpu.memory_space<vmem>>
            %dma_start3A_110 = tpu.memref_squeeze %dma_start3A_109 : memref<1x80x48xf32, #tpu.memory_space<vmem>> -> memref<80x48xf32, #tpu.memory_space<vmem>>
            %dma_start3A_111 = arith.constant 0 : i32
            %dma_start3A_112 = tpu.memref_slice %arg21[%run_scoped3A, %multiple_of3A_62, %dma_start3A_111] : memref<4x10000x48xf32, #tpu.memory_space<hbm>> -> memref<1x80x48xf32, #tpu.memory_space<hbm>>
            %dma_start3A_113 = tpu.memref_squeeze %dma_start3A_112 : memref<1x80x48xf32, #tpu.memory_space<hbm>> -> memref<80x48xf32, #tpu.memory_space<hbm>>
            %dma_start3A_114 = arith.constant 0 : i32
            %dma_start3A_115 = tpu.memref_slice %arg21[%run_scoped3A, %multiple_of3A_62, %dma_start3A_114] : memref<4x10000x48xf32, #tpu.memory_space<hbm>> -> memref<1x80x48xf32, #tpu.memory_space<hbm>>
            %dma_start3A_116 = tpu.memref_squeeze %dma_start3A_115 : memref<1x80x48xf32, #tpu.memory_space<hbm>> -> memref<80x48xf32, #tpu.memory_space<hbm>>
            %dma_start3A_117 = arith.constant 0 : i32
            %dma_start3A_118 = arith.constant 0 : i32
            %dma_start3A_119 = tpu.memref_slice %arg26[%cond3A, %dma_start3A_117, %dma_start3A_118] : memref<5x80x48xf32, #tpu.memory_space<vmem>> -> memref<1x80x48xf32, #tpu.memory_space<vmem>>
            %dma_start3A_120 = tpu.memref_squeeze %dma_start3A_119 : memref<1x80x48xf32, #tpu.memory_space<vmem>> -> memref<80x48xf32, #tpu.memory_space<vmem>>
            tpu.enqueue_dma source(%dma_start3A_120 : memref<80x48xf32, #tpu.memory_space<vmem>>) target(%dma_start3A_116 : memref<80x48xf32, #tpu.memory_space<hbm>>) target_semaphore(%run_scoped3A_106 : memref<!tpu.dma_semaphore, #tpu.memory_space<semaphore_mem>>)
            %dma_wait3A_121 = arith.constant 0 : i32
            %dma_wait3A_122 = arith.constant 0 : i32
            %dma_wait3A_123 = tpu.memref_slice %arg26[%cond3A, %dma_wait3A_121, %dma_wait3A_122] : memref<5x80x48xf32, #tpu.memory_space<vmem>> -> memref<1x80x48xf32, #tpu.memory_space<vmem>>
            %dma_wait3A_124 = tpu.memref_squeeze %dma_wait3A_123 : memref<1x80x48xf32, #tpu.memory_space<vmem>> -> memref<80x48xf32, #tpu.memory_space<vmem>>
            %dma_wait3A_125 = arith.constant 0 : i32
            %dma_wait3A_126 = tpu.memref_slice %arg21[%run_scoped3A, %multiple_of3A_62, %dma_wait3A_125] : memref<4x10000x48xf32, #tpu.memory_space<hbm>> -> memref<1x80x48xf32, #tpu.memory_space<hbm>>
            %dma_wait3A_127 = tpu.memref_squeeze %dma_wait3A_126 : memref<1x80x48xf32, #tpu.memory_space<hbm>> -> memref<80x48xf32, #tpu.memory_space<hbm>>
            %dma_wait3A_128 = arith.constant 0 : i32
            %dma_wait3A_129 = tpu.memref_slice %arg21[%run_scoped3A, %multiple_of3A_62, %dma_wait3A_128] : memref<4x10000x48xf32, #tpu.memory_space<hbm>> -> memref<1x80x48xf32, #tpu.memory_space<hbm>>
            %dma_wait3A_130 = tpu.memref_squeeze %dma_wait3A_129 : memref<1x80x48xf32, #tpu.memory_space<hbm>> -> memref<80x48xf32, #tpu.memory_space<hbm>>
            %dma_wait3A_131 = arith.constant 0 : i32
            %dma_wait3A_132 = arith.constant 0 : i32
            %dma_wait3A_133 = tpu.memref_slice %arg26[%cond3A, %dma_wait3A_131, %dma_wait3A_132] : memref<5x80x48xf32, #tpu.memory_space<vmem>> -> memref<1x80x48xf32, #tpu.memory_space<vmem>>
            %dma_wait3A_134 = tpu.memref_squeeze %dma_wait3A_133 : memref<1x80x48xf32, #tpu.memory_space<vmem>> -> memref<80x48xf32, #tpu.memory_space<vmem>>
            tpu.wait_dma2 semaphore(%run_scoped3A_106 : memref<!tpu.dma_semaphore, #tpu.memory_space<semaphore_mem>>) src(%dma_wait3A_134 : memref<80x48xf32, #tpu.memory_space<vmem>>) dst(%dma_wait3A_130 : memref<80x48xf32, #tpu.memory_space<hbm>>)
            tpu.yield
          }) : () -> ()
        } else {
        }
        %scan3A_59 = arith.constant 0 : i32
        scf.yield %scan3A_59 : i32
      }
      %scan3A_43 = arith.constant 8 : i32
      %scan3A_44 = arith.constant 0 : i32
      %scan3A_45 = arith.constant 0 : i32
      %scan3A_46 = arith.constant 8 : i32
      %scan3A_47 = arith.addi %scan3A_45, %scan3A_46 : i32
      %scan3A_48 = arith.constant 1 : i32
      %scan3A_49 = scf.for %scan3A_51 = %scan3A_45 to %scan3A_47 step %scan3A_48 iter_args(%scan3A_52 = %scan3A_44) -> (i32)  : i32 {
        %mul3A_53 = arith.constant 16 : i32
        %mul3A_54 = arith.muli %scan3A_51, %mul3A_53 : i32
        %add3A = arith.addi %arg1, %mul3A_54 : i32
        %lt3A = arith.constant 125 : i32
        %lt3A_55 = arith.cmpi slt, %add3A, %lt3A : i32
        %convert_element_type3A_56 = arith.extui %lt3A_55 : i1 to i32
        %cond3A_57 = arith.constant 0 : i32
        %cond3A_58 = arith.cmpi ne, %convert_element_type3A_56, %cond3A_57 : i32
        scf.if %cond3A_58 {
          %mul3A_60 = arith.constant 80 : i32
          %mul3A_61 = arith.muli %add3A, %mul3A_60 : i32
          %multiple_of3A_62 = tpu.assume_multiple %mul3A_61, 8 : i32
          %dma_start3A = tpu.memref_slice %arg4[%multiple_of3A_62] : memref<10000xi32, #tpu.memory_space<hbm>> -> memref<80xi32, #tpu.memory_space<hbm>>
          %dma_start3A_63 = tpu.memref_slice %arg4[%multiple_of3A_62] : memref<10000xi32, #tpu.memory_space<hbm>> -> memref<80xi32, #tpu.memory_space<hbm>>
          tpu.enqueue_dma source(%dma_start3A_63 : memref<80xi32, #tpu.memory_space<hbm>>) target(%arg27 : memref<80xi32, #tpu.memory_space<vmem>>) target_semaphore(%arg34 : memref<!tpu.dma_semaphore, #tpu.memory_space<semaphore_mem>>)
          %dma_start3A_64 = tpu.memref_slice %arg5[%multiple_of3A_62] : memref<10000xi32, #tpu.memory_space<hbm>> -> memref<80xi32, #tpu.memory_space<hbm>>
          %dma_start3A_65 = tpu.memref_slice %arg5[%multiple_of3A_62] : memref<10000xi32, #tpu.memory_space<hbm>> -> memref<80xi32, #tpu.memory_space<hbm>>
          tpu.enqueue_dma source(%dma_start3A_65 : memref<80xi32, #tpu.memory_space<hbm>>) target(%arg28 : memref<80xi32, #tpu.memory_space<vmem>>) target_semaphore(%arg35 : memref<!tpu.dma_semaphore, #tpu.memory_space<semaphore_mem>>)
          %dma_start3A_66 = tpu.memref_slice %arg6[%multiple_of3A_62] : memref<10000xi32, #tpu.memory_space<hbm>> -> memref<80xi32, #tpu.memory_space<hbm>>
          %dma_start3A_67 = tpu.memref_slice %arg6[%multiple_of3A_62] : memref<10000xi32, #tpu.memory_space<hbm>> -> memref<80xi32, #tpu.memory_space<hbm>>
          tpu.enqueue_dma source(%dma_start3A_67 : memref<80xi32, #tpu.memory_space<hbm>>) target(%arg29 : memref<80xi32, #tpu.memory_space<vmem>>) target_semaphore(%arg36 : memref<!tpu.dma_semaphore, #tpu.memory_space<semaphore_mem>>)
          %dma_start3A_68 = arith.constant 0 : i32
          %dma_start3A_69 = tpu.memref_slice %arg10[%multiple_of3A_62, %dma_start3A_68] : memref<10000x16xf32, #tpu.memory_space<hbm>> -> memref<80x16xf32, #tpu.memory_space<hbm>>
          %dma_start3A_70 = arith.constant 0 : i32
          %dma_start3A_71 = tpu.memref_slice %arg10[%multiple_of3A_62, %dma_start3A_70] : memref<10000x16xf32, #tpu.memory_space<hbm>> -> memref<80x16xf32, #tpu.memory_space<hbm>>
          tpu.enqueue_dma source(%dma_start3A_71 : memref<80x16xf32, #tpu.memory_space<hbm>>) target(%arg30 : memref<80x16xf32, #tpu.memory_space<vmem>>) target_semaphore(%arg37 : memref<!tpu.dma_semaphore, #tpu.memory_space<semaphore_mem>>)
          %dma_wait3A = tpu.memref_slice %arg4[%multiple_of3A_62] : memref<10000xi32, #tpu.memory_space<hbm>> -> memref<80xi32, #tpu.memory_space<hbm>>
          %dma_wait3A_72 = tpu.memref_slice %arg4[%multiple_of3A_62] : memref<10000xi32, #tpu.memory_space<hbm>> -> memref<80xi32, #tpu.memory_space<hbm>>
          tpu.wait_dma2 semaphore(%arg34 : memref<!tpu.dma_semaphore, #tpu.memory_space<semaphore_mem>>) src(%dma_wait3A_72 : memref<80xi32, #tpu.memory_space<hbm>>) dst(%arg27 : memref<80xi32, #tpu.memory_space<vmem>>)
          %dma_wait3A_73 = tpu.memref_slice %arg5[%multiple_of3A_62] : memref<10000xi32, #tpu.memory_space<hbm>> -> memref<80xi32, #tpu.memory_space<hbm>>
          %dma_wait3A_74 = tpu.memref_slice %arg5[%multiple_of3A_62] : memref<10000xi32, #tpu.memory_space<hbm>> -> memref<80xi32, #tpu.memory_space<hbm>>
          tpu.wait_dma2 semaphore(%arg35 : memref<!tpu.dma_semaphore, #tpu.memory_space<semaphore_mem>>) src(%dma_wait3A_74 : memref<80xi32, #tpu.memory_space<hbm>>) dst(%arg28 : memref<80xi32, #tpu.memory_space<vmem>>)
          %dma_wait3A_75 = tpu.memref_slice %arg6[%multiple_of3A_62] : memref<10000xi32, #tpu.memory_space<hbm>> -> memref<80xi32, #tpu.memory_space<hbm>>
          %dma_wait3A_76 = tpu.memref_slice %arg6[%multiple_of3A_62] : memref<10000xi32, #tpu.memory_space<hbm>> -> memref<80xi32, #tpu.memory_space<hbm>>
          tpu.wait_dma2 semaphore(%arg36 : memref<!tpu.dma_semaphore, #tpu.memory_space<semaphore_mem>>) src(%dma_wait3A_76 : memref<80xi32, #tpu.memory_space<hbm>>) dst(%arg29 : memref<80xi32, #tpu.memory_space<vmem>>)
          %dma_start3A_77 = arith.constant 0 : i32
          %dma_start3A_78 = arith.constant 0 : i32
          %dma_start3A_79 = tpu.memref_slice %arg3[%dma_start3A_77, %dma_start3A_78] : memref<10000x16xf32, #tpu.memory_space<hbm>> -> memref<10000x16xf32, #tpu.memory_space<hbm>>
          tpu.enqueue_indirect_dma source(%dma_start3A_79 : memref<10000x16xf32, #tpu.memory_space<hbm>>) target(%arg31 : memref<80x16xf32, #tpu.memory_space<vmem>>) offsets(%arg27 : memref<80xi32, #tpu.memory_space<vmem>>) semaphore(%arg34 : memref<!tpu.dma_semaphore, #tpu.memory_space<semaphore_mem>>)
          %dma_start3A_80 = arith.constant 0 : i32
          %dma_start3A_81 = arith.constant 0 : i32
          %dma_start3A_82 = tpu.memref_slice %arg3[%dma_start3A_80, %dma_start3A_81] : memref<10000x16xf32, #tpu.memory_space<hbm>> -> memref<10000x16xf32, #tpu.memory_space<hbm>>
          tpu.enqueue_indirect_dma source(%dma_start3A_82 : memref<10000x16xf32, #tpu.memory_space<hbm>>) target(%arg32 : memref<80x16xf32, #tpu.memory_space<vmem>>) offsets(%arg28 : memref<80xi32, #tpu.memory_space<vmem>>) semaphore(%arg35 : memref<!tpu.dma_semaphore, #tpu.memory_space<semaphore_mem>>)
          %dma_start3A_83 = arith.constant 0 : i32
          %dma_start3A_84 = arith.constant 0 : i32
          %dma_start3A_85 = tpu.memref_slice %arg3[%dma_start3A_83, %dma_start3A_84] : memref<10000x16xf32, #tpu.memory_space<hbm>> -> memref<10000x16xf32, #tpu.memory_space<hbm>>
          tpu.enqueue_indirect_dma source(%dma_start3A_85 : memref<10000x16xf32, #tpu.memory_space<hbm>>) target(%arg33 : memref<80x16xf32, #tpu.memory_space<vmem>>) offsets(%arg29 : memref<80xi32, #tpu.memory_space<vmem>>) semaphore(%arg36 : memref<!tpu.dma_semaphore, #tpu.memory_space<semaphore_mem>>)
          %dma_wait3A_86 = arith.constant 0 : i32
          %dma_wait3A_87 = arith.constant 0 : i32
          %dma_wait3A_88 = tpu.memref_slice %arg3[%dma_wait3A_86, %dma_wait3A_87] : memref<10000x16xf32, #tpu.memory_space<hbm>> -> memref<10000x16xf32, #tpu.memory_space<hbm>>
          tpu.wait_indirect_dma semaphore(%arg34 : memref<!tpu.dma_semaphore, #tpu.memory_space<semaphore_mem>>) src(%dma_wait3A_88 : memref<10000x16xf32, #tpu.memory_space<hbm>>) dst(%arg31 : memref<80x16xf32, #tpu.memory_space<vmem>>)
          %dma_wait3A_89 = arith.constant 0 : i32
          %dma_wait3A_90 = arith.constant 0 : i32
          %dma_wait3A_91 = tpu.memref_slice %arg3[%dma_wait3A_89, %dma_wait3A_90] : memref<10000x16xf32, #tpu.memory_space<hbm>> -> memref<10000x16xf32, #tpu.memory_space<hbm>>
          tpu.wait_indirect_dma semaphore(%arg35 : memref<!tpu.dma_semaphore, #tpu.memory_space<semaphore_mem>>) src(%dma_wait3A_91 : memref<10000x16xf32, #tpu.memory_space<hbm>>) dst(%arg32 : memref<80x16xf32, #tpu.memory_space<vmem>>)
          %dma_wait3A_92 = arith.constant 0 : i32
          %dma_wait3A_93 = arith.constant 0 : i32
          %dma_wait3A_94 = tpu.memref_slice %arg3[%dma_wait3A_92, %dma_wait3A_93] : memref<10000x16xf32, #tpu.memory_space<hbm>> -> memref<10000x16xf32, #tpu.memory_space<hbm>>
          tpu.wait_indirect_dma semaphore(%arg36 : memref<!tpu.dma_semaphore, #tpu.memory_space<semaphore_mem>>) src(%dma_wait3A_94 : memref<10000x16xf32, #tpu.memory_space<hbm>>) dst(%arg33 : memref<80x16xf32, #tpu.memory_space<vmem>>)
          %dma_wait3A_95 = arith.constant 0 : i32
          %dma_wait3A_96 = tpu.memref_slice %arg10[%multiple_of3A_62, %dma_wait3A_95] : memref<10000x16xf32, #tpu.memory_space<hbm>> -> memref<80x16xf32, #tpu.memory_space<hbm>>
          %dma_wait3A_97 = arith.constant 0 : i32
          %dma_wait3A_98 = tpu.memref_slice %arg10[%multiple_of3A_62, %dma_wait3A_97] : memref<10000x16xf32, #tpu.memory_space<hbm>> -> memref<80x16xf32, #tpu.memory_space<hbm>>
          tpu.wait_dma2 semaphore(%arg37 : memref<!tpu.dma_semaphore, #tpu.memory_space<semaphore_mem>>) src(%dma_wait3A_98 : memref<80x16xf32, #tpu.memory_space<hbm>>) dst(%arg30 : memref<80x16xf32, #tpu.memory_space<vmem>>)
          %scan3A_99 = arith.constant 0 : i32
          %scan3A_100 = arith.constant 0 : i32
          %scan3A_101 = arith.constant 80 : i32
          %scan3A_102 = arith.addi %scan3A_100, %scan3A_101 : i32
          %scan3A_103 = arith.constant 1 : i32
          %scan3A_104 = scf.for %scan3A_106 = %scan3A_100 to %scan3A_102 step %scan3A_103 iter_args(%scan3A_107 = %scan3A_99) -> (i32)  : i32 {
            %get3A = arith.index_cast %scan3A_106 : i32 to index
            %get3A_108 = arith.constant 0 : index
            %get3A_109 = tpu.vector_load %arg30[%get3A, %get3A_108] {strides = array<i32>} : memref<80x16xf32, #tpu.memory_space<vmem>>, vector<1x16xf32>,
            %get3A_110 = vector.shape_cast %get3A_109 : vector<1x16xf32> to vector<16xf32>
            %get3A_111 = arith.index_cast %scan3A_106 : i32 to index
            %get3A_112 = arith.constant 0 : index
            %get3A_113 = tpu.vector_load %arg31[%get3A_111, %get3A_112] {strides = array<i32>} : memref<80x16xf32, #tpu.memory_space<vmem>>, vector<1x16xf32>,
            %get3A_114 = vector.shape_cast %get3A_113 : vector<1x16xf32> to vector<16xf32>
            %mul3A_115 = arith.mulf %get3A_114, %get3A_110 : vector<16xf32>
            %swap3A = arith.constant 0 : i32
            %swap3A_116 = arith.constant 0 : i32
            %swap3A_117 = tpu.memref_slice %arg26[%cond3A, %swap3A, %swap3A_116] : memref<5x80x48xf32, #tpu.memory_space<vmem>> -> memref<1x80x48xf32, #tpu.memory_space<vmem>>
            %swap3A_118 = tpu.memref_squeeze %swap3A_117 : memref<1x80x48xf32, #tpu.memory_space<vmem>> -> memref<80x48xf32, #tpu.memory_space<vmem>>
            %swap3A_119 = arith.index_cast %scan3A_106 : i32 to index
            %swap3A_120 = arith.constant 0 : index
            %swap3A_121 = tpu.vector_load %swap3A_118[%swap3A_119, %swap3A_120] {strides = array<i32>} : memref<80x48xf32, #tpu.memory_space<vmem>>, vector<1x16xf32>,
            %swap3A_122 = vector.shape_cast %swap3A_121 : vector<1x16xf32> to vector<16xf32>
            %swap3A_123 = vector.shape_cast %mul3A_115 : vector<16xf32> to vector<1x16xf32>
            tpu.vector_store %swap3A_118[%swap3A_119, %swap3A_120], %swap3A_123 {strides = array<i32>} : memref<80x48xf32, #tpu.memory_space<vmem>>, vector<1x16xf32>,
            %get3A_124 = arith.index_cast %scan3A_106 : i32 to index
            %get3A_125 = arith.constant 0 : index
            %get3A_126 = tpu.vector_load %arg32[%get3A_124, %get3A_125] {strides = array<i32>} : memref<80x16xf32, #tpu.memory_space<vmem>>, vector<1x16xf32>,
            %get3A_127 = vector.shape_cast %get3A_126 : vector<1x16xf32> to vector<16xf32>
            %mul3A_128 = arith.mulf %get3A_127, %get3A_110 : vector<16xf32>
            %swap3A_129 = arith.constant 0 : i32
            %swap3A_130 = arith.constant 0 : i32
            %swap3A_131 = tpu.memref_slice %arg26[%cond3A, %swap3A_129, %swap3A_130] : memref<5x80x48xf32, #tpu.memory_space<vmem>> -> memref<1x80x48xf32, #tpu.memory_space<vmem>>
            %swap3A_132 = tpu.memref_squeeze %swap3A_131 : memref<1x80x48xf32, #tpu.memory_space<vmem>> -> memref<80x48xf32, #tpu.memory_space<vmem>>
            %swap3A_133 = arith.index_cast %scan3A_106 : i32 to index
            %swap3A_134 = arith.constant 16 : index
            %swap3A_135 = tpu.vector_load %swap3A_132[%swap3A_133, %swap3A_134] {strides = array<i32>} : memref<80x48xf32, #tpu.memory_space<vmem>>, vector<1x16xf32>,
            %swap3A_136 = vector.shape_cast %swap3A_135 : vector<1x16xf32> to vector<16xf32>
            %swap3A_137 = vector.shape_cast %mul3A_128 : vector<16xf32> to vector<1x16xf32>
            tpu.vector_store %swap3A_132[%swap3A_133, %swap3A_134], %swap3A_137 {strides = array<i32>} : memref<80x48xf32, #tpu.memory_space<vmem>>, vector<1x16xf32>,
            %get3A_138 = arith.index_cast %scan3A_106 : i32 to index
            %get3A_139 = arith.constant 0 : index
            %get3A_140 = tpu.vector_load %arg33[%get3A_138, %get3A_139] {strides = array<i32>} : memref<80x16xf32, #tpu.memory_space<vmem>>, vector<1x16xf32>,
            %get3A_141 = vector.shape_cast %get3A_140 : vector<1x16xf32> to vector<16xf32>
            %mul3A_142 = arith.mulf %get3A_141, %get3A_110 : vector<16xf32>
            %swap3A_143 = arith.constant 0 : i32
            %swap3A_144 = arith.constant 0 : i32
            %swap3A_145 = tpu.memref_slice %arg26[%cond3A, %swap3A_143, %swap3A_144] : memref<5x80x48xf32, #tpu.memory_space<vmem>> -> memref<1x80x48xf32, #tpu.memory_space<vmem>>
            %swap3A_146 = tpu.memref_squeeze %swap3A_145 : memref<1x80x48xf32, #tpu.memory_space<vmem>> -> memref<80x48xf32, #tpu.memory_space<vmem>>
            %swap3A_147 = arith.index_cast %scan3A_106 : i32 to index
            %swap3A_148 = arith.constant 32 : index
            %swap3A_149 = tpu.vector_load %swap3A_146[%swap3A_147, %swap3A_148] {strides = array<i32>} : memref<80x48xf32, #tpu.memory_space<vmem>>, vector<1x16xf32>,
            %swap3A_150 = vector.shape_cast %swap3A_149 : vector<1x16xf32> to vector<16xf32>
            %swap3A_151 = vector.shape_cast %mul3A_142 : vector<16xf32> to vector<1x16xf32>
            tpu.vector_store %swap3A_146[%swap3A_147, %swap3A_148], %swap3A_151 {strides = array<i32>} : memref<80x48xf32, #tpu.memory_space<vmem>>, vector<1x16xf32>,
            %scan3A_152 = arith.constant 0 : i32
            scf.yield %scan3A_152 : i32
          }
          %scan3A_105 = arith.constant 80 : i32
          %run_scoped3A = arith.constant 1 : i32
          "tpu.region"() ({
            %run_scoped3A_106 = tpu.sem_alloc : memref<!tpu.dma_semaphore, #tpu.memory_space<semaphore_mem>>
            %dma_start3A_107 = arith.constant 0 : i32
            %dma_start3A_108 = arith.constant 0 : i32
            %dma_start3A_109 = tpu.memref_slice %arg26[%cond3A, %dma_start3A_107, %dma_start3A_108] : memref<5x80x48xf32, #tpu.memory_space<vmem>> -> memref<1x80x48xf32, #tpu.memory_space<vmem>>
            %dma_start3A_110 = tpu.memref_squeeze %dma_start3A_109 : memref<1x80x48xf32, #tpu.memory_space<vmem>> -> memref<80x48xf32, #tpu.memory_space<vmem>>
            %dma_start3A_111 = arith.constant 0 : i32
            %dma_start3A_112 = tpu.memref_slice %arg21[%run_scoped3A, %multiple_of3A_62, %dma_start3A_111] : memref<4x10000x48xf32, #tpu.memory_space<hbm>> -> memref<1x80x48xf32, #tpu.memory_space<hbm>>
            %dma_start3A_113 = tpu.memref_squeeze %dma_start3A_112 : memref<1x80x48xf32, #tpu.memory_space<hbm>> -> memref<80x48xf32, #tpu.memory_space<hbm>>
            %dma_start3A_114 = arith.constant 0 : i32
            %dma_start3A_115 = tpu.memref_slice %arg21[%run_scoped3A, %multiple_of3A_62, %dma_start3A_114] : memref<4x10000x48xf32, #tpu.memory_space<hbm>> -> memref<1x80x48xf32, #tpu.memory_space<hbm>>
            %dma_start3A_116 = tpu.memref_squeeze %dma_start3A_115 : memref<1x80x48xf32, #tpu.memory_space<hbm>> -> memref<80x48xf32, #tpu.memory_space<hbm>>
            %dma_start3A_117 = arith.constant 0 : i32
            %dma_start3A_118 = arith.constant 0 : i32
            %dma_start3A_119 = tpu.memref_slice %arg26[%cond3A, %dma_start3A_117, %dma_start3A_118] : memref<5x80x48xf32, #tpu.memory_space<vmem>> -> memref<1x80x48xf32, #tpu.memory_space<vmem>>
            %dma_start3A_120 = tpu.memref_squeeze %dma_start3A_119 : memref<1x80x48xf32, #tpu.memory_space<vmem>> -> memref<80x48xf32, #tpu.memory_space<vmem>>
            tpu.enqueue_dma source(%dma_start3A_120 : memref<80x48xf32, #tpu.memory_space<vmem>>) target(%dma_start3A_116 : memref<80x48xf32, #tpu.memory_space<hbm>>) target_semaphore(%run_scoped3A_106 : memref<!tpu.dma_semaphore, #tpu.memory_space<semaphore_mem>>)
            %dma_wait3A_121 = arith.constant 0 : i32
            %dma_wait3A_122 = arith.constant 0 : i32
            %dma_wait3A_123 = tpu.memref_slice %arg26[%cond3A, %dma_wait3A_121, %dma_wait3A_122] : memref<5x80x48xf32, #tpu.memory_space<vmem>> -> memref<1x80x48xf32, #tpu.memory_space<vmem>>
            %dma_wait3A_124 = tpu.memref_squeeze %dma_wait3A_123 : memref<1x80x48xf32, #tpu.memory_space<vmem>> -> memref<80x48xf32, #tpu.memory_space<vmem>>
            %dma_wait3A_125 = arith.constant 0 : i32
            %dma_wait3A_126 = tpu.memref_slice %arg21[%run_scoped3A, %multiple_of3A_62, %dma_wait3A_125] : memref<4x10000x48xf32, #tpu.memory_space<hbm>> -> memref<1x80x48xf32, #tpu.memory_space<hbm>>
            %dma_wait3A_127 = tpu.memref_squeeze %dma_wait3A_126 : memref<1x80x48xf32, #tpu.memory_space<hbm>> -> memref<80x48xf32, #tpu.memory_space<hbm>>
            %dma_wait3A_128 = arith.constant 0 : i32
            %dma_wait3A_129 = tpu.memref_slice %arg21[%run_scoped3A, %multiple_of3A_62, %dma_wait3A_128] : memref<4x10000x48xf32, #tpu.memory_space<hbm>> -> memref<1x80x48xf32, #tpu.memory_space<hbm>>
            %dma_wait3A_130 = tpu.memref_squeeze %dma_wait3A_129 : memref<1x80x48xf32, #tpu.memory_space<hbm>> -> memref<80x48xf32, #tpu.memory_space<hbm>>
            %dma_wait3A_131 = arith.constant 0 : i32
            %dma_wait3A_132 = arith.constant 0 : i32
            %dma_wait3A_133 = tpu.memref_slice %arg26[%cond3A, %dma_wait3A_131, %dma_wait3A_132] : memref<5x80x48xf32, #tpu.memory_space<vmem>> -> memref<1x80x48xf32, #tpu.memory_space<vmem>>
            %dma_wait3A_134 = tpu.memref_squeeze %dma_wait3A_133 : memref<1x80x48xf32, #tpu.memory_space<vmem>> -> memref<80x48xf32, #tpu.memory_space<vmem>>
            tpu.wait_dma2 semaphore(%run_scoped3A_106 : memref<!tpu.dma_semaphore, #tpu.memory_space<semaphore_mem>>) src(%dma_wait3A_134 : memref<80x48xf32, #tpu.memory_space<vmem>>) dst(%dma_wait3A_130 : memref<80x48xf32, #tpu.memory_space<hbm>>)
            tpu.yield
          }) : () -> ()
        } else {
        }
        %scan3A_59 = arith.constant 0 : i32
        scf.yield %scan3A_59 : i32
      }
      %scan3A_50 = arith.constant 8 : i32
    } else {
    }
    %eq3A_3 = arith.constant 1 : i32
    %eq3A_4 = arith.cmpi eq, %arg0, %eq3A_3 : i32
    %convert_element_type3A_5 = arith.extui %eq3A_4 : i1 to i32
    %cond3A_6 = arith.constant 0 : i32
    %cond3A_7 = arith.constant 0 : i32
    %cond3A_8 = arith.cmpi ne, %convert_element_type3A_5, %cond3A_7 : i32
    scf.if %cond3A_8 {
      %scan3A_37 = arith.constant 0 : i32
      %scan3A_38 = arith.constant 0 : i32
      %scan3A_39 = arith.constant 8 : i32
      %scan3A_40 = arith.addi %scan3A_38, %scan3A_39 : i32
      %scan3A_41 = arith.constant 1 : i32
      %scan3A_42 = scf.for %scan3A_51 = %scan3A_38 to %scan3A_40 step %scan3A_41 iter_args(%scan3A_52 = %scan3A_37) -> (i32)  : i32 {
        %mul3A_53 = arith.constant 16 : i32
        %mul3A_54 = arith.muli %scan3A_51, %mul3A_53 : i32
        %add3A = arith.addi %arg1, %mul3A_54 : i32
        %lt3A = arith.constant 125 : i32
        %lt3A_55 = arith.cmpi slt, %add3A, %lt3A : i32
        %convert_element_type3A_56 = arith.extui %lt3A_55 : i1 to i32
        %cond3A_57 = arith.constant 0 : i32
        %cond3A_58 = arith.cmpi ne, %convert_element_type3A_56, %cond3A_57 : i32
        scf.if %cond3A_58 {
          %mul3A_60 = arith.constant 80 : i32
          %mul3A_61 = arith.muli %add3A, %mul3A_60 : i32
          %multiple_of3A_62 = tpu.assume_multiple %mul3A_61, 8 : i32
          %dma_start3A = tpu.memref_slice %arg7[%multiple_of3A_62] : memref<10000xi32, #tpu.memory_space<hbm>> -> memref<80xi32, #tpu.memory_space<hbm>>
          %dma_start3A_63 = tpu.memref_slice %arg7[%multiple_of3A_62] : memref<10000xi32, #tpu.memory_space<hbm>> -> memref<80xi32, #tpu.memory_space<hbm>>
          tpu.enqueue_dma source(%dma_start3A_63 : memref<80xi32, #tpu.memory_space<hbm>>) target(%arg27 : memref<80xi32, #tpu.memory_space<vmem>>) target_semaphore(%arg34 : memref<!tpu.dma_semaphore, #tpu.memory_space<semaphore_mem>>)
          %dma_start3A_64 = tpu.memref_slice %arg8[%multiple_of3A_62] : memref<10000xi32, #tpu.memory_space<hbm>> -> memref<80xi32, #tpu.memory_space<hbm>>
          %dma_start3A_65 = tpu.memref_slice %arg8[%multiple_of3A_62] : memref<10000xi32, #tpu.memory_space<hbm>> -> memref<80xi32, #tpu.memory_space<hbm>>
          tpu.enqueue_dma source(%dma_start3A_65 : memref<80xi32, #tpu.memory_space<hbm>>) target(%arg28 : memref<80xi32, #tpu.memory_space<vmem>>) target_semaphore(%arg35 : memref<!tpu.dma_semaphore, #tpu.memory_space<semaphore_mem>>)
          %dma_start3A_66 = tpu.memref_slice %arg9[%multiple_of3A_62] : memref<10000xi32, #tpu.memory_space<hbm>> -> memref<80xi32, #tpu.memory_space<hbm>>
          %dma_start3A_67 = tpu.memref_slice %arg9[%multiple_of3A_62] : memref<10000xi32, #tpu.memory_space<hbm>> -> memref<80xi32, #tpu.memory_space<hbm>>
          tpu.enqueue_dma source(%dma_start3A_67 : memref<80xi32, #tpu.memory_space<hbm>>) target(%arg29 : memref<80xi32, #tpu.memory_space<vmem>>) target_semaphore(%arg36 : memref<!tpu.dma_semaphore, #tpu.memory_space<semaphore_mem>>)
          %dma_start3A_68 = arith.constant 0 : i32
          %dma_start3A_69 = tpu.memref_slice %arg11[%multiple_of3A_62, %dma_start3A_68] : memref<10000x16xf32, #tpu.memory_space<hbm>> -> memref<80x16xf32, #tpu.memory_space<hbm>>
          %dma_start3A_70 = arith.constant 0 : i32
          %dma_start3A_71 = tpu.memref_slice %arg11[%multiple_of3A_62, %dma_start3A_70] : memref<10000x16xf32, #tpu.memory_space<hbm>> -> memref<80x16xf32, #tpu.memory_space<hbm>>
          tpu.enqueue_dma source(%dma_start3A_71 : memref<80x16xf32, #tpu.memory_space<hbm>>) target(%arg30 : memref<80x16xf32, #tpu.memory_space<vmem>>) target_semaphore(%arg37 : memref<!tpu.dma_semaphore, #tpu.memory_space<semaphore_mem>>)
          %dma_wait3A = tpu.memref_slice %arg7[%multiple_of3A_62] : memref<10000xi32, #tpu.memory_space<hbm>> -> memref<80xi32, #tpu.memory_space<hbm>>
          %dma_wait3A_72 = tpu.memref_slice %arg7[%multiple_of3A_62] : memref<10000xi32, #tpu.memory_space<hbm>> -> memref<80xi32, #tpu.memory_space<hbm>>
          tpu.wait_dma2 semaphore(%arg34 : memref<!tpu.dma_semaphore, #tpu.memory_space<semaphore_mem>>) src(%dma_wait3A_72 : memref<80xi32, #tpu.memory_space<hbm>>) dst(%arg27 : memref<80xi32, #tpu.memory_space<vmem>>)
          %dma_wait3A_73 = tpu.memref_slice %arg8[%multiple_of3A_62] : memref<10000xi32, #tpu.memory_space<hbm>> -> memref<80xi32, #tpu.memory_space<hbm>>
          %dma_wait3A_74 = tpu.memref_slice %arg8[%multiple_of3A_62] : memref<10000xi32, #tpu.memory_space<hbm>> -> memref<80xi32, #tpu.memory_space<hbm>>
          tpu.wait_dma2 semaphore(%arg35 : memref<!tpu.dma_semaphore, #tpu.memory_space<semaphore_mem>>) src(%dma_wait3A_74 : memref<80xi32, #tpu.memory_space<hbm>>) dst(%arg28 : memref<80xi32, #tpu.memory_space<vmem>>)
          %dma_wait3A_75 = tpu.memref_slice %arg9[%multiple_of3A_62] : memref<10000xi32, #tpu.memory_space<hbm>> -> memref<80xi32, #tpu.memory_space<hbm>>
          %dma_wait3A_76 = tpu.memref_slice %arg9[%multiple_of3A_62] : memref<10000xi32, #tpu.memory_space<hbm>> -> memref<80xi32, #tpu.memory_space<hbm>>
          tpu.wait_dma2 semaphore(%arg36 : memref<!tpu.dma_semaphore, #tpu.memory_space<semaphore_mem>>) src(%dma_wait3A_76 : memref<80xi32, #tpu.memory_space<hbm>>) dst(%arg29 : memref<80xi32, #tpu.memory_space<vmem>>)
          %dma_start3A_77 = arith.constant 0 : i32
          %dma_start3A_78 = arith.constant 0 : i32
          %dma_start3A_79 = tpu.memref_slice %arg2[%dma_start3A_77, %dma_start3A_78] : memref<10000x16xf32, #tpu.memory_space<hbm>> -> memref<10000x16xf32, #tpu.memory_space<hbm>>
          tpu.enqueue_indirect_dma source(%dma_start3A_79 : memref<10000x16xf32, #tpu.memory_space<hbm>>) target(%arg31 : memref<80x16xf32, #tpu.memory_space<vmem>>) offsets(%arg27 : memref<80xi32, #tpu.memory_space<vmem>>) semaphore(%arg34 : memref<!tpu.dma_semaphore, #tpu.memory_space<semaphore_mem>>)
          %dma_start3A_80 = arith.constant 0 : i32
          %dma_start3A_81 = arith.constant 0 : i32
          %dma_start3A_82 = tpu.memref_slice %arg2[%dma_start3A_80, %dma_start3A_81] : memref<10000x16xf32, #tpu.memory_space<hbm>> -> memref<10000x16xf32, #tpu.memory_space<hbm>>
          tpu.enqueue_indirect_dma source(%dma_start3A_82 : memref<10000x16xf32, #tpu.memory_space<hbm>>) target(%arg32 : memref<80x16xf32, #tpu.memory_space<vmem>>) offsets(%arg28 : memref<80xi32, #tpu.memory_space<vmem>>) semaphore(%arg35 : memref<!tpu.dma_semaphore, #tpu.memory_space<semaphore_mem>>)
          %dma_start3A_83 = arith.constant 0 : i32
          %dma_start3A_84 = arith.constant 0 : i32
          %dma_start3A_85 = tpu.memref_slice %arg2[%dma_start3A_83, %dma_start3A_84] : memref<10000x16xf32, #tpu.memory_space<hbm>> -> memref<10000x16xf32, #tpu.memory_space<hbm>>
          tpu.enqueue_indirect_dma source(%dma_start3A_85 : memref<10000x16xf32, #tpu.memory_space<hbm>>) target(%arg33 : memref<80x16xf32, #tpu.memory_space<vmem>>) offsets(%arg29 : memref<80xi32, #tpu.memory_space<vmem>>) semaphore(%arg36 : memref<!tpu.dma_semaphore, #tpu.memory_space<semaphore_mem>>)
          %dma_wait3A_86 = arith.constant 0 : i32
          %dma_wait3A_87 = arith.constant 0 : i32
          %dma_wait3A_88 = tpu.memref_slice %arg2[%dma_wait3A_86, %dma_wait3A_87] : memref<10000x16xf32, #tpu.memory_space<hbm>> -> memref<10000x16xf32, #tpu.memory_space<hbm>>
          tpu.wait_indirect_dma semaphore(%arg34 : memref<!tpu.dma_semaphore, #tpu.memory_space<semaphore_mem>>) src(%dma_wait3A_88 : memref<10000x16xf32, #tpu.memory_space<hbm>>) dst(%arg31 : memref<80x16xf32, #tpu.memory_space<vmem>>)
          %dma_wait3A_89 = arith.constant 0 : i32
          %dma_wait3A_90 = arith.constant 0 : i32
          %dma_wait3A_91 = tpu.memref_slice %arg2[%dma_wait3A_89, %dma_wait3A_90] : memref<10000x16xf32, #tpu.memory_space<hbm>> -> memref<10000x16xf32, #tpu.memory_space<hbm>>
          tpu.wait_indirect_dma semaphore(%arg35 : memref<!tpu.dma_semaphore, #tpu.memory_space<semaphore_mem>>) src(%dma_wait3A_91 : memref<10000x16xf32, #tpu.memory_space<hbm>>) dst(%arg32 : memref<80x16xf32, #tpu.memory_space<vmem>>)
          %dma_wait3A_92 = arith.constant 0 : i32
          %dma_wait3A_93 = arith.constant 0 : i32
          %dma_wait3A_94 = tpu.memref_slice %arg2[%dma_wait3A_92, %dma_wait3A_93] : memref<10000x16xf32, #tpu.memory_space<hbm>> -> memref<10000x16xf32, #tpu.memory_space<hbm>>
          tpu.wait_indirect_dma semaphore(%arg36 : memref<!tpu.dma_semaphore, #tpu.memory_space<semaphore_mem>>) src(%dma_wait3A_94 : memref<10000x16xf32, #tpu.memory_space<hbm>>) dst(%arg33 : memref<80x16xf32, #tpu.memory_space<vmem>>)
          %dma_wait3A_95 = arith.constant 0 : i32
          %dma_wait3A_96 = tpu.memref_slice %arg11[%multiple_of3A_62, %dma_wait3A_95] : memref<10000x16xf32, #tpu.memory_space<hbm>> -> memref<80x16xf32, #tpu.memory_space<hbm>>
          %dma_wait3A_97 = arith.constant 0 : i32
          %dma_wait3A_98 = tpu.memref_slice %arg11[%multiple_of3A_62, %dma_wait3A_97] : memref<10000x16xf32, #tpu.memory_space<hbm>> -> memref<80x16xf32, #tpu.memory_space<hbm>>
          tpu.wait_dma2 semaphore(%arg37 : memref<!tpu.dma_semaphore, #tpu.memory_space<semaphore_mem>>) src(%dma_wait3A_98 : memref<80x16xf32, #tpu.memory_space<hbm>>) dst(%arg30 : memref<80x16xf32, #tpu.memory_space<vmem>>)
          %scan3A_99 = arith.constant 0 : i32
          %scan3A_100 = arith.constant 0 : i32
          %scan3A_101 = arith.constant 80 : i32
          %scan3A_102 = arith.addi %scan3A_100, %scan3A_101 : i32
          %scan3A_103 = arith.constant 1 : i32
          %scan3A_104 = scf.for %scan3A_106 = %scan3A_100 to %scan3A_102 step %scan3A_103 iter_args(%scan3A_107 = %scan3A_99) -> (i32)  : i32 {
            %get3A = arith.index_cast %scan3A_106 : i32 to index
            %get3A_108 = arith.constant 0 : index
            %get3A_109 = tpu.vector_load %arg30[%get3A, %get3A_108] {strides = array<i32>} : memref<80x16xf32, #tpu.memory_space<vmem>>, vector<1x16xf32>,
            %get3A_110 = vector.shape_cast %get3A_109 : vector<1x16xf32> to vector<16xf32>
            %get3A_111 = arith.index_cast %scan3A_106 : i32 to index
            %get3A_112 = arith.constant 0 : index
            %get3A_113 = tpu.vector_load %arg31[%get3A_111, %get3A_112] {strides = array<i32>} : memref<80x16xf32, #tpu.memory_space<vmem>>, vector<1x16xf32>,
            %get3A_114 = vector.shape_cast %get3A_113 : vector<1x16xf32> to vector<16xf32>
            %mul3A_115 = arith.mulf %get3A_114, %get3A_110 : vector<16xf32>
            %swap3A = arith.constant 0 : i32
            %swap3A_116 = arith.constant 0 : i32
            %swap3A_117 = tpu.memref_slice %arg26[%cond3A_6, %swap3A, %swap3A_116] : memref<5x80x48xf32, #tpu.memory_space<vmem>> -> memref<1x80x48xf32, #tpu.memory_space<vmem>>
            %swap3A_118 = tpu.memref_squeeze %swap3A_117 : memref<1x80x48xf32, #tpu.memory_space<vmem>> -> memref<80x48xf32, #tpu.memory_space<vmem>>
            %swap3A_119 = arith.index_cast %scan3A_106 : i32 to index
            %swap3A_120 = arith.constant 0 : index
            %swap3A_121 = tpu.vector_load %swap3A_118[%swap3A_119, %swap3A_120] {strides = array<i32>} : memref<80x48xf32, #tpu.memory_space<vmem>>, vector<1x16xf32>,
            %swap3A_122 = vector.shape_cast %swap3A_121 : vector<1x16xf32> to vector<16xf32>
            %swap3A_123 = vector.shape_cast %mul3A_115 : vector<16xf32> to vector<1x16xf32>
            tpu.vector_store %swap3A_118[%swap3A_119, %swap3A_120], %swap3A_123 {strides = array<i32>} : memref<80x48xf32, #tpu.memory_space<vmem>>, vector<1x16xf32>,
            %get3A_124 = arith.index_cast %scan3A_106 : i32 to index
            %get3A_125 = arith.constant 0 : index
            %get3A_126 = tpu.vector_load %arg32[%get3A_124, %get3A_125] {strides = array<i32>} : memref<80x16xf32, #tpu.memory_space<vmem>>, vector<1x16xf32>,
            %get3A_127 = vector.shape_cast %get3A_126 : vector<1x16xf32> to vector<16xf32>
            %mul3A_128 = arith.mulf %get3A_127, %get3A_110 : vector<16xf32>
            %swap3A_129 = arith.constant 0 : i32
            %swap3A_130 = arith.constant 0 : i32
            %swap3A_131 = tpu.memref_slice %arg26[%cond3A_6, %swap3A_129, %swap3A_130] : memref<5x80x48xf32, #tpu.memory_space<vmem>> -> memref<1x80x48xf32, #tpu.memory_space<vmem>>
            %swap3A_132 = tpu.memref_squeeze %swap3A_131 : memref<1x80x48xf32, #tpu.memory_space<vmem>> -> memref<80x48xf32, #tpu.memory_space<vmem>>
            %swap3A_133 = arith.index_cast %scan3A_106 : i32 to index
            %swap3A_134 = arith.constant 16 : index
            %swap3A_135 = tpu.vector_load %swap3A_132[%swap3A_133, %swap3A_134] {strides = array<i32>} : memref<80x48xf32, #tpu.memory_space<vmem>>, vector<1x16xf32>,
            %swap3A_136 = vector.shape_cast %swap3A_135 : vector<1x16xf32> to vector<16xf32>
            %swap3A_137 = vector.shape_cast %mul3A_128 : vector<16xf32> to vector<1x16xf32>
            tpu.vector_store %swap3A_132[%swap3A_133, %swap3A_134], %swap3A_137 {strides = array<i32>} : memref<80x48xf32, #tpu.memory_space<vmem>>, vector<1x16xf32>,
            %get3A_138 = arith.index_cast %scan3A_106 : i32 to index
            %get3A_139 = arith.constant 0 : index
            %get3A_140 = tpu.vector_load %arg33[%get3A_138, %get3A_139] {strides = array<i32>} : memref<80x16xf32, #tpu.memory_space<vmem>>, vector<1x16xf32>,
            %get3A_141 = vector.shape_cast %get3A_140 : vector<1x16xf32> to vector<16xf32>
            %mul3A_142 = arith.mulf %get3A_141, %get3A_110 : vector<16xf32>
            %swap3A_143 = arith.constant 0 : i32
            %swap3A_144 = arith.constant 0 : i32
            %swap3A_145 = tpu.memref_slice %arg26[%cond3A_6, %swap3A_143, %swap3A_144] : memref<5x80x48xf32, #tpu.memory_space<vmem>> -> memref<1x80x48xf32, #tpu.memory_space<vmem>>
            %swap3A_146 = tpu.memref_squeeze %swap3A_145 : memref<1x80x48xf32, #tpu.memory_space<vmem>> -> memref<80x48xf32, #tpu.memory_space<vmem>>
            %swap3A_147 = arith.index_cast %scan3A_106 : i32 to index
            %swap3A_148 = arith.constant 32 : index
            %swap3A_149 = tpu.vector_load %swap3A_146[%swap3A_147, %swap3A_148] {strides = array<i32>} : memref<80x48xf32, #tpu.memory_space<vmem>>, vector<1x16xf32>,
            %swap3A_150 = vector.shape_cast %swap3A_149 : vector<1x16xf32> to vector<16xf32>
            %swap3A_151 = vector.shape_cast %mul3A_142 : vector<16xf32> to vector<1x16xf32>
            tpu.vector_store %swap3A_146[%swap3A_147, %swap3A_148], %swap3A_151 {strides = array<i32>} : memref<80x48xf32, #tpu.memory_space<vmem>>, vector<1x16xf32>,
            %scan3A_152 = arith.constant 0 : i32
            scf.yield %scan3A_152 : i32
          }
          %scan3A_105 = arith.constant 80 : i32
          %run_scoped3A = arith.constant 2 : i32
          "tpu.region"() ({
            %run_scoped3A_106 = tpu.sem_alloc : memref<!tpu.dma_semaphore, #tpu.memory_space<semaphore_mem>>
            %dma_start3A_107 = arith.constant 0 : i32
            %dma_start3A_108 = arith.constant 0 : i32
            %dma_start3A_109 = tpu.memref_slice %arg26[%cond3A_6, %dma_start3A_107, %dma_start3A_108] : memref<5x80x48xf32, #tpu.memory_space<vmem>> -> memref<1x80x48xf32, #tpu.memory_space<vmem>>
            %dma_start3A_110 = tpu.memref_squeeze %dma_start3A_109 : memref<1x80x48xf32, #tpu.memory_space<vmem>> -> memref<80x48xf32, #tpu.memory_space<vmem>>
            %dma_start3A_111 = arith.constant 0 : i32
            %dma_start3A_112 = tpu.memref_slice %arg21[%run_scoped3A, %multiple_of3A_62, %dma_start3A_111] : memref<4x10000x48xf32, #tpu.memory_space<hbm>> -> memref<1x80x48xf32, #tpu.memory_space<hbm>>
            %dma_start3A_113 = tpu.memref_squeeze %dma_start3A_112 : memref<1x80x48xf32, #tpu.memory_space<hbm>> -> memref<80x48xf32, #tpu.memory_space<hbm>>
            %dma_start3A_114 = arith.constant 0 : i32
            %dma_start3A_115 = tpu.memref_slice %arg21[%run_scoped3A, %multiple_of3A_62, %dma_start3A_114] : memref<4x10000x48xf32, #tpu.memory_space<hbm>> -> memref<1x80x48xf32, #tpu.memory_space<hbm>>
            %dma_start3A_116 = tpu.memref_squeeze %dma_start3A_115 : memref<1x80x48xf32, #tpu.memory_space<hbm>> -> memref<80x48xf32, #tpu.memory_space<hbm>>
            %dma_start3A_117 = arith.constant 0 : i32
            %dma_start3A_118 = arith.constant 0 : i32
            %dma_start3A_119 = tpu.memref_slice %arg26[%cond3A_6, %dma_start3A_117, %dma_start3A_118] : memref<5x80x48xf32, #tpu.memory_space<vmem>> -> memref<1x80x48xf32, #tpu.memory_space<vmem>>
            %dma_start3A_120 = tpu.memref_squeeze %dma_start3A_119 : memref<1x80x48xf32, #tpu.memory_space<vmem>> -> memref<80x48xf32, #tpu.memory_space<vmem>>
            tpu.enqueue_dma source(%dma_start3A_120 : memref<80x48xf32, #tpu.memory_space<vmem>>) target(%dma_start3A_116 : memref<80x48xf32, #tpu.memory_space<hbm>>) target_semaphore(%run_scoped3A_106 : memref<!tpu.dma_semaphore, #tpu.memory_space<semaphore_mem>>)
            %dma_wait3A_121 = arith.constant 0 : i32
            %dma_wait3A_122 = arith.constant 0 : i32
            %dma_wait3A_123 = tpu.memref_slice %arg26[%cond3A_6, %dma_wait3A_121, %dma_wait3A_122] : memref<5x80x48xf32, #tpu.memory_space<vmem>> -> memref<1x80x48xf32, #tpu.memory_space<vmem>>
            %dma_wait3A_124 = tpu.memref_squeeze %dma_wait3A_123 : memref<1x80x48xf32, #tpu.memory_space<vmem>> -> memref<80x48xf32, #tpu.memory_space<vmem>>
            %dma_wait3A_125 = arith.constant 0 : i32
            %dma_wait3A_126 = tpu.memref_slice %arg21[%run_scoped3A, %multiple_of3A_62, %dma_wait3A_125] : memref<4x10000x48xf32, #tpu.memory_space<hbm>> -> memref<1x80x48xf32, #tpu.memory_space<hbm>>
            %dma_wait3A_127 = tpu.memref_squeeze %dma_wait3A_126 : memref<1x80x48xf32, #tpu.memory_space<hbm>> -> memref<80x48xf32, #tpu.memory_space<hbm>>
            %dma_wait3A_128 = arith.constant 0 : i32
            %dma_wait3A_129 = tpu.memref_slice %arg21[%run_scoped3A, %multiple_of3A_62, %dma_wait3A_128] : memref<4x10000x48xf32, #tpu.memory_space<hbm>> -> memref<1x80x48xf32, #tpu.memory_space<hbm>>
            %dma_wait3A_130 = tpu.memref_squeeze %dma_wait3A_129 : memref<1x80x48xf32, #tpu.memory_space<hbm>> -> memref<80x48xf32, #tpu.memory_space<hbm>>
            %dma_wait3A_131 = arith.constant 0 : i32
            %dma_wait3A_132 = arith.constant 0 : i32
            %dma_wait3A_133 = tpu.memref_slice %arg26[%cond3A_6, %dma_wait3A_131, %dma_wait3A_132] : memref<5x80x48xf32, #tpu.memory_space<vmem>> -> memref<1x80x48xf32, #tpu.memory_space<vmem>>
            %dma_wait3A_134 = tpu.memref_squeeze %dma_wait3A_133 : memref<1x80x48xf32, #tpu.memory_space<vmem>> -> memref<80x48xf32, #tpu.memory_space<vmem>>
            tpu.wait_dma2 semaphore(%run_scoped3A_106 : memref<!tpu.dma_semaphore, #tpu.memory_space<semaphore_mem>>) src(%dma_wait3A_134 : memref<80x48xf32, #tpu.memory_space<vmem>>) dst(%dma_wait3A_130 : memref<80x48xf32, #tpu.memory_space<hbm>>)
            tpu.yield
          }) : () -> ()
        } else {
        }
        %scan3A_59 = arith.constant 0 : i32
        scf.yield %scan3A_59 : i32
      }
      %scan3A_43 = arith.constant 8 : i32
      %scan3A_44 = arith.constant 0 : i32
      %scan3A_45 = arith.constant 0 : i32
      %scan3A_46 = arith.constant 8 : i32
      %scan3A_47 = arith.addi %scan3A_45, %scan3A_46 : i32
      %scan3A_48 = arith.constant 1 : i32
      %scan3A_49 = scf.for %scan3A_51 = %scan3A_45 to %scan3A_47 step %scan3A_48 iter_args(%scan3A_52 = %scan3A_44) -> (i32)  : i32 {
        %mul3A_53 = arith.constant 16 : i32
        %mul3A_54 = arith.muli %scan3A_51, %mul3A_53 : i32
        %add3A = arith.addi %arg1, %mul3A_54 : i32
        %lt3A = arith.constant 125 : i32
        %lt3A_55 = arith.cmpi slt, %add3A, %lt3A : i32
        %convert_element_type3A_56 = arith.extui %lt3A_55 : i1 to i32
        %cond3A_57 = arith.constant 0 : i32
        %cond3A_58 = arith.cmpi ne, %convert_element_type3A_56, %cond3A_57 : i32
        scf.if %cond3A_58 {
          %mul3A_60 = arith.constant 80 : i32
          %mul3A_61 = arith.muli %add3A, %mul3A_60 : i32
          %multiple_of3A_62 = tpu.assume_multiple %mul3A_61, 8 : i32
          %dma_start3A = tpu.memref_slice %arg7[%multiple_of3A_62] : memref<10000xi32, #tpu.memory_space<hbm>> -> memref<80xi32, #tpu.memory_space<hbm>>
          %dma_start3A_63 = tpu.memref_slice %arg7[%multiple_of3A_62] : memref<10000xi32, #tpu.memory_space<hbm>> -> memref<80xi32, #tpu.memory_space<hbm>>
          tpu.enqueue_dma source(%dma_start3A_63 : memref<80xi32, #tpu.memory_space<hbm>>) target(%arg27 : memref<80xi32, #tpu.memory_space<vmem>>) target_semaphore(%arg34 : memref<!tpu.dma_semaphore, #tpu.memory_space<semaphore_mem>>)
          %dma_start3A_64 = tpu.memref_slice %arg8[%multiple_of3A_62] : memref<10000xi32, #tpu.memory_space<hbm>> -> memref<80xi32, #tpu.memory_space<hbm>>
          %dma_start3A_65 = tpu.memref_slice %arg8[%multiple_of3A_62] : memref<10000xi32, #tpu.memory_space<hbm>> -> memref<80xi32, #tpu.memory_space<hbm>>
          tpu.enqueue_dma source(%dma_start3A_65 : memref<80xi32, #tpu.memory_space<hbm>>) target(%arg28 : memref<80xi32, #tpu.memory_space<vmem>>) target_semaphore(%arg35 : memref<!tpu.dma_semaphore, #tpu.memory_space<semaphore_mem>>)
          %dma_start3A_66 = tpu.memref_slice %arg9[%multiple_of3A_62] : memref<10000xi32, #tpu.memory_space<hbm>> -> memref<80xi32, #tpu.memory_space<hbm>>
          %dma_start3A_67 = tpu.memref_slice %arg9[%multiple_of3A_62] : memref<10000xi32, #tpu.memory_space<hbm>> -> memref<80xi32, #tpu.memory_space<hbm>>
          tpu.enqueue_dma source(%dma_start3A_67 : memref<80xi32, #tpu.memory_space<hbm>>) target(%arg29 : memref<80xi32, #tpu.memory_space<vmem>>) target_semaphore(%arg36 : memref<!tpu.dma_semaphore, #tpu.memory_space<semaphore_mem>>)
          %dma_start3A_68 = arith.constant 0 : i32
          %dma_start3A_69 = tpu.memref_slice %arg11[%multiple_of3A_62, %dma_start3A_68] : memref<10000x16xf32, #tpu.memory_space<hbm>> -> memref<80x16xf32, #tpu.memory_space<hbm>>
          %dma_start3A_70 = arith.constant 0 : i32
          %dma_start3A_71 = tpu.memref_slice %arg11[%multiple_of3A_62, %dma_start3A_70] : memref<10000x16xf32, #tpu.memory_space<hbm>> -> memref<80x16xf32, #tpu.memory_space<hbm>>
          tpu.enqueue_dma source(%dma_start3A_71 : memref<80x16xf32, #tpu.memory_space<hbm>>) target(%arg30 : memref<80x16xf32, #tpu.memory_space<vmem>>) target_semaphore(%arg37 : memref<!tpu.dma_semaphore, #tpu.memory_space<semaphore_mem>>)
          %dma_wait3A = tpu.memref_slice %arg7[%multiple_of3A_62] : memref<10000xi32, #tpu.memory_space<hbm>> -> memref<80xi32, #tpu.memory_space<hbm>>
          %dma_wait3A_72 = tpu.memref_slice %arg7[%multiple_of3A_62] : memref<10000xi32, #tpu.memory_space<hbm>> -> memref<80xi32, #tpu.memory_space<hbm>>
          tpu.wait_dma2 semaphore(%arg34 : memref<!tpu.dma_semaphore, #tpu.memory_space<semaphore_mem>>) src(%dma_wait3A_72 : memref<80xi32, #tpu.memory_space<hbm>>) dst(%arg27 : memref<80xi32, #tpu.memory_space<vmem>>)
          %dma_wait3A_73 = tpu.memref_slice %arg8[%multiple_of3A_62] : memref<10000xi32, #tpu.memory_space<hbm>> -> memref<80xi32, #tpu.memory_space<hbm>>
          %dma_wait3A_74 = tpu.memref_slice %arg8[%multiple_of3A_62] : memref<10000xi32, #tpu.memory_space<hbm>> -> memref<80xi32, #tpu.memory_space<hbm>>
          tpu.wait_dma2 semaphore(%arg35 : memref<!tpu.dma_semaphore, #tpu.memory_space<semaphore_mem>>) src(%dma_wait3A_74 : memref<80xi32, #tpu.memory_space<hbm>>) dst(%arg28 : memref<80xi32, #tpu.memory_space<vmem>>)
          %dma_wait3A_75 = tpu.memref_slice %arg9[%multiple_of3A_62] : memref<10000xi32, #tpu.memory_space<hbm>> -> memref<80xi32, #tpu.memory_space<hbm>>
          %dma_wait3A_76 = tpu.memref_slice %arg9[%multiple_of3A_62] : memref<10000xi32, #tpu.memory_space<hbm>> -> memref<80xi32, #tpu.memory_space<hbm>>
          tpu.wait_dma2 semaphore(%arg36 : memref<!tpu.dma_semaphore, #tpu.memory_space<semaphore_mem>>) src(%dma_wait3A_76 : memref<80xi32, #tpu.memory_space<hbm>>) dst(%arg29 : memref<80xi32, #tpu.memory_space<vmem>>)
          %dma_start3A_77 = arith.constant 0 : i32
          %dma_start3A_78 = arith.constant 0 : i32
          %dma_start3A_79 = tpu.memref_slice %arg3[%dma_start3A_77, %dma_start3A_78] : memref<10000x16xf32, #tpu.memory_space<hbm>> -> memref<10000x16xf32, #tpu.memory_space<hbm>>
          tpu.enqueue_indirect_dma source(%dma_start3A_79 : memref<10000x16xf32, #tpu.memory_space<hbm>>) target(%arg31 : memref<80x16xf32, #tpu.memory_space<vmem>>) offsets(%arg27 : memref<80xi32, #tpu.memory_space<vmem>>) semaphore(%arg34 : memref<!tpu.dma_semaphore, #tpu.memory_space<semaphore_mem>>)
          %dma_start3A_80 = arith.constant 0 : i32
          %dma_start3A_81 = arith.constant 0 : i32
          %dma_start3A_82 = tpu.memref_slice %arg3[%dma_start3A_80, %dma_start3A_81] : memref<10000x16xf32, #tpu.memory_space<hbm>> -> memref<10000x16xf32, #tpu.memory_space<hbm>>
          tpu.enqueue_indirect_dma source(%dma_start3A_82 : memref<10000x16xf32, #tpu.memory_space<hbm>>) target(%arg32 : memref<80x16xf32, #tpu.memory_space<vmem>>) offsets(%arg28 : memref<80xi32, #tpu.memory_space<vmem>>) semaphore(%arg35 : memref<!tpu.dma_semaphore, #tpu.memory_space<semaphore_mem>>)
          %dma_start3A_83 = arith.constant 0 : i32
          %dma_start3A_84 = arith.constant 0 : i32
          %dma_start3A_85 = tpu.memref_slice %arg3[%dma_start3A_83, %dma_start3A_84] : memref<10000x16xf32, #tpu.memory_space<hbm>> -> memref<10000x16xf32, #tpu.memory_space<hbm>>
          tpu.enqueue_indirect_dma source(%dma_start3A_85 : memref<10000x16xf32, #tpu.memory_space<hbm>>) target(%arg33 : memref<80x16xf32, #tpu.memory_space<vmem>>) offsets(%arg29 : memref<80xi32, #tpu.memory_space<vmem>>) semaphore(%arg36 : memref<!tpu.dma_semaphore, #tpu.memory_space<semaphore_mem>>)
          %dma_wait3A_86 = arith.constant 0 : i32
          %dma_wait3A_87 = arith.constant 0 : i32
          %dma_wait3A_88 = tpu.memref_slice %arg3[%dma_wait3A_86, %dma_wait3A_87] : memref<10000x16xf32, #tpu.memory_space<hbm>> -> memref<10000x16xf32, #tpu.memory_space<hbm>>
          tpu.wait_indirect_dma semaphore(%arg34 : memref<!tpu.dma_semaphore, #tpu.memory_space<semaphore_mem>>) src(%dma_wait3A_88 : memref<10000x16xf32, #tpu.memory_space<hbm>>) dst(%arg31 : memref<80x16xf32, #tpu.memory_space<vmem>>)
          %dma_wait3A_89 = arith.constant 0 : i32
          %dma_wait3A_90 = arith.constant 0 : i32
          %dma_wait3A_91 = tpu.memref_slice %arg3[%dma_wait3A_89, %dma_wait3A_90] : memref<10000x16xf32, #tpu.memory_space<hbm>> -> memref<10000x16xf32, #tpu.memory_space<hbm>>
          tpu.wait_indirect_dma semaphore(%arg35 : memref<!tpu.dma_semaphore, #tpu.memory_space<semaphore_mem>>) src(%dma_wait3A_91 : memref<10000x16xf32, #tpu.memory_space<hbm>>) dst(%arg32 : memref<80x16xf32, #tpu.memory_space<vmem>>)
          %dma_wait3A_92 = arith.constant 0 : i32
          %dma_wait3A_93 = arith.constant 0 : i32
          %dma_wait3A_94 = tpu.memref_slice %arg3[%dma_wait3A_92, %dma_wait3A_93] : memref<10000x16xf32, #tpu.memory_space<hbm>> -> memref<10000x16xf32, #tpu.memory_space<hbm>>
          tpu.wait_indirect_dma semaphore(%arg36 : memref<!tpu.dma_semaphore, #tpu.memory_space<semaphore_mem>>) src(%dma_wait3A_94 : memref<10000x16xf32, #tpu.memory_space<hbm>>) dst(%arg33 : memref<80x16xf32, #tpu.memory_space<vmem>>)
          %dma_wait3A_95 = arith.constant 0 : i32
          %dma_wait3A_96 = tpu.memref_slice %arg11[%multiple_of3A_62, %dma_wait3A_95] : memref<10000x16xf32, #tpu.memory_space<hbm>> -> memref<80x16xf32, #tpu.memory_space<hbm>>
          %dma_wait3A_97 = arith.constant 0 : i32
          %dma_wait3A_98 = tpu.memref_slice %arg11[%multiple_of3A_62, %dma_wait3A_97] : memref<10000x16xf32, #tpu.memory_space<hbm>> -> memref<80x16xf32, #tpu.memory_space<hbm>>
          tpu.wait_dma2 semaphore(%arg37 : memref<!tpu.dma_semaphore, #tpu.memory_space<semaphore_mem>>) src(%dma_wait3A_98 : memref<80x16xf32, #tpu.memory_space<hbm>>) dst(%arg30 : memref<80x16xf32, #tpu.memory_space<vmem>>)
          %scan3A_99 = arith.constant 0 : i32
          %scan3A_100 = arith.constant 0 : i32
          %scan3A_101 = arith.constant 80 : i32
          %scan3A_102 = arith.addi %scan3A_100, %scan3A_101 : i32
          %scan3A_103 = arith.constant 1 : i32
          %scan3A_104 = scf.for %scan3A_106 = %scan3A_100 to %scan3A_102 step %scan3A_103 iter_args(%scan3A_107 = %scan3A_99) -> (i32)  : i32 {
            %get3A = arith.index_cast %scan3A_106 : i32 to index
            %get3A_108 = arith.constant 0 : index
            %get3A_109 = tpu.vector_load %arg30[%get3A, %get3A_108] {strides = array<i32>} : memref<80x16xf32, #tpu.memory_space<vmem>>, vector<1x16xf32>,
            %get3A_110 = vector.shape_cast %get3A_109 : vector<1x16xf32> to vector<16xf32>
            %get3A_111 = arith.index_cast %scan3A_106 : i32 to index
            %get3A_112 = arith.constant 0 : index
            %get3A_113 = tpu.vector_load %arg31[%get3A_111, %get3A_112] {strides = array<i32>} : memref<80x16xf32, #tpu.memory_space<vmem>>, vector<1x16xf32>,
            %get3A_114 = vector.shape_cast %get3A_113 : vector<1x16xf32> to vector<16xf32>
            %mul3A_115 = arith.mulf %get3A_114, %get3A_110 : vector<16xf32>
            %swap3A = arith.constant 0 : i32
            %swap3A_116 = arith.constant 0 : i32
            %swap3A_117 = tpu.memref_slice %arg26[%cond3A_6, %swap3A, %swap3A_116] : memref<5x80x48xf32, #tpu.memory_space<vmem>> -> memref<1x80x48xf32, #tpu.memory_space<vmem>>
            %swap3A_118 = tpu.memref_squeeze %swap3A_117 : memref<1x80x48xf32, #tpu.memory_space<vmem>> -> memref<80x48xf32, #tpu.memory_space<vmem>>
            %swap3A_119 = arith.index_cast %scan3A_106 : i32 to index
            %swap3A_120 = arith.constant 0 : index
            %swap3A_121 = tpu.vector_load %swap3A_118[%swap3A_119, %swap3A_120] {strides = array<i32>} : memref<80x48xf32, #tpu.memory_space<vmem>>, vector<1x16xf32>,
            %swap3A_122 = vector.shape_cast %swap3A_121 : vector<1x16xf32> to vector<16xf32>
            %swap3A_123 = vector.shape_cast %mul3A_115 : vector<16xf32> to vector<1x16xf32>
            tpu.vector_store %swap3A_118[%swap3A_119, %swap3A_120], %swap3A_123 {strides = array<i32>} : memref<80x48xf32, #tpu.memory_space<vmem>>, vector<1x16xf32>,
            %get3A_124 = arith.index_cast %scan3A_106 : i32 to index
            %get3A_125 = arith.constant 0 : index
            %get3A_126 = tpu.vector_load %arg32[%get3A_124, %get3A_125] {strides = array<i32>} : memref<80x16xf32, #tpu.memory_space<vmem>>, vector<1x16xf32>,
            %get3A_127 = vector.shape_cast %get3A_126 : vector<1x16xf32> to vector<16xf32>
            %mul3A_128 = arith.mulf %get3A_127, %get3A_110 : vector<16xf32>
            %swap3A_129 = arith.constant 0 : i32
            %swap3A_130 = arith.constant 0 : i32
            %swap3A_131 = tpu.memref_slice %arg26[%cond3A_6, %swap3A_129, %swap3A_130] : memref<5x80x48xf32, #tpu.memory_space<vmem>> -> memref<1x80x48xf32, #tpu.memory_space<vmem>>
            %swap3A_132 = tpu.memref_squeeze %swap3A_131 : memref<1x80x48xf32, #tpu.memory_space<vmem>> -> memref<80x48xf32, #tpu.memory_space<vmem>>
            %swap3A_133 = arith.index_cast %scan3A_106 : i32 to index
            %swap3A_134 = arith.constant 16 : index
            %swap3A_135 = tpu.vector_load %swap3A_132[%swap3A_133, %swap3A_134] {strides = array<i32>} : memref<80x48xf32, #tpu.memory_space<vmem>>, vector<1x16xf32>,
            %swap3A_136 = vector.shape_cast %swap3A_135 : vector<1x16xf32> to vector<16xf32>
            %swap3A_137 = vector.shape_cast %mul3A_128 : vector<16xf32> to vector<1x16xf32>
            tpu.vector_store %swap3A_132[%swap3A_133, %swap3A_134], %swap3A_137 {strides = array<i32>} : memref<80x48xf32, #tpu.memory_space<vmem>>, vector<1x16xf32>,
            %get3A_138 = arith.index_cast %scan3A_106 : i32 to index
            %get3A_139 = arith.constant 0 : index
            %get3A_140 = tpu.vector_load %arg33[%get3A_138, %get3A_139] {strides = array<i32>} : memref<80x16xf32, #tpu.memory_space<vmem>>, vector<1x16xf32>,
            %get3A_141 = vector.shape_cast %get3A_140 : vector<1x16xf32> to vector<16xf32>
            %mul3A_142 = arith.mulf %get3A_141, %get3A_110 : vector<16xf32>
            %swap3A_143 = arith.constant 0 : i32
            %swap3A_144 = arith.constant 0 : i32
            %swap3A_145 = tpu.memref_slice %arg26[%cond3A_6, %swap3A_143, %swap3A_144] : memref<5x80x48xf32, #tpu.memory_space<vmem>> -> memref<1x80x48xf32, #tpu.memory_space<vmem>>
            %swap3A_146 = tpu.memref_squeeze %swap3A_145 : memref<1x80x48xf32, #tpu.memory_space<vmem>> -> memref<80x48xf32, #tpu.memory_space<vmem>>
            %swap3A_147 = arith.index_cast %scan3A_106 : i32 to index
            %swap3A_148 = arith.constant 32 : index
            %swap3A_149 = tpu.vector_load %swap3A_146[%swap3A_147, %swap3A_148] {strides = array<i32>} : memref<80x48xf32, #tpu.memory_space<vmem>>, vector<1x16xf32>,
            %swap3A_150 = vector.shape_cast %swap3A_149 : vector<1x16xf32> to vector<16xf32>
            %swap3A_151 = vector.shape_cast %mul3A_142 : vector<16xf32> to vector<1x16xf32>
            tpu.vector_store %swap3A_146[%swap3A_147, %swap3A_148], %swap3A_151 {strides = array<i32>} : memref<80x48xf32, #tpu.memory_space<vmem>>, vector<1x16xf32>,
            %scan3A_152 = arith.constant 0 : i32
            scf.yield %scan3A_152 : i32
          }
          %scan3A_105 = arith.constant 80 : i32
          %run_scoped3A = arith.constant 3 : i32
          "tpu.region"() ({
            %run_scoped3A_106 = tpu.sem_alloc : memref<!tpu.dma_semaphore, #tpu.memory_space<semaphore_mem>>
            %dma_start3A_107 = arith.constant 0 : i32
            %dma_start3A_108 = arith.constant 0 : i32
            %dma_start3A_109 = tpu.memref_slice %arg26[%cond3A_6, %dma_start3A_107, %dma_start3A_108] : memref<5x80x48xf32, #tpu.memory_space<vmem>> -> memref<1x80x48xf32, #tpu.memory_space<vmem>>
            %dma_start3A_110 = tpu.memref_squeeze %dma_start3A_109 : memref<1x80x48xf32, #tpu.memory_space<vmem>> -> memref<80x48xf32, #tpu.memory_space<vmem>>
            %dma_start3A_111 = arith.constant 0 : i32
            %dma_start3A_112 = tpu.memref_slice %arg21[%run_scoped3A, %multiple_of3A_62, %dma_start3A_111] : memref<4x10000x48xf32, #tpu.memory_space<hbm>> -> memref<1x80x48xf32, #tpu.memory_space<hbm>>
            %dma_start3A_113 = tpu.memref_squeeze %dma_start3A_112 : memref<1x80x48xf32, #tpu.memory_space<hbm>> -> memref<80x48xf32, #tpu.memory_space<hbm>>
            %dma_start3A_114 = arith.constant 0 : i32
            %dma_start3A_115 = tpu.memref_slice %arg21[%run_scoped3A, %multiple_of3A_62, %dma_start3A_114] : memref<4x10000x48xf32, #tpu.memory_space<hbm>> -> memref<1x80x48xf32, #tpu.memory_space<hbm>>
            %dma_start3A_116 = tpu.memref_squeeze %dma_start3A_115 : memref<1x80x48xf32, #tpu.memory_space<hbm>> -> memref<80x48xf32, #tpu.memory_space<hbm>>
            %dma_start3A_117 = arith.constant 0 : i32
            %dma_start3A_118 = arith.constant 0 : i32
            %dma_start3A_119 = tpu.memref_slice %arg26[%cond3A_6, %dma_start3A_117, %dma_start3A_118] : memref<5x80x48xf32, #tpu.memory_space<vmem>> -> memref<1x80x48xf32, #tpu.memory_space<vmem>>
            %dma_start3A_120 = tpu.memref_squeeze %dma_start3A_119 : memref<1x80x48xf32, #tpu.memory_space<vmem>> -> memref<80x48xf32, #tpu.memory_space<vmem>>
            tpu.enqueue_dma source(%dma_start3A_120 : memref<80x48xf32, #tpu.memory_space<vmem>>) target(%dma_start3A_116 : memref<80x48xf32, #tpu.memory_space<hbm>>) target_semaphore(%run_scoped3A_106 : memref<!tpu.dma_semaphore, #tpu.memory_space<semaphore_mem>>)
            %dma_wait3A_121 = arith.constant 0 : i32
            %dma_wait3A_122 = arith.constant 0 : i32
            %dma_wait3A_123 = tpu.memref_slice %arg26[%cond3A_6, %dma_wait3A_121, %dma_wait3A_122] : memref<5x80x48xf32, #tpu.memory_space<vmem>> -> memref<1x80x48xf32, #tpu.memory_space<vmem>>
            %dma_wait3A_124 = tpu.memref_squeeze %dma_wait3A_123 : memref<1x80x48xf32, #tpu.memory_space<vmem>> -> memref<80x48xf32, #tpu.memory_space<vmem>>
            %dma_wait3A_125 = arith.constant 0 : i32
            %dma_wait3A_126 = tpu.memref_slice %arg21[%run_scoped3A, %multiple_of3A_62, %dma_wait3A_125] : memref<4x10000x48xf32, #tpu.memory_space<hbm>> -> memref<1x80x48xf32, #tpu.memory_space<hbm>>
            %dma_wait3A_127 = tpu.memref_squeeze %dma_wait3A_126 : memref<1x80x48xf32, #tpu.memory_space<hbm>> -> memref<80x48xf32, #tpu.memory_space<hbm>>
            %dma_wait3A_128 = arith.constant 0 : i32
            %dma_wait3A_129 = tpu.memref_slice %arg21[%run_scoped3A, %multiple_of3A_62, %dma_wait3A_128] : memref<4x10000x48xf32, #tpu.memory_space<hbm>> -> memref<1x80x48xf32, #tpu.memory_space<hbm>>
            %dma_wait3A_130 = tpu.memref_squeeze %dma_wait3A_129 : memref<1x80x48xf32, #tpu.memory_space<hbm>> -> memref<80x48xf32, #tpu.memory_space<hbm>>
            %dma_wait3A_131 = arith.constant 0 : i32
            %dma_wait3A_132 = arith.constant 0 : i32
            %dma_wait3A_133 = tpu.memref_slice %arg26[%cond3A_6, %dma_wait3A_131, %dma_wait3A_132] : memref<5x80x48xf32, #tpu.memory_space<vmem>> -> memref<1x80x48xf32, #tpu.memory_space<vmem>>
            %dma_wait3A_134 = tpu.memref_squeeze %dma_wait3A_133 : memref<1x80x48xf32, #tpu.memory_space<vmem>> -> memref<80x48xf32, #tpu.memory_space<vmem>>
            tpu.wait_dma2 semaphore(%run_scoped3A_106 : memref<!tpu.dma_semaphore, #tpu.memory_space<semaphore_mem>>) src(%dma_wait3A_134 : memref<80x48xf32, #tpu.memory_space<vmem>>) dst(%dma_wait3A_130 : memref<80x48xf32, #tpu.memory_space<hbm>>)
            tpu.yield
          }) : () -> ()
        } else {
        }
        %scan3A_59 = arith.constant 0 : i32
        scf.yield %scan3A_59 : i32
      }
      %scan3A_50 = arith.constant 8 : i32
    } else {
    }
    %scan3A = arith.constant 1 : i32
    %scan3A_9 = arith.constant 0 : i32
    %scan3A_10 = arith.constant 0 : i32
    %scan3A_11 = arith.constant 80 : i32
    %scan3A_12 = arith.addi %scan3A_10, %scan3A_11 : i32
    %scan3A_13 = arith.constant 1 : i32
    %scan3A_14 = scf.for %scan3A_37 = %scan3A_10 to %scan3A_12 step %scan3A_13 iter_args(%scan3A_38 = %scan3A_9) -> (i32)  : i32 {
      %broadcast_in_dim3A = arith.constant 0.000000e+00 : f32
      %broadcast_in_dim3A_39 = vector.broadcast %broadcast_in_dim3A : f32 to vector<16xf32>
      %swap3A = arith.constant 0 : i32
      %swap3A_40 = arith.constant 0 : i32
      %swap3A_41 = tpu.memref_slice %arg26[%scan3A, %swap3A, %swap3A_40] : memref<5x80x48xf32, #tpu.memory_space<vmem>> -> memref<1x80x48xf32, #tpu.memory_space<vmem>>
      %swap3A_42 = tpu.memref_squeeze %swap3A_41 : memref<1x80x48xf32, #tpu.memory_space<vmem>> -> memref<80x48xf32, #tpu.memory_space<vmem>>
      %swap3A_43 = arith.index_cast %scan3A_37 : i32 to index
      %swap3A_44 = arith.constant 0 : index
      %swap3A_45 = tpu.vector_load %swap3A_42[%swap3A_43, %swap3A_44] {strides = array<i32>} : memref<80x48xf32, #tpu.memory_space<vmem>>, vector<1x16xf32>,
      %swap3A_46 = vector.shape_cast %swap3A_45 : vector<1x16xf32> to vector<16xf32>
      %swap3A_47 = vector.shape_cast %broadcast_in_dim3A_39 : vector<16xf32> to vector<1x16xf32>
      tpu.vector_store %swap3A_42[%swap3A_43, %swap3A_44], %swap3A_47 {strides = array<i32>} : memref<80x48xf32, #tpu.memory_space<vmem>>, vector<1x16xf32>,
      %swap3A_48 = arith.constant 0 : i32
      %swap3A_49 = arith.constant 0 : i32
      %swap3A_50 = tpu.memref_slice %arg26[%scan3A, %swap3A_48, %swap3A_49] : memref<5x80x48xf32, #tpu.memory_space<vmem>> -> memref<1x80x48xf32, #tpu.memory_space<vmem>>
      %swap3A_51 = tpu.memref_squeeze %swap3A_50 : memref<1x80x48xf32, #tpu.memory_space<vmem>> -> memref<80x48xf32, #tpu.memory_space<vmem>>
      %swap3A_52 = arith.index_cast %scan3A_37 : i32 to index
      %swap3A_53 = arith.constant 16 : index
      %swap3A_54 = tpu.vector_load %swap3A_51[%swap3A_52, %swap3A_53] {strides = array<i32>} : memref<80x48xf32, #tpu.memory_space<vmem>>, vector<1x16xf32>,
      %swap3A_55 = vector.shape_cast %swap3A_54 : vector<1x16xf32> to vector<16xf32>
      %swap3A_56 = vector.shape_cast %broadcast_in_dim3A_39 : vector<16xf32> to vector<1x16xf32>
      tpu.vector_store %swap3A_51[%swap3A_52, %swap3A_53], %swap3A_56 {strides = array<i32>} : memref<80x48xf32, #tpu.memory_space<vmem>>, vector<1x16xf32>,
      %swap3A_57 = arith.constant 0 : i32
      %swap3A_58 = arith.constant 0 : i32
      %swap3A_59 = tpu.memref_slice %arg26[%scan3A, %swap3A_57, %swap3A_58] : memref<5x80x48xf32, #tpu.memory_space<vmem>> -> memref<1x80x48xf32, #tpu.memory_space<vmem>>
      %swap3A_60 = tpu.memref_squeeze %swap3A_59 : memref<1x80x48xf32, #tpu.memory_space<vmem>> -> memref<80x48xf32, #tpu.memory_space<vmem>>
      %swap3A_61 = arith.index_cast %scan3A_37 : i32 to index
      %swap3A_62 = arith.constant 32 : index
      %swap3A_63 = tpu.vector_load %swap3A_60[%swap3A_61, %swap3A_62] {strides = array<i32>} : memref<80x48xf32, #tpu.memory_space<vmem>>, vector<1x16xf32>,
      %swap3A_64 = vector.shape_cast %swap3A_63 : vector<1x16xf32> to vector<16xf32>
      %swap3A_65 = vector.shape_cast %broadcast_in_dim3A_39 : vector<16xf32> to vector<1x16xf32>
      tpu.vector_store %swap3A_60[%swap3A_61, %swap3A_62], %swap3A_65 {strides = array<i32>} : memref<80x48xf32, #tpu.memory_space<vmem>>, vector<1x16xf32>,
      %scan3A_66 = arith.constant 0 : i32
      scf.yield %scan3A_66 : i32
    }
    %scan3A_15 = arith.constant 80 : i32
    %scan3A_16 = arith.constant 1 : i32
    %scan3A_17 = arith.constant 0 : i32
    %scan3A_18 = arith.constant 0 : i32
    %scan3A_19 = arith.constant 8 : i32
    %scan3A_20 = arith.addi %scan3A_18, %scan3A_19 : i32
    %scan3A_21 = arith.constant 1 : i32
    %scan3A_22 = scf.for %scan3A_37 = %scan3A_18 to %scan3A_20 step %scan3A_21 iter_args(%scan3A_38 = %scan3A_17) -> (i32)  : i32 {
      %mul3A_39 = arith.constant 16 : i32
      %mul3A_40 = arith.muli %scan3A_37, %mul3A_39 : i32
      %add3A = arith.addi %arg1, %mul3A_40 : i32
      %lt3A = arith.constant 125 : i32
      %lt3A_41 = arith.cmpi slt, %add3A, %lt3A : i32
      %convert_element_type3A_42 = arith.extui %lt3A_41 : i1 to i32
      %cond3A_43 = arith.constant 0 : i32
      %cond3A_44 = arith.cmpi ne, %convert_element_type3A_42, %cond3A_43 : i32
      scf.if %cond3A_44 {
        %mul3A_46 = arith.constant 80 : i32
        %mul3A_47 = arith.muli %add3A, %mul3A_46 : i32
        %multiple_of3A_48 = tpu.assume_multiple %mul3A_47, 8 : i32
        "tpu.region"() ({
          %run_scoped3A = tpu.sem_alloc : memref<!tpu.dma_semaphore, #tpu.memory_space<semaphore_mem>>
          %dma_start3A = arith.constant 0 : i32
          %dma_start3A_49 = arith.constant 0 : i32
          %dma_start3A_50 = tpu.memref_slice %arg26[%scan3A_16, %dma_start3A, %dma_start3A_49] : memref<5x80x48xf32, #tpu.memory_space<vmem>> -> memref<1x80x48xf32, #tpu.memory_space<vmem>>
          %dma_start3A_51 = tpu.memref_squeeze %dma_start3A_50 : memref<1x80x48xf32, #tpu.memory_space<vmem>> -> memref<80x48xf32, #tpu.memory_space<vmem>>
          %dma_start3A_52 = arith.constant 0 : i32
          %dma_start3A_53 = tpu.memref_slice %arg22[%multiple_of3A_48, %dma_start3A_52] : memref<10000x48xf32, #tpu.memory_space<vmem_shared>> -> memref<80x48xf32, #tpu.memory_space<vmem_shared>>
          %dma_start3A_54 = arith.constant 0 : i32
          %dma_start3A_55 = tpu.memref_slice %arg22[%multiple_of3A_48, %dma_start3A_54] : memref<10000x48xf32, #tpu.memory_space<vmem_shared>> -> memref<80x48xf32, #tpu.memory_space<vmem_shared>>
          %dma_start3A_56 = arith.constant 0 : i32
          %dma_start3A_57 = arith.constant 0 : i32
          %dma_start3A_58 = tpu.memref_slice %arg26[%scan3A_16, %dma_start3A_56, %dma_start3A_57] : memref<5x80x48xf32, #tpu.memory_space<vmem>> -> memref<1x80x48xf32, #tpu.memory_space<vmem>>
          %dma_start3A_59 = tpu.memref_squeeze %dma_start3A_58 : memref<1x80x48xf32, #tpu.memory_space<vmem>> -> memref<80x48xf32, #tpu.memory_space<vmem>>
          tpu.enqueue_dma source(%dma_start3A_59 : memref<80x48xf32, #tpu.memory_space<vmem>>) target(%dma_start3A_55 : memref<80x48xf32, #tpu.memory_space<vmem_shared>>) target_semaphore(%run_scoped3A : memref<!tpu.dma_semaphore, #tpu.memory_space<semaphore_mem>>)
          %dma_wait3A = arith.constant 0 : i32
          %dma_wait3A_60 = arith.constant 0 : i32
          %dma_wait3A_61 = tpu.memref_slice %arg26[%scan3A_16, %dma_wait3A, %dma_wait3A_60] : memref<5x80x48xf32, #tpu.memory_space<vmem>> -> memref<1x80x48xf32, #tpu.memory_space<vmem>>
          %dma_wait3A_62 = tpu.memref_squeeze %dma_wait3A_61 : memref<1x80x48xf32, #tpu.memory_space<vmem>> -> memref<80x48xf32, #tpu.memory_space<vmem>>
          %dma_wait3A_63 = arith.constant 0 : i32
          %dma_wait3A_64 = tpu.memref_slice %arg22[%multiple_of3A_48, %dma_wait3A_63] : memref<10000x48xf32, #tpu.memory_space<vmem_shared>> -> memref<80x48xf32, #tpu.memory_space<vmem_shared>>
          %dma_wait3A_65 = arith.constant 0 : i32
          %dma_wait3A_66 = tpu.memref_slice %arg22[%multiple_of3A_48, %dma_wait3A_65] : memref<10000x48xf32, #tpu.memory_space<vmem_shared>> -> memref<80x48xf32, #tpu.memory_space<vmem_shared>>
          %dma_wait3A_67 = arith.constant 0 : i32
          %dma_wait3A_68 = arith.constant 0 : i32
          %dma_wait3A_69 = tpu.memref_slice %arg26[%scan3A_16, %dma_wait3A_67, %dma_wait3A_68] : memref<5x80x48xf32, #tpu.memory_space<vmem>> -> memref<1x80x48xf32, #tpu.memory_space<vmem>>
          %dma_wait3A_70 = tpu.memref_squeeze %dma_wait3A_69 : memref<1x80x48xf32, #tpu.memory_space<vmem>> -> memref<80x48xf32, #tpu.memory_space<vmem>>
          tpu.wait_dma2 semaphore(%run_scoped3A : memref<!tpu.dma_semaphore, #tpu.memory_space<semaphore_mem>>) src(%dma_wait3A_70 : memref<80x48xf32, #tpu.memory_space<vmem>>) dst(%dma_wait3A_66 : memref<80x48xf32, #tpu.memory_space<vmem_shared>>)
          tpu.yield
        }) : () -> ()
        "tpu.region"() ({
          %run_scoped3A = tpu.sem_alloc : memref<!tpu.dma_semaphore, #tpu.memory_space<semaphore_mem>>
          %dma_start3A = arith.constant 0 : i32
          %dma_start3A_49 = arith.constant 0 : i32
          %dma_start3A_50 = tpu.memref_slice %arg26[%scan3A_16, %dma_start3A, %dma_start3A_49] : memref<5x80x48xf32, #tpu.memory_space<vmem>> -> memref<1x80x48xf32, #tpu.memory_space<vmem>>
          %dma_start3A_51 = tpu.memref_squeeze %dma_start3A_50 : memref<1x80x48xf32, #tpu.memory_space<vmem>> -> memref<80x48xf32, #tpu.memory_space<vmem>>
          %dma_start3A_52 = arith.constant 0 : i32
          %dma_start3A_53 = tpu.memref_slice %arg23[%multiple_of3A_48, %dma_start3A_52] : memref<10000x48xf32, #tpu.memory_space<vmem_shared>> -> memref<80x48xf32, #tpu.memory_space<vmem_shared>>
          %dma_start3A_54 = arith.constant 0 : i32
          %dma_start3A_55 = tpu.memref_slice %arg23[%multiple_of3A_48, %dma_start3A_54] : memref<10000x48xf32, #tpu.memory_space<vmem_shared>> -> memref<80x48xf32, #tpu.memory_space<vmem_shared>>
          %dma_start3A_56 = arith.constant 0 : i32
          %dma_start3A_57 = arith.constant 0 : i32
          %dma_start3A_58 = tpu.memref_slice %arg26[%scan3A_16, %dma_start3A_56, %dma_start3A_57] : memref<5x80x48xf32, #tpu.memory_space<vmem>> -> memref<1x80x48xf32, #tpu.memory_space<vmem>>
          %dma_start3A_59 = tpu.memref_squeeze %dma_start3A_58 : memref<1x80x48xf32, #tpu.memory_space<vmem>> -> memref<80x48xf32, #tpu.memory_space<vmem>>
          tpu.enqueue_dma source(%dma_start3A_59 : memref<80x48xf32, #tpu.memory_space<vmem>>) target(%dma_start3A_55 : memref<80x48xf32, #tpu.memory_space<vmem_shared>>) target_semaphore(%run_scoped3A : memref<!tpu.dma_semaphore, #tpu.memory_space<semaphore_mem>>)
          %dma_wait3A = arith.constant 0 : i32
          %dma_wait3A_60 = arith.constant 0 : i32
          %dma_wait3A_61 = tpu.memref_slice %arg26[%scan3A_16, %dma_wait3A, %dma_wait3A_60] : memref<5x80x48xf32, #tpu.memory_space<vmem>> -> memref<1x80x48xf32, #tpu.memory_space<vmem>>
          %dma_wait3A_62 = tpu.memref_squeeze %dma_wait3A_61 : memref<1x80x48xf32, #tpu.memory_space<vmem>> -> memref<80x48xf32, #tpu.memory_space<vmem>>
          %dma_wait3A_63 = arith.constant 0 : i32
          %dma_wait3A_64 = tpu.memref_slice %arg23[%multiple_of3A_48, %dma_wait3A_63] : memref<10000x48xf32, #tpu.memory_space<vmem_shared>> -> memref<80x48xf32, #tpu.memory_space<vmem_shared>>
          %dma_wait3A_65 = arith.constant 0 : i32
          %dma_wait3A_66 = tpu.memref_slice %arg23[%multiple_of3A_48, %dma_wait3A_65] : memref<10000x48xf32, #tpu.memory_space<vmem_shared>> -> memref<80x48xf32, #tpu.memory_space<vmem_shared>>
          %dma_wait3A_67 = arith.constant 0 : i32
          %dma_wait3A_68 = arith.constant 0 : i32
          %dma_wait3A_69 = tpu.memref_slice %arg26[%scan3A_16, %dma_wait3A_67, %dma_wait3A_68] : memref<5x80x48xf32, #tpu.memory_space<vmem>> -> memref<1x80x48xf32, #tpu.memory_space<vmem>>
          %dma_wait3A_70 = tpu.memref_squeeze %dma_wait3A_69 : memref<1x80x48xf32, #tpu.memory_space<vmem>> -> memref<80x48xf32, #tpu.memory_space<vmem>>
          tpu.wait_dma2 semaphore(%run_scoped3A : memref<!tpu.dma_semaphore, #tpu.memory_space<semaphore_mem>>) src(%dma_wait3A_70 : memref<80x48xf32, #tpu.memory_space<vmem>>) dst(%dma_wait3A_66 : memref<80x48xf32, #tpu.memory_space<vmem_shared>>)
          tpu.yield
        }) : () -> ()
      } else {
      }
      %scan3A_45 = arith.constant 0 : i32
      scf.yield %scan3A_45 : i32
    }
    %scan3A_23 = arith.constant 8 : i32
    %barrier3A = arith.constant 0 : index
    tpu.barrier barrier_id(%barrier3A)
    %mul3A = arith.constant 250 : i32
    %mul3A_24 = arith.muli %arg1, %mul3A : i32
    %mul3A_25 = arith.constant 625 : i32
    %mul3A_26 = arith.muli %arg1, %mul3A_25 : i32
    %multiple_of3A = tpu.assume_multiple %mul3A_26, 8 : i32
    %eq3A_27 = arith.constant 0 : i32
    %eq3A_28 = arith.cmpi eq, %arg0, %eq3A_27 : i32
    %convert_element_type3A_29 = arith.extui %eq3A_28 : i1 to i32
    %cond3A_30 = arith.constant 0 : i32
    %cond3A_31 = arith.cmpi ne, %convert_element_type3A_29, %cond3A_30 : i32
    scf.if %cond3A_31 {
      "tpu.region"() ({
        %run_scoped3A_235 = tpu.sem_alloc : memref<!tpu.dma_semaphore, #tpu.memory_space<semaphore_mem>>
        %dma_start3A_236 = arith.constant 0 : i32
        %dma_start3A_237 = tpu.memref_slice %arg12[%mul3A_24, %dma_start3A_236] : memref<4000x80xi32, #tpu.memory_space<hbm>> -> memref<250x80xi32, #tpu.memory_space<hbm>>
        %dma_start3A_238 = arith.constant 0 : i32
        %dma_start3A_239 = tpu.memref_slice %arg12[%mul3A_24, %dma_start3A_238] : memref<4000x80xi32, #tpu.memory_space<hbm>> -> memref<250x80xi32, #tpu.memory_space<hbm>>
        tpu.enqueue_dma source(%dma_start3A_239 : memref<250x80xi32, #tpu.memory_space<hbm>>) target(%arg24 : memref<250x80xi32, #tpu.memory_space<vmem>>) target_semaphore(%run_scoped3A_235 : memref<!tpu.dma_semaphore, #tpu.memory_space<semaphore_mem>>)
        %dma_wait3A_240 = arith.constant 0 : i32
        %dma_wait3A_241 = tpu.memref_slice %arg12[%mul3A_24, %dma_wait3A_240] : memref<4000x80xi32, #tpu.memory_space<hbm>> -> memref<250x80xi32, #tpu.memory_space<hbm>>
        %dma_wait3A_242 = arith.constant 0 : i32
        %dma_wait3A_243 = tpu.memref_slice %arg12[%mul3A_24, %dma_wait3A_242] : memref<4000x80xi32, #tpu.memory_space<hbm>> -> memref<250x80xi32, #tpu.memory_space<hbm>>
        tpu.wait_dma2 semaphore(%run_scoped3A_235 : memref<!tpu.dma_semaphore, #tpu.memory_space<semaphore_mem>>) src(%dma_wait3A_243 : memref<250x80xi32, #tpu.memory_space<hbm>>) dst(%arg24 : memref<250x80xi32, #tpu.memory_space<vmem>>)
        tpu.yield
      }) : () -> ()
      "tpu.region"() ({
        %run_scoped3A_235 = tpu.sem_alloc : memref<!tpu.dma_semaphore, #tpu.memory_space<semaphore_mem>>
        %dma_start3A_236 = arith.constant 0 : i32
        %dma_start3A_237 = tpu.memref_slice %arg16[%mul3A_24, %dma_start3A_236] : memref<4000x80xi32, #tpu.memory_space<hbm>> -> memref<250x80xi32, #tpu.memory_space<hbm>>
        %dma_start3A_238 = arith.constant 0 : i32
        %dma_start3A_239 = tpu.memref_slice %arg16[%mul3A_24, %dma_start3A_238] : memref<4000x80xi32, #tpu.memory_space<hbm>> -> memref<250x80xi32, #tpu.memory_space<hbm>>
        tpu.enqueue_dma source(%dma_start3A_239 : memref<250x80xi32, #tpu.memory_space<hbm>>) target(%arg25 : memref<250x80xi32, #tpu.memory_space<vmem>>) target_semaphore(%run_scoped3A_235 : memref<!tpu.dma_semaphore, #tpu.memory_space<semaphore_mem>>)
        %dma_wait3A_240 = arith.constant 0 : i32
        %dma_wait3A_241 = tpu.memref_slice %arg16[%mul3A_24, %dma_wait3A_240] : memref<4000x80xi32, #tpu.memory_space<hbm>> -> memref<250x80xi32, #tpu.memory_space<hbm>>
        %dma_wait3A_242 = arith.constant 0 : i32
        %dma_wait3A_243 = tpu.memref_slice %arg16[%mul3A_24, %dma_wait3A_242] : memref<4000x80xi32, #tpu.memory_space<hbm>> -> memref<250x80xi32, #tpu.memory_space<hbm>>
        tpu.wait_dma2 semaphore(%run_scoped3A_235 : memref<!tpu.dma_semaphore, #tpu.memory_space<semaphore_mem>>) src(%dma_wait3A_243 : memref<250x80xi32, #tpu.memory_space<hbm>>) dst(%arg25 : memref<250x80xi32, #tpu.memory_space<vmem>>)
        tpu.yield
      }) : () -> ()
      %dma_start3A = arith.constant 0 : i32
      %dma_start3A_37 = arith.constant 0 : i32
      %dma_start3A_38 = arith.constant 0 : i32
      %dma_start3A_39 = arith.constant 0 : i32
      %dma_start3A_40 = arith.constant 0 : i32
      %dma_start3A_41 = tpu.memref_slice %arg26[%dma_start3A_38, %dma_start3A_39, %dma_start3A_40] : memref<5x80x48xf32, #tpu.memory_space<vmem>> -> memref<1x80x48xf32, #tpu.memory_space<vmem>>
      %dma_start3A_42 = tpu.memref_squeeze %dma_start3A_41 : memref<1x80x48xf32, #tpu.memory_space<vmem>> -> memref<80x48xf32, #tpu.memory_space<vmem>>
      %dma_start3A_43 = arith.constant 0 : i32
      %dma_start3A_44 = tpu.memref_slice %arg24[%dma_start3A_37, %dma_start3A_43] : memref<250x80xi32, #tpu.memory_space<vmem>> -> memref<1x80xi32, #tpu.memory_space<vmem>>
      %dma_start3A_45 = tpu.memref_squeeze %dma_start3A_44 : memref<1x80xi32, #tpu.memory_space<vmem>> -> memref<80xi32, #tpu.memory_space<vmem>>
      %dma_start3A_46 = arith.constant 0 : i32
      %dma_start3A_47 = arith.constant 0 : i32
      %dma_start3A_48 = tpu.memref_slice %arg21[%dma_start3A, %dma_start3A_46, %dma_start3A_47] : memref<4x10000x48xf32, #tpu.memory_space<hbm>> -> memref<1x10000x48xf32, #tpu.memory_space<hbm>>
      %dma_start3A_49 = tpu.memref_squeeze %dma_start3A_48 : memref<1x10000x48xf32, #tpu.memory_space<hbm>> -> memref<10000x48xf32, #tpu.memory_space<hbm>>
      %dma_start3A_50 = arith.constant 0 : i32
      %dma_start3A_51 = arith.constant 0 : i32
      %dma_start3A_52 = tpu.memref_slice %dma_start3A_49[%dma_start3A_50, %dma_start3A_51] : memref<10000x48xf32, #tpu.memory_space<hbm>> -> memref<10000x48xf32, #tpu.memory_space<hbm>>
      tpu.enqueue_indirect_dma source(%dma_start3A_52 : memref<10000x48xf32, #tpu.memory_space<hbm>>) target(%dma_start3A_42 : memref<80x48xf32, #tpu.memory_space<vmem>>) offsets(%dma_start3A_45 : memref<80xi32, #tpu.memory_space<vmem>>) semaphore(%arg34 : memref<!tpu.dma_semaphore, #tpu.memory_space<semaphore_mem>>)
      %dma_start3A_53 = arith.constant 0 : i32
      %dma_start3A_54 = arith.constant 1 : i32
      %dma_start3A_55 = arith.constant 1 : i32
      %dma_start3A_56 = arith.constant 0 : i32
      %dma_start3A_57 = arith.constant 0 : i32
      %dma_start3A_58 = tpu.memref_slice %arg26[%dma_start3A_55, %dma_start3A_56, %dma_start3A_57] : memref<5x80x48xf32, #tpu.memory_space<vmem>> -> memref<1x80x48xf32, #tpu.memory_space<vmem>>
      %dma_start3A_59 = tpu.memref_squeeze %dma_start3A_58 : memref<1x80x48xf32, #tpu.memory_space<vmem>> -> memref<80x48xf32, #tpu.memory_space<vmem>>
      %dma_start3A_60 = arith.constant 0 : i32
      %dma_start3A_61 = tpu.memref_slice %arg24[%dma_start3A_54, %dma_start3A_60] : memref<250x80xi32, #tpu.memory_space<vmem>> -> memref<1x80xi32, #tpu.memory_space<vmem>>
      %dma_start3A_62 = tpu.memref_squeeze %dma_start3A_61 : memref<1x80xi32, #tpu.memory_space<vmem>> -> memref<80xi32, #tpu.memory_space<vmem>>
      %dma_start3A_63 = arith.constant 0 : i32
      %dma_start3A_64 = arith.constant 0 : i32
      %dma_start3A_65 = tpu.memref_slice %arg21[%dma_start3A_53, %dma_start3A_63, %dma_start3A_64] : memref<4x10000x48xf32, #tpu.memory_space<hbm>> -> memref<1x10000x48xf32, #tpu.memory_space<hbm>>
      %dma_start3A_66 = tpu.memref_squeeze %dma_start3A_65 : memref<1x10000x48xf32, #tpu.memory_space<hbm>> -> memref<10000x48xf32, #tpu.memory_space<hbm>>
      %dma_start3A_67 = arith.constant 0 : i32
      %dma_start3A_68 = arith.constant 0 : i32
      %dma_start3A_69 = tpu.memref_slice %dma_start3A_66[%dma_start3A_67, %dma_start3A_68] : memref<10000x48xf32, #tpu.memory_space<hbm>> -> memref<10000x48xf32, #tpu.memory_space<hbm>>
      tpu.enqueue_indirect_dma source(%dma_start3A_69 : memref<10000x48xf32, #tpu.memory_space<hbm>>) target(%dma_start3A_59 : memref<80x48xf32, #tpu.memory_space<vmem>>) offsets(%dma_start3A_62 : memref<80xi32, #tpu.memory_space<vmem>>) semaphore(%arg35 : memref<!tpu.dma_semaphore, #tpu.memory_space<semaphore_mem>>)
      %dma_start3A_70 = arith.constant 0 : i32
      %dma_start3A_71 = arith.constant 2 : i32
      %dma_start3A_72 = arith.constant 2 : i32
      %dma_start3A_73 = arith.constant 0 : i32
      %dma_start3A_74 = arith.constant 0 : i32
      %dma_start3A_75 = tpu.memref_slice %arg26[%dma_start3A_72, %dma_start3A_73, %dma_start3A_74] : memref<5x80x48xf32, #tpu.memory_space<vmem>> -> memref<1x80x48xf32, #tpu.memory_space<vmem>>
      %dma_start3A_76 = tpu.memref_squeeze %dma_start3A_75 : memref<1x80x48xf32, #tpu.memory_space<vmem>> -> memref<80x48xf32, #tpu.memory_space<vmem>>
      %dma_start3A_77 = arith.constant 0 : i32
      %dma_start3A_78 = tpu.memref_slice %arg24[%dma_start3A_71, %dma_start3A_77] : memref<250x80xi32, #tpu.memory_space<vmem>> -> memref<1x80xi32, #tpu.memory_space<vmem>>
      %dma_start3A_79 = tpu.memref_squeeze %dma_start3A_78 : memref<1x80xi32, #tpu.memory_space<vmem>> -> memref<80xi32, #tpu.memory_space<vmem>>
      %dma_start3A_80 = arith.constant 0 : i32
      %dma_start3A_81 = arith.constant 0 : i32
      %dma_start3A_82 = tpu.memref_slice %arg21[%dma_start3A_70, %dma_start3A_80, %dma_start3A_81] : memref<4x10000x48xf32, #tpu.memory_space<hbm>> -> memref<1x10000x48xf32, #tpu.memory_space<hbm>>
      %dma_start3A_83 = tpu.memref_squeeze %dma_start3A_82 : memref<1x10000x48xf32, #tpu.memory_space<hbm>> -> memref<10000x48xf32, #tpu.memory_space<hbm>>
      %dma_start3A_84 = arith.constant 0 : i32
      %dma_start3A_85 = arith.constant 0 : i32
      %dma_start3A_86 = tpu.memref_slice %dma_start3A_83[%dma_start3A_84, %dma_start3A_85] : memref<10000x48xf32, #tpu.memory_space<hbm>> -> memref<10000x48xf32, #tpu.memory_space<hbm>>
      tpu.enqueue_indirect_dma source(%dma_start3A_86 : memref<10000x48xf32, #tpu.memory_space<hbm>>) target(%dma_start3A_76 : memref<80x48xf32, #tpu.memory_space<vmem>>) offsets(%dma_start3A_79 : memref<80xi32, #tpu.memory_space<vmem>>) semaphore(%arg36 : memref<!tpu.dma_semaphore, #tpu.memory_space<semaphore_mem>>)
      %dma_start3A_87 = arith.constant 0 : i32
      %dma_start3A_88 = arith.constant 3 : i32
      %dma_start3A_89 = arith.constant 3 : i32
      %dma_start3A_90 = arith.constant 0 : i32
      %dma_start3A_91 = arith.constant 0 : i32
      %dma_start3A_92 = tpu.memref_slice %arg26[%dma_start3A_89, %dma_start3A_90, %dma_start3A_91] : memref<5x80x48xf32, #tpu.memory_space<vmem>> -> memref<1x80x48xf32, #tpu.memory_space<vmem>>
      %dma_start3A_93 = tpu.memref_squeeze %dma_start3A_92 : memref<1x80x48xf32, #tpu.memory_space<vmem>> -> memref<80x48xf32, #tpu.memory_space<vmem>>
      %dma_start3A_94 = arith.constant 0 : i32
      %dma_start3A_95 = tpu.memref_slice %arg24[%dma_start3A_88, %dma_start3A_94] : memref<250x80xi32, #tpu.memory_space<vmem>> -> memref<1x80xi32, #tpu.memory_space<vmem>>
      %dma_start3A_96 = tpu.memref_squeeze %dma_start3A_95 : memref<1x80xi32, #tpu.memory_space<vmem>> -> memref<80xi32, #tpu.memory_space<vmem>>
      %dma_start3A_97 = arith.constant 0 : i32
      %dma_start3A_98 = arith.constant 0 : i32
      %dma_start3A_99 = tpu.memref_slice %arg21[%dma_start3A_87, %dma_start3A_97, %dma_start3A_98] : memref<4x10000x48xf32, #tpu.memory_space<hbm>> -> memref<1x10000x48xf32, #tpu.memory_space<hbm>>
      %dma_start3A_100 = tpu.memref_squeeze %dma_start3A_99 : memref<1x10000x48xf32, #tpu.memory_space<hbm>> -> memref<10000x48xf32, #tpu.memory_space<hbm>>
      %dma_start3A_101 = arith.constant 0 : i32
      %dma_start3A_102 = arith.constant 0 : i32
      %dma_start3A_103 = tpu.memref_slice %dma_start3A_100[%dma_start3A_101, %dma_start3A_102] : memref<10000x48xf32, #tpu.memory_space<hbm>> -> memref<10000x48xf32, #tpu.memory_space<hbm>>
      tpu.enqueue_indirect_dma source(%dma_start3A_103 : memref<10000x48xf32, #tpu.memory_space<hbm>>) target(%dma_start3A_93 : memref<80x48xf32, #tpu.memory_space<vmem>>) offsets(%dma_start3A_96 : memref<80xi32, #tpu.memory_space<vmem>>) semaphore(%arg37 : memref<!tpu.dma_semaphore, #tpu.memory_space<semaphore_mem>>)
      %dma_start3A_104 = arith.constant 0 : i32
      %dma_start3A_105 = arith.constant 4 : i32
      %dma_start3A_106 = arith.constant 4 : i32
      %dma_start3A_107 = arith.constant 0 : i32
      %dma_start3A_108 = arith.constant 0 : i32
      %dma_start3A_109 = tpu.memref_slice %arg26[%dma_start3A_106, %dma_start3A_107, %dma_start3A_108] : memref<5x80x48xf32, #tpu.memory_space<vmem>> -> memref<1x80x48xf32, #tpu.memory_space<vmem>>
      %dma_start3A_110 = tpu.memref_squeeze %dma_start3A_109 : memref<1x80x48xf32, #tpu.memory_space<vmem>> -> memref<80x48xf32, #tpu.memory_space<vmem>>
      %dma_start3A_111 = arith.constant 0 : i32
      %dma_start3A_112 = tpu.memref_slice %arg24[%dma_start3A_105, %dma_start3A_111] : memref<250x80xi32, #tpu.memory_space<vmem>> -> memref<1x80xi32, #tpu.memory_space<vmem>>
      %dma_start3A_113 = tpu.memref_squeeze %dma_start3A_112 : memref<1x80xi32, #tpu.memory_space<vmem>> -> memref<80xi32, #tpu.memory_space<vmem>>
      %dma_start3A_114 = arith.constant 0 : i32
      %dma_start3A_115 = arith.constant 0 : i32
      %dma_start3A_116 = tpu.memref_slice %arg21[%dma_start3A_104, %dma_start3A_114, %dma_start3A_115] : memref<4x10000x48xf32, #tpu.memory_space<hbm>> -> memref<1x10000x48xf32, #tpu.memory_space<hbm>>
      %dma_start3A_117 = tpu.memref_squeeze %dma_start3A_116 : memref<1x10000x48xf32, #tpu.memory_space<hbm>> -> memref<10000x48xf32, #tpu.memory_space<hbm>>
      %dma_start3A_118 = arith.constant 0 : i32
      %dma_start3A_119 = arith.constant 0 : i32
      %dma_start3A_120 = tpu.memref_slice %dma_start3A_117[%dma_start3A_118, %dma_start3A_119] : memref<10000x48xf32, #tpu.memory_space<hbm>> -> memref<10000x48xf32, #tpu.memory_space<hbm>>
      tpu.enqueue_indirect_dma source(%dma_start3A_120 : memref<10000x48xf32, #tpu.memory_space<hbm>>) target(%dma_start3A_110 : memref<80x48xf32, #tpu.memory_space<vmem>>) offsets(%dma_start3A_113 : memref<80xi32, #tpu.memory_space<vmem>>) semaphore(%arg38 : memref<!tpu.dma_semaphore, #tpu.memory_space<semaphore_mem>>)
      %scan3A_121 = arith.constant 0 : i32
      %scan3A_122 = arith.constant 0 : i32
      %scan3A_123 = arith.constant 0 : i32
      %scan3A_124 = arith.constant 50 : i32
      %scan3A_125 = arith.addi %scan3A_123, %scan3A_124 : i32
      %scan3A_126 = arith.constant 1 : i32
      %scan3A_127 = scf.for %scan3A_235 = %scan3A_123 to %scan3A_125 step %scan3A_126 iter_args(%scan3A_236 = %scan3A_122) -> (i32)  : i32 {
        %mul3A_237 = arith.constant 5 : i32
        %mul3A_238 = arith.muli %scan3A_235, %mul3A_237 : i32
        %add3A = arith.constant 0 : i32
        %add3A_239 = arith.addi %mul3A_238, %add3A : i32
        %dma_wait3A_240 = arith.constant 0 : i32
        %dma_wait3A_241 = arith.constant 0 : i32
        %dma_wait3A_242 = arith.constant 0 : i32
        %dma_wait3A_243 = tpu.memref_slice %arg26[%dma_wait3A_240, %dma_wait3A_241, %dma_wait3A_242] : memref<5x80x48xf32, #tpu.memory_space<vmem>> -> memref<1x80x48xf32, #tpu.memory_space<vmem>>
        %dma_wait3A_244 = tpu.memref_squeeze %dma_wait3A_243 : memref<1x80x48xf32, #tpu.memory_space<vmem>> -> memref<80x48xf32, #tpu.memory_space<vmem>>
        %dma_wait3A_245 = arith.constant 0 : i32
        %dma_wait3A_246 = tpu.memref_slice %arg24[%add3A_239, %dma_wait3A_245] : memref<250x80xi32, #tpu.memory_space<vmem>> -> memref<1x80xi32, #tpu.memory_space<vmem>>
        %dma_wait3A_247 = tpu.memref_squeeze %dma_wait3A_246 : memref<1x80xi32, #tpu.memory_space<vmem>> -> memref<80xi32, #tpu.memory_space<vmem>>
        %dma_wait3A_248 = arith.constant 0 : i32
        %dma_wait3A_249 = arith.constant 0 : i32
        %dma_wait3A_250 = tpu.memref_slice %arg21[%scan3A_121, %dma_wait3A_248, %dma_wait3A_249] : memref<4x10000x48xf32, #tpu.memory_space<hbm>> -> memref<1x10000x48xf32, #tpu.memory_space<hbm>>
        %dma_wait3A_251 = tpu.memref_squeeze %dma_wait3A_250 : memref<1x10000x48xf32, #tpu.memory_space<hbm>> -> memref<10000x48xf32, #tpu.memory_space<hbm>>
        %dma_wait3A_252 = arith.constant 0 : i32
        %dma_wait3A_253 = arith.constant 0 : i32
        %dma_wait3A_254 = tpu.memref_slice %dma_wait3A_251[%dma_wait3A_252, %dma_wait3A_253] : memref<10000x48xf32, #tpu.memory_space<hbm>> -> memref<10000x48xf32, #tpu.memory_space<hbm>>
        tpu.wait_indirect_dma semaphore(%arg34 : memref<!tpu.dma_semaphore, #tpu.memory_space<semaphore_mem>>) src(%dma_wait3A_254 : memref<10000x48xf32, #tpu.memory_space<hbm>>) dst(%dma_wait3A_244 : memref<80x48xf32, #tpu.memory_space<vmem>>)
        %run_scoped3A_255 = arith.constant 0 : i32
        "tpu.region"() ({
          %run_scoped3A_371 = tpu.sem_alloc : memref<!tpu.dma_semaphore, #tpu.memory_space<semaphore_mem>>
          %dma_start3A_372 = arith.constant 0 : i32
          %dma_start3A_373 = arith.constant 0 : i32
          %dma_start3A_374 = tpu.memref_slice %arg26[%run_scoped3A_255, %dma_start3A_372, %dma_start3A_373] : memref<5x80x48xf32, #tpu.memory_space<vmem>> -> memref<1x80x48xf32, #tpu.memory_space<vmem>>
          %dma_start3A_375 = tpu.memref_squeeze %dma_start3A_374 : memref<1x80x48xf32, #tpu.memory_space<vmem>> -> memref<80x48xf32, #tpu.memory_space<vmem>>
          %dma_start3A_376 = arith.constant 0 : i32
          %dma_start3A_377 = tpu.memref_slice %arg25[%add3A_239, %dma_start3A_376] : memref<250x80xi32, #tpu.memory_space<vmem>> -> memref<1x80xi32, #tpu.memory_space<vmem>>
          %dma_start3A_378 = tpu.memref_squeeze %dma_start3A_377 : memref<1x80xi32, #tpu.memory_space<vmem>> -> memref<80xi32, #tpu.memory_space<vmem>>
          %dma_start3A_379 = arith.constant 0 : i32
          %dma_start3A_380 = arith.constant 0 : i32
          %dma_start3A_381 = tpu.memref_slice %arg22[%dma_start3A_379, %dma_start3A_380] : memref<10000x48xf32, #tpu.memory_space<vmem_shared>> -> memref<10000x48xf32, #tpu.memory_space<vmem_shared>>
          tpu.enqueue_indirect_dma source(%dma_start3A_375 : memref<80x48xf32, #tpu.memory_space<vmem>>) target(%dma_start3A_381 : memref<10000x48xf32, #tpu.memory_space<vmem_shared>>) offsets(%dma_start3A_378 : memref<80xi32, #tpu.memory_space<vmem>>) semaphore(%run_scoped3A_371 : memref<!tpu.dma_semaphore, #tpu.memory_space<semaphore_mem>>) {add = true}
          %dma_wait3A_382 = arith.constant 0 : i32
          %dma_wait3A_383 = arith.constant 0 : i32
          %dma_wait3A_384 = tpu.memref_slice %arg26[%run_scoped3A_255, %dma_wait3A_382, %dma_wait3A_383] : memref<5x80x48xf32, #tpu.memory_space<vmem>> -> memref<1x80x48xf32, #tpu.memory_space<vmem>>
          %dma_wait3A_385 = tpu.memref_squeeze %dma_wait3A_384 : memref<1x80x48xf32, #tpu.memory_space<vmem>> -> memref<80x48xf32, #tpu.memory_space<vmem>>
          %dma_wait3A_386 = arith.constant 0 : i32
          %dma_wait3A_387 = tpu.memref_slice %arg25[%add3A_239, %dma_wait3A_386] : memref<250x80xi32, #tpu.memory_space<vmem>> -> memref<1x80xi32, #tpu.memory_space<vmem>>
          %dma_wait3A_388 = tpu.memref_squeeze %dma_wait3A_387 : memref<1x80xi32, #tpu.memory_space<vmem>> -> memref<80xi32, #tpu.memory_space<vmem>>
          %dma_wait3A_389 = arith.constant 0 : i32
          %dma_wait3A_390 = arith.constant 0 : i32
          %dma_wait3A_391 = tpu.memref_slice %arg22[%dma_wait3A_389, %dma_wait3A_390] : memref<10000x48xf32, #tpu.memory_space<vmem_shared>> -> memref<10000x48xf32, #tpu.memory_space<vmem_shared>>
          tpu.wait_indirect_dma semaphore(%run_scoped3A_371 : memref<!tpu.dma_semaphore, #tpu.memory_space<semaphore_mem>>) src(%dma_wait3A_385 : memref<80x48xf32, #tpu.memory_space<vmem>>) dst(%dma_wait3A_391 : memref<10000x48xf32, #tpu.memory_space<vmem_shared>>)
          tpu.yield
        }) : () -> ()
        %add3A_256 = arith.constant 5 : i32
        %add3A_257 = arith.addi %add3A_239, %add3A_256 : i32
        %lt3A = arith.constant 250 : i32
        %lt3A_258 = arith.cmpi slt, %add3A_257, %lt3A : i32
        %convert_element_type3A_259 = arith.extui %lt3A_258 : i1 to i32
        %cond3A_260 = arith.constant 0 : i32
        %cond3A_261 = arith.cmpi ne, %convert_element_type3A_259, %cond3A_260 : i32
        scf.if %cond3A_261 {
          %add3A_371 = arith.constant 5 : i32
          %add3A_372 = arith.addi %add3A_239, %add3A_371 : i32
          %dma_start3A_373 = arith.constant 0 : i32
          %dma_start3A_374 = arith.constant 0 : i32
          %dma_start3A_375 = arith.constant 0 : i32
          %dma_start3A_376 = tpu.memref_slice %arg26[%dma_start3A_373, %dma_start3A_374, %dma_start3A_375] : memref<5x80x48xf32, #tpu.memory_space<vmem>> -> memref<1x80x48xf32, #tpu.memory_space<vmem>>
          %dma_start3A_377 = tpu.memref_squeeze %dma_start3A_376 : memref<1x80x48xf32, #tpu.memory_space<vmem>> -> memref<80x48xf32, #tpu.memory_space<vmem>>
          %dma_start3A_378 = arith.constant 0 : i32
          %dma_start3A_379 = tpu.memref_slice %arg24[%add3A_372, %dma_start3A_378] : memref<250x80xi32, #tpu.memory_space<vmem>> -> memref<1x80xi32, #tpu.memory_space<vmem>>
          %dma_start3A_380 = tpu.memref_squeeze %dma_start3A_379 : memref<1x80xi32, #tpu.memory_space<vmem>> -> memref<80xi32, #tpu.memory_space<vmem>>
          %dma_start3A_381 = arith.constant 0 : i32
          %dma_start3A_382 = arith.constant 0 : i32
          %dma_start3A_383 = tpu.memref_slice %arg21[%scan3A_121, %dma_start3A_381, %dma_start3A_382] : memref<4x10000x48xf32, #tpu.memory_space<hbm>> -> memref<1x10000x48xf32, #tpu.memory_space<hbm>>
          %dma_start3A_384 = tpu.memref_squeeze %dma_start3A_383 : memref<1x10000x48xf32, #tpu.memory_space<hbm>> -> memref<10000x48xf32, #tpu.memory_space<hbm>>
          %dma_start3A_385 = arith.constant 0 : i32
          %dma_start3A_386 = arith.constant 0 : i32
          %dma_start3A_387 = tpu.memref_slice %dma_start3A_384[%dma_start3A_385, %dma_start3A_386] : memref<10000x48xf32, #tpu.memory_space<hbm>> -> memref<10000x48xf32, #tpu.memory_space<hbm>>
          tpu.enqueue_indirect_dma source(%dma_start3A_387 : memref<10000x48xf32, #tpu.memory_space<hbm>>) target(%dma_start3A_377 : memref<80x48xf32, #tpu.memory_space<vmem>>) offsets(%dma_start3A_380 : memref<80xi32, #tpu.memory_space<vmem>>) semaphore(%arg34 : memref<!tpu.dma_semaphore, #tpu.memory_space<semaphore_mem>>)
        } else {
        }
        %mul3A_262 = arith.constant 5 : i32
        %mul3A_263 = arith.muli %scan3A_235, %mul3A_262 : i32
        %add3A_264 = arith.constant 1 : i32
        %add3A_265 = arith.addi %mul3A_263, %add3A_264 : i32
        %dma_wait3A_266 = arith.constant 1 : i32
        %dma_wait3A_267 = arith.constant 0 : i32
        %dma_wait3A_268 = arith.constant 0 : i32
        %dma_wait3A_269 = tpu.memref_slice %arg26[%dma_wait3A_266, %dma_wait3A_267, %dma_wait3A_268] : memref<5x80x48xf32, #tpu.memory_space<vmem>> -> memref<1x80x48xf32, #tpu.memory_space<vmem>>
        %dma_wait3A_270 = tpu.memref_squeeze %dma_wait3A_269 : memref<1x80x48xf32, #tpu.memory_space<vmem>> -> memref<80x48xf32, #tpu.memory_space<vmem>>
        %dma_wait3A_271 = arith.constant 0 : i32
        %dma_wait3A_272 = tpu.memref_slice %arg24[%add3A_265, %dma_wait3A_271] : memref<250x80xi32, #tpu.memory_space<vmem>> -> memref<1x80xi32, #tpu.memory_space<vmem>>
        %dma_wait3A_273 = tpu.memref_squeeze %dma_wait3A_272 : memref<1x80xi32, #tpu.memory_space<vmem>> -> memref<80xi32, #tpu.memory_space<vmem>>
        %dma_wait3A_274 = arith.constant 0 : i32
        %dma_wait3A_275 = arith.constant 0 : i32
        %dma_wait3A_276 = tpu.memref_slice %arg21[%scan3A_121, %dma_wait3A_274, %dma_wait3A_275] : memref<4x10000x48xf32, #tpu.memory_space<hbm>> -> memref<1x10000x48xf32, #tpu.memory_space<hbm>>
        %dma_wait3A_277 = tpu.memref_squeeze %dma_wait3A_276 : memref<1x10000x48xf32, #tpu.memory_space<hbm>> -> memref<10000x48xf32, #tpu.memory_space<hbm>>
        %dma_wait3A_278 = arith.constant 0 : i32
        %dma_wait3A_279 = arith.constant 0 : i32
        %dma_wait3A_280 = tpu.memref_slice %dma_wait3A_277[%dma_wait3A_278, %dma_wait3A_279] : memref<10000x48xf32, #tpu.memory_space<hbm>> -> memref<10000x48xf32, #tpu.memory_space<hbm>>
        tpu.wait_indirect_dma semaphore(%arg35 : memref<!tpu.dma_semaphore, #tpu.memory_space<semaphore_mem>>) src(%dma_wait3A_280 : memref<10000x48xf32, #tpu.memory_space<hbm>>) dst(%dma_wait3A_270 : memref<80x48xf32, #tpu.memory_space<vmem>>)
        %run_scoped3A_281 = arith.constant 1 : i32
        "tpu.region"() ({
          %run_scoped3A_371 = tpu.sem_alloc : memref<!tpu.dma_semaphore, #tpu.memory_space<semaphore_mem>>
          %dma_start3A_372 = arith.constant 0 : i32
          %dma_start3A_373 = arith.constant 0 : i32
          %dma_start3A_374 = tpu.memref_slice %arg26[%run_scoped3A_281, %dma_start3A_372, %dma_start3A_373] : memref<5x80x48xf32, #tpu.memory_space<vmem>> -> memref<1x80x48xf32, #tpu.memory_space<vmem>>
          %dma_start3A_375 = tpu.memref_squeeze %dma_start3A_374 : memref<1x80x48xf32, #tpu.memory_space<vmem>> -> memref<80x48xf32, #tpu.memory_space<vmem>>
          %dma_start3A_376 = arith.constant 0 : i32
          %dma_start3A_377 = tpu.memref_slice %arg25[%add3A_265, %dma_start3A_376] : memref<250x80xi32, #tpu.memory_space<vmem>> -> memref<1x80xi32, #tpu.memory_space<vmem>>
          %dma_start3A_378 = tpu.memref_squeeze %dma_start3A_377 : memref<1x80xi32, #tpu.memory_space<vmem>> -> memref<80xi32, #tpu.memory_space<vmem>>
          %dma_start3A_379 = arith.constant 0 : i32
          %dma_start3A_380 = arith.constant 0 : i32
          %dma_start3A_381 = tpu.memref_slice %arg22[%dma_start3A_379, %dma_start3A_380] : memref<10000x48xf32, #tpu.memory_space<vmem_shared>> -> memref<10000x48xf32, #tpu.memory_space<vmem_shared>>
          tpu.enqueue_indirect_dma source(%dma_start3A_375 : memref<80x48xf32, #tpu.memory_space<vmem>>) target(%dma_start3A_381 : memref<10000x48xf32, #tpu.memory_space<vmem_shared>>) offsets(%dma_start3A_378 : memref<80xi32, #tpu.memory_space<vmem>>) semaphore(%run_scoped3A_371 : memref<!tpu.dma_semaphore, #tpu.memory_space<semaphore_mem>>) {add = true}
          %dma_wait3A_382 = arith.constant 0 : i32
          %dma_wait3A_383 = arith.constant 0 : i32
          %dma_wait3A_384 = tpu.memref_slice %arg26[%run_scoped3A_281, %dma_wait3A_382, %dma_wait3A_383] : memref<5x80x48xf32, #tpu.memory_space<vmem>> -> memref<1x80x48xf32, #tpu.memory_space<vmem>>
          %dma_wait3A_385 = tpu.memref_squeeze %dma_wait3A_384 : memref<1x80x48xf32, #tpu.memory_space<vmem>> -> memref<80x48xf32, #tpu.memory_space<vmem>>
          %dma_wait3A_386 = arith.constant 0 : i32
          %dma_wait3A_387 = tpu.memref_slice %arg25[%add3A_265, %dma_wait3A_386] : memref<250x80xi32, #tpu.memory_space<vmem>> -> memref<1x80xi32, #tpu.memory_space<vmem>>
          %dma_wait3A_388 = tpu.memref_squeeze %dma_wait3A_387 : memref<1x80xi32, #tpu.memory_space<vmem>> -> memref<80xi32, #tpu.memory_space<vmem>>
          %dma_wait3A_389 = arith.constant 0 : i32
          %dma_wait3A_390 = arith.constant 0 : i32
          %dma_wait3A_391 = tpu.memref_slice %arg22[%dma_wait3A_389, %dma_wait3A_390] : memref<10000x48xf32, #tpu.memory_space<vmem_shared>> -> memref<10000x48xf32, #tpu.memory_space<vmem_shared>>
          tpu.wait_indirect_dma semaphore(%run_scoped3A_371 : memref<!tpu.dma_semaphore, #tpu.memory_space<semaphore_mem>>) src(%dma_wait3A_385 : memref<80x48xf32, #tpu.memory_space<vmem>>) dst(%dma_wait3A_391 : memref<10000x48xf32, #tpu.memory_space<vmem_shared>>)
          tpu.yield
        }) : () -> ()
        %add3A_282 = arith.constant 5 : i32
        %add3A_283 = arith.addi %add3A_265, %add3A_282 : i32
        %lt3A_284 = arith.constant 250 : i32
        %lt3A_285 = arith.cmpi slt, %add3A_283, %lt3A_284 : i32
        %convert_element_type3A_286 = arith.extui %lt3A_285 : i1 to i32
        %cond3A_287 = arith.constant 0 : i32
        %cond3A_288 = arith.cmpi ne, %convert_element_type3A_286, %cond3A_287 : i32
        scf.if %cond3A_288 {
          %add3A_371 = arith.constant 5 : i32
          %add3A_372 = arith.addi %add3A_265, %add3A_371 : i32
          %dma_start3A_373 = arith.constant 1 : i32
          %dma_start3A_374 = arith.constant 0 : i32
          %dma_start3A_375 = arith.constant 0 : i32
          %dma_start3A_376 = tpu.memref_slice %arg26[%dma_start3A_373, %dma_start3A_374, %dma_start3A_375] : memref<5x80x48xf32, #tpu.memory_space<vmem>> -> memref<1x80x48xf32, #tpu.memory_space<vmem>>
          %dma_start3A_377 = tpu.memref_squeeze %dma_start3A_376 : memref<1x80x48xf32, #tpu.memory_space<vmem>> -> memref<80x48xf32, #tpu.memory_space<vmem>>
          %dma_start3A_378 = arith.constant 0 : i32
          %dma_start3A_379 = tpu.memref_slice %arg24[%add3A_372, %dma_start3A_378] : memref<250x80xi32, #tpu.memory_space<vmem>> -> memref<1x80xi32, #tpu.memory_space<vmem>>
          %dma_start3A_380 = tpu.memref_squeeze %dma_start3A_379 : memref<1x80xi32, #tpu.memory_space<vmem>> -> memref<80xi32, #tpu.memory_space<vmem>>
          %dma_start3A_381 = arith.constant 0 : i32
          %dma_start3A_382 = arith.constant 0 : i32
          %dma_start3A_383 = tpu.memref_slice %arg21[%scan3A_121, %dma_start3A_381, %dma_start3A_382] : memref<4x10000x48xf32, #tpu.memory_space<hbm>> -> memref<1x10000x48xf32, #tpu.memory_space<hbm>>
          %dma_start3A_384 = tpu.memref_squeeze %dma_start3A_383 : memref<1x10000x48xf32, #tpu.memory_space<hbm>> -> memref<10000x48xf32, #tpu.memory_space<hbm>>
          %dma_start3A_385 = arith.constant 0 : i32
          %dma_start3A_386 = arith.constant 0 : i32
          %dma_start3A_387 = tpu.memref_slice %dma_start3A_384[%dma_start3A_385, %dma_start3A_386] : memref<10000x48xf32, #tpu.memory_space<hbm>> -> memref<10000x48xf32, #tpu.memory_space<hbm>>
          tpu.enqueue_indirect_dma source(%dma_start3A_387 : memref<10000x48xf32, #tpu.memory_space<hbm>>) target(%dma_start3A_377 : memref<80x48xf32, #tpu.memory_space<vmem>>) offsets(%dma_start3A_380 : memref<80xi32, #tpu.memory_space<vmem>>) semaphore(%arg35 : memref<!tpu.dma_semaphore, #tpu.memory_space<semaphore_mem>>)
        } else {
        }
        %mul3A_289 = arith.constant 5 : i32
        %mul3A_290 = arith.muli %scan3A_235, %mul3A_289 : i32
        %add3A_291 = arith.constant 2 : i32
        %add3A_292 = arith.addi %mul3A_290, %add3A_291 : i32
        %dma_wait3A_293 = arith.constant 2 : i32
        %dma_wait3A_294 = arith.constant 0 : i32
        %dma_wait3A_295 = arith.constant 0 : i32
        %dma_wait3A_296 = tpu.memref_slice %arg26[%dma_wait3A_293, %dma_wait3A_294, %dma_wait3A_295] : memref<5x80x48xf32, #tpu.memory_space<vmem>> -> memref<1x80x48xf32, #tpu.memory_space<vmem>>
        %dma_wait3A_297 = tpu.memref_squeeze %dma_wait3A_296 : memref<1x80x48xf32, #tpu.memory_space<vmem>> -> memref<80x48xf32, #tpu.memory_space<vmem>>
        %dma_wait3A_298 = arith.constant 0 : i32
        %dma_wait3A_299 = tpu.memref_slice %arg24[%add3A_292, %dma_wait3A_298] : memref<250x80xi32, #tpu.memory_space<vmem>> -> memref<1x80xi32, #tpu.memory_space<vmem>>
        %dma_wait3A_300 = tpu.memref_squeeze %dma_wait3A_299 : memref<1x80xi32, #tpu.memory_space<vmem>> -> memref<80xi32, #tpu.memory_space<vmem>>
        %dma_wait3A_301 = arith.constant 0 : i32
        %dma_wait3A_302 = arith.constant 0 : i32
        %dma_wait3A_303 = tpu.memref_slice %arg21[%scan3A_121, %dma_wait3A_301, %dma_wait3A_302] : memref<4x10000x48xf32, #tpu.memory_space<hbm>> -> memref<1x10000x48xf32, #tpu.memory_space<hbm>>
        %dma_wait3A_304 = tpu.memref_squeeze %dma_wait3A_303 : memref<1x10000x48xf32, #tpu.memory_space<hbm>> -> memref<10000x48xf32, #tpu.memory_space<hbm>>
        %dma_wait3A_305 = arith.constant 0 : i32
        %dma_wait3A_306 = arith.constant 0 : i32
        %dma_wait3A_307 = tpu.memref_slice %dma_wait3A_304[%dma_wait3A_305, %dma_wait3A_306] : memref<10000x48xf32, #tpu.memory_space<hbm>> -> memref<10000x48xf32, #tpu.memory_space<hbm>>
        tpu.wait_indirect_dma semaphore(%arg36 : memref<!tpu.dma_semaphore, #tpu.memory_space<semaphore_mem>>) src(%dma_wait3A_307 : memref<10000x48xf32, #tpu.memory_space<hbm>>) dst(%dma_wait3A_297 : memref<80x48xf32, #tpu.memory_space<vmem>>)
        %run_scoped3A_308 = arith.constant 2 : i32
        "tpu.region"() ({
          %run_scoped3A_371 = tpu.sem_alloc : memref<!tpu.dma_semaphore, #tpu.memory_space<semaphore_mem>>
          %dma_start3A_372 = arith.constant 0 : i32
          %dma_start3A_373 = arith.constant 0 : i32
          %dma_start3A_374 = tpu.memref_slice %arg26[%run_scoped3A_308, %dma_start3A_372, %dma_start3A_373] : memref<5x80x48xf32, #tpu.memory_space<vmem>> -> memref<1x80x48xf32, #tpu.memory_space<vmem>>
          %dma_start3A_375 = tpu.memref_squeeze %dma_start3A_374 : memref<1x80x48xf32, #tpu.memory_space<vmem>> -> memref<80x48xf32, #tpu.memory_space<vmem>>
          %dma_start3A_376 = arith.constant 0 : i32
          %dma_start3A_377 = tpu.memref_slice %arg25[%add3A_292, %dma_start3A_376] : memref<250x80xi32, #tpu.memory_space<vmem>> -> memref<1x80xi32, #tpu.memory_space<vmem>>
          %dma_start3A_378 = tpu.memref_squeeze %dma_start3A_377 : memref<1x80xi32, #tpu.memory_space<vmem>> -> memref<80xi32, #tpu.memory_space<vmem>>
          %dma_start3A_379 = arith.constant 0 : i32
          %dma_start3A_380 = arith.constant 0 : i32
          %dma_start3A_381 = tpu.memref_slice %arg22[%dma_start3A_379, %dma_start3A_380] : memref<10000x48xf32, #tpu.memory_space<vmem_shared>> -> memref<10000x48xf32, #tpu.memory_space<vmem_shared>>
          tpu.enqueue_indirect_dma source(%dma_start3A_375 : memref<80x48xf32, #tpu.memory_space<vmem>>) target(%dma_start3A_381 : memref<10000x48xf32, #tpu.memory_space<vmem_shared>>) offsets(%dma_start3A_378 : memref<80xi32, #tpu.memory_space<vmem>>) semaphore(%run_scoped3A_371 : memref<!tpu.dma_semaphore, #tpu.memory_space<semaphore_mem>>) {add = true}
          %dma_wait3A_382 = arith.constant 0 : i32
          %dma_wait3A_383 = arith.constant 0 : i32
          %dma_wait3A_384 = tpu.memref_slice %arg26[%run_scoped3A_308, %dma_wait3A_382, %dma_wait3A_383] : memref<5x80x48xf32, #tpu.memory_space<vmem>> -> memref<1x80x48xf32, #tpu.memory_space<vmem>>
          %dma_wait3A_385 = tpu.memref_squeeze %dma_wait3A_384 : memref<1x80x48xf32, #tpu.memory_space<vmem>> -> memref<80x48xf32, #tpu.memory_space<vmem>>
          %dma_wait3A_386 = arith.constant 0 : i32
          %dma_wait3A_387 = tpu.memref_slice %arg25[%add3A_292, %dma_wait3A_386] : memref<250x80xi32, #tpu.memory_space<vmem>> -> memref<1x80xi32, #tpu.memory_space<vmem>>
          %dma_wait3A_388 = tpu.memref_squeeze %dma_wait3A_387 : memref<1x80xi32, #tpu.memory_space<vmem>> -> memref<80xi32, #tpu.memory_space<vmem>>
          %dma_wait3A_389 = arith.constant 0 : i32
          %dma_wait3A_390 = arith.constant 0 : i32
          %dma_wait3A_391 = tpu.memref_slice %arg22[%dma_wait3A_389, %dma_wait3A_390] : memref<10000x48xf32, #tpu.memory_space<vmem_shared>> -> memref<10000x48xf32, #tpu.memory_space<vmem_shared>>
          tpu.wait_indirect_dma semaphore(%run_scoped3A_371 : memref<!tpu.dma_semaphore, #tpu.memory_space<semaphore_mem>>) src(%dma_wait3A_385 : memref<80x48xf32, #tpu.memory_space<vmem>>) dst(%dma_wait3A_391 : memref<10000x48xf32, #tpu.memory_space<vmem_shared>>)
          tpu.yield
        }) : () -> ()
        %add3A_309 = arith.constant 5 : i32
        %add3A_310 = arith.addi %add3A_292, %add3A_309 : i32
        %lt3A_311 = arith.constant 250 : i32
        %lt3A_312 = arith.cmpi slt, %add3A_310, %lt3A_311 : i32
        %convert_element_type3A_313 = arith.extui %lt3A_312 : i1 to i32
        %cond3A_314 = arith.constant 0 : i32
        %cond3A_315 = arith.cmpi ne, %convert_element_type3A_313, %cond3A_314 : i32
        scf.if %cond3A_315 {
          %add3A_371 = arith.constant 5 : i32
          %add3A_372 = arith.addi %add3A_292, %add3A_371 : i32
          %dma_start3A_373 = arith.constant 2 : i32
          %dma_start3A_374 = arith.constant 0 : i32
          %dma_start3A_375 = arith.constant 0 : i32
          %dma_start3A_376 = tpu.memref_slice %arg26[%dma_start3A_373, %dma_start3A_374, %dma_start3A_375] : memref<5x80x48xf32, #tpu.memory_space<vmem>> -> memref<1x80x48xf32, #tpu.memory_space<vmem>>
          %dma_start3A_377 = tpu.memref_squeeze %dma_start3A_376 : memref<1x80x48xf32, #tpu.memory_space<vmem>> -> memref<80x48xf32, #tpu.memory_space<vmem>>
          %dma_start3A_378 = arith.constant 0 : i32
          %dma_start3A_379 = tpu.memref_slice %arg24[%add3A_372, %dma_start3A_378] : memref<250x80xi32, #tpu.memory_space<vmem>> -> memref<1x80xi32, #tpu.memory_space<vmem>>
          %dma_start3A_380 = tpu.memref_squeeze %dma_start3A_379 : memref<1x80xi32, #tpu.memory_space<vmem>> -> memref<80xi32, #tpu.memory_space<vmem>>
          %dma_start3A_381 = arith.constant 0 : i32
          %dma_start3A_382 = arith.constant 0 : i32
          %dma_start3A_383 = tpu.memref_slice %arg21[%scan3A_121, %dma_start3A_381, %dma_start3A_382] : memref<4x10000x48xf32, #tpu.memory_space<hbm>> -> memref<1x10000x48xf32, #tpu.memory_space<hbm>>
          %dma_start3A_384 = tpu.memref_squeeze %dma_start3A_383 : memref<1x10000x48xf32, #tpu.memory_space<hbm>> -> memref<10000x48xf32, #tpu.memory_space<hbm>>
          %dma_start3A_385 = arith.constant 0 : i32
          %dma_start3A_386 = arith.constant 0 : i32
          %dma_start3A_387 = tpu.memref_slice %dma_start3A_384[%dma_start3A_385, %dma_start3A_386] : memref<10000x48xf32, #tpu.memory_space<hbm>> -> memref<10000x48xf32, #tpu.memory_space<hbm>>
          tpu.enqueue_indirect_dma source(%dma_start3A_387 : memref<10000x48xf32, #tpu.memory_space<hbm>>) target(%dma_start3A_377 : memref<80x48xf32, #tpu.memory_space<vmem>>) offsets(%dma_start3A_380 : memref<80xi32, #tpu.memory_space<vmem>>) semaphore(%arg36 : memref<!tpu.dma_semaphore, #tpu.memory_space<semaphore_mem>>)
        } else {
        }
        %mul3A_316 = arith.constant 5 : i32
        %mul3A_317 = arith.muli %scan3A_235, %mul3A_316 : i32
        %add3A_318 = arith.constant 3 : i32
        %add3A_319 = arith.addi %mul3A_317, %add3A_318 : i32
        %dma_wait3A_320 = arith.constant 3 : i32
        %dma_wait3A_321 = arith.constant 0 : i32
        %dma_wait3A_322 = arith.constant 0 : i32
        %dma_wait3A_323 = tpu.memref_slice %arg26[%dma_wait3A_320, %dma_wait3A_321, %dma_wait3A_322] : memref<5x80x48xf32, #tpu.memory_space<vmem>> -> memref<1x80x48xf32, #tpu.memory_space<vmem>>
        %dma_wait3A_324 = tpu.memref_squeeze %dma_wait3A_323 : memref<1x80x48xf32, #tpu.memory_space<vmem>> -> memref<80x48xf32, #tpu.memory_space<vmem>>
        %dma_wait3A_325 = arith.constant 0 : i32
        %dma_wait3A_326 = tpu.memref_slice %arg24[%add3A_319, %dma_wait3A_325] : memref<250x80xi32, #tpu.memory_space<vmem>> -> memref<1x80xi32, #tpu.memory_space<vmem>>
        %dma_wait3A_327 = tpu.memref_squeeze %dma_wait3A_326 : memref<1x80xi32, #tpu.memory_space<vmem>> -> memref<80xi32, #tpu.memory_space<vmem>>
        %dma_wait3A_328 = arith.constant 0 : i32
        %dma_wait3A_329 = arith.constant 0 : i32
        %dma_wait3A_330 = tpu.memref_slice %arg21[%scan3A_121, %dma_wait3A_328, %dma_wait3A_329] : memref<4x10000x48xf32, #tpu.memory_space<hbm>> -> memref<1x10000x48xf32, #tpu.memory_space<hbm>>
        %dma_wait3A_331 = tpu.memref_squeeze %dma_wait3A_330 : memref<1x10000x48xf32, #tpu.memory_space<hbm>> -> memref<10000x48xf32, #tpu.memory_space<hbm>>
        %dma_wait3A_332 = arith.constant 0 : i32
        %dma_wait3A_333 = arith.constant 0 : i32
        %dma_wait3A_334 = tpu.memref_slice %dma_wait3A_331[%dma_wait3A_332, %dma_wait3A_333] : memref<10000x48xf32, #tpu.memory_space<hbm>> -> memref<10000x48xf32, #tpu.memory_space<hbm>>
        tpu.wait_indirect_dma semaphore(%arg37 : memref<!tpu.dma_semaphore, #tpu.memory_space<semaphore_mem>>) src(%dma_wait3A_334 : memref<10000x48xf32, #tpu.memory_space<hbm>>) dst(%dma_wait3A_324 : memref<80x48xf32, #tpu.memory_space<vmem>>)
        %run_scoped3A_335 = arith.constant 3 : i32
        "tpu.region"() ({
          %run_scoped3A_371 = tpu.sem_alloc : memref<!tpu.dma_semaphore, #tpu.memory_space<semaphore_mem>>
          %dma_start3A_372 = arith.constant 0 : i32
          %dma_start3A_373 = arith.constant 0 : i32
          %dma_start3A_374 = tpu.memref_slice %arg26[%run_scoped3A_335, %dma_start3A_372, %dma_start3A_373] : memref<5x80x48xf32, #tpu.memory_space<vmem>> -> memref<1x80x48xf32, #tpu.memory_space<vmem>>
          %dma_start3A_375 = tpu.memref_squeeze %dma_start3A_374 : memref<1x80x48xf32, #tpu.memory_space<vmem>> -> memref<80x48xf32, #tpu.memory_space<vmem>>
          %dma_start3A_376 = arith.constant 0 : i32
          %dma_start3A_377 = tpu.memref_slice %arg25[%add3A_319, %dma_start3A_376] : memref<250x80xi32, #tpu.memory_space<vmem>> -> memref<1x80xi32, #tpu.memory_space<vmem>>
          %dma_start3A_378 = tpu.memref_squeeze %dma_start3A_377 : memref<1x80xi32, #tpu.memory_space<vmem>> -> memref<80xi32, #tpu.memory_space<vmem>>
          %dma_start3A_379 = arith.constant 0 : i32
          %dma_start3A_380 = arith.constant 0 : i32
          %dma_start3A_381 = tpu.memref_slice %arg22[%dma_start3A_379, %dma_start3A_380] : memref<10000x48xf32, #tpu.memory_space<vmem_shared>> -> memref<10000x48xf32, #tpu.memory_space<vmem_shared>>
          tpu.enqueue_indirect_dma source(%dma_start3A_375 : memref<80x48xf32, #tpu.memory_space<vmem>>) target(%dma_start3A_381 : memref<10000x48xf32, #tpu.memory_space<vmem_shared>>) offsets(%dma_start3A_378 : memref<80xi32, #tpu.memory_space<vmem>>) semaphore(%run_scoped3A_371 : memref<!tpu.dma_semaphore, #tpu.memory_space<semaphore_mem>>) {add = true}
          %dma_wait3A_382 = arith.constant 0 : i32
          %dma_wait3A_383 = arith.constant 0 : i32
          %dma_wait3A_384 = tpu.memref_slice %arg26[%run_scoped3A_335, %dma_wait3A_382, %dma_wait3A_383] : memref<5x80x48xf32, #tpu.memory_space<vmem>> -> memref<1x80x48xf32, #tpu.memory_space<vmem>>
          %dma_wait3A_385 = tpu.memref_squeeze %dma_wait3A_384 : memref<1x80x48xf32, #tpu.memory_space<vmem>> -> memref<80x48xf32, #tpu.memory_space<vmem>>
          %dma_wait3A_386 = arith.constant 0 : i32
          %dma_wait3A_387 = tpu.memref_slice %arg25[%add3A_319, %dma_wait3A_386] : memref<250x80xi32, #tpu.memory_space<vmem>> -> memref<1x80xi32, #tpu.memory_space<vmem>>
          %dma_wait3A_388 = tpu.memref_squeeze %dma_wait3A_387 : memref<1x80xi32, #tpu.memory_space<vmem>> -> memref<80xi32, #tpu.memory_space<vmem>>
          %dma_wait3A_389 = arith.constant 0 : i32
          %dma_wait3A_390 = arith.constant 0 : i32
          %dma_wait3A_391 = tpu.memref_slice %arg22[%dma_wait3A_389, %dma_wait3A_390] : memref<10000x48xf32, #tpu.memory_space<vmem_shared>> -> memref<10000x48xf32, #tpu.memory_space<vmem_shared>>
          tpu.wait_indirect_dma semaphore(%run_scoped3A_371 : memref<!tpu.dma_semaphore, #tpu.memory_space<semaphore_mem>>) src(%dma_wait3A_385 : memref<80x48xf32, #tpu.memory_space<vmem>>) dst(%dma_wait3A_391 : memref<10000x48xf32, #tpu.memory_space<vmem_shared>>)
          tpu.yield
        }) : () -> ()
        %add3A_336 = arith.constant 5 : i32
        %add3A_337 = arith.addi %add3A_319, %add3A_336 : i32
        %lt3A_338 = arith.constant 250 : i32
        %lt3A_339 = arith.cmpi slt, %add3A_337, %lt3A_338 : i32
        %convert_element_type3A_340 = arith.extui %lt3A_339 : i1 to i32
        %cond3A_341 = arith.constant 0 : i32
        %cond3A_342 = arith.cmpi ne, %convert_element_type3A_340, %cond3A_341 : i32
        scf.if %cond3A_342 {
          %add3A_371 = arith.constant 5 : i32
          %add3A_372 = arith.addi %add3A_319, %add3A_371 : i32
          %dma_start3A_373 = arith.constant 3 : i32
          %dma_start3A_374 = arith.constant 0 : i32
          %dma_start3A_375 = arith.constant 0 : i32
          %dma_start3A_376 = tpu.memref_slice %arg26[%dma_start3A_373, %dma_start3A_374, %dma_start3A_375] : memref<5x80x48xf32, #tpu.memory_space<vmem>> -> memref<1x80x48xf32, #tpu.memory_space<vmem>>
          %dma_start3A_377 = tpu.memref_squeeze %dma_start3A_376 : memref<1x80x48xf32, #tpu.memory_space<vmem>> -> memref<80x48xf32, #tpu.memory_space<vmem>>
          %dma_start3A_378 = arith.constant 0 : i32
          %dma_start3A_379 = tpu.memref_slice %arg24[%add3A_372, %dma_start3A_378] : memref<250x80xi32, #tpu.memory_space<vmem>> -> memref<1x80xi32, #tpu.memory_space<vmem>>
          %dma_start3A_380 = tpu.memref_squeeze %dma_start3A_379 : memref<1x80xi32, #tpu.memory_space<vmem>> -> memref<80xi32, #tpu.memory_space<vmem>>
          %dma_start3A_381 = arith.constant 0 : i32
          %dma_start3A_382 = arith.constant 0 : i32
          %dma_start3A_383 = tpu.memref_slice %arg21[%scan3A_121, %dma_start3A_381, %dma_start3A_382] : memref<4x10000x48xf32, #tpu.memory_space<hbm>> -> memref<1x10000x48xf32, #tpu.memory_space<hbm>>
          %dma_start3A_384 = tpu.memref_squeeze %dma_start3A_383 : memref<1x10000x48xf32, #tpu.memory_space<hbm>> -> memref<10000x48xf32, #tpu.memory_space<hbm>>
          %dma_start3A_385 = arith.constant 0 : i32
          %dma_start3A_386 = arith.constant 0 : i32
          %dma_start3A_387 = tpu.memref_slice %dma_start3A_384[%dma_start3A_385, %dma_start3A_386] : memref<10000x48xf32, #tpu.memory_space<hbm>> -> memref<10000x48xf32, #tpu.memory_space<hbm>>
          tpu.enqueue_indirect_dma source(%dma_start3A_387 : memref<10000x48xf32, #tpu.memory_space<hbm>>) target(%dma_start3A_377 : memref<80x48xf32, #tpu.memory_space<vmem>>) offsets(%dma_start3A_380 : memref<80xi32, #tpu.memory_space<vmem>>) semaphore(%arg37 : memref<!tpu.dma_semaphore, #tpu.memory_space<semaphore_mem>>)
        } else {
        }
        %mul3A_343 = arith.constant 5 : i32
        %mul3A_344 = arith.muli %scan3A_235, %mul3A_343 : i32
        %add3A_345 = arith.constant 4 : i32
        %add3A_346 = arith.addi %mul3A_344, %add3A_345 : i32
        %dma_wait3A_347 = arith.constant 4 : i32
        %dma_wait3A_348 = arith.constant 0 : i32
        %dma_wait3A_349 = arith.constant 0 : i32
        %dma_wait3A_350 = tpu.memref_slice %arg26[%dma_wait3A_347, %dma_wait3A_348, %dma_wait3A_349] : memref<5x80x48xf32, #tpu.memory_space<vmem>> -> memref<1x80x48xf32, #tpu.memory_space<vmem>>
        %dma_wait3A_351 = tpu.memref_squeeze %dma_wait3A_350 : memref<1x80x48xf32, #tpu.memory_space<vmem>> -> memref<80x48xf32, #tpu.memory_space<vmem>>
        %dma_wait3A_352 = arith.constant 0 : i32
        %dma_wait3A_353 = tpu.memref_slice %arg24[%add3A_346, %dma_wait3A_352] : memref<250x80xi32, #tpu.memory_space<vmem>> -> memref<1x80xi32, #tpu.memory_space<vmem>>
        %dma_wait3A_354 = tpu.memref_squeeze %dma_wait3A_353 : memref<1x80xi32, #tpu.memory_space<vmem>> -> memref<80xi32, #tpu.memory_space<vmem>>
        %dma_wait3A_355 = arith.constant 0 : i32
        %dma_wait3A_356 = arith.constant 0 : i32
        %dma_wait3A_357 = tpu.memref_slice %arg21[%scan3A_121, %dma_wait3A_355, %dma_wait3A_356] : memref<4x10000x48xf32, #tpu.memory_space<hbm>> -> memref<1x10000x48xf32, #tpu.memory_space<hbm>>
        %dma_wait3A_358 = tpu.memref_squeeze %dma_wait3A_357 : memref<1x10000x48xf32, #tpu.memory_space<hbm>> -> memref<10000x48xf32, #tpu.memory_space<hbm>>
        %dma_wait3A_359 = arith.constant 0 : i32
        %dma_wait3A_360 = arith.constant 0 : i32
        %dma_wait3A_361 = tpu.memref_slice %dma_wait3A_358[%dma_wait3A_359, %dma_wait3A_360] : memref<10000x48xf32, #tpu.memory_space<hbm>> -> memref<10000x48xf32, #tpu.memory_space<hbm>>
        tpu.wait_indirect_dma semaphore(%arg38 : memref<!tpu.dma_semaphore, #tpu.memory_space<semaphore_mem>>) src(%dma_wait3A_361 : memref<10000x48xf32, #tpu.memory_space<hbm>>) dst(%dma_wait3A_351 : memref<80x48xf32, #tpu.memory_space<vmem>>)
        %run_scoped3A_362 = arith.constant 4 : i32
        "tpu.region"() ({
          %run_scoped3A_371 = tpu.sem_alloc : memref<!tpu.dma_semaphore, #tpu.memory_space<semaphore_mem>>
          %dma_start3A_372 = arith.constant 0 : i32
          %dma_start3A_373 = arith.constant 0 : i32
          %dma_start3A_374 = tpu.memref_slice %arg26[%run_scoped3A_362, %dma_start3A_372, %dma_start3A_373] : memref<5x80x48xf32, #tpu.memory_space<vmem>> -> memref<1x80x48xf32, #tpu.memory_space<vmem>>
          %dma_start3A_375 = tpu.memref_squeeze %dma_start3A_374 : memref<1x80x48xf32, #tpu.memory_space<vmem>> -> memref<80x48xf32, #tpu.memory_space<vmem>>
          %dma_start3A_376 = arith.constant 0 : i32
          %dma_start3A_377 = tpu.memref_slice %arg25[%add3A_346, %dma_start3A_376] : memref<250x80xi32, #tpu.memory_space<vmem>> -> memref<1x80xi32, #tpu.memory_space<vmem>>
          %dma_start3A_378 = tpu.memref_squeeze %dma_start3A_377 : memref<1x80xi32, #tpu.memory_space<vmem>> -> memref<80xi32, #tpu.memory_space<vmem>>
          %dma_start3A_379 = arith.constant 0 : i32
          %dma_start3A_380 = arith.constant 0 : i32
          %dma_start3A_381 = tpu.memref_slice %arg22[%dma_start3A_379, %dma_start3A_380] : memref<10000x48xf32, #tpu.memory_space<vmem_shared>> -> memref<10000x48xf32, #tpu.memory_space<vmem_shared>>
          tpu.enqueue_indirect_dma source(%dma_start3A_375 : memref<80x48xf32, #tpu.memory_space<vmem>>) target(%dma_start3A_381 : memref<10000x48xf32, #tpu.memory_space<vmem_shared>>) offsets(%dma_start3A_378 : memref<80xi32, #tpu.memory_space<vmem>>) semaphore(%run_scoped3A_371 : memref<!tpu.dma_semaphore, #tpu.memory_space<semaphore_mem>>) {add = true}
          %dma_wait3A_382 = arith.constant 0 : i32
          %dma_wait3A_383 = arith.constant 0 : i32
          %dma_wait3A_384 = tpu.memref_slice %arg26[%run_scoped3A_362, %dma_wait3A_382, %dma_wait3A_383] : memref<5x80x48xf32, #tpu.memory_space<vmem>> -> memref<1x80x48xf32, #tpu.memory_space<vmem>>
          %dma_wait3A_385 = tpu.memref_squeeze %dma_wait3A_384 : memref<1x80x48xf32, #tpu.memory_space<vmem>> -> memref<80x48xf32, #tpu.memory_space<vmem>>
          %dma_wait3A_386 = arith.constant 0 : i32
          %dma_wait3A_387 = tpu.memref_slice %arg25[%add3A_346, %dma_wait3A_386] : memref<250x80xi32, #tpu.memory_space<vmem>> -> memref<1x80xi32, #tpu.memory_space<vmem>>
          %dma_wait3A_388 = tpu.memref_squeeze %dma_wait3A_387 : memref<1x80xi32, #tpu.memory_space<vmem>> -> memref<80xi32, #tpu.memory_space<vmem>>
          %dma_wait3A_389 = arith.constant 0 : i32
          %dma_wait3A_390 = arith.constant 0 : i32
          %dma_wait3A_391 = tpu.memref_slice %arg22[%dma_wait3A_389, %dma_wait3A_390] : memref<10000x48xf32, #tpu.memory_space<vmem_shared>> -> memref<10000x48xf32, #tpu.memory_space<vmem_shared>>
          tpu.wait_indirect_dma semaphore(%run_scoped3A_371 : memref<!tpu.dma_semaphore, #tpu.memory_space<semaphore_mem>>) src(%dma_wait3A_385 : memref<80x48xf32, #tpu.memory_space<vmem>>) dst(%dma_wait3A_391 : memref<10000x48xf32, #tpu.memory_space<vmem_shared>>)
          tpu.yield
        }) : () -> ()
        %add3A_363 = arith.constant 5 : i32
        %add3A_364 = arith.addi %add3A_346, %add3A_363 : i32
        %lt3A_365 = arith.constant 250 : i32
        %lt3A_366 = arith.cmpi slt, %add3A_364, %lt3A_365 : i32
        %convert_element_type3A_367 = arith.extui %lt3A_366 : i1 to i32
        %cond3A_368 = arith.constant 0 : i32
        %cond3A_369 = arith.cmpi ne, %convert_element_type3A_367, %cond3A_368 : i32
        scf.if %cond3A_369 {
          %add3A_371 = arith.constant 5 : i32
          %add3A_372 = arith.addi %add3A_346, %add3A_371 : i32
          %dma_start3A_373 = arith.constant 4 : i32
          %dma_start3A_374 = arith.constant 0 : i32
          %dma_start3A_375 = arith.constant 0 : i32
          %dma_start3A_376 = tpu.memref_slice %arg26[%dma_start3A_373, %dma_start3A_374, %dma_start3A_375] : memref<5x80x48xf32, #tpu.memory_space<vmem>> -> memref<1x80x48xf32, #tpu.memory_space<vmem>>
          %dma_start3A_377 = tpu.memref_squeeze %dma_start3A_376 : memref<1x80x48xf32, #tpu.memory_space<vmem>> -> memref<80x48xf32, #tpu.memory_space<vmem>>
          %dma_start3A_378 = arith.constant 0 : i32
          %dma_start3A_379 = tpu.memref_slice %arg24[%add3A_372, %dma_start3A_378] : memref<250x80xi32, #tpu.memory_space<vmem>> -> memref<1x80xi32, #tpu.memory_space<vmem>>
          %dma_start3A_380 = tpu.memref_squeeze %dma_start3A_379 : memref<1x80xi32, #tpu.memory_space<vmem>> -> memref<80xi32, #tpu.memory_space<vmem>>
          %dma_start3A_381 = arith.constant 0 : i32
          %dma_start3A_382 = arith.constant 0 : i32
          %dma_start3A_383 = tpu.memref_slice %arg21[%scan3A_121, %dma_start3A_381, %dma_start3A_382] : memref<4x10000x48xf32, #tpu.memory_space<hbm>> -> memref<1x10000x48xf32, #tpu.memory_space<hbm>>
          %dma_start3A_384 = tpu.memref_squeeze %dma_start3A_383 : memref<1x10000x48xf32, #tpu.memory_space<hbm>> -> memref<10000x48xf32, #tpu.memory_space<hbm>>
          %dma_start3A_385 = arith.constant 0 : i32
          %dma_start3A_386 = arith.constant 0 : i32
          %dma_start3A_387 = tpu.memref_slice %dma_start3A_384[%dma_start3A_385, %dma_start3A_386] : memref<10000x48xf32, #tpu.memory_space<hbm>> -> memref<10000x48xf32, #tpu.memory_space<hbm>>
          tpu.enqueue_indirect_dma source(%dma_start3A_387 : memref<10000x48xf32, #tpu.memory_space<hbm>>) target(%dma_start3A_377 : memref<80x48xf32, #tpu.memory_space<vmem>>) offsets(%dma_start3A_380 : memref<80xi32, #tpu.memory_space<vmem>>) semaphore(%arg38 : memref<!tpu.dma_semaphore, #tpu.memory_space<semaphore_mem>>)
        } else {
        }
        %scan3A_370 = arith.constant 0 : i32
        scf.yield %scan3A_370 : i32
      }
      %scan3A_128 = arith.constant 50 : i32
      %barrier3A_129 = arith.constant 0 : index
      tpu.barrier barrier_id(%barrier3A_129)
      %dma_start3A_130 = arith.constant 0 : i32
      %dma_start3A_131 = arith.constant 0 : i32
      %dma_start3A_132 = tpu.memref_slice %arg20[%dma_start3A_130, %multiple_of3A, %dma_start3A_131] : memref<4x10000x48xf32, #tpu.memory_space<hbm>> -> memref<1x625x48xf32, #tpu.memory_space<hbm>>
      %dma_start3A_133 = tpu.memref_squeeze %dma_start3A_132 : memref<1x625x48xf32, #tpu.memory_space<hbm>> -> memref<625x48xf32, #tpu.memory_space<hbm>>
      %dma_start3A_134 = arith.constant 0 : i32
      %dma_start3A_135 = tpu.memref_slice %arg22[%multiple_of3A, %dma_start3A_134] : memref<10000x48xf32, #tpu.memory_space<vmem_shared>> -> memref<625x48xf32, #tpu.memory_space<vmem_shared>>
      tpu.enqueue_dma source(%dma_start3A_135 : memref<625x48xf32, #tpu.memory_space<vmem_shared>>) target(%dma_start3A_133 : memref<625x48xf32, #tpu.memory_space<hbm>>) target_semaphore(%arg39 : memref<!tpu.dma_semaphore, #tpu.memory_space<semaphore_mem>>)
      "tpu.region"() ({
        %run_scoped3A_235 = tpu.sem_alloc : memref<!tpu.dma_semaphore, #tpu.memory_space<semaphore_mem>>
        %dma_start3A_236 = arith.constant 0 : i32
        %dma_start3A_237 = tpu.memref_slice %arg13[%mul3A_24, %dma_start3A_236] : memref<4000x80xi32, #tpu.memory_space<hbm>> -> memref<250x80xi32, #tpu.memory_space<hbm>>
        %dma_start3A_238 = arith.constant 0 : i32
        %dma_start3A_239 = tpu.memref_slice %arg13[%mul3A_24, %dma_start3A_238] : memref<4000x80xi32, #tpu.memory_space<hbm>> -> memref<250x80xi32, #tpu.memory_space<hbm>>
        tpu.enqueue_dma source(%dma_start3A_239 : memref<250x80xi32, #tpu.memory_space<hbm>>) target(%arg24 : memref<250x80xi32, #tpu.memory_space<vmem>>) target_semaphore(%run_scoped3A_235 : memref<!tpu.dma_semaphore, #tpu.memory_space<semaphore_mem>>)
        %dma_wait3A_240 = arith.constant 0 : i32
        %dma_wait3A_241 = tpu.memref_slice %arg13[%mul3A_24, %dma_wait3A_240] : memref<4000x80xi32, #tpu.memory_space<hbm>> -> memref<250x80xi32, #tpu.memory_space<hbm>>
        %dma_wait3A_242 = arith.constant 0 : i32
        %dma_wait3A_243 = tpu.memref_slice %arg13[%mul3A_24, %dma_wait3A_242] : memref<4000x80xi32, #tpu.memory_space<hbm>> -> memref<250x80xi32, #tpu.memory_space<hbm>>
        tpu.wait_dma2 semaphore(%run_scoped3A_235 : memref<!tpu.dma_semaphore, #tpu.memory_space<semaphore_mem>>) src(%dma_wait3A_243 : memref<250x80xi32, #tpu.memory_space<hbm>>) dst(%arg24 : memref<250x80xi32, #tpu.memory_space<vmem>>)
        tpu.yield
      }) : () -> ()
      "tpu.region"() ({
        %run_scoped3A_235 = tpu.sem_alloc : memref<!tpu.dma_semaphore, #tpu.memory_space<semaphore_mem>>
        %dma_start3A_236 = arith.constant 0 : i32
        %dma_start3A_237 = tpu.memref_slice %arg17[%mul3A_24, %dma_start3A_236] : memref<4000x80xi32, #tpu.memory_space<hbm>> -> memref<250x80xi32, #tpu.memory_space<hbm>>
        %dma_start3A_238 = arith.constant 0 : i32
        %dma_start3A_239 = tpu.memref_slice %arg17[%mul3A_24, %dma_start3A_238] : memref<4000x80xi32, #tpu.memory_space<hbm>> -> memref<250x80xi32, #tpu.memory_space<hbm>>
        tpu.enqueue_dma source(%dma_start3A_239 : memref<250x80xi32, #tpu.memory_space<hbm>>) target(%arg25 : memref<250x80xi32, #tpu.memory_space<vmem>>) target_semaphore(%run_scoped3A_235 : memref<!tpu.dma_semaphore, #tpu.memory_space<semaphore_mem>>)
        %dma_wait3A_240 = arith.constant 0 : i32
        %dma_wait3A_241 = tpu.memref_slice %arg17[%mul3A_24, %dma_wait3A_240] : memref<4000x80xi32, #tpu.memory_space<hbm>> -> memref<250x80xi32, #tpu.memory_space<hbm>>
        %dma_wait3A_242 = arith.constant 0 : i32
        %dma_wait3A_243 = tpu.memref_slice %arg17[%mul3A_24, %dma_wait3A_242] : memref<4000x80xi32, #tpu.memory_space<hbm>> -> memref<250x80xi32, #tpu.memory_space<hbm>>
        tpu.wait_dma2 semaphore(%run_scoped3A_235 : memref<!tpu.dma_semaphore, #tpu.memory_space<semaphore_mem>>) src(%dma_wait3A_243 : memref<250x80xi32, #tpu.memory_space<hbm>>) dst(%arg25 : memref<250x80xi32, #tpu.memory_space<vmem>>)
        tpu.yield
      }) : () -> ()
      %dma_start3A_136 = arith.constant 1 : i32
      %dma_start3A_137 = arith.constant 0 : i32
      %dma_start3A_138 = arith.constant 0 : i32
      %dma_start3A_139 = arith.constant 0 : i32
      %dma_start3A_140 = arith.constant 0 : i32
      %dma_start3A_141 = tpu.memref_slice %arg26[%dma_start3A_138, %dma_start3A_139, %dma_start3A_140] : memref<5x80x48xf32, #tpu.memory_space<vmem>> -> memref<1x80x48xf32, #tpu.memory_space<vmem>>
      %dma_start3A_142 = tpu.memref_squeeze %dma_start3A_141 : memref<1x80x48xf32, #tpu.memory_space<vmem>> -> memref<80x48xf32, #tpu.memory_space<vmem>>
      %dma_start3A_143 = arith.constant 0 : i32
      %dma_start3A_144 = tpu.memref_slice %arg24[%dma_start3A_137, %dma_start3A_143] : memref<250x80xi32, #tpu.memory_space<vmem>> -> memref<1x80xi32, #tpu.memory_space<vmem>>
      %dma_start3A_145 = tpu.memref_squeeze %dma_start3A_144 : memref<1x80xi32, #tpu.memory_space<vmem>> -> memref<80xi32, #tpu.memory_space<vmem>>
      %dma_start3A_146 = arith.constant 0 : i32
      %dma_start3A_147 = arith.constant 0 : i32
      %dma_start3A_148 = tpu.memref_slice %arg21[%dma_start3A_136, %dma_start3A_146, %dma_start3A_147] : memref<4x10000x48xf32, #tpu.memory_space<hbm>> -> memref<1x10000x48xf32, #tpu.memory_space<hbm>>
      %dma_start3A_149 = tpu.memref_squeeze %dma_start3A_148 : memref<1x10000x48xf32, #tpu.memory_space<hbm>> -> memref<10000x48xf32, #tpu.memory_space<hbm>>
      %dma_start3A_150 = arith.constant 0 : i32
      %dma_start3A_151 = arith.constant 0 : i32
      %dma_start3A_152 = tpu.memref_slice %dma_start3A_149[%dma_start3A_150, %dma_start3A_151] : memref<10000x48xf32, #tpu.memory_space<hbm>> -> memref<10000x48xf32, #tpu.memory_space<hbm>>
      tpu.enqueue_indirect_dma source(%dma_start3A_152 : memref<10000x48xf32, #tpu.memory_space<hbm>>) target(%dma_start3A_142 : memref<80x48xf32, #tpu.memory_space<vmem>>) offsets(%dma_start3A_145 : memref<80xi32, #tpu.memory_space<vmem>>) semaphore(%arg34 : memref<!tpu.dma_semaphore, #tpu.memory_space<semaphore_mem>>)
      %dma_start3A_153 = arith.constant 1 : i32
      %dma_start3A_154 = arith.constant 1 : i32
      %dma_start3A_155 = arith.constant 1 : i32
      %dma_start3A_156 = arith.constant 0 : i32
      %dma_start3A_157 = arith.constant 0 : i32
      %dma_start3A_158 = tpu.memref_slice %arg26[%dma_start3A_155, %dma_start3A_156, %dma_start3A_157] : memref<5x80x48xf32, #tpu.memory_space<vmem>> -> memref<1x80x48xf32, #tpu.memory_space<vmem>>
      %dma_start3A_159 = tpu.memref_squeeze %dma_start3A_158 : memref<1x80x48xf32, #tpu.memory_space<vmem>> -> memref<80x48xf32, #tpu.memory_space<vmem>>
      %dma_start3A_160 = arith.constant 0 : i32
      %dma_start3A_161 = tpu.memref_slice %arg24[%dma_start3A_154, %dma_start3A_160] : memref<250x80xi32, #tpu.memory_space<vmem>> -> memref<1x80xi32, #tpu.memory_space<vmem>>
      %dma_start3A_162 = tpu.memref_squeeze %dma_start3A_161 : memref<1x80xi32, #tpu.memory_space<vmem>> -> memref<80xi32, #tpu.memory_space<vmem>>
      %dma_start3A_163 = arith.constant 0 : i32
      %dma_start3A_164 = arith.constant 0 : i32
      %dma_start3A_165 = tpu.memref_slice %arg21[%dma_start3A_153, %dma_start3A_163, %dma_start3A_164] : memref<4x10000x48xf32, #tpu.memory_space<hbm>> -> memref<1x10000x48xf32, #tpu.memory_space<hbm>>
      %dma_start3A_166 = tpu.memref_squeeze %dma_start3A_165 : memref<1x10000x48xf32, #tpu.memory_space<hbm>> -> memref<10000x48xf32, #tpu.memory_space<hbm>>
      %dma_start3A_167 = arith.constant 0 : i32
      %dma_start3A_168 = arith.constant 0 : i32
      %dma_start3A_169 = tpu.memref_slice %dma_start3A_166[%dma_start3A_167, %dma_start3A_168] : memref<10000x48xf32, #tpu.memory_space<hbm>> -> memref<10000x48xf32, #tpu.memory_space<hbm>>
      tpu.enqueue_indirect_dma source(%dma_start3A_169 : memref<10000x48xf32, #tpu.memory_space<hbm>>) target(%dma_start3A_159 : memref<80x48xf32, #tpu.memory_space<vmem>>) offsets(%dma_start3A_162 : memref<80xi32, #tpu.memory_space<vmem>>) semaphore(%arg35 : memref<!tpu.dma_semaphore, #tpu.memory_space<semaphore_mem>>)
      %dma_start3A_170 = arith.constant 1 : i32
      %dma_start3A_171 = arith.constant 2 : i32
      %dma_start3A_172 = arith.constant 2 : i32
      %dma_start3A_173 = arith.constant 0 : i32
      %dma_start3A_174 = arith.constant 0 : i32
      %dma_start3A_175 = tpu.memref_slice %arg26[%dma_start3A_172, %dma_start3A_173, %dma_start3A_174] : memref<5x80x48xf32, #tpu.memory_space<vmem>> -> memref<1x80x48xf32, #tpu.memory_space<vmem>>
      %dma_start3A_176 = tpu.memref_squeeze %dma_start3A_175 : memref<1x80x48xf32, #tpu.memory_space<vmem>> -> memref<80x48xf32, #tpu.memory_space<vmem>>
      %dma_start3A_177 = arith.constant 0 : i32
      %dma_start3A_178 = tpu.memref_slice %arg24[%dma_start3A_171, %dma_start3A_177] : memref<250x80xi32, #tpu.memory_space<vmem>> -> memref<1x80xi32, #tpu.memory_space<vmem>>
      %dma_start3A_179 = tpu.memref_squeeze %dma_start3A_178 : memref<1x80xi32, #tpu.memory_space<vmem>> -> memref<80xi32, #tpu.memory_space<vmem>>
      %dma_start3A_180 = arith.constant 0 : i32
      %dma_start3A_181 = arith.constant 0 : i32
      %dma_start3A_182 = tpu.memref_slice %arg21[%dma_start3A_170, %dma_start3A_180, %dma_start3A_181] : memref<4x10000x48xf32, #tpu.memory_space<hbm>> -> memref<1x10000x48xf32, #tpu.memory_space<hbm>>
      %dma_start3A_183 = tpu.memref_squeeze %dma_start3A_182 : memref<1x10000x48xf32, #tpu.memory_space<hbm>> -> memref<10000x48xf32, #tpu.memory_space<hbm>>
      %dma_start3A_184 = arith.constant 0 : i32
      %dma_start3A_185 = arith.constant 0 : i32
      %dma_start3A_186 = tpu.memref_slice %dma_start3A_183[%dma_start3A_184, %dma_start3A_185] : memref<10000x48xf32, #tpu.memory_space<hbm>> -> memref<10000x48xf32, #tpu.memory_space<hbm>>
      tpu.enqueue_indirect_dma source(%dma_start3A_186 : memref<10000x48xf32, #tpu.memory_space<hbm>>) target(%dma_start3A_176 : memref<80x48xf32, #tpu.memory_space<vmem>>) offsets(%dma_start3A_179 : memref<80xi32, #tpu.memory_space<vmem>>) semaphore(%arg36 : memref<!tpu.dma_semaphore, #tpu.memory_space<semaphore_mem>>)
      %dma_start3A_187 = arith.constant 1 : i32
      %dma_start3A_188 = arith.constant 3 : i32
      %dma_start3A_189 = arith.constant 3 : i32
      %dma_start3A_190 = arith.constant 0 : i32
      %dma_start3A_191 = arith.constant 0 : i32
      %dma_start3A_192 = tpu.memref_slice %arg26[%dma_start3A_189, %dma_start3A_190, %dma_start3A_191] : memref<5x80x48xf32, #tpu.memory_space<vmem>> -> memref<1x80x48xf32, #tpu.memory_space<vmem>>
      %dma_start3A_193 = tpu.memref_squeeze %dma_start3A_192 : memref<1x80x48xf32, #tpu.memory_space<vmem>> -> memref<80x48xf32, #tpu.memory_space<vmem>>
      %dma_start3A_194 = arith.constant 0 : i32
      %dma_start3A_195 = tpu.memref_slice %arg24[%dma_start3A_188, %dma_start3A_194] : memref<250x80xi32, #tpu.memory_space<vmem>> -> memref<1x80xi32, #tpu.memory_space<vmem>>
      %dma_start3A_196 = tpu.memref_squeeze %dma_start3A_195 : memref<1x80xi32, #tpu.memory_space<vmem>> -> memref<80xi32, #tpu.memory_space<vmem>>
      %dma_start3A_197 = arith.constant 0 : i32
      %dma_start3A_198 = arith.constant 0 : i32
      %dma_start3A_199 = tpu.memref_slice %arg21[%dma_start3A_187, %dma_start3A_197, %dma_start3A_198] : memref<4x10000x48xf32, #tpu.memory_space<hbm>> -> memref<1x10000x48xf32, #tpu.memory_space<hbm>>
      %dma_start3A_200 = tpu.memref_squeeze %dma_start3A_199 : memref<1x10000x48xf32, #tpu.memory_space<hbm>> -> memref<10000x48xf32, #tpu.memory_space<hbm>>
      %dma_start3A_201 = arith.constant 0 : i32
      %dma_start3A_202 = arith.constant 0 : i32
      %dma_start3A_203 = tpu.memref_slice %dma_start3A_200[%dma_start3A_201, %dma_start3A_202] : memref<10000x48xf32, #tpu.memory_space<hbm>> -> memref<10000x48xf32, #tpu.memory_space<hbm>>
      tpu.enqueue_indirect_dma source(%dma_start3A_203 : memref<10000x48xf32, #tpu.memory_space<hbm>>) target(%dma_start3A_193 : memref<80x48xf32, #tpu.memory_space<vmem>>) offsets(%dma_start3A_196 : memref<80xi32, #tpu.memory_space<vmem>>) semaphore(%arg37 : memref<!tpu.dma_semaphore, #tpu.memory_space<semaphore_mem>>)
      %dma_start3A_204 = arith.constant 1 : i32
      %dma_start3A_205 = arith.constant 4 : i32
      %dma_start3A_206 = arith.constant 4 : i32
      %dma_start3A_207 = arith.constant 0 : i32
      %dma_start3A_208 = arith.constant 0 : i32
      %dma_start3A_209 = tpu.memref_slice %arg26[%dma_start3A_206, %dma_start3A_207, %dma_start3A_208] : memref<5x80x48xf32, #tpu.memory_space<vmem>> -> memref<1x80x48xf32, #tpu.memory_space<vmem>>
      %dma_start3A_210 = tpu.memref_squeeze %dma_start3A_209 : memref<1x80x48xf32, #tpu.memory_space<vmem>> -> memref<80x48xf32, #tpu.memory_space<vmem>>
      %dma_start3A_211 = arith.constant 0 : i32
      %dma_start3A_212 = tpu.memref_slice %arg24[%dma_start3A_205, %dma_start3A_211] : memref<250x80xi32, #tpu.memory_space<vmem>> -> memref<1x80xi32, #tpu.memory_space<vmem>>
      %dma_start3A_213 = tpu.memref_squeeze %dma_start3A_212 : memref<1x80xi32, #tpu.memory_space<vmem>> -> memref<80xi32, #tpu.memory_space<vmem>>
      %dma_start3A_214 = arith.constant 0 : i32
      %dma_start3A_215 = arith.constant 0 : i32
      %dma_start3A_216 = tpu.memref_slice %arg21[%dma_start3A_204, %dma_start3A_214, %dma_start3A_215] : memref<4x10000x48xf32, #tpu.memory_space<hbm>> -> memref<1x10000x48xf32, #tpu.memory_space<hbm>>
      %dma_start3A_217 = tpu.memref_squeeze %dma_start3A_216 : memref<1x10000x48xf32, #tpu.memory_space<hbm>> -> memref<10000x48xf32, #tpu.memory_space<hbm>>
      %dma_start3A_218 = arith.constant 0 : i32
      %dma_start3A_219 = arith.constant 0 : i32
      %dma_start3A_220 = tpu.memref_slice %dma_start3A_217[%dma_start3A_218, %dma_start3A_219] : memref<10000x48xf32, #tpu.memory_space<hbm>> -> memref<10000x48xf32, #tpu.memory_space<hbm>>
      tpu.enqueue_indirect_dma source(%dma_start3A_220 : memref<10000x48xf32, #tpu.memory_space<hbm>>) target(%dma_start3A_210 : memref<80x48xf32, #tpu.memory_space<vmem>>) offsets(%dma_start3A_213 : memref<80xi32, #tpu.memory_space<vmem>>) semaphore(%arg38 : memref<!tpu.dma_semaphore, #tpu.memory_space<semaphore_mem>>)
      %scan3A_221 = arith.constant 1 : i32
      %scan3A_222 = arith.constant 0 : i32
      %scan3A_223 = arith.constant 0 : i32
      %scan3A_224 = arith.constant 50 : i32
      %scan3A_225 = arith.addi %scan3A_223, %scan3A_224 : i32
      %scan3A_226 = arith.constant 1 : i32
      %scan3A_227 = scf.for %scan3A_235 = %scan3A_223 to %scan3A_225 step %scan3A_226 iter_args(%scan3A_236 = %scan3A_222) -> (i32)  : i32 {
        %mul3A_237 = arith.constant 5 : i32
        %mul3A_238 = arith.muli %scan3A_235, %mul3A_237 : i32
        %add3A = arith.constant 0 : i32
        %add3A_239 = arith.addi %mul3A_238, %add3A : i32
        %dma_wait3A_240 = arith.constant 0 : i32
        %dma_wait3A_241 = arith.constant 0 : i32
        %dma_wait3A_242 = arith.constant 0 : i32
        %dma_wait3A_243 = tpu.memref_slice %arg26[%dma_wait3A_240, %dma_wait3A_241, %dma_wait3A_242] : memref<5x80x48xf32, #tpu.memory_space<vmem>> -> memref<1x80x48xf32, #tpu.memory_space<vmem>>
        %dma_wait3A_244 = tpu.memref_squeeze %dma_wait3A_243 : memref<1x80x48xf32, #tpu.memory_space<vmem>> -> memref<80x48xf32, #tpu.memory_space<vmem>>
        %dma_wait3A_245 = arith.constant 0 : i32
        %dma_wait3A_246 = tpu.memref_slice %arg24[%add3A_239, %dma_wait3A_245] : memref<250x80xi32, #tpu.memory_space<vmem>> -> memref<1x80xi32, #tpu.memory_space<vmem>>
        %dma_wait3A_247 = tpu.memref_squeeze %dma_wait3A_246 : memref<1x80xi32, #tpu.memory_space<vmem>> -> memref<80xi32, #tpu.memory_space<vmem>>
        %dma_wait3A_248 = arith.constant 0 : i32
        %dma_wait3A_249 = arith.constant 0 : i32
        %dma_wait3A_250 = tpu.memref_slice %arg21[%scan3A_221, %dma_wait3A_248, %dma_wait3A_249] : memref<4x10000x48xf32, #tpu.memory_space<hbm>> -> memref<1x10000x48xf32, #tpu.memory_space<hbm>>
        %dma_wait3A_251 = tpu.memref_squeeze %dma_wait3A_250 : memref<1x10000x48xf32, #tpu.memory_space<hbm>> -> memref<10000x48xf32, #tpu.memory_space<hbm>>
        %dma_wait3A_252 = arith.constant 0 : i32
        %dma_wait3A_253 = arith.constant 0 : i32
        %dma_wait3A_254 = tpu.memref_slice %dma_wait3A_251[%dma_wait3A_252, %dma_wait3A_253] : memref<10000x48xf32, #tpu.memory_space<hbm>> -> memref<10000x48xf32, #tpu.memory_space<hbm>>
        tpu.wait_indirect_dma semaphore(%arg34 : memref<!tpu.dma_semaphore, #tpu.memory_space<semaphore_mem>>) src(%dma_wait3A_254 : memref<10000x48xf32, #tpu.memory_space<hbm>>) dst(%dma_wait3A_244 : memref<80x48xf32, #tpu.memory_space<vmem>>)
        %run_scoped3A_255 = arith.constant 0 : i32
        "tpu.region"() ({
          %run_scoped3A_371 = tpu.sem_alloc : memref<!tpu.dma_semaphore, #tpu.memory_space<semaphore_mem>>
          %dma_start3A_372 = arith.constant 0 : i32
          %dma_start3A_373 = arith.constant 0 : i32
          %dma_start3A_374 = tpu.memref_slice %arg26[%run_scoped3A_255, %dma_start3A_372, %dma_start3A_373] : memref<5x80x48xf32, #tpu.memory_space<vmem>> -> memref<1x80x48xf32, #tpu.memory_space<vmem>>
          %dma_start3A_375 = tpu.memref_squeeze %dma_start3A_374 : memref<1x80x48xf32, #tpu.memory_space<vmem>> -> memref<80x48xf32, #tpu.memory_space<vmem>>
          %dma_start3A_376 = arith.constant 0 : i32
          %dma_start3A_377 = tpu.memref_slice %arg25[%add3A_239, %dma_start3A_376] : memref<250x80xi32, #tpu.memory_space<vmem>> -> memref<1x80xi32, #tpu.memory_space<vmem>>
          %dma_start3A_378 = tpu.memref_squeeze %dma_start3A_377 : memref<1x80xi32, #tpu.memory_space<vmem>> -> memref<80xi32, #tpu.memory_space<vmem>>
          %dma_start3A_379 = arith.constant 0 : i32
          %dma_start3A_380 = arith.constant 0 : i32
          %dma_start3A_381 = tpu.memref_slice %arg23[%dma_start3A_379, %dma_start3A_380] : memref<10000x48xf32, #tpu.memory_space<vmem_shared>> -> memref<10000x48xf32, #tpu.memory_space<vmem_shared>>
          tpu.enqueue_indirect_dma source(%dma_start3A_375 : memref<80x48xf32, #tpu.memory_space<vmem>>) target(%dma_start3A_381 : memref<10000x48xf32, #tpu.memory_space<vmem_shared>>) offsets(%dma_start3A_378 : memref<80xi32, #tpu.memory_space<vmem>>) semaphore(%run_scoped3A_371 : memref<!tpu.dma_semaphore, #tpu.memory_space<semaphore_mem>>) {add = true}
          %dma_wait3A_382 = arith.constant 0 : i32
          %dma_wait3A_383 = arith.constant 0 : i32
          %dma_wait3A_384 = tpu.memref_slice %arg26[%run_scoped3A_255, %dma_wait3A_382, %dma_wait3A_383] : memref<5x80x48xf32, #tpu.memory_space<vmem>> -> memref<1x80x48xf32, #tpu.memory_space<vmem>>
          %dma_wait3A_385 = tpu.memref_squeeze %dma_wait3A_384 : memref<1x80x48xf32, #tpu.memory_space<vmem>> -> memref<80x48xf32, #tpu.memory_space<vmem>>
          %dma_wait3A_386 = arith.constant 0 : i32
          %dma_wait3A_387 = tpu.memref_slice %arg25[%add3A_239, %dma_wait3A_386] : memref<250x80xi32, #tpu.memory_space<vmem>> -> memref<1x80xi32, #tpu.memory_space<vmem>>
          %dma_wait3A_388 = tpu.memref_squeeze %dma_wait3A_387 : memref<1x80xi32, #tpu.memory_space<vmem>> -> memref<80xi32, #tpu.memory_space<vmem>>
          %dma_wait3A_389 = arith.constant 0 : i32
          %dma_wait3A_390 = arith.constant 0 : i32
          %dma_wait3A_391 = tpu.memref_slice %arg23[%dma_wait3A_389, %dma_wait3A_390] : memref<10000x48xf32, #tpu.memory_space<vmem_shared>> -> memref<10000x48xf32, #tpu.memory_space<vmem_shared>>
          tpu.wait_indirect_dma semaphore(%run_scoped3A_371 : memref<!tpu.dma_semaphore, #tpu.memory_space<semaphore_mem>>) src(%dma_wait3A_385 : memref<80x48xf32, #tpu.memory_space<vmem>>) dst(%dma_wait3A_391 : memref<10000x48xf32, #tpu.memory_space<vmem_shared>>)
          tpu.yield
        }) : () -> ()
        %add3A_256 = arith.constant 5 : i32
        %add3A_257 = arith.addi %add3A_239, %add3A_256 : i32
        %lt3A = arith.constant 250 : i32
        %lt3A_258 = arith.cmpi slt, %add3A_257, %lt3A : i32
        %convert_element_type3A_259 = arith.extui %lt3A_258 : i1 to i32
        %cond3A_260 = arith.constant 0 : i32
        %cond3A_261 = arith.cmpi ne, %convert_element_type3A_259, %cond3A_260 : i32
        scf.if %cond3A_261 {
          %add3A_371 = arith.constant 5 : i32
          %add3A_372 = arith.addi %add3A_239, %add3A_371 : i32
          %dma_start3A_373 = arith.constant 0 : i32
          %dma_start3A_374 = arith.constant 0 : i32
          %dma_start3A_375 = arith.constant 0 : i32
          %dma_start3A_376 = tpu.memref_slice %arg26[%dma_start3A_373, %dma_start3A_374, %dma_start3A_375] : memref<5x80x48xf32, #tpu.memory_space<vmem>> -> memref<1x80x48xf32, #tpu.memory_space<vmem>>
          %dma_start3A_377 = tpu.memref_squeeze %dma_start3A_376 : memref<1x80x48xf32, #tpu.memory_space<vmem>> -> memref<80x48xf32, #tpu.memory_space<vmem>>
          %dma_start3A_378 = arith.constant 0 : i32
          %dma_start3A_379 = tpu.memref_slice %arg24[%add3A_372, %dma_start3A_378] : memref<250x80xi32, #tpu.memory_space<vmem>> -> memref<1x80xi32, #tpu.memory_space<vmem>>
          %dma_start3A_380 = tpu.memref_squeeze %dma_start3A_379 : memref<1x80xi32, #tpu.memory_space<vmem>> -> memref<80xi32, #tpu.memory_space<vmem>>
          %dma_start3A_381 = arith.constant 0 : i32
          %dma_start3A_382 = arith.constant 0 : i32
          %dma_start3A_383 = tpu.memref_slice %arg21[%scan3A_221, %dma_start3A_381, %dma_start3A_382] : memref<4x10000x48xf32, #tpu.memory_space<hbm>> -> memref<1x10000x48xf32, #tpu.memory_space<hbm>>
          %dma_start3A_384 = tpu.memref_squeeze %dma_start3A_383 : memref<1x10000x48xf32, #tpu.memory_space<hbm>> -> memref<10000x48xf32, #tpu.memory_space<hbm>>
          %dma_start3A_385 = arith.constant 0 : i32
          %dma_start3A_386 = arith.constant 0 : i32
          %dma_start3A_387 = tpu.memref_slice %dma_start3A_384[%dma_start3A_385, %dma_start3A_386] : memref<10000x48xf32, #tpu.memory_space<hbm>> -> memref<10000x48xf32, #tpu.memory_space<hbm>>
          tpu.enqueue_indirect_dma source(%dma_start3A_387 : memref<10000x48xf32, #tpu.memory_space<hbm>>) target(%dma_start3A_377 : memref<80x48xf32, #tpu.memory_space<vmem>>) offsets(%dma_start3A_380 : memref<80xi32, #tpu.memory_space<vmem>>) semaphore(%arg34 : memref<!tpu.dma_semaphore, #tpu.memory_space<semaphore_mem>>)
        } else {
        }
        %mul3A_262 = arith.constant 5 : i32
        %mul3A_263 = arith.muli %scan3A_235, %mul3A_262 : i32
        %add3A_264 = arith.constant 1 : i32
        %add3A_265 = arith.addi %mul3A_263, %add3A_264 : i32
        %dma_wait3A_266 = arith.constant 1 : i32
        %dma_wait3A_267 = arith.constant 0 : i32
        %dma_wait3A_268 = arith.constant 0 : i32
        %dma_wait3A_269 = tpu.memref_slice %arg26[%dma_wait3A_266, %dma_wait3A_267, %dma_wait3A_268] : memref<5x80x48xf32, #tpu.memory_space<vmem>> -> memref<1x80x48xf32, #tpu.memory_space<vmem>>
        %dma_wait3A_270 = tpu.memref_squeeze %dma_wait3A_269 : memref<1x80x48xf32, #tpu.memory_space<vmem>> -> memref<80x48xf32, #tpu.memory_space<vmem>>
        %dma_wait3A_271 = arith.constant 0 : i32
        %dma_wait3A_272 = tpu.memref_slice %arg24[%add3A_265, %dma_wait3A_271] : memref<250x80xi32, #tpu.memory_space<vmem>> -> memref<1x80xi32, #tpu.memory_space<vmem>>
        %dma_wait3A_273 = tpu.memref_squeeze %dma_wait3A_272 : memref<1x80xi32, #tpu.memory_space<vmem>> -> memref<80xi32, #tpu.memory_space<vmem>>
        %dma_wait3A_274 = arith.constant 0 : i32
        %dma_wait3A_275 = arith.constant 0 : i32
        %dma_wait3A_276 = tpu.memref_slice %arg21[%scan3A_221, %dma_wait3A_274, %dma_wait3A_275] : memref<4x10000x48xf32, #tpu.memory_space<hbm>> -> memref<1x10000x48xf32, #tpu.memory_space<hbm>>
        %dma_wait3A_277 = tpu.memref_squeeze %dma_wait3A_276 : memref<1x10000x48xf32, #tpu.memory_space<hbm>> -> memref<10000x48xf32, #tpu.memory_space<hbm>>
        %dma_wait3A_278 = arith.constant 0 : i32
        %dma_wait3A_279 = arith.constant 0 : i32
        %dma_wait3A_280 = tpu.memref_slice %dma_wait3A_277[%dma_wait3A_278, %dma_wait3A_279] : memref<10000x48xf32, #tpu.memory_space<hbm>> -> memref<10000x48xf32, #tpu.memory_space<hbm>>
        tpu.wait_indirect_dma semaphore(%arg35 : memref<!tpu.dma_semaphore, #tpu.memory_space<semaphore_mem>>) src(%dma_wait3A_280 : memref<10000x48xf32, #tpu.memory_space<hbm>>) dst(%dma_wait3A_270 : memref<80x48xf32, #tpu.memory_space<vmem>>)
        %run_scoped3A_281 = arith.constant 1 : i32
        "tpu.region"() ({
          %run_scoped3A_371 = tpu.sem_alloc : memref<!tpu.dma_semaphore, #tpu.memory_space<semaphore_mem>>
          %dma_start3A_372 = arith.constant 0 : i32
          %dma_start3A_373 = arith.constant 0 : i32
          %dma_start3A_374 = tpu.memref_slice %arg26[%run_scoped3A_281, %dma_start3A_372, %dma_start3A_373] : memref<5x80x48xf32, #tpu.memory_space<vmem>> -> memref<1x80x48xf32, #tpu.memory_space<vmem>>
          %dma_start3A_375 = tpu.memref_squeeze %dma_start3A_374 : memref<1x80x48xf32, #tpu.memory_space<vmem>> -> memref<80x48xf32, #tpu.memory_space<vmem>>
          %dma_start3A_376 = arith.constant 0 : i32
          %dma_start3A_377 = tpu.memref_slice %arg25[%add3A_265, %dma_start3A_376] : memref<250x80xi32, #tpu.memory_space<vmem>> -> memref<1x80xi32, #tpu.memory_space<vmem>>
          %dma_start3A_378 = tpu.memref_squeeze %dma_start3A_377 : memref<1x80xi32, #tpu.memory_space<vmem>> -> memref<80xi32, #tpu.memory_space<vmem>>
          %dma_start3A_379 = arith.constant 0 : i32
          %dma_start3A_380 = arith.constant 0 : i32
          %dma_start3A_381 = tpu.memref_slice %arg23[%dma_start3A_379, %dma_start3A_380] : memref<10000x48xf32, #tpu.memory_space<vmem_shared>> -> memref<10000x48xf32, #tpu.memory_space<vmem_shared>>
          tpu.enqueue_indirect_dma source(%dma_start3A_375 : memref<80x48xf32, #tpu.memory_space<vmem>>) target(%dma_start3A_381 : memref<10000x48xf32, #tpu.memory_space<vmem_shared>>) offsets(%dma_start3A_378 : memref<80xi32, #tpu.memory_space<vmem>>) semaphore(%run_scoped3A_371 : memref<!tpu.dma_semaphore, #tpu.memory_space<semaphore_mem>>) {add = true}
          %dma_wait3A_382 = arith.constant 0 : i32
          %dma_wait3A_383 = arith.constant 0 : i32
          %dma_wait3A_384 = tpu.memref_slice %arg26[%run_scoped3A_281, %dma_wait3A_382, %dma_wait3A_383] : memref<5x80x48xf32, #tpu.memory_space<vmem>> -> memref<1x80x48xf32, #tpu.memory_space<vmem>>
          %dma_wait3A_385 = tpu.memref_squeeze %dma_wait3A_384 : memref<1x80x48xf32, #tpu.memory_space<vmem>> -> memref<80x48xf32, #tpu.memory_space<vmem>>
          %dma_wait3A_386 = arith.constant 0 : i32
          %dma_wait3A_387 = tpu.memref_slice %arg25[%add3A_265, %dma_wait3A_386] : memref<250x80xi32, #tpu.memory_space<vmem>> -> memref<1x80xi32, #tpu.memory_space<vmem>>
          %dma_wait3A_388 = tpu.memref_squeeze %dma_wait3A_387 : memref<1x80xi32, #tpu.memory_space<vmem>> -> memref<80xi32, #tpu.memory_space<vmem>>
          %dma_wait3A_389 = arith.constant 0 : i32
          %dma_wait3A_390 = arith.constant 0 : i32
          %dma_wait3A_391 = tpu.memref_slice %arg23[%dma_wait3A_389, %dma_wait3A_390] : memref<10000x48xf32, #tpu.memory_space<vmem_shared>> -> memref<10000x48xf32, #tpu.memory_space<vmem_shared>>
          tpu.wait_indirect_dma semaphore(%run_scoped3A_371 : memref<!tpu.dma_semaphore, #tpu.memory_space<semaphore_mem>>) src(%dma_wait3A_385 : memref<80x48xf32, #tpu.memory_space<vmem>>) dst(%dma_wait3A_391 : memref<10000x48xf32, #tpu.memory_space<vmem_shared>>)
          tpu.yield
        }) : () -> ()
        %add3A_282 = arith.constant 5 : i32
        %add3A_283 = arith.addi %add3A_265, %add3A_282 : i32
        %lt3A_284 = arith.constant 250 : i32
        %lt3A_285 = arith.cmpi slt, %add3A_283, %lt3A_284 : i32
        %convert_element_type3A_286 = arith.extui %lt3A_285 : i1 to i32
        %cond3A_287 = arith.constant 0 : i32
        %cond3A_288 = arith.cmpi ne, %convert_element_type3A_286, %cond3A_287 : i32
        scf.if %cond3A_288 {
          %add3A_371 = arith.constant 5 : i32
          %add3A_372 = arith.addi %add3A_265, %add3A_371 : i32
          %dma_start3A_373 = arith.constant 1 : i32
          %dma_start3A_374 = arith.constant 0 : i32
          %dma_start3A_375 = arith.constant 0 : i32
          %dma_start3A_376 = tpu.memref_slice %arg26[%dma_start3A_373, %dma_start3A_374, %dma_start3A_375] : memref<5x80x48xf32, #tpu.memory_space<vmem>> -> memref<1x80x48xf32, #tpu.memory_space<vmem>>
          %dma_start3A_377 = tpu.memref_squeeze %dma_start3A_376 : memref<1x80x48xf32, #tpu.memory_space<vmem>> -> memref<80x48xf32, #tpu.memory_space<vmem>>
          %dma_start3A_378 = arith.constant 0 : i32
          %dma_start3A_379 = tpu.memref_slice %arg24[%add3A_372, %dma_start3A_378] : memref<250x80xi32, #tpu.memory_space<vmem>> -> memref<1x80xi32, #tpu.memory_space<vmem>>
          %dma_start3A_380 = tpu.memref_squeeze %dma_start3A_379 : memref<1x80xi32, #tpu.memory_space<vmem>> -> memref<80xi32, #tpu.memory_space<vmem>>
          %dma_start3A_381 = arith.constant 0 : i32
          %dma_start3A_382 = arith.constant 0 : i32
          %dma_start3A_383 = tpu.memref_slice %arg21[%scan3A_221, %dma_start3A_381, %dma_start3A_382] : memref<4x10000x48xf32, #tpu.memory_space<hbm>> -> memref<1x10000x48xf32, #tpu.memory_space<hbm>>
          %dma_start3A_384 = tpu.memref_squeeze %dma_start3A_383 : memref<1x10000x48xf32, #tpu.memory_space<hbm>> -> memref<10000x48xf32, #tpu.memory_space<hbm>>
          %dma_start3A_385 = arith.constant 0 : i32
          %dma_start3A_386 = arith.constant 0 : i32
          %dma_start3A_387 = tpu.memref_slice %dma_start3A_384[%dma_start3A_385, %dma_start3A_386] : memref<10000x48xf32, #tpu.memory_space<hbm>> -> memref<10000x48xf32, #tpu.memory_space<hbm>>
          tpu.enqueue_indirect_dma source(%dma_start3A_387 : memref<10000x48xf32, #tpu.memory_space<hbm>>) target(%dma_start3A_377 : memref<80x48xf32, #tpu.memory_space<vmem>>) offsets(%dma_start3A_380 : memref<80xi32, #tpu.memory_space<vmem>>) semaphore(%arg35 : memref<!tpu.dma_semaphore, #tpu.memory_space<semaphore_mem>>)
        } else {
        }
        %mul3A_289 = arith.constant 5 : i32
        %mul3A_290 = arith.muli %scan3A_235, %mul3A_289 : i32
        %add3A_291 = arith.constant 2 : i32
        %add3A_292 = arith.addi %mul3A_290, %add3A_291 : i32
        %dma_wait3A_293 = arith.constant 2 : i32
        %dma_wait3A_294 = arith.constant 0 : i32
        %dma_wait3A_295 = arith.constant 0 : i32
        %dma_wait3A_296 = tpu.memref_slice %arg26[%dma_wait3A_293, %dma_wait3A_294, %dma_wait3A_295] : memref<5x80x48xf32, #tpu.memory_space<vmem>> -> memref<1x80x48xf32, #tpu.memory_space<vmem>>
        %dma_wait3A_297 = tpu.memref_squeeze %dma_wait3A_296 : memref<1x80x48xf32, #tpu.memory_space<vmem>> -> memref<80x48xf32, #tpu.memory_space<vmem>>
        %dma_wait3A_298 = arith.constant 0 : i32
        %dma_wait3A_299 = tpu.memref_slice %arg24[%add3A_292, %dma_wait3A_298] : memref<250x80xi32, #tpu.memory_space<vmem>> -> memref<1x80xi32, #tpu.memory_space<vmem>>
        %dma_wait3A_300 = tpu.memref_squeeze %dma_wait3A_299 : memref<1x80xi32, #tpu.memory_space<vmem>> -> memref<80xi32, #tpu.memory_space<vmem>>
        %dma_wait3A_301 = arith.constant 0 : i32
        %dma_wait3A_302 = arith.constant 0 : i32
        %dma_wait3A_303 = tpu.memref_slice %arg21[%scan3A_221, %dma_wait3A_301, %dma_wait3A_302] : memref<4x10000x48xf32, #tpu.memory_space<hbm>> -> memref<1x10000x48xf32, #tpu.memory_space<hbm>>
        %dma_wait3A_304 = tpu.memref_squeeze %dma_wait3A_303 : memref<1x10000x48xf32, #tpu.memory_space<hbm>> -> memref<10000x48xf32, #tpu.memory_space<hbm>>
        %dma_wait3A_305 = arith.constant 0 : i32
        %dma_wait3A_306 = arith.constant 0 : i32
        %dma_wait3A_307 = tpu.memref_slice %dma_wait3A_304[%dma_wait3A_305, %dma_wait3A_306] : memref<10000x48xf32, #tpu.memory_space<hbm>> -> memref<10000x48xf32, #tpu.memory_space<hbm>>
        tpu.wait_indirect_dma semaphore(%arg36 : memref<!tpu.dma_semaphore, #tpu.memory_space<semaphore_mem>>) src(%dma_wait3A_307 : memref<10000x48xf32, #tpu.memory_space<hbm>>) dst(%dma_wait3A_297 : memref<80x48xf32, #tpu.memory_space<vmem>>)
        %run_scoped3A_308 = arith.constant 2 : i32
        "tpu.region"() ({
          %run_scoped3A_371 = tpu.sem_alloc : memref<!tpu.dma_semaphore, #tpu.memory_space<semaphore_mem>>
          %dma_start3A_372 = arith.constant 0 : i32
          %dma_start3A_373 = arith.constant 0 : i32
          %dma_start3A_374 = tpu.memref_slice %arg26[%run_scoped3A_308, %dma_start3A_372, %dma_start3A_373] : memref<5x80x48xf32, #tpu.memory_space<vmem>> -> memref<1x80x48xf32, #tpu.memory_space<vmem>>
          %dma_start3A_375 = tpu.memref_squeeze %dma_start3A_374 : memref<1x80x48xf32, #tpu.memory_space<vmem>> -> memref<80x48xf32, #tpu.memory_space<vmem>>
          %dma_start3A_376 = arith.constant 0 : i32
          %dma_start3A_377 = tpu.memref_slice %arg25[%add3A_292, %dma_start3A_376] : memref<250x80xi32, #tpu.memory_space<vmem>> -> memref<1x80xi32, #tpu.memory_space<vmem>>
          %dma_start3A_378 = tpu.memref_squeeze %dma_start3A_377 : memref<1x80xi32, #tpu.memory_space<vmem>> -> memref<80xi32, #tpu.memory_space<vmem>>
          %dma_start3A_379 = arith.constant 0 : i32
          %dma_start3A_380 = arith.constant 0 : i32
          %dma_start3A_381 = tpu.memref_slice %arg23[%dma_start3A_379, %dma_start3A_380] : memref<10000x48xf32, #tpu.memory_space<vmem_shared>> -> memref<10000x48xf32, #tpu.memory_space<vmem_shared>>
          tpu.enqueue_indirect_dma source(%dma_start3A_375 : memref<80x48xf32, #tpu.memory_space<vmem>>) target(%dma_start3A_381 : memref<10000x48xf32, #tpu.memory_space<vmem_shared>>) offsets(%dma_start3A_378 : memref<80xi32, #tpu.memory_space<vmem>>) semaphore(%run_scoped3A_371 : memref<!tpu.dma_semaphore, #tpu.memory_space<semaphore_mem>>) {add = true}
          %dma_wait3A_382 = arith.constant 0 : i32
          %dma_wait3A_383 = arith.constant 0 : i32
          %dma_wait3A_384 = tpu.memref_slice %arg26[%run_scoped3A_308, %dma_wait3A_382, %dma_wait3A_383] : memref<5x80x48xf32, #tpu.memory_space<vmem>> -> memref<1x80x48xf32, #tpu.memory_space<vmem>>
          %dma_wait3A_385 = tpu.memref_squeeze %dma_wait3A_384 : memref<1x80x48xf32, #tpu.memory_space<vmem>> -> memref<80x48xf32, #tpu.memory_space<vmem>>
          %dma_wait3A_386 = arith.constant 0 : i32
          %dma_wait3A_387 = tpu.memref_slice %arg25[%add3A_292, %dma_wait3A_386] : memref<250x80xi32, #tpu.memory_space<vmem>> -> memref<1x80xi32, #tpu.memory_space<vmem>>
          %dma_wait3A_388 = tpu.memref_squeeze %dma_wait3A_387 : memref<1x80xi32, #tpu.memory_space<vmem>> -> memref<80xi32, #tpu.memory_space<vmem>>
          %dma_wait3A_389 = arith.constant 0 : i32
          %dma_wait3A_390 = arith.constant 0 : i32
          %dma_wait3A_391 = tpu.memref_slice %arg23[%dma_wait3A_389, %dma_wait3A_390] : memref<10000x48xf32, #tpu.memory_space<vmem_shared>> -> memref<10000x48xf32, #tpu.memory_space<vmem_shared>>
          tpu.wait_indirect_dma semaphore(%run_scoped3A_371 : memref<!tpu.dma_semaphore, #tpu.memory_space<semaphore_mem>>) src(%dma_wait3A_385 : memref<80x48xf32, #tpu.memory_space<vmem>>) dst(%dma_wait3A_391 : memref<10000x48xf32, #tpu.memory_space<vmem_shared>>)
          tpu.yield
        }) : () -> ()
        %add3A_309 = arith.constant 5 : i32
        %add3A_310 = arith.addi %add3A_292, %add3A_309 : i32
        %lt3A_311 = arith.constant 250 : i32
        %lt3A_312 = arith.cmpi slt, %add3A_310, %lt3A_311 : i32
        %convert_element_type3A_313 = arith.extui %lt3A_312 : i1 to i32
        %cond3A_314 = arith.constant 0 : i32
        %cond3A_315 = arith.cmpi ne, %convert_element_type3A_313, %cond3A_314 : i32
        scf.if %cond3A_315 {
          %add3A_371 = arith.constant 5 : i32
          %add3A_372 = arith.addi %add3A_292, %add3A_371 : i32
          %dma_start3A_373 = arith.constant 2 : i32
          %dma_start3A_374 = arith.constant 0 : i32
          %dma_start3A_375 = arith.constant 0 : i32
          %dma_start3A_376 = tpu.memref_slice %arg26[%dma_start3A_373, %dma_start3A_374, %dma_start3A_375] : memref<5x80x48xf32, #tpu.memory_space<vmem>> -> memref<1x80x48xf32, #tpu.memory_space<vmem>>
          %dma_start3A_377 = tpu.memref_squeeze %dma_start3A_376 : memref<1x80x48xf32, #tpu.memory_space<vmem>> -> memref<80x48xf32, #tpu.memory_space<vmem>>
          %dma_start3A_378 = arith.constant 0 : i32
          %dma_start3A_379 = tpu.memref_slice %arg24[%add3A_372, %dma_start3A_378] : memref<250x80xi32, #tpu.memory_space<vmem>> -> memref<1x80xi32, #tpu.memory_space<vmem>>
          %dma_start3A_380 = tpu.memref_squeeze %dma_start3A_379 : memref<1x80xi32, #tpu.memory_space<vmem>> -> memref<80xi32, #tpu.memory_space<vmem>>
          %dma_start3A_381 = arith.constant 0 : i32
          %dma_start3A_382 = arith.constant 0 : i32
          %dma_start3A_383 = tpu.memref_slice %arg21[%scan3A_221, %dma_start3A_381, %dma_start3A_382] : memref<4x10000x48xf32, #tpu.memory_space<hbm>> -> memref<1x10000x48xf32, #tpu.memory_space<hbm>>
          %dma_start3A_384 = tpu.memref_squeeze %dma_start3A_383 : memref<1x10000x48xf32, #tpu.memory_space<hbm>> -> memref<10000x48xf32, #tpu.memory_space<hbm>>
          %dma_start3A_385 = arith.constant 0 : i32
          %dma_start3A_386 = arith.constant 0 : i32
          %dma_start3A_387 = tpu.memref_slice %dma_start3A_384[%dma_start3A_385, %dma_start3A_386] : memref<10000x48xf32, #tpu.memory_space<hbm>> -> memref<10000x48xf32, #tpu.memory_space<hbm>>
          tpu.enqueue_indirect_dma source(%dma_start3A_387 : memref<10000x48xf32, #tpu.memory_space<hbm>>) target(%dma_start3A_377 : memref<80x48xf32, #tpu.memory_space<vmem>>) offsets(%dma_start3A_380 : memref<80xi32, #tpu.memory_space<vmem>>) semaphore(%arg36 : memref<!tpu.dma_semaphore, #tpu.memory_space<semaphore_mem>>)
        } else {
        }
        %mul3A_316 = arith.constant 5 : i32
        %mul3A_317 = arith.muli %scan3A_235, %mul3A_316 : i32
        %add3A_318 = arith.constant 3 : i32
        %add3A_319 = arith.addi %mul3A_317, %add3A_318 : i32
        %dma_wait3A_320 = arith.constant 3 : i32
        %dma_wait3A_321 = arith.constant 0 : i32
        %dma_wait3A_322 = arith.constant 0 : i32
        %dma_wait3A_323 = tpu.memref_slice %arg26[%dma_wait3A_320, %dma_wait3A_321, %dma_wait3A_322] : memref<5x80x48xf32, #tpu.memory_space<vmem>> -> memref<1x80x48xf32, #tpu.memory_space<vmem>>
        %dma_wait3A_324 = tpu.memref_squeeze %dma_wait3A_323 : memref<1x80x48xf32, #tpu.memory_space<vmem>> -> memref<80x48xf32, #tpu.memory_space<vmem>>
        %dma_wait3A_325 = arith.constant 0 : i32
        %dma_wait3A_326 = tpu.memref_slice %arg24[%add3A_319, %dma_wait3A_325] : memref<250x80xi32, #tpu.memory_space<vmem>> -> memref<1x80xi32, #tpu.memory_space<vmem>>
        %dma_wait3A_327 = tpu.memref_squeeze %dma_wait3A_326 : memref<1x80xi32, #tpu.memory_space<vmem>> -> memref<80xi32, #tpu.memory_space<vmem>>
        %dma_wait3A_328 = arith.constant 0 : i32
        %dma_wait3A_329 = arith.constant 0 : i32
        %dma_wait3A_330 = tpu.memref_slice %arg21[%scan3A_221, %dma_wait3A_328, %dma_wait3A_329] : memref<4x10000x48xf32, #tpu.memory_space<hbm>> -> memref<1x10000x48xf32, #tpu.memory_space<hbm>>
        %dma_wait3A_331 = tpu.memref_squeeze %dma_wait3A_330 : memref<1x10000x48xf32, #tpu.memory_space<hbm>> -> memref<10000x48xf32, #tpu.memory_space<hbm>>
        %dma_wait3A_332 = arith.constant 0 : i32
        %dma_wait3A_333 = arith.constant 0 : i32
        %dma_wait3A_334 = tpu.memref_slice %dma_wait3A_331[%dma_wait3A_332, %dma_wait3A_333] : memref<10000x48xf32, #tpu.memory_space<hbm>> -> memref<10000x48xf32, #tpu.memory_space<hbm>>
        tpu.wait_indirect_dma semaphore(%arg37 : memref<!tpu.dma_semaphore, #tpu.memory_space<semaphore_mem>>) src(%dma_wait3A_334 : memref<10000x48xf32, #tpu.memory_space<hbm>>) dst(%dma_wait3A_324 : memref<80x48xf32, #tpu.memory_space<vmem>>)
        %run_scoped3A_335 = arith.constant 3 : i32
        "tpu.region"() ({
          %run_scoped3A_371 = tpu.sem_alloc : memref<!tpu.dma_semaphore, #tpu.memory_space<semaphore_mem>>
          %dma_start3A_372 = arith.constant 0 : i32
          %dma_start3A_373 = arith.constant 0 : i32
          %dma_start3A_374 = tpu.memref_slice %arg26[%run_scoped3A_335, %dma_start3A_372, %dma_start3A_373] : memref<5x80x48xf32, #tpu.memory_space<vmem>> -> memref<1x80x48xf32, #tpu.memory_space<vmem>>
          %dma_start3A_375 = tpu.memref_squeeze %dma_start3A_374 : memref<1x80x48xf32, #tpu.memory_space<vmem>> -> memref<80x48xf32, #tpu.memory_space<vmem>>
          %dma_start3A_376 = arith.constant 0 : i32
          %dma_start3A_377 = tpu.memref_slice %arg25[%add3A_319, %dma_start3A_376] : memref<250x80xi32, #tpu.memory_space<vmem>> -> memref<1x80xi32, #tpu.memory_space<vmem>>
          %dma_start3A_378 = tpu.memref_squeeze %dma_start3A_377 : memref<1x80xi32, #tpu.memory_space<vmem>> -> memref<80xi32, #tpu.memory_space<vmem>>
          %dma_start3A_379 = arith.constant 0 : i32
          %dma_start3A_380 = arith.constant 0 : i32
          %dma_start3A_381 = tpu.memref_slice %arg23[%dma_start3A_379, %dma_start3A_380] : memref<10000x48xf32, #tpu.memory_space<vmem_shared>> -> memref<10000x48xf32, #tpu.memory_space<vmem_shared>>
          tpu.enqueue_indirect_dma source(%dma_start3A_375 : memref<80x48xf32, #tpu.memory_space<vmem>>) target(%dma_start3A_381 : memref<10000x48xf32, #tpu.memory_space<vmem_shared>>) offsets(%dma_start3A_378 : memref<80xi32, #tpu.memory_space<vmem>>) semaphore(%run_scoped3A_371 : memref<!tpu.dma_semaphore, #tpu.memory_space<semaphore_mem>>) {add = true}
          %dma_wait3A_382 = arith.constant 0 : i32
          %dma_wait3A_383 = arith.constant 0 : i32
          %dma_wait3A_384 = tpu.memref_slice %arg26[%run_scoped3A_335, %dma_wait3A_382, %dma_wait3A_383] : memref<5x80x48xf32, #tpu.memory_space<vmem>> -> memref<1x80x48xf32, #tpu.memory_space<vmem>>
          %dma_wait3A_385 = tpu.memref_squeeze %dma_wait3A_384 : memref<1x80x48xf32, #tpu.memory_space<vmem>> -> memref<80x48xf32, #tpu.memory_space<vmem>>
          %dma_wait3A_386 = arith.constant 0 : i32
          %dma_wait3A_387 = tpu.memref_slice %arg25[%add3A_319, %dma_wait3A_386] : memref<250x80xi32, #tpu.memory_space<vmem>> -> memref<1x80xi32, #tpu.memory_space<vmem>>
          %dma_wait3A_388 = tpu.memref_squeeze %dma_wait3A_387 : memref<1x80xi32, #tpu.memory_space<vmem>> -> memref<80xi32, #tpu.memory_space<vmem>>
          %dma_wait3A_389 = arith.constant 0 : i32
          %dma_wait3A_390 = arith.constant 0 : i32
          %dma_wait3A_391 = tpu.memref_slice %arg23[%dma_wait3A_389, %dma_wait3A_390] : memref<10000x48xf32, #tpu.memory_space<vmem_shared>> -> memref<10000x48xf32, #tpu.memory_space<vmem_shared>>
          tpu.wait_indirect_dma semaphore(%run_scoped3A_371 : memref<!tpu.dma_semaphore, #tpu.memory_space<semaphore_mem>>) src(%dma_wait3A_385 : memref<80x48xf32, #tpu.memory_space<vmem>>) dst(%dma_wait3A_391 : memref<10000x48xf32, #tpu.memory_space<vmem_shared>>)
          tpu.yield
        }) : () -> ()
        %add3A_336 = arith.constant 5 : i32
        %add3A_337 = arith.addi %add3A_319, %add3A_336 : i32
        %lt3A_338 = arith.constant 250 : i32
        %lt3A_339 = arith.cmpi slt, %add3A_337, %lt3A_338 : i32
        %convert_element_type3A_340 = arith.extui %lt3A_339 : i1 to i32
        %cond3A_341 = arith.constant 0 : i32
        %cond3A_342 = arith.cmpi ne, %convert_element_type3A_340, %cond3A_341 : i32
        scf.if %cond3A_342 {
          %add3A_371 = arith.constant 5 : i32
          %add3A_372 = arith.addi %add3A_319, %add3A_371 : i32
          %dma_start3A_373 = arith.constant 3 : i32
          %dma_start3A_374 = arith.constant 0 : i32
          %dma_start3A_375 = arith.constant 0 : i32
          %dma_start3A_376 = tpu.memref_slice %arg26[%dma_start3A_373, %dma_start3A_374, %dma_start3A_375] : memref<5x80x48xf32, #tpu.memory_space<vmem>> -> memref<1x80x48xf32, #tpu.memory_space<vmem>>
          %dma_start3A_377 = tpu.memref_squeeze %dma_start3A_376 : memref<1x80x48xf32, #tpu.memory_space<vmem>> -> memref<80x48xf32, #tpu.memory_space<vmem>>
          %dma_start3A_378 = arith.constant 0 : i32
          %dma_start3A_379 = tpu.memref_slice %arg24[%add3A_372, %dma_start3A_378] : memref<250x80xi32, #tpu.memory_space<vmem>> -> memref<1x80xi32, #tpu.memory_space<vmem>>
          %dma_start3A_380 = tpu.memref_squeeze %dma_start3A_379 : memref<1x80xi32, #tpu.memory_space<vmem>> -> memref<80xi32, #tpu.memory_space<vmem>>
          %dma_start3A_381 = arith.constant 0 : i32
          %dma_start3A_382 = arith.constant 0 : i32
          %dma_start3A_383 = tpu.memref_slice %arg21[%scan3A_221, %dma_start3A_381, %dma_start3A_382] : memref<4x10000x48xf32, #tpu.memory_space<hbm>> -> memref<1x10000x48xf32, #tpu.memory_space<hbm>>
          %dma_start3A_384 = tpu.memref_squeeze %dma_start3A_383 : memref<1x10000x48xf32, #tpu.memory_space<hbm>> -> memref<10000x48xf32, #tpu.memory_space<hbm>>
          %dma_start3A_385 = arith.constant 0 : i32
          %dma_start3A_386 = arith.constant 0 : i32
          %dma_start3A_387 = tpu.memref_slice %dma_start3A_384[%dma_start3A_385, %dma_start3A_386] : memref<10000x48xf32, #tpu.memory_space<hbm>> -> memref<10000x48xf32, #tpu.memory_space<hbm>>
          tpu.enqueue_indirect_dma source(%dma_start3A_387 : memref<10000x48xf32, #tpu.memory_space<hbm>>) target(%dma_start3A_377 : memref<80x48xf32, #tpu.memory_space<vmem>>) offsets(%dma_start3A_380 : memref<80xi32, #tpu.memory_space<vmem>>) semaphore(%arg37 : memref<!tpu.dma_semaphore, #tpu.memory_space<semaphore_mem>>)
        } else {
        }
        %mul3A_343 = arith.constant 5 : i32
        %mul3A_344 = arith.muli %scan3A_235, %mul3A_343 : i32
        %add3A_345 = arith.constant 4 : i32
        %add3A_346 = arith.addi %mul3A_344, %add3A_345 : i32
        %dma_wait3A_347 = arith.constant 4 : i32
        %dma_wait3A_348 = arith.constant 0 : i32
        %dma_wait3A_349 = arith.constant 0 : i32
        %dma_wait3A_350 = tpu.memref_slice %arg26[%dma_wait3A_347, %dma_wait3A_348, %dma_wait3A_349] : memref<5x80x48xf32, #tpu.memory_space<vmem>> -> memref<1x80x48xf32, #tpu.memory_space<vmem>>
        %dma_wait3A_351 = tpu.memref_squeeze %dma_wait3A_350 : memref<1x80x48xf32, #tpu.memory_space<vmem>> -> memref<80x48xf32, #tpu.memory_space<vmem>>
        %dma_wait3A_352 = arith.constant 0 : i32
        %dma_wait3A_353 = tpu.memref_slice %arg24[%add3A_346, %dma_wait3A_352] : memref<250x80xi32, #tpu.memory_space<vmem>> -> memref<1x80xi32, #tpu.memory_space<vmem>>
        %dma_wait3A_354 = tpu.memref_squeeze %dma_wait3A_353 : memref<1x80xi32, #tpu.memory_space<vmem>> -> memref<80xi32, #tpu.memory_space<vmem>>
        %dma_wait3A_355 = arith.constant 0 : i32
        %dma_wait3A_356 = arith.constant 0 : i32
        %dma_wait3A_357 = tpu.memref_slice %arg21[%scan3A_221, %dma_wait3A_355, %dma_wait3A_356] : memref<4x10000x48xf32, #tpu.memory_space<hbm>> -> memref<1x10000x48xf32, #tpu.memory_space<hbm>>
        %dma_wait3A_358 = tpu.memref_squeeze %dma_wait3A_357 : memref<1x10000x48xf32, #tpu.memory_space<hbm>> -> memref<10000x48xf32, #tpu.memory_space<hbm>>
        %dma_wait3A_359 = arith.constant 0 : i32
        %dma_wait3A_360 = arith.constant 0 : i32
        %dma_wait3A_361 = tpu.memref_slice %dma_wait3A_358[%dma_wait3A_359, %dma_wait3A_360] : memref<10000x48xf32, #tpu.memory_space<hbm>> -> memref<10000x48xf32, #tpu.memory_space<hbm>>
        tpu.wait_indirect_dma semaphore(%arg38 : memref<!tpu.dma_semaphore, #tpu.memory_space<semaphore_mem>>) src(%dma_wait3A_361 : memref<10000x48xf32, #tpu.memory_space<hbm>>) dst(%dma_wait3A_351 : memref<80x48xf32, #tpu.memory_space<vmem>>)
        %run_scoped3A_362 = arith.constant 4 : i32
        "tpu.region"() ({
          %run_scoped3A_371 = tpu.sem_alloc : memref<!tpu.dma_semaphore, #tpu.memory_space<semaphore_mem>>
          %dma_start3A_372 = arith.constant 0 : i32
          %dma_start3A_373 = arith.constant 0 : i32
          %dma_start3A_374 = tpu.memref_slice %arg26[%run_scoped3A_362, %dma_start3A_372, %dma_start3A_373] : memref<5x80x48xf32, #tpu.memory_space<vmem>> -> memref<1x80x48xf32, #tpu.memory_space<vmem>>
          %dma_start3A_375 = tpu.memref_squeeze %dma_start3A_374 : memref<1x80x48xf32, #tpu.memory_space<vmem>> -> memref<80x48xf32, #tpu.memory_space<vmem>>
          %dma_start3A_376 = arith.constant 0 : i32
          %dma_start3A_377 = tpu.memref_slice %arg25[%add3A_346, %dma_start3A_376] : memref<250x80xi32, #tpu.memory_space<vmem>> -> memref<1x80xi32, #tpu.memory_space<vmem>>
          %dma_start3A_378 = tpu.memref_squeeze %dma_start3A_377 : memref<1x80xi32, #tpu.memory_space<vmem>> -> memref<80xi32, #tpu.memory_space<vmem>>
          %dma_start3A_379 = arith.constant 0 : i32
          %dma_start3A_380 = arith.constant 0 : i32
          %dma_start3A_381 = tpu.memref_slice %arg23[%dma_start3A_379, %dma_start3A_380] : memref<10000x48xf32, #tpu.memory_space<vmem_shared>> -> memref<10000x48xf32, #tpu.memory_space<vmem_shared>>
          tpu.enqueue_indirect_dma source(%dma_start3A_375 : memref<80x48xf32, #tpu.memory_space<vmem>>) target(%dma_start3A_381 : memref<10000x48xf32, #tpu.memory_space<vmem_shared>>) offsets(%dma_start3A_378 : memref<80xi32, #tpu.memory_space<vmem>>) semaphore(%run_scoped3A_371 : memref<!tpu.dma_semaphore, #tpu.memory_space<semaphore_mem>>) {add = true}
          %dma_wait3A_382 = arith.constant 0 : i32
          %dma_wait3A_383 = arith.constant 0 : i32
          %dma_wait3A_384 = tpu.memref_slice %arg26[%run_scoped3A_362, %dma_wait3A_382, %dma_wait3A_383] : memref<5x80x48xf32, #tpu.memory_space<vmem>> -> memref<1x80x48xf32, #tpu.memory_space<vmem>>
          %dma_wait3A_385 = tpu.memref_squeeze %dma_wait3A_384 : memref<1x80x48xf32, #tpu.memory_space<vmem>> -> memref<80x48xf32, #tpu.memory_space<vmem>>
          %dma_wait3A_386 = arith.constant 0 : i32
          %dma_wait3A_387 = tpu.memref_slice %arg25[%add3A_346, %dma_wait3A_386] : memref<250x80xi32, #tpu.memory_space<vmem>> -> memref<1x80xi32, #tpu.memory_space<vmem>>
          %dma_wait3A_388 = tpu.memref_squeeze %dma_wait3A_387 : memref<1x80xi32, #tpu.memory_space<vmem>> -> memref<80xi32, #tpu.memory_space<vmem>>
          %dma_wait3A_389 = arith.constant 0 : i32
          %dma_wait3A_390 = arith.constant 0 : i32
          %dma_wait3A_391 = tpu.memref_slice %arg23[%dma_wait3A_389, %dma_wait3A_390] : memref<10000x48xf32, #tpu.memory_space<vmem_shared>> -> memref<10000x48xf32, #tpu.memory_space<vmem_shared>>
          tpu.wait_indirect_dma semaphore(%run_scoped3A_371 : memref<!tpu.dma_semaphore, #tpu.memory_space<semaphore_mem>>) src(%dma_wait3A_385 : memref<80x48xf32, #tpu.memory_space<vmem>>) dst(%dma_wait3A_391 : memref<10000x48xf32, #tpu.memory_space<vmem_shared>>)
          tpu.yield
        }) : () -> ()
        %add3A_363 = arith.constant 5 : i32
        %add3A_364 = arith.addi %add3A_346, %add3A_363 : i32
        %lt3A_365 = arith.constant 250 : i32
        %lt3A_366 = arith.cmpi slt, %add3A_364, %lt3A_365 : i32
        %convert_element_type3A_367 = arith.extui %lt3A_366 : i1 to i32
        %cond3A_368 = arith.constant 0 : i32
        %cond3A_369 = arith.cmpi ne, %convert_element_type3A_367, %cond3A_368 : i32
        scf.if %cond3A_369 {
          %add3A_371 = arith.constant 5 : i32
          %add3A_372 = arith.addi %add3A_346, %add3A_371 : i32
          %dma_start3A_373 = arith.constant 4 : i32
          %dma_start3A_374 = arith.constant 0 : i32
          %dma_start3A_375 = arith.constant 0 : i32
          %dma_start3A_376 = tpu.memref_slice %arg26[%dma_start3A_373, %dma_start3A_374, %dma_start3A_375] : memref<5x80x48xf32, #tpu.memory_space<vmem>> -> memref<1x80x48xf32, #tpu.memory_space<vmem>>
          %dma_start3A_377 = tpu.memref_squeeze %dma_start3A_376 : memref<1x80x48xf32, #tpu.memory_space<vmem>> -> memref<80x48xf32, #tpu.memory_space<vmem>>
          %dma_start3A_378 = arith.constant 0 : i32
          %dma_start3A_379 = tpu.memref_slice %arg24[%add3A_372, %dma_start3A_378] : memref<250x80xi32, #tpu.memory_space<vmem>> -> memref<1x80xi32, #tpu.memory_space<vmem>>
          %dma_start3A_380 = tpu.memref_squeeze %dma_start3A_379 : memref<1x80xi32, #tpu.memory_space<vmem>> -> memref<80xi32, #tpu.memory_space<vmem>>
          %dma_start3A_381 = arith.constant 0 : i32
          %dma_start3A_382 = arith.constant 0 : i32
          %dma_start3A_383 = tpu.memref_slice %arg21[%scan3A_221, %dma_start3A_381, %dma_start3A_382] : memref<4x10000x48xf32, #tpu.memory_space<hbm>> -> memref<1x10000x48xf32, #tpu.memory_space<hbm>>
          %dma_start3A_384 = tpu.memref_squeeze %dma_start3A_383 : memref<1x10000x48xf32, #tpu.memory_space<hbm>> -> memref<10000x48xf32, #tpu.memory_space<hbm>>
          %dma_start3A_385 = arith.constant 0 : i32
          %dma_start3A_386 = arith.constant 0 : i32
          %dma_start3A_387 = tpu.memref_slice %dma_start3A_384[%dma_start3A_385, %dma_start3A_386] : memref<10000x48xf32, #tpu.memory_space<hbm>> -> memref<10000x48xf32, #tpu.memory_space<hbm>>
          tpu.enqueue_indirect_dma source(%dma_start3A_387 : memref<10000x48xf32, #tpu.memory_space<hbm>>) target(%dma_start3A_377 : memref<80x48xf32, #tpu.memory_space<vmem>>) offsets(%dma_start3A_380 : memref<80xi32, #tpu.memory_space<vmem>>) semaphore(%arg38 : memref<!tpu.dma_semaphore, #tpu.memory_space<semaphore_mem>>)
        } else {
        }
        %scan3A_370 = arith.constant 0 : i32
        scf.yield %scan3A_370 : i32
      }
      %scan3A_228 = arith.constant 50 : i32
      %barrier3A_229 = arith.constant 0 : index
      tpu.barrier barrier_id(%barrier3A_229)
      %dma_wait3A = arith.constant 0 : i32
      %dma_wait3A_230 = arith.constant 0 : i32
      %dma_wait3A_231 = tpu.memref_slice %arg20[%dma_wait3A, %multiple_of3A, %dma_wait3A_230] : memref<4x10000x48xf32, #tpu.memory_space<hbm>> -> memref<1x625x48xf32, #tpu.memory_space<hbm>>
      %dma_wait3A_232 = tpu.memref_squeeze %dma_wait3A_231 : memref<1x625x48xf32, #tpu.memory_space<hbm>> -> memref<625x48xf32, #tpu.memory_space<hbm>>
      %dma_wait3A_233 = arith.constant 0 : i32
      %dma_wait3A_234 = tpu.memref_slice %arg22[%multiple_of3A, %dma_wait3A_233] : memref<10000x48xf32, #tpu.memory_space<vmem_shared>> -> memref<625x48xf32, #tpu.memory_space<vmem_shared>>
      tpu.wait_dma2 semaphore(%arg39 : memref<!tpu.dma_semaphore, #tpu.memory_space<semaphore_mem>>) src(%dma_wait3A_234 : memref<625x48xf32, #tpu.memory_space<vmem_shared>>) dst(%dma_wait3A_232 : memref<625x48xf32, #tpu.memory_space<hbm>>)
      %run_scoped3A = arith.constant 1 : i32
      "tpu.region"() ({
        %run_scoped3A_235 = tpu.sem_alloc : memref<!tpu.dma_semaphore, #tpu.memory_space<semaphore_mem>>
        %dma_start3A_236 = arith.constant 0 : i32
        %dma_start3A_237 = tpu.memref_slice %arg20[%run_scoped3A, %multiple_of3A, %dma_start3A_236] : memref<4x10000x48xf32, #tpu.memory_space<hbm>> -> memref<1x625x48xf32, #tpu.memory_space<hbm>>
        %dma_start3A_238 = tpu.memref_squeeze %dma_start3A_237 : memref<1x625x48xf32, #tpu.memory_space<hbm>> -> memref<625x48xf32, #tpu.memory_space<hbm>>
        %dma_start3A_239 = arith.constant 0 : i32
        %dma_start3A_240 = tpu.memref_slice %arg23[%multiple_of3A, %dma_start3A_239] : memref<10000x48xf32, #tpu.memory_space<vmem_shared>> -> memref<625x48xf32, #tpu.memory_space<vmem_shared>>
        tpu.enqueue_dma source(%dma_start3A_240 : memref<625x48xf32, #tpu.memory_space<vmem_shared>>) target(%dma_start3A_238 : memref<625x48xf32, #tpu.memory_space<hbm>>) target_semaphore(%run_scoped3A_235 : memref<!tpu.dma_semaphore, #tpu.memory_space<semaphore_mem>>)
        %dma_wait3A_241 = arith.constant 0 : i32
        %dma_wait3A_242 = tpu.memref_slice %arg20[%run_scoped3A, %multiple_of3A, %dma_wait3A_241] : memref<4x10000x48xf32, #tpu.memory_space<hbm>> -> memref<1x625x48xf32, #tpu.memory_space<hbm>>
        %dma_wait3A_243 = tpu.memref_squeeze %dma_wait3A_242 : memref<1x625x48xf32, #tpu.memory_space<hbm>> -> memref<625x48xf32, #tpu.memory_space<hbm>>
        %dma_wait3A_244 = arith.constant 0 : i32
        %dma_wait3A_245 = tpu.memref_slice %arg23[%multiple_of3A, %dma_wait3A_244] : memref<10000x48xf32, #tpu.memory_space<vmem_shared>> -> memref<625x48xf32, #tpu.memory_space<vmem_shared>>
        tpu.wait_dma2 semaphore(%run_scoped3A_235 : memref<!tpu.dma_semaphore, #tpu.memory_space<semaphore_mem>>) src(%dma_wait3A_245 : memref<625x48xf32, #tpu.memory_space<vmem_shared>>) dst(%dma_wait3A_243 : memref<625x48xf32, #tpu.memory_space<hbm>>)
        tpu.yield
      }) : () -> ()
    } else {
    }
    %eq3A_32 = arith.constant 1 : i32
    %eq3A_33 = arith.cmpi eq, %arg0, %eq3A_32 : i32
    %convert_element_type3A_34 = arith.extui %eq3A_33 : i1 to i32
    %cond3A_35 = arith.constant 0 : i32
    %cond3A_36 = arith.cmpi ne, %convert_element_type3A_34, %cond3A_35 : i32
    scf.if %cond3A_36 {
      "tpu.region"() ({
        %run_scoped3A_235 = tpu.sem_alloc : memref<!tpu.dma_semaphore, #tpu.memory_space<semaphore_mem>>
        %dma_start3A_236 = arith.constant 0 : i32
        %dma_start3A_237 = tpu.memref_slice %arg14[%mul3A_24, %dma_start3A_236] : memref<4000x80xi32, #tpu.memory_space<hbm>> -> memref<250x80xi32, #tpu.memory_space<hbm>>
        %dma_start3A_238 = arith.constant 0 : i32
        %dma_start3A_239 = tpu.memref_slice %arg14[%mul3A_24, %dma_start3A_238] : memref<4000x80xi32, #tpu.memory_space<hbm>> -> memref<250x80xi32, #tpu.memory_space<hbm>>
        tpu.enqueue_dma source(%dma_start3A_239 : memref<250x80xi32, #tpu.memory_space<hbm>>) target(%arg24 : memref<250x80xi32, #tpu.memory_space<vmem>>) target_semaphore(%run_scoped3A_235 : memref<!tpu.dma_semaphore, #tpu.memory_space<semaphore_mem>>)
        %dma_wait3A_240 = arith.constant 0 : i32
        %dma_wait3A_241 = tpu.memref_slice %arg14[%mul3A_24, %dma_wait3A_240] : memref<4000x80xi32, #tpu.memory_space<hbm>> -> memref<250x80xi32, #tpu.memory_space<hbm>>
        %dma_wait3A_242 = arith.constant 0 : i32
        %dma_wait3A_243 = tpu.memref_slice %arg14[%mul3A_24, %dma_wait3A_242] : memref<4000x80xi32, #tpu.memory_space<hbm>> -> memref<250x80xi32, #tpu.memory_space<hbm>>
        tpu.wait_dma2 semaphore(%run_scoped3A_235 : memref<!tpu.dma_semaphore, #tpu.memory_space<semaphore_mem>>) src(%dma_wait3A_243 : memref<250x80xi32, #tpu.memory_space<hbm>>) dst(%arg24 : memref<250x80xi32, #tpu.memory_space<vmem>>)
        tpu.yield
      }) : () -> ()
      "tpu.region"() ({
        %run_scoped3A_235 = tpu.sem_alloc : memref<!tpu.dma_semaphore, #tpu.memory_space<semaphore_mem>>
        %dma_start3A_236 = arith.constant 0 : i32
        %dma_start3A_237 = tpu.memref_slice %arg18[%mul3A_24, %dma_start3A_236] : memref<4000x80xi32, #tpu.memory_space<hbm>> -> memref<250x80xi32, #tpu.memory_space<hbm>>
        %dma_start3A_238 = arith.constant 0 : i32
        %dma_start3A_239 = tpu.memref_slice %arg18[%mul3A_24, %dma_start3A_238] : memref<4000x80xi32, #tpu.memory_space<hbm>> -> memref<250x80xi32, #tpu.memory_space<hbm>>
        tpu.enqueue_dma source(%dma_start3A_239 : memref<250x80xi32, #tpu.memory_space<hbm>>) target(%arg25 : memref<250x80xi32, #tpu.memory_space<vmem>>) target_semaphore(%run_scoped3A_235 : memref<!tpu.dma_semaphore, #tpu.memory_space<semaphore_mem>>)
        %dma_wait3A_240 = arith.constant 0 : i32
        %dma_wait3A_241 = tpu.memref_slice %arg18[%mul3A_24, %dma_wait3A_240] : memref<4000x80xi32, #tpu.memory_space<hbm>> -> memref<250x80xi32, #tpu.memory_space<hbm>>
        %dma_wait3A_242 = arith.constant 0 : i32
        %dma_wait3A_243 = tpu.memref_slice %arg18[%mul3A_24, %dma_wait3A_242] : memref<4000x80xi32, #tpu.memory_space<hbm>> -> memref<250x80xi32, #tpu.memory_space<hbm>>
        tpu.wait_dma2 semaphore(%run_scoped3A_235 : memref<!tpu.dma_semaphore, #tpu.memory_space<semaphore_mem>>) src(%dma_wait3A_243 : memref<250x80xi32, #tpu.memory_space<hbm>>) dst(%arg25 : memref<250x80xi32, #tpu.memory_space<vmem>>)
        tpu.yield
      }) : () -> ()
      %dma_start3A = arith.constant 2 : i32
      %dma_start3A_37 = arith.constant 0 : i32
      %dma_start3A_38 = arith.constant 0 : i32
      %dma_start3A_39 = arith.constant 0 : i32
      %dma_start3A_40 = arith.constant 0 : i32
      %dma_start3A_41 = tpu.memref_slice %arg26[%dma_start3A_38, %dma_start3A_39, %dma_start3A_40] : memref<5x80x48xf32, #tpu.memory_space<vmem>> -> memref<1x80x48xf32, #tpu.memory_space<vmem>>
      %dma_start3A_42 = tpu.memref_squeeze %dma_start3A_41 : memref<1x80x48xf32, #tpu.memory_space<vmem>> -> memref<80x48xf32, #tpu.memory_space<vmem>>
      %dma_start3A_43 = arith.constant 0 : i32
      %dma_start3A_44 = tpu.memref_slice %arg24[%dma_start3A_37, %dma_start3A_43] : memref<250x80xi32, #tpu.memory_space<vmem>> -> memref<1x80xi32, #tpu.memory_space<vmem>>
      %dma_start3A_45 = tpu.memref_squeeze %dma_start3A_44 : memref<1x80xi32, #tpu.memory_space<vmem>> -> memref<80xi32, #tpu.memory_space<vmem>>
      %dma_start3A_46 = arith.constant 0 : i32
      %dma_start3A_47 = arith.constant 0 : i32
      %dma_start3A_48 = tpu.memref_slice %arg21[%dma_start3A, %dma_start3A_46, %dma_start3A_47] : memref<4x10000x48xf32, #tpu.memory_space<hbm>> -> memref<1x10000x48xf32, #tpu.memory_space<hbm>>
      %dma_start3A_49 = tpu.memref_squeeze %dma_start3A_48 : memref<1x10000x48xf32, #tpu.memory_space<hbm>> -> memref<10000x48xf32, #tpu.memory_space<hbm>>
      %dma_start3A_50 = arith.constant 0 : i32
      %dma_start3A_51 = arith.constant 0 : i32
      %dma_start3A_52 = tpu.memref_slice %dma_start3A_49[%dma_start3A_50, %dma_start3A_51] : memref<10000x48xf32, #tpu.memory_space<hbm>> -> memref<10000x48xf32, #tpu.memory_space<hbm>>
      tpu.enqueue_indirect_dma source(%dma_start3A_52 : memref<10000x48xf32, #tpu.memory_space<hbm>>) target(%dma_start3A_42 : memref<80x48xf32, #tpu.memory_space<vmem>>) offsets(%dma_start3A_45 : memref<80xi32, #tpu.memory_space<vmem>>) semaphore(%arg34 : memref<!tpu.dma_semaphore, #tpu.memory_space<semaphore_mem>>)
      %dma_start3A_53 = arith.constant 2 : i32
      %dma_start3A_54 = arith.constant 1 : i32
      %dma_start3A_55 = arith.constant 1 : i32
      %dma_start3A_56 = arith.constant 0 : i32
      %dma_start3A_57 = arith.constant 0 : i32
      %dma_start3A_58 = tpu.memref_slice %arg26[%dma_start3A_55, %dma_start3A_56, %dma_start3A_57] : memref<5x80x48xf32, #tpu.memory_space<vmem>> -> memref<1x80x48xf32, #tpu.memory_space<vmem>>
      %dma_start3A_59 = tpu.memref_squeeze %dma_start3A_58 : memref<1x80x48xf32, #tpu.memory_space<vmem>> -> memref<80x48xf32, #tpu.memory_space<vmem>>
      %dma_start3A_60 = arith.constant 0 : i32
      %dma_start3A_61 = tpu.memref_slice %arg24[%dma_start3A_54, %dma_start3A_60] : memref<250x80xi32, #tpu.memory_space<vmem>> -> memref<1x80xi32, #tpu.memory_space<vmem>>
      %dma_start3A_62 = tpu.memref_squeeze %dma_start3A_61 : memref<1x80xi32, #tpu.memory_space<vmem>> -> memref<80xi32, #tpu.memory_space<vmem>>
      %dma_start3A_63 = arith.constant 0 : i32
      %dma_start3A_64 = arith.constant 0 : i32
      %dma_start3A_65 = tpu.memref_slice %arg21[%dma_start3A_53, %dma_start3A_63, %dma_start3A_64] : memref<4x10000x48xf32, #tpu.memory_space<hbm>> -> memref<1x10000x48xf32, #tpu.memory_space<hbm>>
      %dma_start3A_66 = tpu.memref_squeeze %dma_start3A_65 : memref<1x10000x48xf32, #tpu.memory_space<hbm>> -> memref<10000x48xf32, #tpu.memory_space<hbm>>
      %dma_start3A_67 = arith.constant 0 : i32
      %dma_start3A_68 = arith.constant 0 : i32
      %dma_start3A_69 = tpu.memref_slice %dma_start3A_66[%dma_start3A_67, %dma_start3A_68] : memref<10000x48xf32, #tpu.memory_space<hbm>> -> memref<10000x48xf32, #tpu.memory_space<hbm>>
      tpu.enqueue_indirect_dma source(%dma_start3A_69 : memref<10000x48xf32, #tpu.memory_space<hbm>>) target(%dma_start3A_59 : memref<80x48xf32, #tpu.memory_space<vmem>>) offsets(%dma_start3A_62 : memref<80xi32, #tpu.memory_space<vmem>>) semaphore(%arg35 : memref<!tpu.dma_semaphore, #tpu.memory_space<semaphore_mem>>)
      %dma_start3A_70 = arith.constant 2 : i32
      %dma_start3A_71 = arith.constant 2 : i32
      %dma_start3A_72 = arith.constant 2 : i32
      %dma_start3A_73 = arith.constant 0 : i32
      %dma_start3A_74 = arith.constant 0 : i32
      %dma_start3A_75 = tpu.memref_slice %arg26[%dma_start3A_72, %dma_start3A_73, %dma_start3A_74] : memref<5x80x48xf32, #tpu.memory_space<vmem>> -> memref<1x80x48xf32, #tpu.memory_space<vmem>>
      %dma_start3A_76 = tpu.memref_squeeze %dma_start3A_75 : memref<1x80x48xf32, #tpu.memory_space<vmem>> -> memref<80x48xf32, #tpu.memory_space<vmem>>
      %dma_start3A_77 = arith.constant 0 : i32
      %dma_start3A_78 = tpu.memref_slice %arg24[%dma_start3A_71, %dma_start3A_77] : memref<250x80xi32, #tpu.memory_space<vmem>> -> memref<1x80xi32, #tpu.memory_space<vmem>>
      %dma_start3A_79 = tpu.memref_squeeze %dma_start3A_78 : memref<1x80xi32, #tpu.memory_space<vmem>> -> memref<80xi32, #tpu.memory_space<vmem>>
      %dma_start3A_80 = arith.constant 0 : i32
      %dma_start3A_81 = arith.constant 0 : i32
      %dma_start3A_82 = tpu.memref_slice %arg21[%dma_start3A_70, %dma_start3A_80, %dma_start3A_81] : memref<4x10000x48xf32, #tpu.memory_space<hbm>> -> memref<1x10000x48xf32, #tpu.memory_space<hbm>>
      %dma_start3A_83 = tpu.memref_squeeze %dma_start3A_82 : memref<1x10000x48xf32, #tpu.memory_space<hbm>> -> memref<10000x48xf32, #tpu.memory_space<hbm>>
      %dma_start3A_84 = arith.constant 0 : i32
      %dma_start3A_85 = arith.constant 0 : i32
      %dma_start3A_86 = tpu.memref_slice %dma_start3A_83[%dma_start3A_84, %dma_start3A_85] : memref<10000x48xf32, #tpu.memory_space<hbm>> -> memref<10000x48xf32, #tpu.memory_space<hbm>>
      tpu.enqueue_indirect_dma source(%dma_start3A_86 : memref<10000x48xf32, #tpu.memory_space<hbm>>) target(%dma_start3A_76 : memref<80x48xf32, #tpu.memory_space<vmem>>) offsets(%dma_start3A_79 : memref<80xi32, #tpu.memory_space<vmem>>) semaphore(%arg36 : memref<!tpu.dma_semaphore, #tpu.memory_space<semaphore_mem>>)
      %dma_start3A_87 = arith.constant 2 : i32
      %dma_start3A_88 = arith.constant 3 : i32
      %dma_start3A_89 = arith.constant 3 : i32
      %dma_start3A_90 = arith.constant 0 : i32
      %dma_start3A_91 = arith.constant 0 : i32
      %dma_start3A_92 = tpu.memref_slice %arg26[%dma_start3A_89, %dma_start3A_90, %dma_start3A_91] : memref<5x80x48xf32, #tpu.memory_space<vmem>> -> memref<1x80x48xf32, #tpu.memory_space<vmem>>
      %dma_start3A_93 = tpu.memref_squeeze %dma_start3A_92 : memref<1x80x48xf32, #tpu.memory_space<vmem>> -> memref<80x48xf32, #tpu.memory_space<vmem>>
      %dma_start3A_94 = arith.constant 0 : i32
      %dma_start3A_95 = tpu.memref_slice %arg24[%dma_start3A_88, %dma_start3A_94] : memref<250x80xi32, #tpu.memory_space<vmem>> -> memref<1x80xi32, #tpu.memory_space<vmem>>
      %dma_start3A_96 = tpu.memref_squeeze %dma_start3A_95 : memref<1x80xi32, #tpu.memory_space<vmem>> -> memref<80xi32, #tpu.memory_space<vmem>>
      %dma_start3A_97 = arith.constant 0 : i32
      %dma_start3A_98 = arith.constant 0 : i32
      %dma_start3A_99 = tpu.memref_slice %arg21[%dma_start3A_87, %dma_start3A_97, %dma_start3A_98] : memref<4x10000x48xf32, #tpu.memory_space<hbm>> -> memref<1x10000x48xf32, #tpu.memory_space<hbm>>
      %dma_start3A_100 = tpu.memref_squeeze %dma_start3A_99 : memref<1x10000x48xf32, #tpu.memory_space<hbm>> -> memref<10000x48xf32, #tpu.memory_space<hbm>>
      %dma_start3A_101 = arith.constant 0 : i32
      %dma_start3A_102 = arith.constant 0 : i32
      %dma_start3A_103 = tpu.memref_slice %dma_start3A_100[%dma_start3A_101, %dma_start3A_102] : memref<10000x48xf32, #tpu.memory_space<hbm>> -> memref<10000x48xf32, #tpu.memory_space<hbm>>
      tpu.enqueue_indirect_dma source(%dma_start3A_103 : memref<10000x48xf32, #tpu.memory_space<hbm>>) target(%dma_start3A_93 : memref<80x48xf32, #tpu.memory_space<vmem>>) offsets(%dma_start3A_96 : memref<80xi32, #tpu.memory_space<vmem>>) semaphore(%arg37 : memref<!tpu.dma_semaphore, #tpu.memory_space<semaphore_mem>>)
      %dma_start3A_104 = arith.constant 2 : i32
      %dma_start3A_105 = arith.constant 4 : i32
      %dma_start3A_106 = arith.constant 4 : i32
      %dma_start3A_107 = arith.constant 0 : i32
      %dma_start3A_108 = arith.constant 0 : i32
      %dma_start3A_109 = tpu.memref_slice %arg26[%dma_start3A_106, %dma_start3A_107, %dma_start3A_108] : memref<5x80x48xf32, #tpu.memory_space<vmem>> -> memref<1x80x48xf32, #tpu.memory_space<vmem>>
      %dma_start3A_110 = tpu.memref_squeeze %dma_start3A_109 : memref<1x80x48xf32, #tpu.memory_space<vmem>> -> memref<80x48xf32, #tpu.memory_space<vmem>>
      %dma_start3A_111 = arith.constant 0 : i32
      %dma_start3A_112 = tpu.memref_slice %arg24[%dma_start3A_105, %dma_start3A_111] : memref<250x80xi32, #tpu.memory_space<vmem>> -> memref<1x80xi32, #tpu.memory_space<vmem>>
      %dma_start3A_113 = tpu.memref_squeeze %dma_start3A_112 : memref<1x80xi32, #tpu.memory_space<vmem>> -> memref<80xi32, #tpu.memory_space<vmem>>
      %dma_start3A_114 = arith.constant 0 : i32
      %dma_start3A_115 = arith.constant 0 : i32
      %dma_start3A_116 = tpu.memref_slice %arg21[%dma_start3A_104, %dma_start3A_114, %dma_start3A_115] : memref<4x10000x48xf32, #tpu.memory_space<hbm>> -> memref<1x10000x48xf32, #tpu.memory_space<hbm>>
      %dma_start3A_117 = tpu.memref_squeeze %dma_start3A_116 : memref<1x10000x48xf32, #tpu.memory_space<hbm>> -> memref<10000x48xf32, #tpu.memory_space<hbm>>
      %dma_start3A_118 = arith.constant 0 : i32
      %dma_start3A_119 = arith.constant 0 : i32
      %dma_start3A_120 = tpu.memref_slice %dma_start3A_117[%dma_start3A_118, %dma_start3A_119] : memref<10000x48xf32, #tpu.memory_space<hbm>> -> memref<10000x48xf32, #tpu.memory_space<hbm>>
      tpu.enqueue_indirect_dma source(%dma_start3A_120 : memref<10000x48xf32, #tpu.memory_space<hbm>>) target(%dma_start3A_110 : memref<80x48xf32, #tpu.memory_space<vmem>>) offsets(%dma_start3A_113 : memref<80xi32, #tpu.memory_space<vmem>>) semaphore(%arg38 : memref<!tpu.dma_semaphore, #tpu.memory_space<semaphore_mem>>)
      %scan3A_121 = arith.constant 2 : i32
      %scan3A_122 = arith.constant 0 : i32
      %scan3A_123 = arith.constant 0 : i32
      %scan3A_124 = arith.constant 50 : i32
      %scan3A_125 = arith.addi %scan3A_123, %scan3A_124 : i32
      %scan3A_126 = arith.constant 1 : i32
      %scan3A_127 = scf.for %scan3A_235 = %scan3A_123 to %scan3A_125 step %scan3A_126 iter_args(%scan3A_236 = %scan3A_122) -> (i32)  : i32 {
        %mul3A_237 = arith.constant 5 : i32
        %mul3A_238 = arith.muli %scan3A_235, %mul3A_237 : i32
        %add3A = arith.constant 0 : i32
        %add3A_239 = arith.addi %mul3A_238, %add3A : i32
        %dma_wait3A_240 = arith.constant 0 : i32
        %dma_wait3A_241 = arith.constant 0 : i32
        %dma_wait3A_242 = arith.constant 0 : i32
        %dma_wait3A_243 = tpu.memref_slice %arg26[%dma_wait3A_240, %dma_wait3A_241, %dma_wait3A_242] : memref<5x80x48xf32, #tpu.memory_space<vmem>> -> memref<1x80x48xf32, #tpu.memory_space<vmem>>
        %dma_wait3A_244 = tpu.memref_squeeze %dma_wait3A_243 : memref<1x80x48xf32, #tpu.memory_space<vmem>> -> memref<80x48xf32, #tpu.memory_space<vmem>>
        %dma_wait3A_245 = arith.constant 0 : i32
        %dma_wait3A_246 = tpu.memref_slice %arg24[%add3A_239, %dma_wait3A_245] : memref<250x80xi32, #tpu.memory_space<vmem>> -> memref<1x80xi32, #tpu.memory_space<vmem>>
        %dma_wait3A_247 = tpu.memref_squeeze %dma_wait3A_246 : memref<1x80xi32, #tpu.memory_space<vmem>> -> memref<80xi32, #tpu.memory_space<vmem>>
        %dma_wait3A_248 = arith.constant 0 : i32
        %dma_wait3A_249 = arith.constant 0 : i32
        %dma_wait3A_250 = tpu.memref_slice %arg21[%scan3A_121, %dma_wait3A_248, %dma_wait3A_249] : memref<4x10000x48xf32, #tpu.memory_space<hbm>> -> memref<1x10000x48xf32, #tpu.memory_space<hbm>>
        %dma_wait3A_251 = tpu.memref_squeeze %dma_wait3A_250 : memref<1x10000x48xf32, #tpu.memory_space<hbm>> -> memref<10000x48xf32, #tpu.memory_space<hbm>>
        %dma_wait3A_252 = arith.constant 0 : i32
        %dma_wait3A_253 = arith.constant 0 : i32
        %dma_wait3A_254 = tpu.memref_slice %dma_wait3A_251[%dma_wait3A_252, %dma_wait3A_253] : memref<10000x48xf32, #tpu.memory_space<hbm>> -> memref<10000x48xf32, #tpu.memory_space<hbm>>
        tpu.wait_indirect_dma semaphore(%arg34 : memref<!tpu.dma_semaphore, #tpu.memory_space<semaphore_mem>>) src(%dma_wait3A_254 : memref<10000x48xf32, #tpu.memory_space<hbm>>) dst(%dma_wait3A_244 : memref<80x48xf32, #tpu.memory_space<vmem>>)
        %run_scoped3A_255 = arith.constant 0 : i32
        "tpu.region"() ({
          %run_scoped3A_371 = tpu.sem_alloc : memref<!tpu.dma_semaphore, #tpu.memory_space<semaphore_mem>>
          %dma_start3A_372 = arith.constant 0 : i32
          %dma_start3A_373 = arith.constant 0 : i32
          %dma_start3A_374 = tpu.memref_slice %arg26[%run_scoped3A_255, %dma_start3A_372, %dma_start3A_373] : memref<5x80x48xf32, #tpu.memory_space<vmem>> -> memref<1x80x48xf32, #tpu.memory_space<vmem>>
          %dma_start3A_375 = tpu.memref_squeeze %dma_start3A_374 : memref<1x80x48xf32, #tpu.memory_space<vmem>> -> memref<80x48xf32, #tpu.memory_space<vmem>>
          %dma_start3A_376 = arith.constant 0 : i32
          %dma_start3A_377 = tpu.memref_slice %arg25[%add3A_239, %dma_start3A_376] : memref<250x80xi32, #tpu.memory_space<vmem>> -> memref<1x80xi32, #tpu.memory_space<vmem>>
          %dma_start3A_378 = tpu.memref_squeeze %dma_start3A_377 : memref<1x80xi32, #tpu.memory_space<vmem>> -> memref<80xi32, #tpu.memory_space<vmem>>
          %dma_start3A_379 = arith.constant 0 : i32
          %dma_start3A_380 = arith.constant 0 : i32
          %dma_start3A_381 = tpu.memref_slice %arg22[%dma_start3A_379, %dma_start3A_380] : memref<10000x48xf32, #tpu.memory_space<vmem_shared>> -> memref<10000x48xf32, #tpu.memory_space<vmem_shared>>
          tpu.enqueue_indirect_dma source(%dma_start3A_375 : memref<80x48xf32, #tpu.memory_space<vmem>>) target(%dma_start3A_381 : memref<10000x48xf32, #tpu.memory_space<vmem_shared>>) offsets(%dma_start3A_378 : memref<80xi32, #tpu.memory_space<vmem>>) semaphore(%run_scoped3A_371 : memref<!tpu.dma_semaphore, #tpu.memory_space<semaphore_mem>>) {add = true}
          %dma_wait3A_382 = arith.constant 0 : i32
          %dma_wait3A_383 = arith.constant 0 : i32
          %dma_wait3A_384 = tpu.memref_slice %arg26[%run_scoped3A_255, %dma_wait3A_382, %dma_wait3A_383] : memref<5x80x48xf32, #tpu.memory_space<vmem>> -> memref<1x80x48xf32, #tpu.memory_space<vmem>>
          %dma_wait3A_385 = tpu.memref_squeeze %dma_wait3A_384 : memref<1x80x48xf32, #tpu.memory_space<vmem>> -> memref<80x48xf32, #tpu.memory_space<vmem>>
          %dma_wait3A_386 = arith.constant 0 : i32
          %dma_wait3A_387 = tpu.memref_slice %arg25[%add3A_239, %dma_wait3A_386] : memref<250x80xi32, #tpu.memory_space<vmem>> -> memref<1x80xi32, #tpu.memory_space<vmem>>
          %dma_wait3A_388 = tpu.memref_squeeze %dma_wait3A_387 : memref<1x80xi32, #tpu.memory_space<vmem>> -> memref<80xi32, #tpu.memory_space<vmem>>
          %dma_wait3A_389 = arith.constant 0 : i32
          %dma_wait3A_390 = arith.constant 0 : i32
          %dma_wait3A_391 = tpu.memref_slice %arg22[%dma_wait3A_389, %dma_wait3A_390] : memref<10000x48xf32, #tpu.memory_space<vmem_shared>> -> memref<10000x48xf32, #tpu.memory_space<vmem_shared>>
          tpu.wait_indirect_dma semaphore(%run_scoped3A_371 : memref<!tpu.dma_semaphore, #tpu.memory_space<semaphore_mem>>) src(%dma_wait3A_385 : memref<80x48xf32, #tpu.memory_space<vmem>>) dst(%dma_wait3A_391 : memref<10000x48xf32, #tpu.memory_space<vmem_shared>>)
          tpu.yield
        }) : () -> ()
        %add3A_256 = arith.constant 5 : i32
        %add3A_257 = arith.addi %add3A_239, %add3A_256 : i32
        %lt3A = arith.constant 250 : i32
        %lt3A_258 = arith.cmpi slt, %add3A_257, %lt3A : i32
        %convert_element_type3A_259 = arith.extui %lt3A_258 : i1 to i32
        %cond3A_260 = arith.constant 0 : i32
        %cond3A_261 = arith.cmpi ne, %convert_element_type3A_259, %cond3A_260 : i32
        scf.if %cond3A_261 {
          %add3A_371 = arith.constant 5 : i32
          %add3A_372 = arith.addi %add3A_239, %add3A_371 : i32
          %dma_start3A_373 = arith.constant 0 : i32
          %dma_start3A_374 = arith.constant 0 : i32
          %dma_start3A_375 = arith.constant 0 : i32
          %dma_start3A_376 = tpu.memref_slice %arg26[%dma_start3A_373, %dma_start3A_374, %dma_start3A_375] : memref<5x80x48xf32, #tpu.memory_space<vmem>> -> memref<1x80x48xf32, #tpu.memory_space<vmem>>
          %dma_start3A_377 = tpu.memref_squeeze %dma_start3A_376 : memref<1x80x48xf32, #tpu.memory_space<vmem>> -> memref<80x48xf32, #tpu.memory_space<vmem>>
          %dma_start3A_378 = arith.constant 0 : i32
          %dma_start3A_379 = tpu.memref_slice %arg24[%add3A_372, %dma_start3A_378] : memref<250x80xi32, #tpu.memory_space<vmem>> -> memref<1x80xi32, #tpu.memory_space<vmem>>
          %dma_start3A_380 = tpu.memref_squeeze %dma_start3A_379 : memref<1x80xi32, #tpu.memory_space<vmem>> -> memref<80xi32, #tpu.memory_space<vmem>>
          %dma_start3A_381 = arith.constant 0 : i32
          %dma_start3A_382 = arith.constant 0 : i32
          %dma_start3A_383 = tpu.memref_slice %arg21[%scan3A_121, %dma_start3A_381, %dma_start3A_382] : memref<4x10000x48xf32, #tpu.memory_space<hbm>> -> memref<1x10000x48xf32, #tpu.memory_space<hbm>>
          %dma_start3A_384 = tpu.memref_squeeze %dma_start3A_383 : memref<1x10000x48xf32, #tpu.memory_space<hbm>> -> memref<10000x48xf32, #tpu.memory_space<hbm>>
          %dma_start3A_385 = arith.constant 0 : i32
          %dma_start3A_386 = arith.constant 0 : i32
          %dma_start3A_387 = tpu.memref_slice %dma_start3A_384[%dma_start3A_385, %dma_start3A_386] : memref<10000x48xf32, #tpu.memory_space<hbm>> -> memref<10000x48xf32, #tpu.memory_space<hbm>>
          tpu.enqueue_indirect_dma source(%dma_start3A_387 : memref<10000x48xf32, #tpu.memory_space<hbm>>) target(%dma_start3A_377 : memref<80x48xf32, #tpu.memory_space<vmem>>) offsets(%dma_start3A_380 : memref<80xi32, #tpu.memory_space<vmem>>) semaphore(%arg34 : memref<!tpu.dma_semaphore, #tpu.memory_space<semaphore_mem>>)
        } else {
        }
        %mul3A_262 = arith.constant 5 : i32
        %mul3A_263 = arith.muli %scan3A_235, %mul3A_262 : i32
        %add3A_264 = arith.constant 1 : i32
        %add3A_265 = arith.addi %mul3A_263, %add3A_264 : i32
        %dma_wait3A_266 = arith.constant 1 : i32
        %dma_wait3A_267 = arith.constant 0 : i32
        %dma_wait3A_268 = arith.constant 0 : i32
        %dma_wait3A_269 = tpu.memref_slice %arg26[%dma_wait3A_266, %dma_wait3A_267, %dma_wait3A_268] : memref<5x80x48xf32, #tpu.memory_space<vmem>> -> memref<1x80x48xf32, #tpu.memory_space<vmem>>
        %dma_wait3A_270 = tpu.memref_squeeze %dma_wait3A_269 : memref<1x80x48xf32, #tpu.memory_space<vmem>> -> memref<80x48xf32, #tpu.memory_space<vmem>>
        %dma_wait3A_271 = arith.constant 0 : i32
        %dma_wait3A_272 = tpu.memref_slice %arg24[%add3A_265, %dma_wait3A_271] : memref<250x80xi32, #tpu.memory_space<vmem>> -> memref<1x80xi32, #tpu.memory_space<vmem>>
        %dma_wait3A_273 = tpu.memref_squeeze %dma_wait3A_272 : memref<1x80xi32, #tpu.memory_space<vmem>> -> memref<80xi32, #tpu.memory_space<vmem>>
        %dma_wait3A_274 = arith.constant 0 : i32
        %dma_wait3A_275 = arith.constant 0 : i32
        %dma_wait3A_276 = tpu.memref_slice %arg21[%scan3A_121, %dma_wait3A_274, %dma_wait3A_275] : memref<4x10000x48xf32, #tpu.memory_space<hbm>> -> memref<1x10000x48xf32, #tpu.memory_space<hbm>>
        %dma_wait3A_277 = tpu.memref_squeeze %dma_wait3A_276 : memref<1x10000x48xf32, #tpu.memory_space<hbm>> -> memref<10000x48xf32, #tpu.memory_space<hbm>>
        %dma_wait3A_278 = arith.constant 0 : i32
        %dma_wait3A_279 = arith.constant 0 : i32
        %dma_wait3A_280 = tpu.memref_slice %dma_wait3A_277[%dma_wait3A_278, %dma_wait3A_279] : memref<10000x48xf32, #tpu.memory_space<hbm>> -> memref<10000x48xf32, #tpu.memory_space<hbm>>
        tpu.wait_indirect_dma semaphore(%arg35 : memref<!tpu.dma_semaphore, #tpu.memory_space<semaphore_mem>>) src(%dma_wait3A_280 : memref<10000x48xf32, #tpu.memory_space<hbm>>) dst(%dma_wait3A_270 : memref<80x48xf32, #tpu.memory_space<vmem>>)
        %run_scoped3A_281 = arith.constant 1 : i32
        "tpu.region"() ({
          %run_scoped3A_371 = tpu.sem_alloc : memref<!tpu.dma_semaphore, #tpu.memory_space<semaphore_mem>>
          %dma_start3A_372 = arith.constant 0 : i32
          %dma_start3A_373 = arith.constant 0 : i32
          %dma_start3A_374 = tpu.memref_slice %arg26[%run_scoped3A_281, %dma_start3A_372, %dma_start3A_373] : memref<5x80x48xf32, #tpu.memory_space<vmem>> -> memref<1x80x48xf32, #tpu.memory_space<vmem>>
          %dma_start3A_375 = tpu.memref_squeeze %dma_start3A_374 : memref<1x80x48xf32, #tpu.memory_space<vmem>> -> memref<80x48xf32, #tpu.memory_space<vmem>>
          %dma_start3A_376 = arith.constant 0 : i32
          %dma_start3A_377 = tpu.memref_slice %arg25[%add3A_265, %dma_start3A_376] : memref<250x80xi32, #tpu.memory_space<vmem>> -> memref<1x80xi32, #tpu.memory_space<vmem>>
          %dma_start3A_378 = tpu.memref_squeeze %dma_start3A_377 : memref<1x80xi32, #tpu.memory_space<vmem>> -> memref<80xi32, #tpu.memory_space<vmem>>
          %dma_start3A_379 = arith.constant 0 : i32
          %dma_start3A_380 = arith.constant 0 : i32
          %dma_start3A_381 = tpu.memref_slice %arg22[%dma_start3A_379, %dma_start3A_380] : memref<10000x48xf32, #tpu.memory_space<vmem_shared>> -> memref<10000x48xf32, #tpu.memory_space<vmem_shared>>
          tpu.enqueue_indirect_dma source(%dma_start3A_375 : memref<80x48xf32, #tpu.memory_space<vmem>>) target(%dma_start3A_381 : memref<10000x48xf32, #tpu.memory_space<vmem_shared>>) offsets(%dma_start3A_378 : memref<80xi32, #tpu.memory_space<vmem>>) semaphore(%run_scoped3A_371 : memref<!tpu.dma_semaphore, #tpu.memory_space<semaphore_mem>>) {add = true}
          %dma_wait3A_382 = arith.constant 0 : i32
          %dma_wait3A_383 = arith.constant 0 : i32
          %dma_wait3A_384 = tpu.memref_slice %arg26[%run_scoped3A_281, %dma_wait3A_382, %dma_wait3A_383] : memref<5x80x48xf32, #tpu.memory_space<vmem>> -> memref<1x80x48xf32, #tpu.memory_space<vmem>>
          %dma_wait3A_385 = tpu.memref_squeeze %dma_wait3A_384 : memref<1x80x48xf32, #tpu.memory_space<vmem>> -> memref<80x48xf32, #tpu.memory_space<vmem>>
          %dma_wait3A_386 = arith.constant 0 : i32
          %dma_wait3A_387 = tpu.memref_slice %arg25[%add3A_265, %dma_wait3A_386] : memref<250x80xi32, #tpu.memory_space<vmem>> -> memref<1x80xi32, #tpu.memory_space<vmem>>
          %dma_wait3A_388 = tpu.memref_squeeze %dma_wait3A_387 : memref<1x80xi32, #tpu.memory_space<vmem>> -> memref<80xi32, #tpu.memory_space<vmem>>
          %dma_wait3A_389 = arith.constant 0 : i32
          %dma_wait3A_390 = arith.constant 0 : i32
          %dma_wait3A_391 = tpu.memref_slice %arg22[%dma_wait3A_389, %dma_wait3A_390] : memref<10000x48xf32, #tpu.memory_space<vmem_shared>> -> memref<10000x48xf32, #tpu.memory_space<vmem_shared>>
          tpu.wait_indirect_dma semaphore(%run_scoped3A_371 : memref<!tpu.dma_semaphore, #tpu.memory_space<semaphore_mem>>) src(%dma_wait3A_385 : memref<80x48xf32, #tpu.memory_space<vmem>>) dst(%dma_wait3A_391 : memref<10000x48xf32, #tpu.memory_space<vmem_shared>>)
          tpu.yield
        }) : () -> ()
        %add3A_282 = arith.constant 5 : i32
        %add3A_283 = arith.addi %add3A_265, %add3A_282 : i32
        %lt3A_284 = arith.constant 250 : i32
        %lt3A_285 = arith.cmpi slt, %add3A_283, %lt3A_284 : i32
        %convert_element_type3A_286 = arith.extui %lt3A_285 : i1 to i32
        %cond3A_287 = arith.constant 0 : i32
        %cond3A_288 = arith.cmpi ne, %convert_element_type3A_286, %cond3A_287 : i32
        scf.if %cond3A_288 {
          %add3A_371 = arith.constant 5 : i32
          %add3A_372 = arith.addi %add3A_265, %add3A_371 : i32
          %dma_start3A_373 = arith.constant 1 : i32
          %dma_start3A_374 = arith.constant 0 : i32
          %dma_start3A_375 = arith.constant 0 : i32
          %dma_start3A_376 = tpu.memref_slice %arg26[%dma_start3A_373, %dma_start3A_374, %dma_start3A_375] : memref<5x80x48xf32, #tpu.memory_space<vmem>> -> memref<1x80x48xf32, #tpu.memory_space<vmem>>
          %dma_start3A_377 = tpu.memref_squeeze %dma_start3A_376 : memref<1x80x48xf32, #tpu.memory_space<vmem>> -> memref<80x48xf32, #tpu.memory_space<vmem>>
          %dma_start3A_378 = arith.constant 0 : i32
          %dma_start3A_379 = tpu.memref_slice %arg24[%add3A_372, %dma_start3A_378] : memref<250x80xi32, #tpu.memory_space<vmem>> -> memref<1x80xi32, #tpu.memory_space<vmem>>
          %dma_start3A_380 = tpu.memref_squeeze %dma_start3A_379 : memref<1x80xi32, #tpu.memory_space<vmem>> -> memref<80xi32, #tpu.memory_space<vmem>>
          %dma_start3A_381 = arith.constant 0 : i32
          %dma_start3A_382 = arith.constant 0 : i32
          %dma_start3A_383 = tpu.memref_slice %arg21[%scan3A_121, %dma_start3A_381, %dma_start3A_382] : memref<4x10000x48xf32, #tpu.memory_space<hbm>> -> memref<1x10000x48xf32, #tpu.memory_space<hbm>>
          %dma_start3A_384 = tpu.memref_squeeze %dma_start3A_383 : memref<1x10000x48xf32, #tpu.memory_space<hbm>> -> memref<10000x48xf32, #tpu.memory_space<hbm>>
          %dma_start3A_385 = arith.constant 0 : i32
          %dma_start3A_386 = arith.constant 0 : i32
          %dma_start3A_387 = tpu.memref_slice %dma_start3A_384[%dma_start3A_385, %dma_start3A_386] : memref<10000x48xf32, #tpu.memory_space<hbm>> -> memref<10000x48xf32, #tpu.memory_space<hbm>>
          tpu.enqueue_indirect_dma source(%dma_start3A_387 : memref<10000x48xf32, #tpu.memory_space<hbm>>) target(%dma_start3A_377 : memref<80x48xf32, #tpu.memory_space<vmem>>) offsets(%dma_start3A_380 : memref<80xi32, #tpu.memory_space<vmem>>) semaphore(%arg35 : memref<!tpu.dma_semaphore, #tpu.memory_space<semaphore_mem>>)
        } else {
        }
        %mul3A_289 = arith.constant 5 : i32
        %mul3A_290 = arith.muli %scan3A_235, %mul3A_289 : i32
        %add3A_291 = arith.constant 2 : i32
        %add3A_292 = arith.addi %mul3A_290, %add3A_291 : i32
        %dma_wait3A_293 = arith.constant 2 : i32
        %dma_wait3A_294 = arith.constant 0 : i32
        %dma_wait3A_295 = arith.constant 0 : i32
        %dma_wait3A_296 = tpu.memref_slice %arg26[%dma_wait3A_293, %dma_wait3A_294, %dma_wait3A_295] : memref<5x80x48xf32, #tpu.memory_space<vmem>> -> memref<1x80x48xf32, #tpu.memory_space<vmem>>
        %dma_wait3A_297 = tpu.memref_squeeze %dma_wait3A_296 : memref<1x80x48xf32, #tpu.memory_space<vmem>> -> memref<80x48xf32, #tpu.memory_space<vmem>>
        %dma_wait3A_298 = arith.constant 0 : i32
        %dma_wait3A_299 = tpu.memref_slice %arg24[%add3A_292, %dma_wait3A_298] : memref<250x80xi32, #tpu.memory_space<vmem>> -> memref<1x80xi32, #tpu.memory_space<vmem>>
        %dma_wait3A_300 = tpu.memref_squeeze %dma_wait3A_299 : memref<1x80xi32, #tpu.memory_space<vmem>> -> memref<80xi32, #tpu.memory_space<vmem>>
        %dma_wait3A_301 = arith.constant 0 : i32
        %dma_wait3A_302 = arith.constant 0 : i32
        %dma_wait3A_303 = tpu.memref_slice %arg21[%scan3A_121, %dma_wait3A_301, %dma_wait3A_302] : memref<4x10000x48xf32, #tpu.memory_space<hbm>> -> memref<1x10000x48xf32, #tpu.memory_space<hbm>>
        %dma_wait3A_304 = tpu.memref_squeeze %dma_wait3A_303 : memref<1x10000x48xf32, #tpu.memory_space<hbm>> -> memref<10000x48xf32, #tpu.memory_space<hbm>>
        %dma_wait3A_305 = arith.constant 0 : i32
        %dma_wait3A_306 = arith.constant 0 : i32
        %dma_wait3A_307 = tpu.memref_slice %dma_wait3A_304[%dma_wait3A_305, %dma_wait3A_306] : memref<10000x48xf32, #tpu.memory_space<hbm>> -> memref<10000x48xf32, #tpu.memory_space<hbm>>
        tpu.wait_indirect_dma semaphore(%arg36 : memref<!tpu.dma_semaphore, #tpu.memory_space<semaphore_mem>>) src(%dma_wait3A_307 : memref<10000x48xf32, #tpu.memory_space<hbm>>) dst(%dma_wait3A_297 : memref<80x48xf32, #tpu.memory_space<vmem>>)
        %run_scoped3A_308 = arith.constant 2 : i32
        "tpu.region"() ({
          %run_scoped3A_371 = tpu.sem_alloc : memref<!tpu.dma_semaphore, #tpu.memory_space<semaphore_mem>>
          %dma_start3A_372 = arith.constant 0 : i32
          %dma_start3A_373 = arith.constant 0 : i32
          %dma_start3A_374 = tpu.memref_slice %arg26[%run_scoped3A_308, %dma_start3A_372, %dma_start3A_373] : memref<5x80x48xf32, #tpu.memory_space<vmem>> -> memref<1x80x48xf32, #tpu.memory_space<vmem>>
          %dma_start3A_375 = tpu.memref_squeeze %dma_start3A_374 : memref<1x80x48xf32, #tpu.memory_space<vmem>> -> memref<80x48xf32, #tpu.memory_space<vmem>>
          %dma_start3A_376 = arith.constant 0 : i32
          %dma_start3A_377 = tpu.memref_slice %arg25[%add3A_292, %dma_start3A_376] : memref<250x80xi32, #tpu.memory_space<vmem>> -> memref<1x80xi32, #tpu.memory_space<vmem>>
          %dma_start3A_378 = tpu.memref_squeeze %dma_start3A_377 : memref<1x80xi32, #tpu.memory_space<vmem>> -> memref<80xi32, #tpu.memory_space<vmem>>
          %dma_start3A_379 = arith.constant 0 : i32
          %dma_start3A_380 = arith.constant 0 : i32
          %dma_start3A_381 = tpu.memref_slice %arg22[%dma_start3A_379, %dma_start3A_380] : memref<10000x48xf32, #tpu.memory_space<vmem_shared>> -> memref<10000x48xf32, #tpu.memory_space<vmem_shared>>
          tpu.enqueue_indirect_dma source(%dma_start3A_375 : memref<80x48xf32, #tpu.memory_space<vmem>>) target(%dma_start3A_381 : memref<10000x48xf32, #tpu.memory_space<vmem_shared>>) offsets(%dma_start3A_378 : memref<80xi32, #tpu.memory_space<vmem>>) semaphore(%run_scoped3A_371 : memref<!tpu.dma_semaphore, #tpu.memory_space<semaphore_mem>>) {add = true}
          %dma_wait3A_382 = arith.constant 0 : i32
          %dma_wait3A_383 = arith.constant 0 : i32
          %dma_wait3A_384 = tpu.memref_slice %arg26[%run_scoped3A_308, %dma_wait3A_382, %dma_wait3A_383] : memref<5x80x48xf32, #tpu.memory_space<vmem>> -> memref<1x80x48xf32, #tpu.memory_space<vmem>>
          %dma_wait3A_385 = tpu.memref_squeeze %dma_wait3A_384 : memref<1x80x48xf32, #tpu.memory_space<vmem>> -> memref<80x48xf32, #tpu.memory_space<vmem>>
          %dma_wait3A_386 = arith.constant 0 : i32
          %dma_wait3A_387 = tpu.memref_slice %arg25[%add3A_292, %dma_wait3A_386] : memref<250x80xi32, #tpu.memory_space<vmem>> -> memref<1x80xi32, #tpu.memory_space<vmem>>
          %dma_wait3A_388 = tpu.memref_squeeze %dma_wait3A_387 : memref<1x80xi32, #tpu.memory_space<vmem>> -> memref<80xi32, #tpu.memory_space<vmem>>
          %dma_wait3A_389 = arith.constant 0 : i32
          %dma_wait3A_390 = arith.constant 0 : i32
          %dma_wait3A_391 = tpu.memref_slice %arg22[%dma_wait3A_389, %dma_wait3A_390] : memref<10000x48xf32, #tpu.memory_space<vmem_shared>> -> memref<10000x48xf32, #tpu.memory_space<vmem_shared>>
          tpu.wait_indirect_dma semaphore(%run_scoped3A_371 : memref<!tpu.dma_semaphore, #tpu.memory_space<semaphore_mem>>) src(%dma_wait3A_385 : memref<80x48xf32, #tpu.memory_space<vmem>>) dst(%dma_wait3A_391 : memref<10000x48xf32, #tpu.memory_space<vmem_shared>>)
          tpu.yield
        }) : () -> ()
        %add3A_309 = arith.constant 5 : i32
        %add3A_310 = arith.addi %add3A_292, %add3A_309 : i32
        %lt3A_311 = arith.constant 250 : i32
        %lt3A_312 = arith.cmpi slt, %add3A_310, %lt3A_311 : i32
        %convert_element_type3A_313 = arith.extui %lt3A_312 : i1 to i32
        %cond3A_314 = arith.constant 0 : i32
        %cond3A_315 = arith.cmpi ne, %convert_element_type3A_313, %cond3A_314 : i32
        scf.if %cond3A_315 {
          %add3A_371 = arith.constant 5 : i32
          %add3A_372 = arith.addi %add3A_292, %add3A_371 : i32
          %dma_start3A_373 = arith.constant 2 : i32
          %dma_start3A_374 = arith.constant 0 : i32
          %dma_start3A_375 = arith.constant 0 : i32
          %dma_start3A_376 = tpu.memref_slice %arg26[%dma_start3A_373, %dma_start3A_374, %dma_start3A_375] : memref<5x80x48xf32, #tpu.memory_space<vmem>> -> memref<1x80x48xf32, #tpu.memory_space<vmem>>
          %dma_start3A_377 = tpu.memref_squeeze %dma_start3A_376 : memref<1x80x48xf32, #tpu.memory_space<vmem>> -> memref<80x48xf32, #tpu.memory_space<vmem>>
          %dma_start3A_378 = arith.constant 0 : i32
          %dma_start3A_379 = tpu.memref_slice %arg24[%add3A_372, %dma_start3A_378] : memref<250x80xi32, #tpu.memory_space<vmem>> -> memref<1x80xi32, #tpu.memory_space<vmem>>
          %dma_start3A_380 = tpu.memref_squeeze %dma_start3A_379 : memref<1x80xi32, #tpu.memory_space<vmem>> -> memref<80xi32, #tpu.memory_space<vmem>>
          %dma_start3A_381 = arith.constant 0 : i32
          %dma_start3A_382 = arith.constant 0 : i32
          %dma_start3A_383 = tpu.memref_slice %arg21[%scan3A_121, %dma_start3A_381, %dma_start3A_382] : memref<4x10000x48xf32, #tpu.memory_space<hbm>> -> memref<1x10000x48xf32, #tpu.memory_space<hbm>>
          %dma_start3A_384 = tpu.memref_squeeze %dma_start3A_383 : memref<1x10000x48xf32, #tpu.memory_space<hbm>> -> memref<10000x48xf32, #tpu.memory_space<hbm>>
          %dma_start3A_385 = arith.constant 0 : i32
          %dma_start3A_386 = arith.constant 0 : i32
          %dma_start3A_387 = tpu.memref_slice %dma_start3A_384[%dma_start3A_385, %dma_start3A_386] : memref<10000x48xf32, #tpu.memory_space<hbm>> -> memref<10000x48xf32, #tpu.memory_space<hbm>>
          tpu.enqueue_indirect_dma source(%dma_start3A_387 : memref<10000x48xf32, #tpu.memory_space<hbm>>) target(%dma_start3A_377 : memref<80x48xf32, #tpu.memory_space<vmem>>) offsets(%dma_start3A_380 : memref<80xi32, #tpu.memory_space<vmem>>) semaphore(%arg36 : memref<!tpu.dma_semaphore, #tpu.memory_space<semaphore_mem>>)
        } else {
        }
        %mul3A_316 = arith.constant 5 : i32
        %mul3A_317 = arith.muli %scan3A_235, %mul3A_316 : i32
        %add3A_318 = arith.constant 3 : i32
        %add3A_319 = arith.addi %mul3A_317, %add3A_318 : i32
        %dma_wait3A_320 = arith.constant 3 : i32
        %dma_wait3A_321 = arith.constant 0 : i32
        %dma_wait3A_322 = arith.constant 0 : i32
        %dma_wait3A_323 = tpu.memref_slice %arg26[%dma_wait3A_320, %dma_wait3A_321, %dma_wait3A_322] : memref<5x80x48xf32, #tpu.memory_space<vmem>> -> memref<1x80x48xf32, #tpu.memory_space<vmem>>
        %dma_wait3A_324 = tpu.memref_squeeze %dma_wait3A_323 : memref<1x80x48xf32, #tpu.memory_space<vmem>> -> memref<80x48xf32, #tpu.memory_space<vmem>>
        %dma_wait3A_325 = arith.constant 0 : i32
        %dma_wait3A_326 = tpu.memref_slice %arg24[%add3A_319, %dma_wait3A_325] : memref<250x80xi32, #tpu.memory_space<vmem>> -> memref<1x80xi32, #tpu.memory_space<vmem>>
        %dma_wait3A_327 = tpu.memref_squeeze %dma_wait3A_326 : memref<1x80xi32, #tpu.memory_space<vmem>> -> memref<80xi32, #tpu.memory_space<vmem>>
        %dma_wait3A_328 = arith.constant 0 : i32
        %dma_wait3A_329 = arith.constant 0 : i32
        %dma_wait3A_330 = tpu.memref_slice %arg21[%scan3A_121, %dma_wait3A_328, %dma_wait3A_329] : memref<4x10000x48xf32, #tpu.memory_space<hbm>> -> memref<1x10000x48xf32, #tpu.memory_space<hbm>>
        %dma_wait3A_331 = tpu.memref_squeeze %dma_wait3A_330 : memref<1x10000x48xf32, #tpu.memory_space<hbm>> -> memref<10000x48xf32, #tpu.memory_space<hbm>>
        %dma_wait3A_332 = arith.constant 0 : i32
        %dma_wait3A_333 = arith.constant 0 : i32
        %dma_wait3A_334 = tpu.memref_slice %dma_wait3A_331[%dma_wait3A_332, %dma_wait3A_333] : memref<10000x48xf32, #tpu.memory_space<hbm>> -> memref<10000x48xf32, #tpu.memory_space<hbm>>
        tpu.wait_indirect_dma semaphore(%arg37 : memref<!tpu.dma_semaphore, #tpu.memory_space<semaphore_mem>>) src(%dma_wait3A_334 : memref<10000x48xf32, #tpu.memory_space<hbm>>) dst(%dma_wait3A_324 : memref<80x48xf32, #tpu.memory_space<vmem>>)
        %run_scoped3A_335 = arith.constant 3 : i32
        "tpu.region"() ({
          %run_scoped3A_371 = tpu.sem_alloc : memref<!tpu.dma_semaphore, #tpu.memory_space<semaphore_mem>>
          %dma_start3A_372 = arith.constant 0 : i32
          %dma_start3A_373 = arith.constant 0 : i32
          %dma_start3A_374 = tpu.memref_slice %arg26[%run_scoped3A_335, %dma_start3A_372, %dma_start3A_373] : memref<5x80x48xf32, #tpu.memory_space<vmem>> -> memref<1x80x48xf32, #tpu.memory_space<vmem>>
          %dma_start3A_375 = tpu.memref_squeeze %dma_start3A_374 : memref<1x80x48xf32, #tpu.memory_space<vmem>> -> memref<80x48xf32, #tpu.memory_space<vmem>>
          %dma_start3A_376 = arith.constant 0 : i32
          %dma_start3A_377 = tpu.memref_slice %arg25[%add3A_319, %dma_start3A_376] : memref<250x80xi32, #tpu.memory_space<vmem>> -> memref<1x80xi32, #tpu.memory_space<vmem>>
          %dma_start3A_378 = tpu.memref_squeeze %dma_start3A_377 : memref<1x80xi32, #tpu.memory_space<vmem>> -> memref<80xi32, #tpu.memory_space<vmem>>
          %dma_start3A_379 = arith.constant 0 : i32
          %dma_start3A_380 = arith.constant 0 : i32
          %dma_start3A_381 = tpu.memref_slice %arg22[%dma_start3A_379, %dma_start3A_380] : memref<10000x48xf32, #tpu.memory_space<vmem_shared>> -> memref<10000x48xf32, #tpu.memory_space<vmem_shared>>
          tpu.enqueue_indirect_dma source(%dma_start3A_375 : memref<80x48xf32, #tpu.memory_space<vmem>>) target(%dma_start3A_381 : memref<10000x48xf32, #tpu.memory_space<vmem_shared>>) offsets(%dma_start3A_378 : memref<80xi32, #tpu.memory_space<vmem>>) semaphore(%run_scoped3A_371 : memref<!tpu.dma_semaphore, #tpu.memory_space<semaphore_mem>>) {add = true}
          %dma_wait3A_382 = arith.constant 0 : i32
          %dma_wait3A_383 = arith.constant 0 : i32
          %dma_wait3A_384 = tpu.memref_slice %arg26[%run_scoped3A_335, %dma_wait3A_382, %dma_wait3A_383] : memref<5x80x48xf32, #tpu.memory_space<vmem>> -> memref<1x80x48xf32, #tpu.memory_space<vmem>>
          %dma_wait3A_385 = tpu.memref_squeeze %dma_wait3A_384 : memref<1x80x48xf32, #tpu.memory_space<vmem>> -> memref<80x48xf32, #tpu.memory_space<vmem>>
          %dma_wait3A_386 = arith.constant 0 : i32
          %dma_wait3A_387 = tpu.memref_slice %arg25[%add3A_319, %dma_wait3A_386] : memref<250x80xi32, #tpu.memory_space<vmem>> -> memref<1x80xi32, #tpu.memory_space<vmem>>
          %dma_wait3A_388 = tpu.memref_squeeze %dma_wait3A_387 : memref<1x80xi32, #tpu.memory_space<vmem>> -> memref<80xi32, #tpu.memory_space<vmem>>
          %dma_wait3A_389 = arith.constant 0 : i32
          %dma_wait3A_390 = arith.constant 0 : i32
          %dma_wait3A_391 = tpu.memref_slice %arg22[%dma_wait3A_389, %dma_wait3A_390] : memref<10000x48xf32, #tpu.memory_space<vmem_shared>> -> memref<10000x48xf32, #tpu.memory_space<vmem_shared>>
          tpu.wait_indirect_dma semaphore(%run_scoped3A_371 : memref<!tpu.dma_semaphore, #tpu.memory_space<semaphore_mem>>) src(%dma_wait3A_385 : memref<80x48xf32, #tpu.memory_space<vmem>>) dst(%dma_wait3A_391 : memref<10000x48xf32, #tpu.memory_space<vmem_shared>>)
          tpu.yield
        }) : () -> ()
        %add3A_336 = arith.constant 5 : i32
        %add3A_337 = arith.addi %add3A_319, %add3A_336 : i32
        %lt3A_338 = arith.constant 250 : i32
        %lt3A_339 = arith.cmpi slt, %add3A_337, %lt3A_338 : i32
        %convert_element_type3A_340 = arith.extui %lt3A_339 : i1 to i32
        %cond3A_341 = arith.constant 0 : i32
        %cond3A_342 = arith.cmpi ne, %convert_element_type3A_340, %cond3A_341 : i32
        scf.if %cond3A_342 {
          %add3A_371 = arith.constant 5 : i32
          %add3A_372 = arith.addi %add3A_319, %add3A_371 : i32
          %dma_start3A_373 = arith.constant 3 : i32
          %dma_start3A_374 = arith.constant 0 : i32
          %dma_start3A_375 = arith.constant 0 : i32
          %dma_start3A_376 = tpu.memref_slice %arg26[%dma_start3A_373, %dma_start3A_374, %dma_start3A_375] : memref<5x80x48xf32, #tpu.memory_space<vmem>> -> memref<1x80x48xf32, #tpu.memory_space<vmem>>
          %dma_start3A_377 = tpu.memref_squeeze %dma_start3A_376 : memref<1x80x48xf32, #tpu.memory_space<vmem>> -> memref<80x48xf32, #tpu.memory_space<vmem>>
          %dma_start3A_378 = arith.constant 0 : i32
          %dma_start3A_379 = tpu.memref_slice %arg24[%add3A_372, %dma_start3A_378] : memref<250x80xi32, #tpu.memory_space<vmem>> -> memref<1x80xi32, #tpu.memory_space<vmem>>
          %dma_start3A_380 = tpu.memref_squeeze %dma_start3A_379 : memref<1x80xi32, #tpu.memory_space<vmem>> -> memref<80xi32, #tpu.memory_space<vmem>>
          %dma_start3A_381 = arith.constant 0 : i32
          %dma_start3A_382 = arith.constant 0 : i32
          %dma_start3A_383 = tpu.memref_slice %arg21[%scan3A_121, %dma_start3A_381, %dma_start3A_382] : memref<4x10000x48xf32, #tpu.memory_space<hbm>> -> memref<1x10000x48xf32, #tpu.memory_space<hbm>>
          %dma_start3A_384 = tpu.memref_squeeze %dma_start3A_383 : memref<1x10000x48xf32, #tpu.memory_space<hbm>> -> memref<10000x48xf32, #tpu.memory_space<hbm>>
          %dma_start3A_385 = arith.constant 0 : i32
          %dma_start3A_386 = arith.constant 0 : i32
          %dma_start3A_387 = tpu.memref_slice %dma_start3A_384[%dma_start3A_385, %dma_start3A_386] : memref<10000x48xf32, #tpu.memory_space<hbm>> -> memref<10000x48xf32, #tpu.memory_space<hbm>>
          tpu.enqueue_indirect_dma source(%dma_start3A_387 : memref<10000x48xf32, #tpu.memory_space<hbm>>) target(%dma_start3A_377 : memref<80x48xf32, #tpu.memory_space<vmem>>) offsets(%dma_start3A_380 : memref<80xi32, #tpu.memory_space<vmem>>) semaphore(%arg37 : memref<!tpu.dma_semaphore, #tpu.memory_space<semaphore_mem>>)
        } else {
        }
        %mul3A_343 = arith.constant 5 : i32
        %mul3A_344 = arith.muli %scan3A_235, %mul3A_343 : i32
        %add3A_345 = arith.constant 4 : i32
        %add3A_346 = arith.addi %mul3A_344, %add3A_345 : i32
        %dma_wait3A_347 = arith.constant 4 : i32
        %dma_wait3A_348 = arith.constant 0 : i32
        %dma_wait3A_349 = arith.constant 0 : i32
        %dma_wait3A_350 = tpu.memref_slice %arg26[%dma_wait3A_347, %dma_wait3A_348, %dma_wait3A_349] : memref<5x80x48xf32, #tpu.memory_space<vmem>> -> memref<1x80x48xf32, #tpu.memory_space<vmem>>
        %dma_wait3A_351 = tpu.memref_squeeze %dma_wait3A_350 : memref<1x80x48xf32, #tpu.memory_space<vmem>> -> memref<80x48xf32, #tpu.memory_space<vmem>>
        %dma_wait3A_352 = arith.constant 0 : i32
        %dma_wait3A_353 = tpu.memref_slice %arg24[%add3A_346, %dma_wait3A_352] : memref<250x80xi32, #tpu.memory_space<vmem>> -> memref<1x80xi32, #tpu.memory_space<vmem>>
        %dma_wait3A_354 = tpu.memref_squeeze %dma_wait3A_353 : memref<1x80xi32, #tpu.memory_space<vmem>> -> memref<80xi32, #tpu.memory_space<vmem>>
        %dma_wait3A_355 = arith.constant 0 : i32
        %dma_wait3A_356 = arith.constant 0 : i32
        %dma_wait3A_357 = tpu.memref_slice %arg21[%scan3A_121, %dma_wait3A_355, %dma_wait3A_356] : memref<4x10000x48xf32, #tpu.memory_space<hbm>> -> memref<1x10000x48xf32, #tpu.memory_space<hbm>>
        %dma_wait3A_358 = tpu.memref_squeeze %dma_wait3A_357 : memref<1x10000x48xf32, #tpu.memory_space<hbm>> -> memref<10000x48xf32, #tpu.memory_space<hbm>>
        %dma_wait3A_359 = arith.constant 0 : i32
        %dma_wait3A_360 = arith.constant 0 : i32
        %dma_wait3A_361 = tpu.memref_slice %dma_wait3A_358[%dma_wait3A_359, %dma_wait3A_360] : memref<10000x48xf32, #tpu.memory_space<hbm>> -> memref<10000x48xf32, #tpu.memory_space<hbm>>
        tpu.wait_indirect_dma semaphore(%arg38 : memref<!tpu.dma_semaphore, #tpu.memory_space<semaphore_mem>>) src(%dma_wait3A_361 : memref<10000x48xf32, #tpu.memory_space<hbm>>) dst(%dma_wait3A_351 : memref<80x48xf32, #tpu.memory_space<vmem>>)
        %run_scoped3A_362 = arith.constant 4 : i32
        "tpu.region"() ({
          %run_scoped3A_371 = tpu.sem_alloc : memref<!tpu.dma_semaphore, #tpu.memory_space<semaphore_mem>>
          %dma_start3A_372 = arith.constant 0 : i32
          %dma_start3A_373 = arith.constant 0 : i32
          %dma_start3A_374 = tpu.memref_slice %arg26[%run_scoped3A_362, %dma_start3A_372, %dma_start3A_373] : memref<5x80x48xf32, #tpu.memory_space<vmem>> -> memref<1x80x48xf32, #tpu.memory_space<vmem>>
          %dma_start3A_375 = tpu.memref_squeeze %dma_start3A_374 : memref<1x80x48xf32, #tpu.memory_space<vmem>> -> memref<80x48xf32, #tpu.memory_space<vmem>>
          %dma_start3A_376 = arith.constant 0 : i32
          %dma_start3A_377 = tpu.memref_slice %arg25[%add3A_346, %dma_start3A_376] : memref<250x80xi32, #tpu.memory_space<vmem>> -> memref<1x80xi32, #tpu.memory_space<vmem>>
          %dma_start3A_378 = tpu.memref_squeeze %dma_start3A_377 : memref<1x80xi32, #tpu.memory_space<vmem>> -> memref<80xi32, #tpu.memory_space<vmem>>
          %dma_start3A_379 = arith.constant 0 : i32
          %dma_start3A_380 = arith.constant 0 : i32
          %dma_start3A_381 = tpu.memref_slice %arg22[%dma_start3A_379, %dma_start3A_380] : memref<10000x48xf32, #tpu.memory_space<vmem_shared>> -> memref<10000x48xf32, #tpu.memory_space<vmem_shared>>
          tpu.enqueue_indirect_dma source(%dma_start3A_375 : memref<80x48xf32, #tpu.memory_space<vmem>>) target(%dma_start3A_381 : memref<10000x48xf32, #tpu.memory_space<vmem_shared>>) offsets(%dma_start3A_378 : memref<80xi32, #tpu.memory_space<vmem>>) semaphore(%run_scoped3A_371 : memref<!tpu.dma_semaphore, #tpu.memory_space<semaphore_mem>>) {add = true}
          %dma_wait3A_382 = arith.constant 0 : i32
          %dma_wait3A_383 = arith.constant 0 : i32
          %dma_wait3A_384 = tpu.memref_slice %arg26[%run_scoped3A_362, %dma_wait3A_382, %dma_wait3A_383] : memref<5x80x48xf32, #tpu.memory_space<vmem>> -> memref<1x80x48xf32, #tpu.memory_space<vmem>>
          %dma_wait3A_385 = tpu.memref_squeeze %dma_wait3A_384 : memref<1x80x48xf32, #tpu.memory_space<vmem>> -> memref<80x48xf32, #tpu.memory_space<vmem>>
          %dma_wait3A_386 = arith.constant 0 : i32
          %dma_wait3A_387 = tpu.memref_slice %arg25[%add3A_346, %dma_wait3A_386] : memref<250x80xi32, #tpu.memory_space<vmem>> -> memref<1x80xi32, #tpu.memory_space<vmem>>
          %dma_wait3A_388 = tpu.memref_squeeze %dma_wait3A_387 : memref<1x80xi32, #tpu.memory_space<vmem>> -> memref<80xi32, #tpu.memory_space<vmem>>
          %dma_wait3A_389 = arith.constant 0 : i32
          %dma_wait3A_390 = arith.constant 0 : i32
          %dma_wait3A_391 = tpu.memref_slice %arg22[%dma_wait3A_389, %dma_wait3A_390] : memref<10000x48xf32, #tpu.memory_space<vmem_shared>> -> memref<10000x48xf32, #tpu.memory_space<vmem_shared>>
          tpu.wait_indirect_dma semaphore(%run_scoped3A_371 : memref<!tpu.dma_semaphore, #tpu.memory_space<semaphore_mem>>) src(%dma_wait3A_385 : memref<80x48xf32, #tpu.memory_space<vmem>>) dst(%dma_wait3A_391 : memref<10000x48xf32, #tpu.memory_space<vmem_shared>>)
          tpu.yield
        }) : () -> ()
        %add3A_363 = arith.constant 5 : i32
        %add3A_364 = arith.addi %add3A_346, %add3A_363 : i32
        %lt3A_365 = arith.constant 250 : i32
        %lt3A_366 = arith.cmpi slt, %add3A_364, %lt3A_365 : i32
        %convert_element_type3A_367 = arith.extui %lt3A_366 : i1 to i32
        %cond3A_368 = arith.constant 0 : i32
        %cond3A_369 = arith.cmpi ne, %convert_element_type3A_367, %cond3A_368 : i32
        scf.if %cond3A_369 {
          %add3A_371 = arith.constant 5 : i32
          %add3A_372 = arith.addi %add3A_346, %add3A_371 : i32
          %dma_start3A_373 = arith.constant 4 : i32
          %dma_start3A_374 = arith.constant 0 : i32
          %dma_start3A_375 = arith.constant 0 : i32
          %dma_start3A_376 = tpu.memref_slice %arg26[%dma_start3A_373, %dma_start3A_374, %dma_start3A_375] : memref<5x80x48xf32, #tpu.memory_space<vmem>> -> memref<1x80x48xf32, #tpu.memory_space<vmem>>
          %dma_start3A_377 = tpu.memref_squeeze %dma_start3A_376 : memref<1x80x48xf32, #tpu.memory_space<vmem>> -> memref<80x48xf32, #tpu.memory_space<vmem>>
          %dma_start3A_378 = arith.constant 0 : i32
          %dma_start3A_379 = tpu.memref_slice %arg24[%add3A_372, %dma_start3A_378] : memref<250x80xi32, #tpu.memory_space<vmem>> -> memref<1x80xi32, #tpu.memory_space<vmem>>
          %dma_start3A_380 = tpu.memref_squeeze %dma_start3A_379 : memref<1x80xi32, #tpu.memory_space<vmem>> -> memref<80xi32, #tpu.memory_space<vmem>>
          %dma_start3A_381 = arith.constant 0 : i32
          %dma_start3A_382 = arith.constant 0 : i32
          %dma_start3A_383 = tpu.memref_slice %arg21[%scan3A_121, %dma_start3A_381, %dma_start3A_382] : memref<4x10000x48xf32, #tpu.memory_space<hbm>> -> memref<1x10000x48xf32, #tpu.memory_space<hbm>>
          %dma_start3A_384 = tpu.memref_squeeze %dma_start3A_383 : memref<1x10000x48xf32, #tpu.memory_space<hbm>> -> memref<10000x48xf32, #tpu.memory_space<hbm>>
          %dma_start3A_385 = arith.constant 0 : i32
          %dma_start3A_386 = arith.constant 0 : i32
          %dma_start3A_387 = tpu.memref_slice %dma_start3A_384[%dma_start3A_385, %dma_start3A_386] : memref<10000x48xf32, #tpu.memory_space<hbm>> -> memref<10000x48xf32, #tpu.memory_space<hbm>>
          tpu.enqueue_indirect_dma source(%dma_start3A_387 : memref<10000x48xf32, #tpu.memory_space<hbm>>) target(%dma_start3A_377 : memref<80x48xf32, #tpu.memory_space<vmem>>) offsets(%dma_start3A_380 : memref<80xi32, #tpu.memory_space<vmem>>) semaphore(%arg38 : memref<!tpu.dma_semaphore, #tpu.memory_space<semaphore_mem>>)
        } else {
        }
        %scan3A_370 = arith.constant 0 : i32
        scf.yield %scan3A_370 : i32
      }
      %scan3A_128 = arith.constant 50 : i32
      %barrier3A_129 = arith.constant 0 : index
      tpu.barrier barrier_id(%barrier3A_129)
      %dma_start3A_130 = arith.constant 2 : i32
      %dma_start3A_131 = arith.constant 0 : i32
      %dma_start3A_132 = tpu.memref_slice %arg20[%dma_start3A_130, %multiple_of3A, %dma_start3A_131] : memref<4x10000x48xf32, #tpu.memory_space<hbm>> -> memref<1x625x48xf32, #tpu.memory_space<hbm>>
      %dma_start3A_133 = tpu.memref_squeeze %dma_start3A_132 : memref<1x625x48xf32, #tpu.memory_space<hbm>> -> memref<625x48xf32, #tpu.memory_space<hbm>>
      %dma_start3A_134 = arith.constant 0 : i32
      %dma_start3A_135 = tpu.memref_slice %arg22[%multiple_of3A, %dma_start3A_134] : memref<10000x48xf32, #tpu.memory_space<vmem_shared>> -> memref<625x48xf32, #tpu.memory_space<vmem_shared>>
      tpu.enqueue_dma source(%dma_start3A_135 : memref<625x48xf32, #tpu.memory_space<vmem_shared>>) target(%dma_start3A_133 : memref<625x48xf32, #tpu.memory_space<hbm>>) target_semaphore(%arg39 : memref<!tpu.dma_semaphore, #tpu.memory_space<semaphore_mem>>)
      "tpu.region"() ({
        %run_scoped3A_235 = tpu.sem_alloc : memref<!tpu.dma_semaphore, #tpu.memory_space<semaphore_mem>>
        %dma_start3A_236 = arith.constant 0 : i32
        %dma_start3A_237 = tpu.memref_slice %arg15[%mul3A_24, %dma_start3A_236] : memref<4000x80xi32, #tpu.memory_space<hbm>> -> memref<250x80xi32, #tpu.memory_space<hbm>>
        %dma_start3A_238 = arith.constant 0 : i32
        %dma_start3A_239 = tpu.memref_slice %arg15[%mul3A_24, %dma_start3A_238] : memref<4000x80xi32, #tpu.memory_space<hbm>> -> memref<250x80xi32, #tpu.memory_space<hbm>>
        tpu.enqueue_dma source(%dma_start3A_239 : memref<250x80xi32, #tpu.memory_space<hbm>>) target(%arg24 : memref<250x80xi32, #tpu.memory_space<vmem>>) target_semaphore(%run_scoped3A_235 : memref<!tpu.dma_semaphore, #tpu.memory_space<semaphore_mem>>)
        %dma_wait3A_240 = arith.constant 0 : i32
        %dma_wait3A_241 = tpu.memref_slice %arg15[%mul3A_24, %dma_wait3A_240] : memref<4000x80xi32, #tpu.memory_space<hbm>> -> memref<250x80xi32, #tpu.memory_space<hbm>>
        %dma_wait3A_242 = arith.constant 0 : i32
        %dma_wait3A_243 = tpu.memref_slice %arg15[%mul3A_24, %dma_wait3A_242] : memref<4000x80xi32, #tpu.memory_space<hbm>> -> memref<250x80xi32, #tpu.memory_space<hbm>>
        tpu.wait_dma2 semaphore(%run_scoped3A_235 : memref<!tpu.dma_semaphore, #tpu.memory_space<semaphore_mem>>) src(%dma_wait3A_243 : memref<250x80xi32, #tpu.memory_space<hbm>>) dst(%arg24 : memref<250x80xi32, #tpu.memory_space<vmem>>)
        tpu.yield
      }) : () -> ()
      "tpu.region"() ({
        %run_scoped3A_235 = tpu.sem_alloc : memref<!tpu.dma_semaphore, #tpu.memory_space<semaphore_mem>>
        %dma_start3A_236 = arith.constant 0 : i32
        %dma_start3A_237 = tpu.memref_slice %arg19[%mul3A_24, %dma_start3A_236] : memref<4000x80xi32, #tpu.memory_space<hbm>> -> memref<250x80xi32, #tpu.memory_space<hbm>>
        %dma_start3A_238 = arith.constant 0 : i32
        %dma_start3A_239 = tpu.memref_slice %arg19[%mul3A_24, %dma_start3A_238] : memref<4000x80xi32, #tpu.memory_space<hbm>> -> memref<250x80xi32, #tpu.memory_space<hbm>>
        tpu.enqueue_dma source(%dma_start3A_239 : memref<250x80xi32, #tpu.memory_space<hbm>>) target(%arg25 : memref<250x80xi32, #tpu.memory_space<vmem>>) target_semaphore(%run_scoped3A_235 : memref<!tpu.dma_semaphore, #tpu.memory_space<semaphore_mem>>)
        %dma_wait3A_240 = arith.constant 0 : i32
        %dma_wait3A_241 = tpu.memref_slice %arg19[%mul3A_24, %dma_wait3A_240] : memref<4000x80xi32, #tpu.memory_space<hbm>> -> memref<250x80xi32, #tpu.memory_space<hbm>>
        %dma_wait3A_242 = arith.constant 0 : i32
        %dma_wait3A_243 = tpu.memref_slice %arg19[%mul3A_24, %dma_wait3A_242] : memref<4000x80xi32, #tpu.memory_space<hbm>> -> memref<250x80xi32, #tpu.memory_space<hbm>>
        tpu.wait_dma2 semaphore(%run_scoped3A_235 : memref<!tpu.dma_semaphore, #tpu.memory_space<semaphore_mem>>) src(%dma_wait3A_243 : memref<250x80xi32, #tpu.memory_space<hbm>>) dst(%arg25 : memref<250x80xi32, #tpu.memory_space<vmem>>)
        tpu.yield
      }) : () -> ()
      %dma_start3A_136 = arith.constant 3 : i32
      %dma_start3A_137 = arith.constant 0 : i32
      %dma_start3A_138 = arith.constant 0 : i32
      %dma_start3A_139 = arith.constant 0 : i32
      %dma_start3A_140 = arith.constant 0 : i32
      %dma_start3A_141 = tpu.memref_slice %arg26[%dma_start3A_138, %dma_start3A_139, %dma_start3A_140] : memref<5x80x48xf32, #tpu.memory_space<vmem>> -> memref<1x80x48xf32, #tpu.memory_space<vmem>>
      %dma_start3A_142 = tpu.memref_squeeze %dma_start3A_141 : memref<1x80x48xf32, #tpu.memory_space<vmem>> -> memref<80x48xf32, #tpu.memory_space<vmem>>
      %dma_start3A_143 = arith.constant 0 : i32
      %dma_start3A_144 = tpu.memref_slice %arg24[%dma_start3A_137, %dma_start3A_143] : memref<250x80xi32, #tpu.memory_space<vmem>> -> memref<1x80xi32, #tpu.memory_space<vmem>>
      %dma_start3A_145 = tpu.memref_squeeze %dma_start3A_144 : memref<1x80xi32, #tpu.memory_space<vmem>> -> memref<80xi32, #tpu.memory_space<vmem>>
      %dma_start3A_146 = arith.constant 0 : i32
      %dma_start3A_147 = arith.constant 0 : i32
      %dma_start3A_148 = tpu.memref_slice %arg21[%dma_start3A_136, %dma_start3A_146, %dma_start3A_147] : memref<4x10000x48xf32, #tpu.memory_space<hbm>> -> memref<1x10000x48xf32, #tpu.memory_space<hbm>>
      %dma_start3A_149 = tpu.memref_squeeze %dma_start3A_148 : memref<1x10000x48xf32, #tpu.memory_space<hbm>> -> memref<10000x48xf32, #tpu.memory_space<hbm>>
      %dma_start3A_150 = arith.constant 0 : i32
      %dma_start3A_151 = arith.constant 0 : i32
      %dma_start3A_152 = tpu.memref_slice %dma_start3A_149[%dma_start3A_150, %dma_start3A_151] : memref<10000x48xf32, #tpu.memory_space<hbm>> -> memref<10000x48xf32, #tpu.memory_space<hbm>>
      tpu.enqueue_indirect_dma source(%dma_start3A_152 : memref<10000x48xf32, #tpu.memory_space<hbm>>) target(%dma_start3A_142 : memref<80x48xf32, #tpu.memory_space<vmem>>) offsets(%dma_start3A_145 : memref<80xi32, #tpu.memory_space<vmem>>) semaphore(%arg34 : memref<!tpu.dma_semaphore, #tpu.memory_space<semaphore_mem>>)
      %dma_start3A_153 = arith.constant 3 : i32
      %dma_start3A_154 = arith.constant 1 : i32
      %dma_start3A_155 = arith.constant 1 : i32
      %dma_start3A_156 = arith.constant 0 : i32
      %dma_start3A_157 = arith.constant 0 : i32
      %dma_start3A_158 = tpu.memref_slice %arg26[%dma_start3A_155, %dma_start3A_156, %dma_start3A_157] : memref<5x80x48xf32, #tpu.memory_space<vmem>> -> memref<1x80x48xf32, #tpu.memory_space<vmem>>
      %dma_start3A_159 = tpu.memref_squeeze %dma_start3A_158 : memref<1x80x48xf32, #tpu.memory_space<vmem>> -> memref<80x48xf32, #tpu.memory_space<vmem>>
      %dma_start3A_160 = arith.constant 0 : i32
      %dma_start3A_161 = tpu.memref_slice %arg24[%dma_start3A_154, %dma_start3A_160] : memref<250x80xi32, #tpu.memory_space<vmem>> -> memref<1x80xi32, #tpu.memory_space<vmem>>
      %dma_start3A_162 = tpu.memref_squeeze %dma_start3A_161 : memref<1x80xi32, #tpu.memory_space<vmem>> -> memref<80xi32, #tpu.memory_space<vmem>>
      %dma_start3A_163 = arith.constant 0 : i32
      %dma_start3A_164 = arith.constant 0 : i32
      %dma_start3A_165 = tpu.memref_slice %arg21[%dma_start3A_153, %dma_start3A_163, %dma_start3A_164] : memref<4x10000x48xf32, #tpu.memory_space<hbm>> -> memref<1x10000x48xf32, #tpu.memory_space<hbm>>
      %dma_start3A_166 = tpu.memref_squeeze %dma_start3A_165 : memref<1x10000x48xf32, #tpu.memory_space<hbm>> -> memref<10000x48xf32, #tpu.memory_space<hbm>>
      %dma_start3A_167 = arith.constant 0 : i32
      %dma_start3A_168 = arith.constant 0 : i32
      %dma_start3A_169 = tpu.memref_slice %dma_start3A_166[%dma_start3A_167, %dma_start3A_168] : memref<10000x48xf32, #tpu.memory_space<hbm>> -> memref<10000x48xf32, #tpu.memory_space<hbm>>
      tpu.enqueue_indirect_dma source(%dma_start3A_169 : memref<10000x48xf32, #tpu.memory_space<hbm>>) target(%dma_start3A_159 : memref<80x48xf32, #tpu.memory_space<vmem>>) offsets(%dma_start3A_162 : memref<80xi32, #tpu.memory_space<vmem>>) semaphore(%arg35 : memref<!tpu.dma_semaphore, #tpu.memory_space<semaphore_mem>>)
      %dma_start3A_170 = arith.constant 3 : i32
      %dma_start3A_171 = arith.constant 2 : i32
      %dma_start3A_172 = arith.constant 2 : i32
      %dma_start3A_173 = arith.constant 0 : i32
      %dma_start3A_174 = arith.constant 0 : i32
      %dma_start3A_175 = tpu.memref_slice %arg26[%dma_start3A_172, %dma_start3A_173, %dma_start3A_174] : memref<5x80x48xf32, #tpu.memory_space<vmem>> -> memref<1x80x48xf32, #tpu.memory_space<vmem>>
      %dma_start3A_176 = tpu.memref_squeeze %dma_start3A_175 : memref<1x80x48xf32, #tpu.memory_space<vmem>> -> memref<80x48xf32, #tpu.memory_space<vmem>>
      %dma_start3A_177 = arith.constant 0 : i32
      %dma_start3A_178 = tpu.memref_slice %arg24[%dma_start3A_171, %dma_start3A_177] : memref<250x80xi32, #tpu.memory_space<vmem>> -> memref<1x80xi32, #tpu.memory_space<vmem>>
      %dma_start3A_179 = tpu.memref_squeeze %dma_start3A_178 : memref<1x80xi32, #tpu.memory_space<vmem>> -> memref<80xi32, #tpu.memory_space<vmem>>
      %dma_start3A_180 = arith.constant 0 : i32
      %dma_start3A_181 = arith.constant 0 : i32
      %dma_start3A_182 = tpu.memref_slice %arg21[%dma_start3A_170, %dma_start3A_180, %dma_start3A_181] : memref<4x10000x48xf32, #tpu.memory_space<hbm>> -> memref<1x10000x48xf32, #tpu.memory_space<hbm>>
      %dma_start3A_183 = tpu.memref_squeeze %dma_start3A_182 : memref<1x10000x48xf32, #tpu.memory_space<hbm>> -> memref<10000x48xf32, #tpu.memory_space<hbm>>
      %dma_start3A_184 = arith.constant 0 : i32
      %dma_start3A_185 = arith.constant 0 : i32
      %dma_start3A_186 = tpu.memref_slice %dma_start3A_183[%dma_start3A_184, %dma_start3A_185] : memref<10000x48xf32, #tpu.memory_space<hbm>> -> memref<10000x48xf32, #tpu.memory_space<hbm>>
      tpu.enqueue_indirect_dma source(%dma_start3A_186 : memref<10000x48xf32, #tpu.memory_space<hbm>>) target(%dma_start3A_176 : memref<80x48xf32, #tpu.memory_space<vmem>>) offsets(%dma_start3A_179 : memref<80xi32, #tpu.memory_space<vmem>>) semaphore(%arg36 : memref<!tpu.dma_semaphore, #tpu.memory_space<semaphore_mem>>)
      %dma_start3A_187 = arith.constant 3 : i32
      %dma_start3A_188 = arith.constant 3 : i32
      %dma_start3A_189 = arith.constant 3 : i32
      %dma_start3A_190 = arith.constant 0 : i32
      %dma_start3A_191 = arith.constant 0 : i32
      %dma_start3A_192 = tpu.memref_slice %arg26[%dma_start3A_189, %dma_start3A_190, %dma_start3A_191] : memref<5x80x48xf32, #tpu.memory_space<vmem>> -> memref<1x80x48xf32, #tpu.memory_space<vmem>>
      %dma_start3A_193 = tpu.memref_squeeze %dma_start3A_192 : memref<1x80x48xf32, #tpu.memory_space<vmem>> -> memref<80x48xf32, #tpu.memory_space<vmem>>
      %dma_start3A_194 = arith.constant 0 : i32
      %dma_start3A_195 = tpu.memref_slice %arg24[%dma_start3A_188, %dma_start3A_194] : memref<250x80xi32, #tpu.memory_space<vmem>> -> memref<1x80xi32, #tpu.memory_space<vmem>>
      %dma_start3A_196 = tpu.memref_squeeze %dma_start3A_195 : memref<1x80xi32, #tpu.memory_space<vmem>> -> memref<80xi32, #tpu.memory_space<vmem>>
      %dma_start3A_197 = arith.constant 0 : i32
      %dma_start3A_198 = arith.constant 0 : i32
      %dma_start3A_199 = tpu.memref_slice %arg21[%dma_start3A_187, %dma_start3A_197, %dma_start3A_198] : memref<4x10000x48xf32, #tpu.memory_space<hbm>> -> memref<1x10000x48xf32, #tpu.memory_space<hbm>>
      %dma_start3A_200 = tpu.memref_squeeze %dma_start3A_199 : memref<1x10000x48xf32, #tpu.memory_space<hbm>> -> memref<10000x48xf32, #tpu.memory_space<hbm>>
      %dma_start3A_201 = arith.constant 0 : i32
      %dma_start3A_202 = arith.constant 0 : i32
      %dma_start3A_203 = tpu.memref_slice %dma_start3A_200[%dma_start3A_201, %dma_start3A_202] : memref<10000x48xf32, #tpu.memory_space<hbm>> -> memref<10000x48xf32, #tpu.memory_space<hbm>>
      tpu.enqueue_indirect_dma source(%dma_start3A_203 : memref<10000x48xf32, #tpu.memory_space<hbm>>) target(%dma_start3A_193 : memref<80x48xf32, #tpu.memory_space<vmem>>) offsets(%dma_start3A_196 : memref<80xi32, #tpu.memory_space<vmem>>) semaphore(%arg37 : memref<!tpu.dma_semaphore, #tpu.memory_space<semaphore_mem>>)
      %dma_start3A_204 = arith.constant 3 : i32
      %dma_start3A_205 = arith.constant 4 : i32
      %dma_start3A_206 = arith.constant 4 : i32
      %dma_start3A_207 = arith.constant 0 : i32
      %dma_start3A_208 = arith.constant 0 : i32
      %dma_start3A_209 = tpu.memref_slice %arg26[%dma_start3A_206, %dma_start3A_207, %dma_start3A_208] : memref<5x80x48xf32, #tpu.memory_space<vmem>> -> memref<1x80x48xf32, #tpu.memory_space<vmem>>
      %dma_start3A_210 = tpu.memref_squeeze %dma_start3A_209 : memref<1x80x48xf32, #tpu.memory_space<vmem>> -> memref<80x48xf32, #tpu.memory_space<vmem>>
      %dma_start3A_211 = arith.constant 0 : i32
      %dma_start3A_212 = tpu.memref_slice %arg24[%dma_start3A_205, %dma_start3A_211] : memref<250x80xi32, #tpu.memory_space<vmem>> -> memref<1x80xi32, #tpu.memory_space<vmem>>
      %dma_start3A_213 = tpu.memref_squeeze %dma_start3A_212 : memref<1x80xi32, #tpu.memory_space<vmem>> -> memref<80xi32, #tpu.memory_space<vmem>>
      %dma_start3A_214 = arith.constant 0 : i32
      %dma_start3A_215 = arith.constant 0 : i32
      %dma_start3A_216 = tpu.memref_slice %arg21[%dma_start3A_204, %dma_start3A_214, %dma_start3A_215] : memref<4x10000x48xf32, #tpu.memory_space<hbm>> -> memref<1x10000x48xf32, #tpu.memory_space<hbm>>
      %dma_start3A_217 = tpu.memref_squeeze %dma_start3A_216 : memref<1x10000x48xf32, #tpu.memory_space<hbm>> -> memref<10000x48xf32, #tpu.memory_space<hbm>>
      %dma_start3A_218 = arith.constant 0 : i32
      %dma_start3A_219 = arith.constant 0 : i32
      %dma_start3A_220 = tpu.memref_slice %dma_start3A_217[%dma_start3A_218, %dma_start3A_219] : memref<10000x48xf32, #tpu.memory_space<hbm>> -> memref<10000x48xf32, #tpu.memory_space<hbm>>
      tpu.enqueue_indirect_dma source(%dma_start3A_220 : memref<10000x48xf32, #tpu.memory_space<hbm>>) target(%dma_start3A_210 : memref<80x48xf32, #tpu.memory_space<vmem>>) offsets(%dma_start3A_213 : memref<80xi32, #tpu.memory_space<vmem>>) semaphore(%arg38 : memref<!tpu.dma_semaphore, #tpu.memory_space<semaphore_mem>>)
      %scan3A_221 = arith.constant 3 : i32
      %scan3A_222 = arith.constant 0 : i32
      %scan3A_223 = arith.constant 0 : i32
      %scan3A_224 = arith.constant 50 : i32
      %scan3A_225 = arith.addi %scan3A_223, %scan3A_224 : i32
      %scan3A_226 = arith.constant 1 : i32
      %scan3A_227 = scf.for %scan3A_235 = %scan3A_223 to %scan3A_225 step %scan3A_226 iter_args(%scan3A_236 = %scan3A_222) -> (i32)  : i32 {
        %mul3A_237 = arith.constant 5 : i32
        %mul3A_238 = arith.muli %scan3A_235, %mul3A_237 : i32
        %add3A = arith.constant 0 : i32
        %add3A_239 = arith.addi %mul3A_238, %add3A : i32
        %dma_wait3A_240 = arith.constant 0 : i32
        %dma_wait3A_241 = arith.constant 0 : i32
        %dma_wait3A_242 = arith.constant 0 : i32
        %dma_wait3A_243 = tpu.memref_slice %arg26[%dma_wait3A_240, %dma_wait3A_241, %dma_wait3A_242] : memref<5x80x48xf32, #tpu.memory_space<vmem>> -> memref<1x80x48xf32, #tpu.memory_space<vmem>>
        %dma_wait3A_244 = tpu.memref_squeeze %dma_wait3A_243 : memref<1x80x48xf32, #tpu.memory_space<vmem>> -> memref<80x48xf32, #tpu.memory_space<vmem>>
        %dma_wait3A_245 = arith.constant 0 : i32
        %dma_wait3A_246 = tpu.memref_slice %arg24[%add3A_239, %dma_wait3A_245] : memref<250x80xi32, #tpu.memory_space<vmem>> -> memref<1x80xi32, #tpu.memory_space<vmem>>
        %dma_wait3A_247 = tpu.memref_squeeze %dma_wait3A_246 : memref<1x80xi32, #tpu.memory_space<vmem>> -> memref<80xi32, #tpu.memory_space<vmem>>
        %dma_wait3A_248 = arith.constant 0 : i32
        %dma_wait3A_249 = arith.constant 0 : i32
        %dma_wait3A_250 = tpu.memref_slice %arg21[%scan3A_221, %dma_wait3A_248, %dma_wait3A_249] : memref<4x10000x48xf32, #tpu.memory_space<hbm>> -> memref<1x10000x48xf32, #tpu.memory_space<hbm>>
        %dma_wait3A_251 = tpu.memref_squeeze %dma_wait3A_250 : memref<1x10000x48xf32, #tpu.memory_space<hbm>> -> memref<10000x48xf32, #tpu.memory_space<hbm>>
        %dma_wait3A_252 = arith.constant 0 : i32
        %dma_wait3A_253 = arith.constant 0 : i32
        %dma_wait3A_254 = tpu.memref_slice %dma_wait3A_251[%dma_wait3A_252, %dma_wait3A_253] : memref<10000x48xf32, #tpu.memory_space<hbm>> -> memref<10000x48xf32, #tpu.memory_space<hbm>>
        tpu.wait_indirect_dma semaphore(%arg34 : memref<!tpu.dma_semaphore, #tpu.memory_space<semaphore_mem>>) src(%dma_wait3A_254 : memref<10000x48xf32, #tpu.memory_space<hbm>>) dst(%dma_wait3A_244 : memref<80x48xf32, #tpu.memory_space<vmem>>)
        %run_scoped3A_255 = arith.constant 0 : i32
        "tpu.region"() ({
          %run_scoped3A_371 = tpu.sem_alloc : memref<!tpu.dma_semaphore, #tpu.memory_space<semaphore_mem>>
          %dma_start3A_372 = arith.constant 0 : i32
          %dma_start3A_373 = arith.constant 0 : i32
          %dma_start3A_374 = tpu.memref_slice %arg26[%run_scoped3A_255, %dma_start3A_372, %dma_start3A_373] : memref<5x80x48xf32, #tpu.memory_space<vmem>> -> memref<1x80x48xf32, #tpu.memory_space<vmem>>
          %dma_start3A_375 = tpu.memref_squeeze %dma_start3A_374 : memref<1x80x48xf32, #tpu.memory_space<vmem>> -> memref<80x48xf32, #tpu.memory_space<vmem>>
          %dma_start3A_376 = arith.constant 0 : i32
          %dma_start3A_377 = tpu.memref_slice %arg25[%add3A_239, %dma_start3A_376] : memref<250x80xi32, #tpu.memory_space<vmem>> -> memref<1x80xi32, #tpu.memory_space<vmem>>
          %dma_start3A_378 = tpu.memref_squeeze %dma_start3A_377 : memref<1x80xi32, #tpu.memory_space<vmem>> -> memref<80xi32, #tpu.memory_space<vmem>>
          %dma_start3A_379 = arith.constant 0 : i32
          %dma_start3A_380 = arith.constant 0 : i32
          %dma_start3A_381 = tpu.memref_slice %arg23[%dma_start3A_379, %dma_start3A_380] : memref<10000x48xf32, #tpu.memory_space<vmem_shared>> -> memref<10000x48xf32, #tpu.memory_space<vmem_shared>>
          tpu.enqueue_indirect_dma source(%dma_start3A_375 : memref<80x48xf32, #tpu.memory_space<vmem>>) target(%dma_start3A_381 : memref<10000x48xf32, #tpu.memory_space<vmem_shared>>) offsets(%dma_start3A_378 : memref<80xi32, #tpu.memory_space<vmem>>) semaphore(%run_scoped3A_371 : memref<!tpu.dma_semaphore, #tpu.memory_space<semaphore_mem>>) {add = true}
          %dma_wait3A_382 = arith.constant 0 : i32
          %dma_wait3A_383 = arith.constant 0 : i32
          %dma_wait3A_384 = tpu.memref_slice %arg26[%run_scoped3A_255, %dma_wait3A_382, %dma_wait3A_383] : memref<5x80x48xf32, #tpu.memory_space<vmem>> -> memref<1x80x48xf32, #tpu.memory_space<vmem>>
          %dma_wait3A_385 = tpu.memref_squeeze %dma_wait3A_384 : memref<1x80x48xf32, #tpu.memory_space<vmem>> -> memref<80x48xf32, #tpu.memory_space<vmem>>
          %dma_wait3A_386 = arith.constant 0 : i32
          %dma_wait3A_387 = tpu.memref_slice %arg25[%add3A_239, %dma_wait3A_386] : memref<250x80xi32, #tpu.memory_space<vmem>> -> memref<1x80xi32, #tpu.memory_space<vmem>>
          %dma_wait3A_388 = tpu.memref_squeeze %dma_wait3A_387 : memref<1x80xi32, #tpu.memory_space<vmem>> -> memref<80xi32, #tpu.memory_space<vmem>>
          %dma_wait3A_389 = arith.constant 0 : i32
          %dma_wait3A_390 = arith.constant 0 : i32
          %dma_wait3A_391 = tpu.memref_slice %arg23[%dma_wait3A_389, %dma_wait3A_390] : memref<10000x48xf32, #tpu.memory_space<vmem_shared>> -> memref<10000x48xf32, #tpu.memory_space<vmem_shared>>
          tpu.wait_indirect_dma semaphore(%run_scoped3A_371 : memref<!tpu.dma_semaphore, #tpu.memory_space<semaphore_mem>>) src(%dma_wait3A_385 : memref<80x48xf32, #tpu.memory_space<vmem>>) dst(%dma_wait3A_391 : memref<10000x48xf32, #tpu.memory_space<vmem_shared>>)
          tpu.yield
        }) : () -> ()
        %add3A_256 = arith.constant 5 : i32
        %add3A_257 = arith.addi %add3A_239, %add3A_256 : i32
        %lt3A = arith.constant 250 : i32
        %lt3A_258 = arith.cmpi slt, %add3A_257, %lt3A : i32
        %convert_element_type3A_259 = arith.extui %lt3A_258 : i1 to i32
        %cond3A_260 = arith.constant 0 : i32
        %cond3A_261 = arith.cmpi ne, %convert_element_type3A_259, %cond3A_260 : i32
        scf.if %cond3A_261 {
          %add3A_371 = arith.constant 5 : i32
          %add3A_372 = arith.addi %add3A_239, %add3A_371 : i32
          %dma_start3A_373 = arith.constant 0 : i32
          %dma_start3A_374 = arith.constant 0 : i32
          %dma_start3A_375 = arith.constant 0 : i32
          %dma_start3A_376 = tpu.memref_slice %arg26[%dma_start3A_373, %dma_start3A_374, %dma_start3A_375] : memref<5x80x48xf32, #tpu.memory_space<vmem>> -> memref<1x80x48xf32, #tpu.memory_space<vmem>>
          %dma_start3A_377 = tpu.memref_squeeze %dma_start3A_376 : memref<1x80x48xf32, #tpu.memory_space<vmem>> -> memref<80x48xf32, #tpu.memory_space<vmem>>
          %dma_start3A_378 = arith.constant 0 : i32
          %dma_start3A_379 = tpu.memref_slice %arg24[%add3A_372, %dma_start3A_378] : memref<250x80xi32, #tpu.memory_space<vmem>> -> memref<1x80xi32, #tpu.memory_space<vmem>>
          %dma_start3A_380 = tpu.memref_squeeze %dma_start3A_379 : memref<1x80xi32, #tpu.memory_space<vmem>> -> memref<80xi32, #tpu.memory_space<vmem>>
          %dma_start3A_381 = arith.constant 0 : i32
          %dma_start3A_382 = arith.constant 0 : i32
          %dma_start3A_383 = tpu.memref_slice %arg21[%scan3A_221, %dma_start3A_381, %dma_start3A_382] : memref<4x10000x48xf32, #tpu.memory_space<hbm>> -> memref<1x10000x48xf32, #tpu.memory_space<hbm>>
          %dma_start3A_384 = tpu.memref_squeeze %dma_start3A_383 : memref<1x10000x48xf32, #tpu.memory_space<hbm>> -> memref<10000x48xf32, #tpu.memory_space<hbm>>
          %dma_start3A_385 = arith.constant 0 : i32
          %dma_start3A_386 = arith.constant 0 : i32
          %dma_start3A_387 = tpu.memref_slice %dma_start3A_384[%dma_start3A_385, %dma_start3A_386] : memref<10000x48xf32, #tpu.memory_space<hbm>> -> memref<10000x48xf32, #tpu.memory_space<hbm>>
          tpu.enqueue_indirect_dma source(%dma_start3A_387 : memref<10000x48xf32, #tpu.memory_space<hbm>>) target(%dma_start3A_377 : memref<80x48xf32, #tpu.memory_space<vmem>>) offsets(%dma_start3A_380 : memref<80xi32, #tpu.memory_space<vmem>>) semaphore(%arg34 : memref<!tpu.dma_semaphore, #tpu.memory_space<semaphore_mem>>)
        } else {
        }
        %mul3A_262 = arith.constant 5 : i32
        %mul3A_263 = arith.muli %scan3A_235, %mul3A_262 : i32
        %add3A_264 = arith.constant 1 : i32
        %add3A_265 = arith.addi %mul3A_263, %add3A_264 : i32
        %dma_wait3A_266 = arith.constant 1 : i32
        %dma_wait3A_267 = arith.constant 0 : i32
        %dma_wait3A_268 = arith.constant 0 : i32
        %dma_wait3A_269 = tpu.memref_slice %arg26[%dma_wait3A_266, %dma_wait3A_267, %dma_wait3A_268] : memref<5x80x48xf32, #tpu.memory_space<vmem>> -> memref<1x80x48xf32, #tpu.memory_space<vmem>>
        %dma_wait3A_270 = tpu.memref_squeeze %dma_wait3A_269 : memref<1x80x48xf32, #tpu.memory_space<vmem>> -> memref<80x48xf32, #tpu.memory_space<vmem>>
        %dma_wait3A_271 = arith.constant 0 : i32
        %dma_wait3A_272 = tpu.memref_slice %arg24[%add3A_265, %dma_wait3A_271] : memref<250x80xi32, #tpu.memory_space<vmem>> -> memref<1x80xi32, #tpu.memory_space<vmem>>
        %dma_wait3A_273 = tpu.memref_squeeze %dma_wait3A_272 : memref<1x80xi32, #tpu.memory_space<vmem>> -> memref<80xi32, #tpu.memory_space<vmem>>
        %dma_wait3A_274 = arith.constant 0 : i32
        %dma_wait3A_275 = arith.constant 0 : i32
        %dma_wait3A_276 = tpu.memref_slice %arg21[%scan3A_221, %dma_wait3A_274, %dma_wait3A_275] : memref<4x10000x48xf32, #tpu.memory_space<hbm>> -> memref<1x10000x48xf32, #tpu.memory_space<hbm>>
        %dma_wait3A_277 = tpu.memref_squeeze %dma_wait3A_276 : memref<1x10000x48xf32, #tpu.memory_space<hbm>> -> memref<10000x48xf32, #tpu.memory_space<hbm>>
        %dma_wait3A_278 = arith.constant 0 : i32
        %dma_wait3A_279 = arith.constant 0 : i32
        %dma_wait3A_280 = tpu.memref_slice %dma_wait3A_277[%dma_wait3A_278, %dma_wait3A_279] : memref<10000x48xf32, #tpu.memory_space<hbm>> -> memref<10000x48xf32, #tpu.memory_space<hbm>>
        tpu.wait_indirect_dma semaphore(%arg35 : memref<!tpu.dma_semaphore, #tpu.memory_space<semaphore_mem>>) src(%dma_wait3A_280 : memref<10000x48xf32, #tpu.memory_space<hbm>>) dst(%dma_wait3A_270 : memref<80x48xf32, #tpu.memory_space<vmem>>)
        %run_scoped3A_281 = arith.constant 1 : i32
        "tpu.region"() ({
          %run_scoped3A_371 = tpu.sem_alloc : memref<!tpu.dma_semaphore, #tpu.memory_space<semaphore_mem>>
          %dma_start3A_372 = arith.constant 0 : i32
          %dma_start3A_373 = arith.constant 0 : i32
          %dma_start3A_374 = tpu.memref_slice %arg26[%run_scoped3A_281, %dma_start3A_372, %dma_start3A_373] : memref<5x80x48xf32, #tpu.memory_space<vmem>> -> memref<1x80x48xf32, #tpu.memory_space<vmem>>
          %dma_start3A_375 = tpu.memref_squeeze %dma_start3A_374 : memref<1x80x48xf32, #tpu.memory_space<vmem>> -> memref<80x48xf32, #tpu.memory_space<vmem>>
          %dma_start3A_376 = arith.constant 0 : i32
          %dma_start3A_377 = tpu.memref_slice %arg25[%add3A_265, %dma_start3A_376] : memref<250x80xi32, #tpu.memory_space<vmem>> -> memref<1x80xi32, #tpu.memory_space<vmem>>
          %dma_start3A_378 = tpu.memref_squeeze %dma_start3A_377 : memref<1x80xi32, #tpu.memory_space<vmem>> -> memref<80xi32, #tpu.memory_space<vmem>>
          %dma_start3A_379 = arith.constant 0 : i32
          %dma_start3A_380 = arith.constant 0 : i32
          %dma_start3A_381 = tpu.memref_slice %arg23[%dma_start3A_379, %dma_start3A_380] : memref<10000x48xf32, #tpu.memory_space<vmem_shared>> -> memref<10000x48xf32, #tpu.memory_space<vmem_shared>>
          tpu.enqueue_indirect_dma source(%dma_start3A_375 : memref<80x48xf32, #tpu.memory_space<vmem>>) target(%dma_start3A_381 : memref<10000x48xf32, #tpu.memory_space<vmem_shared>>) offsets(%dma_start3A_378 : memref<80xi32, #tpu.memory_space<vmem>>) semaphore(%run_scoped3A_371 : memref<!tpu.dma_semaphore, #tpu.memory_space<semaphore_mem>>) {add = true}
          %dma_wait3A_382 = arith.constant 0 : i32
          %dma_wait3A_383 = arith.constant 0 : i32
          %dma_wait3A_384 = tpu.memref_slice %arg26[%run_scoped3A_281, %dma_wait3A_382, %dma_wait3A_383] : memref<5x80x48xf32, #tpu.memory_space<vmem>> -> memref<1x80x48xf32, #tpu.memory_space<vmem>>
          %dma_wait3A_385 = tpu.memref_squeeze %dma_wait3A_384 : memref<1x80x48xf32, #tpu.memory_space<vmem>> -> memref<80x48xf32, #tpu.memory_space<vmem>>
          %dma_wait3A_386 = arith.constant 0 : i32
          %dma_wait3A_387 = tpu.memref_slice %arg25[%add3A_265, %dma_wait3A_386] : memref<250x80xi32, #tpu.memory_space<vmem>> -> memref<1x80xi32, #tpu.memory_space<vmem>>
          %dma_wait3A_388 = tpu.memref_squeeze %dma_wait3A_387 : memref<1x80xi32, #tpu.memory_space<vmem>> -> memref<80xi32, #tpu.memory_space<vmem>>
          %dma_wait3A_389 = arith.constant 0 : i32
          %dma_wait3A_390 = arith.constant 0 : i32
          %dma_wait3A_391 = tpu.memref_slice %arg23[%dma_wait3A_389, %dma_wait3A_390] : memref<10000x48xf32, #tpu.memory_space<vmem_shared>> -> memref<10000x48xf32, #tpu.memory_space<vmem_shared>>
          tpu.wait_indirect_dma semaphore(%run_scoped3A_371 : memref<!tpu.dma_semaphore, #tpu.memory_space<semaphore_mem>>) src(%dma_wait3A_385 : memref<80x48xf32, #tpu.memory_space<vmem>>) dst(%dma_wait3A_391 : memref<10000x48xf32, #tpu.memory_space<vmem_shared>>)
          tpu.yield
        }) : () -> ()
        %add3A_282 = arith.constant 5 : i32
        %add3A_283 = arith.addi %add3A_265, %add3A_282 : i32
        %lt3A_284 = arith.constant 250 : i32
        %lt3A_285 = arith.cmpi slt, %add3A_283, %lt3A_284 : i32
        %convert_element_type3A_286 = arith.extui %lt3A_285 : i1 to i32
        %cond3A_287 = arith.constant 0 : i32
        %cond3A_288 = arith.cmpi ne, %convert_element_type3A_286, %cond3A_287 : i32
        scf.if %cond3A_288 {
          %add3A_371 = arith.constant 5 : i32
          %add3A_372 = arith.addi %add3A_265, %add3A_371 : i32
          %dma_start3A_373 = arith.constant 1 : i32
          %dma_start3A_374 = arith.constant 0 : i32
          %dma_start3A_375 = arith.constant 0 : i32
          %dma_start3A_376 = tpu.memref_slice %arg26[%dma_start3A_373, %dma_start3A_374, %dma_start3A_375] : memref<5x80x48xf32, #tpu.memory_space<vmem>> -> memref<1x80x48xf32, #tpu.memory_space<vmem>>
          %dma_start3A_377 = tpu.memref_squeeze %dma_start3A_376 : memref<1x80x48xf32, #tpu.memory_space<vmem>> -> memref<80x48xf32, #tpu.memory_space<vmem>>
          %dma_start3A_378 = arith.constant 0 : i32
          %dma_start3A_379 = tpu.memref_slice %arg24[%add3A_372, %dma_start3A_378] : memref<250x80xi32, #tpu.memory_space<vmem>> -> memref<1x80xi32, #tpu.memory_space<vmem>>
          %dma_start3A_380 = tpu.memref_squeeze %dma_start3A_379 : memref<1x80xi32, #tpu.memory_space<vmem>> -> memref<80xi32, #tpu.memory_space<vmem>>
          %dma_start3A_381 = arith.constant 0 : i32
          %dma_start3A_382 = arith.constant 0 : i32
          %dma_start3A_383 = tpu.memref_slice %arg21[%scan3A_221, %dma_start3A_381, %dma_start3A_382] : memref<4x10000x48xf32, #tpu.memory_space<hbm>> -> memref<1x10000x48xf32, #tpu.memory_space<hbm>>
          %dma_start3A_384 = tpu.memref_squeeze %dma_start3A_383 : memref<1x10000x48xf32, #tpu.memory_space<hbm>> -> memref<10000x48xf32, #tpu.memory_space<hbm>>
          %dma_start3A_385 = arith.constant 0 : i32
          %dma_start3A_386 = arith.constant 0 : i32
          %dma_start3A_387 = tpu.memref_slice %dma_start3A_384[%dma_start3A_385, %dma_start3A_386] : memref<10000x48xf32, #tpu.memory_space<hbm>> -> memref<10000x48xf32, #tpu.memory_space<hbm>>
          tpu.enqueue_indirect_dma source(%dma_start3A_387 : memref<10000x48xf32, #tpu.memory_space<hbm>>) target(%dma_start3A_377 : memref<80x48xf32, #tpu.memory_space<vmem>>) offsets(%dma_start3A_380 : memref<80xi32, #tpu.memory_space<vmem>>) semaphore(%arg35 : memref<!tpu.dma_semaphore, #tpu.memory_space<semaphore_mem>>)
        } else {
        }
        %mul3A_289 = arith.constant 5 : i32
        %mul3A_290 = arith.muli %scan3A_235, %mul3A_289 : i32
        %add3A_291 = arith.constant 2 : i32
        %add3A_292 = arith.addi %mul3A_290, %add3A_291 : i32
        %dma_wait3A_293 = arith.constant 2 : i32
        %dma_wait3A_294 = arith.constant 0 : i32
        %dma_wait3A_295 = arith.constant 0 : i32
        %dma_wait3A_296 = tpu.memref_slice %arg26[%dma_wait3A_293, %dma_wait3A_294, %dma_wait3A_295] : memref<5x80x48xf32, #tpu.memory_space<vmem>> -> memref<1x80x48xf32, #tpu.memory_space<vmem>>
        %dma_wait3A_297 = tpu.memref_squeeze %dma_wait3A_296 : memref<1x80x48xf32, #tpu.memory_space<vmem>> -> memref<80x48xf32, #tpu.memory_space<vmem>>
        %dma_wait3A_298 = arith.constant 0 : i32
        %dma_wait3A_299 = tpu.memref_slice %arg24[%add3A_292, %dma_wait3A_298] : memref<250x80xi32, #tpu.memory_space<vmem>> -> memref<1x80xi32, #tpu.memory_space<vmem>>
        %dma_wait3A_300 = tpu.memref_squeeze %dma_wait3A_299 : memref<1x80xi32, #tpu.memory_space<vmem>> -> memref<80xi32, #tpu.memory_space<vmem>>
        %dma_wait3A_301 = arith.constant 0 : i32
        %dma_wait3A_302 = arith.constant 0 : i32
        %dma_wait3A_303 = tpu.memref_slice %arg21[%scan3A_221, %dma_wait3A_301, %dma_wait3A_302] : memref<4x10000x48xf32, #tpu.memory_space<hbm>> -> memref<1x10000x48xf32, #tpu.memory_space<hbm>>
        %dma_wait3A_304 = tpu.memref_squeeze %dma_wait3A_303 : memref<1x10000x48xf32, #tpu.memory_space<hbm>> -> memref<10000x48xf32, #tpu.memory_space<hbm>>
        %dma_wait3A_305 = arith.constant 0 : i32
        %dma_wait3A_306 = arith.constant 0 : i32
        %dma_wait3A_307 = tpu.memref_slice %dma_wait3A_304[%dma_wait3A_305, %dma_wait3A_306] : memref<10000x48xf32, #tpu.memory_space<hbm>> -> memref<10000x48xf32, #tpu.memory_space<hbm>>
        tpu.wait_indirect_dma semaphore(%arg36 : memref<!tpu.dma_semaphore, #tpu.memory_space<semaphore_mem>>) src(%dma_wait3A_307 : memref<10000x48xf32, #tpu.memory_space<hbm>>) dst(%dma_wait3A_297 : memref<80x48xf32, #tpu.memory_space<vmem>>)
        %run_scoped3A_308 = arith.constant 2 : i32
        "tpu.region"() ({
          %run_scoped3A_371 = tpu.sem_alloc : memref<!tpu.dma_semaphore, #tpu.memory_space<semaphore_mem>>
          %dma_start3A_372 = arith.constant 0 : i32
          %dma_start3A_373 = arith.constant 0 : i32
          %dma_start3A_374 = tpu.memref_slice %arg26[%run_scoped3A_308, %dma_start3A_372, %dma_start3A_373] : memref<5x80x48xf32, #tpu.memory_space<vmem>> -> memref<1x80x48xf32, #tpu.memory_space<vmem>>
          %dma_start3A_375 = tpu.memref_squeeze %dma_start3A_374 : memref<1x80x48xf32, #tpu.memory_space<vmem>> -> memref<80x48xf32, #tpu.memory_space<vmem>>
          %dma_start3A_376 = arith.constant 0 : i32
          %dma_start3A_377 = tpu.memref_slice %arg25[%add3A_292, %dma_start3A_376] : memref<250x80xi32, #tpu.memory_space<vmem>> -> memref<1x80xi32, #tpu.memory_space<vmem>>
          %dma_start3A_378 = tpu.memref_squeeze %dma_start3A_377 : memref<1x80xi32, #tpu.memory_space<vmem>> -> memref<80xi32, #tpu.memory_space<vmem>>
          %dma_start3A_379 = arith.constant 0 : i32
          %dma_start3A_380 = arith.constant 0 : i32
          %dma_start3A_381 = tpu.memref_slice %arg23[%dma_start3A_379, %dma_start3A_380] : memref<10000x48xf32, #tpu.memory_space<vmem_shared>> -> memref<10000x48xf32, #tpu.memory_space<vmem_shared>>
          tpu.enqueue_indirect_dma source(%dma_start3A_375 : memref<80x48xf32, #tpu.memory_space<vmem>>) target(%dma_start3A_381 : memref<10000x48xf32, #tpu.memory_space<vmem_shared>>) offsets(%dma_start3A_378 : memref<80xi32, #tpu.memory_space<vmem>>) semaphore(%run_scoped3A_371 : memref<!tpu.dma_semaphore, #tpu.memory_space<semaphore_mem>>) {add = true}
          %dma_wait3A_382 = arith.constant 0 : i32
          %dma_wait3A_383 = arith.constant 0 : i32
          %dma_wait3A_384 = tpu.memref_slice %arg26[%run_scoped3A_308, %dma_wait3A_382, %dma_wait3A_383] : memref<5x80x48xf32, #tpu.memory_space<vmem>> -> memref<1x80x48xf32, #tpu.memory_space<vmem>>
          %dma_wait3A_385 = tpu.memref_squeeze %dma_wait3A_384 : memref<1x80x48xf32, #tpu.memory_space<vmem>> -> memref<80x48xf32, #tpu.memory_space<vmem>>
          %dma_wait3A_386 = arith.constant 0 : i32
          %dma_wait3A_387 = tpu.memref_slice %arg25[%add3A_292, %dma_wait3A_386] : memref<250x80xi32, #tpu.memory_space<vmem>> -> memref<1x80xi32, #tpu.memory_space<vmem>>
          %dma_wait3A_388 = tpu.memref_squeeze %dma_wait3A_387 : memref<1x80xi32, #tpu.memory_space<vmem>> -> memref<80xi32, #tpu.memory_space<vmem>>
          %dma_wait3A_389 = arith.constant 0 : i32
          %dma_wait3A_390 = arith.constant 0 : i32
          %dma_wait3A_391 = tpu.memref_slice %arg23[%dma_wait3A_389, %dma_wait3A_390] : memref<10000x48xf32, #tpu.memory_space<vmem_shared>> -> memref<10000x48xf32, #tpu.memory_space<vmem_shared>>
          tpu.wait_indirect_dma semaphore(%run_scoped3A_371 : memref<!tpu.dma_semaphore, #tpu.memory_space<semaphore_mem>>) src(%dma_wait3A_385 : memref<80x48xf32, #tpu.memory_space<vmem>>) dst(%dma_wait3A_391 : memref<10000x48xf32, #tpu.memory_space<vmem_shared>>)
          tpu.yield
        }) : () -> ()
        %add3A_309 = arith.constant 5 : i32
        %add3A_310 = arith.addi %add3A_292, %add3A_309 : i32
        %lt3A_311 = arith.constant 250 : i32
        %lt3A_312 = arith.cmpi slt, %add3A_310, %lt3A_311 : i32
        %convert_element_type3A_313 = arith.extui %lt3A_312 : i1 to i32
        %cond3A_314 = arith.constant 0 : i32
        %cond3A_315 = arith.cmpi ne, %convert_element_type3A_313, %cond3A_314 : i32
        scf.if %cond3A_315 {
          %add3A_371 = arith.constant 5 : i32
          %add3A_372 = arith.addi %add3A_292, %add3A_371 : i32
          %dma_start3A_373 = arith.constant 2 : i32
          %dma_start3A_374 = arith.constant 0 : i32
          %dma_start3A_375 = arith.constant 0 : i32
          %dma_start3A_376 = tpu.memref_slice %arg26[%dma_start3A_373, %dma_start3A_374, %dma_start3A_375] : memref<5x80x48xf32, #tpu.memory_space<vmem>> -> memref<1x80x48xf32, #tpu.memory_space<vmem>>
          %dma_start3A_377 = tpu.memref_squeeze %dma_start3A_376 : memref<1x80x48xf32, #tpu.memory_space<vmem>> -> memref<80x48xf32, #tpu.memory_space<vmem>>
          %dma_start3A_378 = arith.constant 0 : i32
          %dma_start3A_379 = tpu.memref_slice %arg24[%add3A_372, %dma_start3A_378] : memref<250x80xi32, #tpu.memory_space<vmem>> -> memref<1x80xi32, #tpu.memory_space<vmem>>
          %dma_start3A_380 = tpu.memref_squeeze %dma_start3A_379 : memref<1x80xi32, #tpu.memory_space<vmem>> -> memref<80xi32, #tpu.memory_space<vmem>>
          %dma_start3A_381 = arith.constant 0 : i32
          %dma_start3A_382 = arith.constant 0 : i32
          %dma_start3A_383 = tpu.memref_slice %arg21[%scan3A_221, %dma_start3A_381, %dma_start3A_382] : memref<4x10000x48xf32, #tpu.memory_space<hbm>> -> memref<1x10000x48xf32, #tpu.memory_space<hbm>>
          %dma_start3A_384 = tpu.memref_squeeze %dma_start3A_383 : memref<1x10000x48xf32, #tpu.memory_space<hbm>> -> memref<10000x48xf32, #tpu.memory_space<hbm>>
          %dma_start3A_385 = arith.constant 0 : i32
          %dma_start3A_386 = arith.constant 0 : i32
          %dma_start3A_387 = tpu.memref_slice %dma_start3A_384[%dma_start3A_385, %dma_start3A_386] : memref<10000x48xf32, #tpu.memory_space<hbm>> -> memref<10000x48xf32, #tpu.memory_space<hbm>>
          tpu.enqueue_indirect_dma source(%dma_start3A_387 : memref<10000x48xf32, #tpu.memory_space<hbm>>) target(%dma_start3A_377 : memref<80x48xf32, #tpu.memory_space<vmem>>) offsets(%dma_start3A_380 : memref<80xi32, #tpu.memory_space<vmem>>) semaphore(%arg36 : memref<!tpu.dma_semaphore, #tpu.memory_space<semaphore_mem>>)
        } else {
        }
        %mul3A_316 = arith.constant 5 : i32
        %mul3A_317 = arith.muli %scan3A_235, %mul3A_316 : i32
        %add3A_318 = arith.constant 3 : i32
        %add3A_319 = arith.addi %mul3A_317, %add3A_318 : i32
        %dma_wait3A_320 = arith.constant 3 : i32
        %dma_wait3A_321 = arith.constant 0 : i32
        %dma_wait3A_322 = arith.constant 0 : i32
        %dma_wait3A_323 = tpu.memref_slice %arg26[%dma_wait3A_320, %dma_wait3A_321, %dma_wait3A_322] : memref<5x80x48xf32, #tpu.memory_space<vmem>> -> memref<1x80x48xf32, #tpu.memory_space<vmem>>
        %dma_wait3A_324 = tpu.memref_squeeze %dma_wait3A_323 : memref<1x80x48xf32, #tpu.memory_space<vmem>> -> memref<80x48xf32, #tpu.memory_space<vmem>>
        %dma_wait3A_325 = arith.constant 0 : i32
        %dma_wait3A_326 = tpu.memref_slice %arg24[%add3A_319, %dma_wait3A_325] : memref<250x80xi32, #tpu.memory_space<vmem>> -> memref<1x80xi32, #tpu.memory_space<vmem>>
        %dma_wait3A_327 = tpu.memref_squeeze %dma_wait3A_326 : memref<1x80xi32, #tpu.memory_space<vmem>> -> memref<80xi32, #tpu.memory_space<vmem>>
        %dma_wait3A_328 = arith.constant 0 : i32
        %dma_wait3A_329 = arith.constant 0 : i32
        %dma_wait3A_330 = tpu.memref_slice %arg21[%scan3A_221, %dma_wait3A_328, %dma_wait3A_329] : memref<4x10000x48xf32, #tpu.memory_space<hbm>> -> memref<1x10000x48xf32, #tpu.memory_space<hbm>>
        %dma_wait3A_331 = tpu.memref_squeeze %dma_wait3A_330 : memref<1x10000x48xf32, #tpu.memory_space<hbm>> -> memref<10000x48xf32, #tpu.memory_space<hbm>>
        %dma_wait3A_332 = arith.constant 0 : i32
        %dma_wait3A_333 = arith.constant 0 : i32
        %dma_wait3A_334 = tpu.memref_slice %dma_wait3A_331[%dma_wait3A_332, %dma_wait3A_333] : memref<10000x48xf32, #tpu.memory_space<hbm>> -> memref<10000x48xf32, #tpu.memory_space<hbm>>
        tpu.wait_indirect_dma semaphore(%arg37 : memref<!tpu.dma_semaphore, #tpu.memory_space<semaphore_mem>>) src(%dma_wait3A_334 : memref<10000x48xf32, #tpu.memory_space<hbm>>) dst(%dma_wait3A_324 : memref<80x48xf32, #tpu.memory_space<vmem>>)
        %run_scoped3A_335 = arith.constant 3 : i32
        "tpu.region"() ({
          %run_scoped3A_371 = tpu.sem_alloc : memref<!tpu.dma_semaphore, #tpu.memory_space<semaphore_mem>>
          %dma_start3A_372 = arith.constant 0 : i32
          %dma_start3A_373 = arith.constant 0 : i32
          %dma_start3A_374 = tpu.memref_slice %arg26[%run_scoped3A_335, %dma_start3A_372, %dma_start3A_373] : memref<5x80x48xf32, #tpu.memory_space<vmem>> -> memref<1x80x48xf32, #tpu.memory_space<vmem>>
          %dma_start3A_375 = tpu.memref_squeeze %dma_start3A_374 : memref<1x80x48xf32, #tpu.memory_space<vmem>> -> memref<80x48xf32, #tpu.memory_space<vmem>>
          %dma_start3A_376 = arith.constant 0 : i32
          %dma_start3A_377 = tpu.memref_slice %arg25[%add3A_319, %dma_start3A_376] : memref<250x80xi32, #tpu.memory_space<vmem>> -> memref<1x80xi32, #tpu.memory_space<vmem>>
          %dma_start3A_378 = tpu.memref_squeeze %dma_start3A_377 : memref<1x80xi32, #tpu.memory_space<vmem>> -> memref<80xi32, #tpu.memory_space<vmem>>
          %dma_start3A_379 = arith.constant 0 : i32
          %dma_start3A_380 = arith.constant 0 : i32
          %dma_start3A_381 = tpu.memref_slice %arg23[%dma_start3A_379, %dma_start3A_380] : memref<10000x48xf32, #tpu.memory_space<vmem_shared>> -> memref<10000x48xf32, #tpu.memory_space<vmem_shared>>
          tpu.enqueue_indirect_dma source(%dma_start3A_375 : memref<80x48xf32, #tpu.memory_space<vmem>>) target(%dma_start3A_381 : memref<10000x48xf32, #tpu.memory_space<vmem_shared>>) offsets(%dma_start3A_378 : memref<80xi32, #tpu.memory_space<vmem>>) semaphore(%run_scoped3A_371 : memref<!tpu.dma_semaphore, #tpu.memory_space<semaphore_mem>>) {add = true}
          %dma_wait3A_382 = arith.constant 0 : i32
          %dma_wait3A_383 = arith.constant 0 : i32
          %dma_wait3A_384 = tpu.memref_slice %arg26[%run_scoped3A_335, %dma_wait3A_382, %dma_wait3A_383] : memref<5x80x48xf32, #tpu.memory_space<vmem>> -> memref<1x80x48xf32, #tpu.memory_space<vmem>>
          %dma_wait3A_385 = tpu.memref_squeeze %dma_wait3A_384 : memref<1x80x48xf32, #tpu.memory_space<vmem>> -> memref<80x48xf32, #tpu.memory_space<vmem>>
          %dma_wait3A_386 = arith.constant 0 : i32
          %dma_wait3A_387 = tpu.memref_slice %arg25[%add3A_319, %dma_wait3A_386] : memref<250x80xi32, #tpu.memory_space<vmem>> -> memref<1x80xi32, #tpu.memory_space<vmem>>
          %dma_wait3A_388 = tpu.memref_squeeze %dma_wait3A_387 : memref<1x80xi32, #tpu.memory_space<vmem>> -> memref<80xi32, #tpu.memory_space<vmem>>
          %dma_wait3A_389 = arith.constant 0 : i32
          %dma_wait3A_390 = arith.constant 0 : i32
          %dma_wait3A_391 = tpu.memref_slice %arg23[%dma_wait3A_389, %dma_wait3A_390] : memref<10000x48xf32, #tpu.memory_space<vmem_shared>> -> memref<10000x48xf32, #tpu.memory_space<vmem_shared>>
          tpu.wait_indirect_dma semaphore(%run_scoped3A_371 : memref<!tpu.dma_semaphore, #tpu.memory_space<semaphore_mem>>) src(%dma_wait3A_385 : memref<80x48xf32, #tpu.memory_space<vmem>>) dst(%dma_wait3A_391 : memref<10000x48xf32, #tpu.memory_space<vmem_shared>>)
          tpu.yield
        }) : () -> ()
        %add3A_336 = arith.constant 5 : i32
        %add3A_337 = arith.addi %add3A_319, %add3A_336 : i32
        %lt3A_338 = arith.constant 250 : i32
        %lt3A_339 = arith.cmpi slt, %add3A_337, %lt3A_338 : i32
        %convert_element_type3A_340 = arith.extui %lt3A_339 : i1 to i32
        %cond3A_341 = arith.constant 0 : i32
        %cond3A_342 = arith.cmpi ne, %convert_element_type3A_340, %cond3A_341 : i32
        scf.if %cond3A_342 {
          %add3A_371 = arith.constant 5 : i32
          %add3A_372 = arith.addi %add3A_319, %add3A_371 : i32
          %dma_start3A_373 = arith.constant 3 : i32
          %dma_start3A_374 = arith.constant 0 : i32
          %dma_start3A_375 = arith.constant 0 : i32
          %dma_start3A_376 = tpu.memref_slice %arg26[%dma_start3A_373, %dma_start3A_374, %dma_start3A_375] : memref<5x80x48xf32, #tpu.memory_space<vmem>> -> memref<1x80x48xf32, #tpu.memory_space<vmem>>
          %dma_start3A_377 = tpu.memref_squeeze %dma_start3A_376 : memref<1x80x48xf32, #tpu.memory_space<vmem>> -> memref<80x48xf32, #tpu.memory_space<vmem>>
          %dma_start3A_378 = arith.constant 0 : i32
          %dma_start3A_379 = tpu.memref_slice %arg24[%add3A_372, %dma_start3A_378] : memref<250x80xi32, #tpu.memory_space<vmem>> -> memref<1x80xi32, #tpu.memory_space<vmem>>
          %dma_start3A_380 = tpu.memref_squeeze %dma_start3A_379 : memref<1x80xi32, #tpu.memory_space<vmem>> -> memref<80xi32, #tpu.memory_space<vmem>>
          %dma_start3A_381 = arith.constant 0 : i32
          %dma_start3A_382 = arith.constant 0 : i32
          %dma_start3A_383 = tpu.memref_slice %arg21[%scan3A_221, %dma_start3A_381, %dma_start3A_382] : memref<4x10000x48xf32, #tpu.memory_space<hbm>> -> memref<1x10000x48xf32, #tpu.memory_space<hbm>>
          %dma_start3A_384 = tpu.memref_squeeze %dma_start3A_383 : memref<1x10000x48xf32, #tpu.memory_space<hbm>> -> memref<10000x48xf32, #tpu.memory_space<hbm>>
          %dma_start3A_385 = arith.constant 0 : i32
          %dma_start3A_386 = arith.constant 0 : i32
          %dma_start3A_387 = tpu.memref_slice %dma_start3A_384[%dma_start3A_385, %dma_start3A_386] : memref<10000x48xf32, #tpu.memory_space<hbm>> -> memref<10000x48xf32, #tpu.memory_space<hbm>>
          tpu.enqueue_indirect_dma source(%dma_start3A_387 : memref<10000x48xf32, #tpu.memory_space<hbm>>) target(%dma_start3A_377 : memref<80x48xf32, #tpu.memory_space<vmem>>) offsets(%dma_start3A_380 : memref<80xi32, #tpu.memory_space<vmem>>) semaphore(%arg37 : memref<!tpu.dma_semaphore, #tpu.memory_space<semaphore_mem>>)
        } else {
        }
        %mul3A_343 = arith.constant 5 : i32
        %mul3A_344 = arith.muli %scan3A_235, %mul3A_343 : i32
        %add3A_345 = arith.constant 4 : i32
        %add3A_346 = arith.addi %mul3A_344, %add3A_345 : i32
        %dma_wait3A_347 = arith.constant 4 : i32
        %dma_wait3A_348 = arith.constant 0 : i32
        %dma_wait3A_349 = arith.constant 0 : i32
        %dma_wait3A_350 = tpu.memref_slice %arg26[%dma_wait3A_347, %dma_wait3A_348, %dma_wait3A_349] : memref<5x80x48xf32, #tpu.memory_space<vmem>> -> memref<1x80x48xf32, #tpu.memory_space<vmem>>
        %dma_wait3A_351 = tpu.memref_squeeze %dma_wait3A_350 : memref<1x80x48xf32, #tpu.memory_space<vmem>> -> memref<80x48xf32, #tpu.memory_space<vmem>>
        %dma_wait3A_352 = arith.constant 0 : i32
        %dma_wait3A_353 = tpu.memref_slice %arg24[%add3A_346, %dma_wait3A_352] : memref<250x80xi32, #tpu.memory_space<vmem>> -> memref<1x80xi32, #tpu.memory_space<vmem>>
        %dma_wait3A_354 = tpu.memref_squeeze %dma_wait3A_353 : memref<1x80xi32, #tpu.memory_space<vmem>> -> memref<80xi32, #tpu.memory_space<vmem>>
        %dma_wait3A_355 = arith.constant 0 : i32
        %dma_wait3A_356 = arith.constant 0 : i32
        %dma_wait3A_357 = tpu.memref_slice %arg21[%scan3A_221, %dma_wait3A_355, %dma_wait3A_356] : memref<4x10000x48xf32, #tpu.memory_space<hbm>> -> memref<1x10000x48xf32, #tpu.memory_space<hbm>>
        %dma_wait3A_358 = tpu.memref_squeeze %dma_wait3A_357 : memref<1x10000x48xf32, #tpu.memory_space<hbm>> -> memref<10000x48xf32, #tpu.memory_space<hbm>>
        %dma_wait3A_359 = arith.constant 0 : i32
        %dma_wait3A_360 = arith.constant 0 : i32
        %dma_wait3A_361 = tpu.memref_slice %dma_wait3A_358[%dma_wait3A_359, %dma_wait3A_360] : memref<10000x48xf32, #tpu.memory_space<hbm>> -> memref<10000x48xf32, #tpu.memory_space<hbm>>
        tpu.wait_indirect_dma semaphore(%arg38 : memref<!tpu.dma_semaphore, #tpu.memory_space<semaphore_mem>>) src(%dma_wait3A_361 : memref<10000x48xf32, #tpu.memory_space<hbm>>) dst(%dma_wait3A_351 : memref<80x48xf32, #tpu.memory_space<vmem>>)
        %run_scoped3A_362 = arith.constant 4 : i32
        "tpu.region"() ({
          %run_scoped3A_371 = tpu.sem_alloc : memref<!tpu.dma_semaphore, #tpu.memory_space<semaphore_mem>>
          %dma_start3A_372 = arith.constant 0 : i32
          %dma_start3A_373 = arith.constant 0 : i32
          %dma_start3A_374 = tpu.memref_slice %arg26[%run_scoped3A_362, %dma_start3A_372, %dma_start3A_373] : memref<5x80x48xf32, #tpu.memory_space<vmem>> -> memref<1x80x48xf32, #tpu.memory_space<vmem>>
          %dma_start3A_375 = tpu.memref_squeeze %dma_start3A_374 : memref<1x80x48xf32, #tpu.memory_space<vmem>> -> memref<80x48xf32, #tpu.memory_space<vmem>>
          %dma_start3A_376 = arith.constant 0 : i32
          %dma_start3A_377 = tpu.memref_slice %arg25[%add3A_346, %dma_start3A_376] : memref<250x80xi32, #tpu.memory_space<vmem>> -> memref<1x80xi32, #tpu.memory_space<vmem>>
          %dma_start3A_378 = tpu.memref_squeeze %dma_start3A_377 : memref<1x80xi32, #tpu.memory_space<vmem>> -> memref<80xi32, #tpu.memory_space<vmem>>
          %dma_start3A_379 = arith.constant 0 : i32
          %dma_start3A_380 = arith.constant 0 : i32
          %dma_start3A_381 = tpu.memref_slice %arg23[%dma_start3A_379, %dma_start3A_380] : memref<10000x48xf32, #tpu.memory_space<vmem_shared>> -> memref<10000x48xf32, #tpu.memory_space<vmem_shared>>
          tpu.enqueue_indirect_dma source(%dma_start3A_375 : memref<80x48xf32, #tpu.memory_space<vmem>>) target(%dma_start3A_381 : memref<10000x48xf32, #tpu.memory_space<vmem_shared>>) offsets(%dma_start3A_378 : memref<80xi32, #tpu.memory_space<vmem>>) semaphore(%run_scoped3A_371 : memref<!tpu.dma_semaphore, #tpu.memory_space<semaphore_mem>>) {add = true}
          %dma_wait3A_382 = arith.constant 0 : i32
          %dma_wait3A_383 = arith.constant 0 : i32
          %dma_wait3A_384 = tpu.memref_slice %arg26[%run_scoped3A_362, %dma_wait3A_382, %dma_wait3A_383] : memref<5x80x48xf32, #tpu.memory_space<vmem>> -> memref<1x80x48xf32, #tpu.memory_space<vmem>>
          %dma_wait3A_385 = tpu.memref_squeeze %dma_wait3A_384 : memref<1x80x48xf32, #tpu.memory_space<vmem>> -> memref<80x48xf32, #tpu.memory_space<vmem>>
          %dma_wait3A_386 = arith.constant 0 : i32
          %dma_wait3A_387 = tpu.memref_slice %arg25[%add3A_346, %dma_wait3A_386] : memref<250x80xi32, #tpu.memory_space<vmem>> -> memref<1x80xi32, #tpu.memory_space<vmem>>
          %dma_wait3A_388 = tpu.memref_squeeze %dma_wait3A_387 : memref<1x80xi32, #tpu.memory_space<vmem>> -> memref<80xi32, #tpu.memory_space<vmem>>
          %dma_wait3A_389 = arith.constant 0 : i32
          %dma_wait3A_390 = arith.constant 0 : i32
          %dma_wait3A_391 = tpu.memref_slice %arg23[%dma_wait3A_389, %dma_wait3A_390] : memref<10000x48xf32, #tpu.memory_space<vmem_shared>> -> memref<10000x48xf32, #tpu.memory_space<vmem_shared>>
          tpu.wait_indirect_dma semaphore(%run_scoped3A_371 : memref<!tpu.dma_semaphore, #tpu.memory_space<semaphore_mem>>) src(%dma_wait3A_385 : memref<80x48xf32, #tpu.memory_space<vmem>>) dst(%dma_wait3A_391 : memref<10000x48xf32, #tpu.memory_space<vmem_shared>>)
          tpu.yield
        }) : () -> ()
        %add3A_363 = arith.constant 5 : i32
        %add3A_364 = arith.addi %add3A_346, %add3A_363 : i32
        %lt3A_365 = arith.constant 250 : i32
        %lt3A_366 = arith.cmpi slt, %add3A_364, %lt3A_365 : i32
        %convert_element_type3A_367 = arith.extui %lt3A_366 : i1 to i32
        %cond3A_368 = arith.constant 0 : i32
        %cond3A_369 = arith.cmpi ne, %convert_element_type3A_367, %cond3A_368 : i32
        scf.if %cond3A_369 {
          %add3A_371 = arith.constant 5 : i32
          %add3A_372 = arith.addi %add3A_346, %add3A_371 : i32
          %dma_start3A_373 = arith.constant 4 : i32
          %dma_start3A_374 = arith.constant 0 : i32
          %dma_start3A_375 = arith.constant 0 : i32
          %dma_start3A_376 = tpu.memref_slice %arg26[%dma_start3A_373, %dma_start3A_374, %dma_start3A_375] : memref<5x80x48xf32, #tpu.memory_space<vmem>> -> memref<1x80x48xf32, #tpu.memory_space<vmem>>
          %dma_start3A_377 = tpu.memref_squeeze %dma_start3A_376 : memref<1x80x48xf32, #tpu.memory_space<vmem>> -> memref<80x48xf32, #tpu.memory_space<vmem>>
          %dma_start3A_378 = arith.constant 0 : i32
          %dma_start3A_379 = tpu.memref_slice %arg24[%add3A_372, %dma_start3A_378] : memref<250x80xi32, #tpu.memory_space<vmem>> -> memref<1x80xi32, #tpu.memory_space<vmem>>
          %dma_start3A_380 = tpu.memref_squeeze %dma_start3A_379 : memref<1x80xi32, #tpu.memory_space<vmem>> -> memref<80xi32, #tpu.memory_space<vmem>>
          %dma_start3A_381 = arith.constant 0 : i32
          %dma_start3A_382 = arith.constant 0 : i32
          %dma_start3A_383 = tpu.memref_slice %arg21[%scan3A_221, %dma_start3A_381, %dma_start3A_382] : memref<4x10000x48xf32, #tpu.memory_space<hbm>> -> memref<1x10000x48xf32, #tpu.memory_space<hbm>>
          %dma_start3A_384 = tpu.memref_squeeze %dma_start3A_383 : memref<1x10000x48xf32, #tpu.memory_space<hbm>> -> memref<10000x48xf32, #tpu.memory_space<hbm>>
          %dma_start3A_385 = arith.constant 0 : i32
          %dma_start3A_386 = arith.constant 0 : i32
          %dma_start3A_387 = tpu.memref_slice %dma_start3A_384[%dma_start3A_385, %dma_start3A_386] : memref<10000x48xf32, #tpu.memory_space<hbm>> -> memref<10000x48xf32, #tpu.memory_space<hbm>>
          tpu.enqueue_indirect_dma source(%dma_start3A_387 : memref<10000x48xf32, #tpu.memory_space<hbm>>) target(%dma_start3A_377 : memref<80x48xf32, #tpu.memory_space<vmem>>) offsets(%dma_start3A_380 : memref<80xi32, #tpu.memory_space<vmem>>) semaphore(%arg38 : memref<!tpu.dma_semaphore, #tpu.memory_space<semaphore_mem>>)
        } else {
        }
        %scan3A_370 = arith.constant 0 : i32
        scf.yield %scan3A_370 : i32
      }
      %scan3A_228 = arith.constant 50 : i32
      %barrier3A_229 = arith.constant 0 : index
      tpu.barrier barrier_id(%barrier3A_229)
      %dma_wait3A = arith.constant 2 : i32
      %dma_wait3A_230 = arith.constant 0 : i32
      %dma_wait3A_231 = tpu.memref_slice %arg20[%dma_wait3A, %multiple_of3A, %dma_wait3A_230] : memref<4x10000x48xf32, #tpu.memory_space<hbm>> -> memref<1x625x48xf32, #tpu.memory_space<hbm>>
      %dma_wait3A_232 = tpu.memref_squeeze %dma_wait3A_231 : memref<1x625x48xf32, #tpu.memory_space<hbm>> -> memref<625x48xf32, #tpu.memory_space<hbm>>
      %dma_wait3A_233 = arith.constant 0 : i32
      %dma_wait3A_234 = tpu.memref_slice %arg22[%multiple_of3A, %dma_wait3A_233] : memref<10000x48xf32, #tpu.memory_space<vmem_shared>> -> memref<625x48xf32, #tpu.memory_space<vmem_shared>>
      tpu.wait_dma2 semaphore(%arg39 : memref<!tpu.dma_semaphore, #tpu.memory_space<semaphore_mem>>) src(%dma_wait3A_234 : memref<625x48xf32, #tpu.memory_space<vmem_shared>>) dst(%dma_wait3A_232 : memref<625x48xf32, #tpu.memory_space<hbm>>)
      %run_scoped3A = arith.constant 3 : i32
      "tpu.region"() ({
        %run_scoped3A_235 = tpu.sem_alloc : memref<!tpu.dma_semaphore, #tpu.memory_space<semaphore_mem>>
        %dma_start3A_236 = arith.constant 0 : i32
        %dma_start3A_237 = tpu.memref_slice %arg20[%run_scoped3A, %multiple_of3A, %dma_start3A_236] : memref<4x10000x48xf32, #tpu.memory_space<hbm>> -> memref<1x625x48xf32, #tpu.memory_space<hbm>>
        %dma_start3A_238 = tpu.memref_squeeze %dma_start3A_237 : memref<1x625x48xf32, #tpu.memory_space<hbm>> -> memref<625x48xf32, #tpu.memory_space<hbm>>
        %dma_start3A_239 = arith.constant 0 : i32
        %dma_start3A_240 = tpu.memref_slice %arg23[%multiple_of3A, %dma_start3A_239] : memref<10000x48xf32, #tpu.memory_space<vmem_shared>> -> memref<625x48xf32, #tpu.memory_space<vmem_shared>>
        tpu.enqueue_dma source(%dma_start3A_240 : memref<625x48xf32, #tpu.memory_space<vmem_shared>>) target(%dma_start3A_238 : memref<625x48xf32, #tpu.memory_space<hbm>>) target_semaphore(%run_scoped3A_235 : memref<!tpu.dma_semaphore, #tpu.memory_space<semaphore_mem>>)
        %dma_wait3A_241 = arith.constant 0 : i32
        %dma_wait3A_242 = tpu.memref_slice %arg20[%run_scoped3A, %multiple_of3A, %dma_wait3A_241] : memref<4x10000x48xf32, #tpu.memory_space<hbm>> -> memref<1x625x48xf32, #tpu.memory_space<hbm>>
        %dma_wait3A_243 = tpu.memref_squeeze %dma_wait3A_242 : memref<1x625x48xf32, #tpu.memory_space<hbm>> -> memref<625x48xf32, #tpu.memory_space<hbm>>
        %dma_wait3A_244 = arith.constant 0 : i32
        %dma_wait3A_245 = tpu.memref_slice %arg23[%multiple_of3A, %dma_wait3A_244] : memref<10000x48xf32, #tpu.memory_space<vmem_shared>> -> memref<625x48xf32, #tpu.memory_space<vmem_shared>>
        tpu.wait_dma2 semaphore(%run_scoped3A_235 : memref<!tpu.dma_semaphore, #tpu.memory_space<semaphore_mem>>) src(%dma_wait3A_245 : memref<625x48xf32, #tpu.memory_space<vmem_shared>>) dst(%dma_wait3A_243 : memref<625x48xf32, #tpu.memory_space<hbm>>)
        tpu.yield
      }) : () -> ()
    } else {
    }
    return
  }
}

module attributes {stable_mosaic.version = 14 : i64} {
  func.func @_w_body(%arg0: memref<2x4xf32, #tpu.memory_space<vmem>>, %arg1: memref<4x160000xf32, #tpu.memory_space<vmem>>, %arg2: memref<10000x1xf32, #tpu.memory_space<vmem>>, %arg3: memref<10000x1xf32, #tpu.memory_space<vmem>>, %arg4: memref<2x160000xf32, #tpu.memory_space<vmem>>, %arg5: memref<10000x16xf32, #tpu.memory_space<vmem>>, %arg6: memref<10000x16xf32, #tpu.memory_space<vmem>>) attributes {dimension_semantics = [], scalar_prefetch = 0 : i64, scratch_operands = 0 : i64, tpu.core_type = #tpu.core_type<tc>} {
    %get3A = arith.constant 0 : index
    %get3A_0 = arith.constant 0 : index
    %get3A_1 = vector.load %arg0[%get3A, %get3A_0] : memref<2x4xf32, #tpu.memory_space<vmem>>, vector<2x4xf32>
    %get3A_2 = arith.constant 0 : index
    %get3A_3 = arith.constant 0 : index
    %get3A_4 = vector.load %arg1[%get3A_2, %get3A_3] : memref<4x160000xf32, #tpu.memory_space<vmem>>, vector<4x160000xf32>
    %dot_general3A = arith.constant dense<0.000000e+00> : vector<2x160000xf32>
    %dot_general3A_5 = tpu.matmul %get3A_1, %get3A_4, %dot_general3A {dimension_numbers = #tpu.dot_dimension_numbers<[1], [0], [0], [1], [0, 0, 1, 1], [], []>, transpose_lhs_hint = false} : vector<2x4xf32>, vector<4x160000xf32>, vector<2x160000xf32> -> vector<2x160000xf32>
    %swap3A = arith.constant 0 : index
    %swap3A_6 = arith.constant 0 : index
    %swap3A_7 = vector.load %arg4[%swap3A, %swap3A_6] : memref<2x160000xf32, #tpu.memory_space<vmem>>, vector<2x160000xf32>
    tpu.vector_store %arg4[%swap3A, %swap3A_6], %dot_general3A_5 {strides = array<i32>} : memref<2x160000xf32, #tpu.memory_space<vmem>>, vector<2x160000xf32>,
    %get3A_8 = arith.constant 0 : index
    %get3A_9 = arith.constant 0 : index
    %get3A_10 = vector.load %arg2[%get3A_8, %get3A_9] : memref<10000x1xf32, #tpu.memory_space<vmem>>, vector<10000x1xf32>
    %broadcast_in_dim3A = vector.shape_cast %get3A_10 : vector<10000x1xf32> to vector<10000x1xf32>
    %broadcast_in_dim3A_11 = vector.broadcast %broadcast_in_dim3A : vector<10000x1xf32> to vector<10000x16xf32>
    %swap3A_12 = arith.constant 0 : index
    %swap3A_13 = arith.constant 0 : index
    %swap3A_14 = vector.load %arg5[%swap3A_12, %swap3A_13] : memref<10000x16xf32, #tpu.memory_space<vmem>>, vector<10000x16xf32>
    tpu.vector_store %arg5[%swap3A_12, %swap3A_13], %broadcast_in_dim3A_11 {strides = array<i32>} : memref<10000x16xf32, #tpu.memory_space<vmem>>, vector<10000x16xf32>,
    %get3A_15 = arith.constant 0 : index
    %get3A_16 = arith.constant 0 : index
    %get3A_17 = vector.load %arg3[%get3A_15, %get3A_16] : memref<10000x1xf32, #tpu.memory_space<vmem>>, vector<10000x1xf32>
    %broadcast_in_dim3A_18 = vector.shape_cast %get3A_17 : vector<10000x1xf32> to vector<10000x1xf32>
    %broadcast_in_dim3A_19 = vector.broadcast %broadcast_in_dim3A_18 : vector<10000x1xf32> to vector<10000x16xf32>
    %swap3A_20 = arith.constant 0 : index
    %swap3A_21 = arith.constant 0 : index
    %swap3A_22 = vector.load %arg6[%swap3A_20, %swap3A_21] : memref<10000x16xf32, #tpu.memory_space<vmem>>, vector<10000x16xf32>
    tpu.vector_store %arg6[%swap3A_20, %swap3A_21], %broadcast_in_dim3A_19 {strides = array<i32>} : memref<10000x16xf32, #tpu.memory_space<vmem>>, vector<10000x16xf32>,
    return
  }
}

module attributes {stable_mosaic.version = 14 : i64} {
  func.func @_post_body(%arg0: i32, %arg1: i32, %arg2: memref<2x1000x48xf32, #tpu.memory_space<vmem>>, %arg3: memref<1x1000x1xf32, #tpu.memory_space<vmem>>, %arg4: memref<96x64xf32, #tpu.memory_space<vmem>>, %arg5: memref<1x64xf32, #tpu.memory_space<vmem>>, %arg6: memref<1x1000x64xf32, #tpu.memory_space<vmem>>) attributes {dimension_semantics = [#tpu.dimension_semantics<arbitrary>, #tpu.dimension_semantics<arbitrary>], iteration_bounds = array<i64: 2, 10>, scalar_prefetch = 0 : i64, scratch_operands = 0 : i64, tpu.core_type = #tpu.core_type<tc>, window_params = [{transform_indices = @transform_0, window_bounds = array<i64: 2, 1000, 48>}, {transform_indices = @transform_1, window_bounds = array<i64: 1, 1000, 1>}, {pipeline_mode = #tpu.pipeline_mode<synchronous>, transform_indices = @transform_2, window_bounds = array<i64: 96, 64>}, {pipeline_mode = #tpu.pipeline_mode<synchronous>, transform_indices = @transform_3, window_bounds = array<i64: 1, 64>}, {transform_indices = @transform_4, window_bounds = array<i64: 1, 1000, 64>}]} {
    %get3A = arith.constant 0 : index
    %get3A_0 = arith.constant 0 : index
    %get3A_1 = arith.constant 0 : index
    %get3A_2 = vector.load %arg2[%get3A, %get3A_0, %get3A_1] : memref<2x1000x48xf32, #tpu.memory_space<vmem>>, vector<2x1000x48xf32>
    %get3A_3 = arith.constant 0 : index
    %get3A_4 = arith.constant 0 : index
    %get3A_5 = vector.load %arg4[%get3A_3, %get3A_4] : memref<96x64xf32, #tpu.memory_space<vmem>>, vector<96x64xf32>
    %get3A_6 = arith.constant 0 : index
    %get3A_7 = arith.constant 0 : index
    %get3A_8 = vector.load %arg5[%get3A_6, %get3A_7] : memref<1x64xf32, #tpu.memory_space<vmem>>, vector<1x64xf32>
    %get3A_9 = arith.constant 0 : index
    %get3A_10 = arith.constant 0 : index
    %get3A_11 = arith.constant 0 : index
    %get3A_12 = vector.load %arg3[%get3A_9, %get3A_10, %get3A_11] : memref<1x1000x1xf32, #tpu.memory_space<vmem>>, vector<1x1000x1xf32>
    %get3A_13 = vector.shape_cast %get3A_12 : vector<1x1000x1xf32> to vector<1000x1xf32>
    %slice3A = vector.extract_strided_slice %get3A_2 {offsets = [0, 0, 0], sizes = [1, 1000, 48], strides = [1, 1, 1]} : vector<2x1000x48xf32> to vector<1x1000x48xf32>
    %squeeze3A = vector.shape_cast %slice3A : vector<1x1000x48xf32> to vector<1000x48xf32>
    %slice3A_14 = vector.extract_strided_slice %get3A_2 {offsets = [1, 0, 0], sizes = [1, 1000, 48], strides = [1, 1, 1]} : vector<2x1000x48xf32> to vector<1x1000x48xf32>
    %squeeze3A_15 = vector.shape_cast %slice3A_14 : vector<1x1000x48xf32> to vector<1000x48xf32>
    %concatenate3A = tpu.concatenate %squeeze3A, %squeeze3A_15 in 1 : vector<1000x48xf32>, vector<1000x48xf32> -> vector<1000x96xf32>
    %dot_general3A = arith.constant dense<0.000000e+00> : vector<1000x64xf32>
    %dot_general3A_16 = tpu.matmul %concatenate3A, %get3A_5, %dot_general3A {dimension_numbers = #tpu.dot_dimension_numbers<[1], [0], [0], [1], [0, 0, 1, 1], [], []>, transpose_lhs_hint = false} : vector<1000x96xf32>, vector<96x64xf32>, vector<1000x64xf32> -> vector<1000x64xf32>
    %mul3A = vector.broadcast %get3A_13 : vector<1000x1xf32> to vector<1000x64xf32>
    %mul3A_17 = arith.mulf %mul3A, %dot_general3A_16 : vector<1000x64xf32>
    %add3A = vector.broadcast %get3A_8 : vector<1x64xf32> to vector<1000x64xf32>
    %add3A_18 = arith.addf %mul3A_17, %add3A : vector<1000x64xf32>
    %swap3A = arith.constant 0 : index
    %swap3A_19 = arith.constant 0 : index
    %swap3A_20 = arith.constant 0 : index
    %swap3A_21 = vector.load %arg6[%swap3A, %swap3A_19, %swap3A_20] : memref<1x1000x64xf32, #tpu.memory_space<vmem>>, vector<1x1000x64xf32>
    %swap3A_22 = vector.shape_cast %swap3A_21 : vector<1x1000x64xf32> to vector<1000x64xf32>
    %swap3A_23 = vector.shape_cast %add3A_18 : vector<1000x64xf32> to vector<1x1000x64xf32>
    tpu.vector_store %arg6[%swap3A, %swap3A_19, %swap3A_20], %swap3A_23 {strides = array<i32>} : memref<1x1000x64xf32, #tpu.memory_space<vmem>>, vector<1x1000x64xf32>,
    return
  }
  func.func @transform_0(%arg0: i32, %arg1: i32) -> (i32, i32, i32) {
    %c0_i32 = arith.constant 0 : i32
    %c0_i32_0 = arith.constant 0 : i32
    return %arg0, %arg1, %c0_i32 : i32, i32, i32
  }
  func.func @transform_1(%arg0: i32, %arg1: i32) -> (i32, i32, i32) {
    %c0_i32 = arith.constant 0 : i32
    %c0_i32_0 = arith.constant 0 : i32
    return %arg0, %arg1, %c0_i32 : i32, i32, i32
  }
  func.func @transform_2(%arg0: i32, %arg1: i32) -> (i32, i32) {
    %c0_i32 = arith.constant 0 : i32
    %c0_i32_0 = arith.constant 0 : i32
    %c0_i32_1 = arith.constant 0 : i32
    return %c0_i32, %c0_i32_0 : i32, i32
  }
  func.func @transform_3(%arg0: i32, %arg1: i32) -> (i32, i32) {
    %c0_i32 = arith.constant 0 : i32
    %c0_i32_0 = arith.constant 0 : i32
    %c0_i32_1 = arith.constant 0 : i32
    return %c0_i32, %c0_i32_0 : i32, i32
  }
  func.func @transform_4(%arg0: i32, %arg1: i32) -> (i32, i32, i32) {
    %c0_i32 = arith.constant 0 : i32
    %c0_i32_0 = arith.constant 0 : i32
    return %arg0, %arg1, %c0_i32 : i32, i32, i32
  }
}

</mosaic_0001>

<sc_bundles>
// kernel: kernel.5.cloned.1.call-start
scs
__scs_entry_jumppad:
0x0: {  	(pc) =	sbr.rel $0x88, $3  }
0x1: {  	(tag) =	ssettag $0x0;
	lr =	simm.s32 $0x1  }
0x2: {  	[smem:$0x3F95] =	sst lr;
	_ =	strace $0xD0000000  }
0x3: {  	_ = 	snop  }
0x4: {  	_ = 	snop  }
0x5: {  	_ = 	snop  }
0x6: {  	_ = 	snop  }
0x7: {  	_ = 	snop  }
__scs_overlays_trampoline_lowered:
0x8: {  	[smem:$0x3FA4] =	sst s0  }
0x9: {  	[smem:$0x3FA5] =	sst s1  }
0xa: {  	[smem:$0x3FA6] =	sst s2  }
0xb: {  	[smem:$0x3FA7] =	sst s3  }
0xc: {  	[smem:$0x3FA8] =	sst s4  }
0xd: {  	[smem:$0x3FA9] =	sst s5  }
0xe: {  	[smem:$0x3FAA] =	sst s6  }
0xf: {  	[smem:$0x3FAB] =	sst s7  }
0x10: {  	[smem:$0x3FAC] =	sst s8  }
0x11: {  	[smem:$0x3FAD] =	sst s9;
	s0 =	simm.s32 @!p0 $0x0  }
0x12: {  	s1 =	sld [smem:$0x3F93];
	s0 =	simm.s32 @p0 $0x1  }
0x13: {  	[smem:$0x3FAE] =	sst s0;
	s0 =	simm.s32 @!p1 $0x0  }
0x14: {  	s2 =	sld [smem:$0x3F92];
	s0 =	simm.s32 @p1 $0x1  }
0x15: {  	[smem:$0x3FAF] =	sst s0;
	s0 =	simm.s32 @!p2 $0x0  }
0x16: {  	s3 =	sld [smem:$0x3FDB];
	s0 =	simm.s32 @p2 $0x1  }
0x17: {  	s4 =	simm.s32 $0x1BF5;
	[smem:$0x3FB1] =	sst s0  }
0x18: {  	s0 =	sld [smem:$0x3F94];
	_ =	swait.ge [sflag:s4], $0x0  }
0x19: {  	s7 =	sld [smem:$0x3F95]  }
0x1a: {  	s8 =	sadd.s32 $0xFFFFE003, lr  }
0x1b: {  	s9 =	sadd.s32 $0xFFFFFEF7, lr;
	s5 =	simm.s32 $0xFFFFFFFF;
	p2 =	slt.u32 s8, $0xFFFFF086  }
0x1c: {  	p1 =	slt.u32 s9, $0xF7A;
	s5 =	simm.s32 @!p2 $0x0  }
0x1d: {  	s5 =	simm.s32 @p1 $0x1;
	p0 =	seq.s32 s7, s2  }
0x1e: {  	s7 =	smul.u32 @!p0 $0xF7A, s2;
	p2 =	seq.s32 @!p0 s5, $0x0  }
0x1f: {  	s9 =	smul.u32 $0xF7A, s1;
	s8 =	simm.s32 @!p0 $0x1BF5;
	p2 =	por !p2, p0  }
0x20: {  	[sflag:s8] =	ssyncset.s32 @!p0 $0xFFFFF086;
	s6 =	sadd.s32 @!p0 s3, s7;
	s7 =	simm.s32 @!p0 $0x108  }
0x21: {  	s3 =	sadd.s32 s3, s9;
	s6 =	sadd.s32 @!p0 $0x88, s6;
	s7 =	simm.s32 @p2 $0x1082  }
0x22: {  	[simem:s7], [sflag:s8] =	dma.local @!p0 [hbm:s6], $0xF7A  }
0x23: {  	s9 =	sor.u32 $0xD0000000, s2;
	s6 =	simm.s32 $0x108;
	_ =	swait.ge @!p0 [sflag:s8], $0x0  }
0x24: {  	s3 =	sadd.s32 $0x88, s3;
	s6 =	simm.s32 @!p1 $0x1082;
	[sflag:s4] =	ssyncset.s32 $0xFFFFF086  }
0x25: {  	[simem:s6], [sflag:s4] =	dma.local [hbm:s3], $0xF7A  }
0x26: {  	[smem:$0x3F95] =	sst s1;
	(tag) =	ssettag s2;
	_ =	strace s9  }
0x27: {  	s1 =	sld [smem:$0x3FA5]  }
0x28: {  	s2 =	sld [smem:$0x3FA6]  }
0x29: {  	s4 =	sld [smem:$0x3FA8]  }
0x2a: {  	p0 =	seq.s32 s5, $0x0;
	s5 =	sld [smem:$0x3FA9]  }
0x2b: {  	s6 =	sld [smem:$0x3FAA]  }
0x2c: {  	s7 =	sld [smem:$0x3FAB]  }
0x2d: {  	s3 =	simm.s32 $0x108;
	s8 =	sld [smem:$0x3FAC]  }
0x2e: {  	s3 =	simm.s32 @!p0 $0x1082;
	s9 =	sld [smem:$0x3FAD]  }
0x2f: {  	lr =	sadd.s32 s0, s3;
	s0 =	sld [smem:$0x3FA4]  }
0x30: {  	s3 =	sld [smem:$0x3FA7]  }
0x31: {  	[smem:$0x3FB0] =	sst s10  }
0x32: {  	s10 =	sld [smem:$0x3FAE];
	_ =	sdelay $0x3  }
0x33: {  	p0 =	seq.s32 s10, $0x1;
	s10 =	sld [smem:$0x3FB0];
	_ =	sdelay $0x3  }
0x34: {  	[smem:$0x3FB0] =	sst s10  }
0x35: {  	s10 =	sld [smem:$0x3FAF];
	_ =	sdelay $0x3  }
0x36: {  	p1 =	seq.s32 s10, $0x1;
	s10 =	sld [smem:$0x3FB0];
	_ =	sdelay $0x3  }
0x37: {  	[smem:$0x3FB0] =	sst s10  }
0x38: {  	s10 =	sld [smem:$0x3FB1]  }
0x39: {  	_ = 	snop;
	(pc) =	sbr.ind lr, $3  }
0x3a: {  	_ = 	snop  }
0x3b: {  	_ = 	snop  }
0x3c: {  	p2 =	seq.s32 s10, $0x1;
	s10 =	sld [smem:$0x3FB0]  }
0x3d: {  	_ =	shalt  }
0x3e: {  	_ =	shalt  }
0x3f: {  	_ =	shalt  }
0x40: {  	_ =	shalt  }
0x41: {  	_ =	shalt  }
0x42: {  	_ =	shalt  }
0x43: {  	_ =	shalt  }
0x44: {  	_ =	shalt  }
0x45: {  	_ =	shalt  }
0x46: {  	_ =	shalt  }
0x47: {  	_ =	shalt  }
0x48: {  	_ =	shalt  }
0x49: {  	_ =	shalt  }
0x4a: {  	_ =	shalt  }
0x4b: {  	_ =	shalt  }
0x4c: {  	_ =	shalt  }
0x4d: {  	_ =	shalt  }
0x4e: {  	_ =	shalt  }
0x4f: {  	_ =	shalt  }
0x50: {  	_ =	shalt  }
0x51: {  	_ =	shalt  }
0x52: {  	_ =	shalt  }
0x53: {  	_ =	shalt  }
0x54: {  	_ =	shalt  }
0x55: {  	_ =	shalt  }
0x56: {  	_ =	shalt  }
0x57: {  	_ =	shalt  }
0x58: {  	_ =	shalt  }
0x59: {  	_ =	shalt  }
0x5a: {  	_ =	shalt  }
0x5b: {  	_ =	shalt  }
0x5c: {  	_ =	shalt  }
0x5d: {  	_ =	shalt  }
0x5e: {  	_ =	shalt  }
0x5f: {  	_ =	shalt  }
0x60: {  	_ =	shalt  }
0x61: {  	_ =	shalt  }
0x62: {  	_ =	shalt  }
0x63: {  	_ =	shalt  }
0x64: {  	_ =	shalt  }
0x65: {  	_ =	shalt  }
0x66: {  	_ =	shalt  }
0x67: {  	_ =	shalt  }
0x68: {  	_ =	shalt  }
0x69: {  	_ =	shalt  }
0x6a: {  	_ =	shalt  }
0x6b: {  	_ =	shalt  }
0x6c: {  	_ =	shalt  }
0x6d: {  	_ =	shalt  }
0x6e: {  	_ =	shalt  }
0x6f: {  	_ =	shalt  }
0x70: {  	_ =	shalt  }
0x71: {  	_ =	shalt  }
0x72: {  	_ =	shalt  }
0x73: {  	_ =	shalt  }
0x74: {  	_ =	shalt  }
0x75: {  	_ =	shalt  }
0x76: {  	_ =	shalt  }
0x77: {  	_ =	shalt  }
0x78: {  	_ =	shalt  }
0x79: {  	_ =	shalt  }
0x7a: {  	_ =	shalt  }
0x7b: {  	_ =	shalt  }
0x7c: {  	_ =	shalt  }
0x7d: {  	_ =	shalt  }
0x7e: {  	_ =	shalt  }
0x7f: {  	_ =	shalt  }
0x80: {  	_ =	shalt  }
0x81: {  	_ =	shalt  }
0x82: {  	_ =	shalt  }
0x83: {  	_ =	shalt  }
0x84: {  	_ =	shalt  }
0x85: {  	_ =	shalt  }
0x86: {  	_ =	shalt  }
0x87: {  	_ =	shalt  }
.Lfunc_end0:
.L_simem_size_0:
called_computation_lowered:
.L_overlay_start_0:
0x88: {  	s2 =	sld [smem:$0x3FD9]  }
0x89: {  	s3 =	sld [smem:$0x3FFE];
	_ =	sdelay $0x1  }
0x8a: {  	s1 =	srdreg.scid  }
0x8b: {  	s0 =	sand.u32 $0x1, s1  }
0x8c: {  	s14 =	sshll.u32 s0, $0xA;
	s2 =	sadd.s32 s3, s2  }
0x8d: {  	s2 =	sadd.s32 s2, s14  }
0x8e: {  	[smem:$0x3FBC] =	sst s2  }
0x8f: {  	_ = 	snop  }
0x90: {  	s2 =	sld [smem:$0x3FD0];
	_ =	sdelay $0x2  }
0x91: {  	s15 =	simm.s32 $0xA;
	s4 =	simm.s32 $0x10  }
0x92: {  	[smem:s4], [sflag:s15] =	dma.local [hbm:s2], $0x1  }
0x93: {  	_ =	swait.eq [sflag:s15], $0x1  }
0x94: {  	[sflag:s15] =	ssyncset.done $0x0  }
0x95: {  	s16 =	sld [smem:$0x10];
	[sflag:s15] =	ssyncadd.s32 $0xFFFFFFFF  }
0x96: {  	s17 =	sld [smem:$0x11];
	(tm) =	ssettm $0x1  }
0x97: {  	s18 =	sld [smem:$0x3FFB];
	_ =	sdelay $0x3  }
0x98: {  	_ =	strace s18  }
0x99: {  	s4 =	sld [smem:$0x3FFC];
	_ =	sdelay $0x3  }
0x9a: {  	_ =	strace s4  }
0x9b: {  	s4 =	sld [smem:$0x3FFD];
	_ =	sdelay $0x3  }
0x9c: {  	_ =	strace s4  }
0x9d: {  	_ =	strace $0x8FFFFFFF  }
0x9e: {  	s19 =	sld [smem:$0x3FDB];
	_ =	sdelay $0x1  }
0x9f: {  	s5 =	simm.s32 $_scs_section_size  }
0xa0: {  	s6 =	simm.s32 $_size__tile_overlayer_lowered;
	s7 =	simm.s32 $_tile_overlayer_lowered  }
0xa1: {  	s22 =	simm.s32 $0x1BFF;
	s21 =	sshll.u32 s7, $0x1;
	s4 =	sadd.s32 s5, s19  }
0xa2: {  	s8 =	simm.s32 $0x0;
	s20 =	sshll.u32 s6, $0x1;
	s6 =	sadd.s32 s21, s4  }
0xa3: {  	[timem:s8], [sflag:s22] =	dma.local [hbm:s6], s20  }
0xa4: {  	_ =	swait.ge [sflag:s22], s20  }
0xa5: {  	s5 =	ssub.s32 $0x0, s20;
	[sflag:s22] =	ssyncset.done $0x0  }
0xa6: {  	[sflag:s22] =	ssyncadd.s32 s5;
	_ =	sdelay $0x1  }
0xa7: {  	s23 =	simm.s32 $0x1B8B  }
0xa8: {  	_ =	swait.ge [sflag:s23], $0x1  }
0xa9: {  	[sflag:s23] =	ssyncset.done $0x0  }
0xaa: {  	s25 =	simm.s32 $0x1B8E;
	s24 =	sld [smem:$0x3FFE];
	[sflag:s23] =	ssyncadd.s32 $0xFFFFFFFF  }
0xab: {  	s26 =	simm.s32 $execute0_lowered;
	[smem:$0x3FD2] =	sst s25  }
0xac: {  	s6 =	sshll.u32 s26, $0x1;
	_ =	strace $0x80000046;
	[dreg:$0x1] =	wrdreg $0xFFFFFFFF  }
0xad: {  	s28 =	simm.s32 $_size_execute0_lowered;
	s4 =	sadd.s32 s4, s6;
	[dreg:$0x0] =	wrdreg $0x0  }
0xae: {  	s6 =	sshll.u32 s28, $0x1;
	[dreg:$0x2] =	wrdreg s4  }
0xaf: {  	[dreg:$0x3] =	wrdreg s6  }
0xb0: {  	[dreg:$0x4] =	wrdreg $0xC0  }
0xb1: {  	_ =	task [dreg:s8], $0x5FFFF  }
0xb2: {  	[dreg:$0x1] =	wrdreg $0xFFFFFFFF  }
0xb3: {  	[dreg:$0x0] =	wrdreg $0x60  }
0xb4: {  	[dreg:$0x2] =	wrdreg s24  }
0xb5: {  	[dreg:$0x3] =	wrdreg s16  }
0xb6: {  	[dreg:$0x4] =	wrdreg s17  }
0xb7: {  	[dreg:$0x5] =	wrdreg $0x0  }
0xb8: {  	[dreg:$0x6] =	wrdreg $0x75300  }
0xb9: {  	[dreg:$0x7] =	wrdreg $0x9  }
0xba: {  	_ =	task.clear_ibuf [dreg:s8], $0x8FFFF;
	_ =	strace $0x90000046  }
0xbb: {  	s29 =	simm.s32 $0x9;
	_ =	strace $0x80000048  }
0xbc: {  	_ =	swait.ge [sflag:s29], $0x1  }
0xbd: {  	[sflag:s29] =	ssyncadd.s32 $0xFFFFFFFF  }
0xbe: {  	_ =	strace $0x90000048  }
0xbf: {  	_ =	sfence  }
0xc0: {  	s30 =	sld [smem:$0x0];
	_ =	sdelay $0x2  }
0xc1: {  	s31 =	sshll.u32 s1, $0xD;
	s1 =	sshrl.u32 s1, $0x2  }
0xc2: {  	s3 =	sand.u32 $0x4000, s31;
	s1 =	sadd.s32 s1, s30  }
0xc3: {  	s0 =	sor.u32 s3, s0;
	s1 =	sshll.u32 s1, $0x11  }
0xc4: {  	s0 =	sor.u32 s1, s0  }
0xc5: {  	s0 =	sadd.s32 $0x8F2B, s0  }
0xc6: {  	[sflag:s0] =	ssyncadd.remote.s32 $0x1  }
0xc7: {  	_ =	sfence.sel $0xFFFF  }
0xc8: {  	[dreg:$0x0] =	wrdreg $0xFFFFFFFF;
	(pc) =	sbr.abs _section_cstart, $3  }
0xc9: {  	[dreg:$0x1] =	wrdreg $0xFFFFFFFF  }
0xca: {  	_ =	task.clear_ibuf [dreg:s8], $0x2FFFF;
	_ =	strace $0x9FFFFFFF  }
0xcb: {  	(tm) =	ssettm $0x7FFFFFFF  }
tec
execute0_lowered:
.L_overlay_start_1:
0x0: {  	(tag) =	ssettag $0x1  }
0x1: {  	s1 =	rddreg [dreg:$0x0]  }
0x2: {  	s0 =	rddreg [dreg:$0x1]  }
0x3: {  	s5 =	rddreg [dreg:$0x2]  }
0x4: {  	s3 =	rddreg [dreg:$0x3]  }
0x5: {  	s4 =	rddreg [dreg:$0x4];
	s7 =	simm.s32 $0x0  }
0x6: {  	s2 =	stileid.u32;
	s6 =	srdreg.scid;
	s28 =	simm.s32 $0x3  }
0x7: {  	s29 =	simm.s32 $0x50;
	[smem:$0x7FF] =	sst s7;
	s26 =	smul.u32 $0x9C4, s2  }
0x8: {  	s6 =	sand.u32 $0x1, s6;
	s9 =	smul.u32 $0x7530, s2;
	s12 =	sadd.s32 $0x64A00, s1  }
0x9: {  	_ =	strace $0x80000047;
	[dreg:$0x6] =	wrdreg s12;
	s5 =	sadd.s32 s5, s26  }
0xa: {  	s8 =	ssub.s32 $0x2, s6;
	s0 =	sadd.s32 s0, s26;
	[dreg:$0x7] =	wrdreg s5  }
0xb: {  	s10 =	sadd.s32 s26, s1;
	s13 =	sadd.s32 s9, s3;
	[dreg:$0x8] =	wrdreg s0  }
0xc: {  	s11 =	sshrl.u32 s8, $0x1;
	s16 =	sadd.s32 $0x15F900, s9;
	[dreg:$0xa] =	wrdreg s13  }
0xd: {  	s17 =	sadd.s32 s9, s4;
	s14 =	sadd.s32 $0x16400, s10;
	[dreg:$0xd] =	wrdreg s16  }
0xe: {  	s8 =	ssub.s32 s8, s11;
	s15 =	sadd.s32 $0x20200, s10;
	[dreg:$0xb] =	wrdreg s14  }
0xf: {  	s11 =	sshrl.u32 s9, $0x3;
	s9 =	sadd.s32 $0x75300, s9;
	[dreg:$0xc] =	wrdreg s15  }
0x10: {  	s31 =	simm.s32 $0x1DC90;
	s17 =	sshrl.u32 s17, $0x3;
	[dreg:$0xe] =	wrdreg s9  }
0x11: {  	s0 =	smul.u32 $0xF00, s2;
	s8 =	smax.u32 s8, $0x1;
	[smem:$0x7F4] =	sst s17  }
0x12: {  	s30 =	simm.s32 $0x0;
	s11 =	sadd.s32 s12, s11;
	[dreg:$0xf] =	wrdreg s8  }
0x13: {  	p0 =	sne.s32 s6, $0x0;
	s8 =	sadd.s32 s0, s3;
	[dreg:$0x9] =	wrdreg s11  }
0x14: {  	s18 =	sadd.s32 $0xF000, s0;
	s9 =	sadd.s32 s0, s4;
	[dreg:$0x18] =	wrdreg s8  }
0x15: {  	s5 =	simm.s32 $0x7;
	s19 =	sadd.s32 s18, s3;
	[dreg:$0x19] =	wrdreg s9  }
0x16: {  	s20 =	sadd.s32 $0x1E000, s0;
	s7 =	sadd.s32 s18, s4;
	[dreg:$0x10] =	wrdreg s19  }
0x17: {  	s21 =	sadd.s32 $0x2D000, s0;
	s22 =	sadd.s32 s20, s3;
	[dreg:$0x11] =	wrdreg s7  }
0x18: {  	s12 =	sor.u32 $0x70, s2;
	s23 =	sadd.s32 s21, s3;
	[dreg:$0x12] =	wrdreg s22  }
0x19: {  	s25 =	sadd.s32 $0x3C000, s0;
	s24 =	sadd.s32 s21, s4;
	[dreg:$0x14] =	wrdreg s23  }
0x1a: {  	s10 =	sadd.s32 $0x4B000, s0;
	s26 =	sadd.s32 s25, s3;
	[dreg:$0x15] =	wrdreg s24  }
0x1b: {  	s17 =	sadd.s32 $0x2A000, s1;
	s13 =	sadd.s32 s10, s3;
	[dreg:$0x16] =	wrdreg s26  }
0x1c: {  	s0 =	sadd.s32 $0x5A000, s0;
	s6 =	sadd.s32 s10, s4;
	[dreg:$0x1a] =	wrdreg s13  }
0x1d: {  	p1 =	sgt.u32 s12, $0x7C;
	s14 =	sadd.s32 s0, s3;
	[dreg:$0x1b] =	wrdreg s6  }
0x1e: {  	s0 =	sadd.s32 s0, s4;
	s18 =	sadd.s32 $0x15E00, s1;
	[dreg:$0x1c] =	wrdreg s14  }
0x1f: {  	s21 =	sadd.s32 $0x14C00, s1;
	s9 =	simm.s32 $0x195A0;
	[dreg:$0x1d] =	wrdreg s0  }
0x20: {  	s8 =	simm.s32 $0x1B3A0;
	s10 =	simm.s32 $0x1C2A0;
	[smem:$0x7F5] =	sst s18  }
0x21: {  	s7 =	sadd.s32 s20, s4;
	s14 =	sadd.s32 $0x5000, s1;
	[smem:$0x7F8] =	sst s21  }
0x22: {  	s19 =	sadd.s32 $0x15800, s1;
	s20 =	sadd.s32 $0x15200, s1;
	[dreg:$0x13] =	wrdreg s7  }
0x23: {  	s22 =	sadd.s32 $0x14600, s1;
	s23 =	sadd.s32 $0x14000, s1;
	[smem:$0x7F6] =	sst s19  }
0x24: {  	s24 =	sadd.s32 $0xA000, s1;
	s18 =	sadd.s32 $0x474C0, s1;
	[smem:$0x7F7] =	sst s20  }
0x25: {  	s26 =	sadd.s32 $0x1D4C0, s11;
	s21 =	simm.s32 $0x1D1A0;
	[smem:$0x7F9] =	sst s22  }
0x26: {  	s0 =	simm.s32 $0x1E190;
	s13 =	simm.s32 $0x4;
	[smem:$0x7FA] =	sst s23  }
0x27: {  	s6 =	simm.s32 $0x186A0;
	s7 =	sadd.s32 s25, s4;
	[smem:$0x7FB] =	sst s24  }
0x28: {  	s11 =	simm.s32 $0x5;
	[dreg:$0x17] =	wrdreg s7;
	s7 =	smul.u32 $0xF00, s12  }
.Ltmp0:
0x29: {  	s25 =	sadd.s32 $0xF000, s1;
	[smem:$0x7FD] =	sst s26;
	(pc) =	sbr.rel .LBB2_1-.Ltmp0, $4  }
0x2a: {  	s19 =	sadd.s32 $0x55F20, s1;
	s20 =	sadd.s32 $0x38A60, s1;
	s22 =	simm.s32 $0x1D1F0  }
0x2b: {  	s23 =	simm.s32 $0x1D240;
	[smem:$0x7FC] =	sst s25;
	s15 =	sadd.s32 s7, s3  }
0x2c: {  	s26 =	simm.s32 $0x2;
	s16 =	sadd.s32 s7, s4;
	[dreg:$0x1e] =	wrdreg s15  }
0x2d: {  	v0 =	vimm.f32 $0.0e+00;
	s25 =	simm.s32 $0x1;
	s7 =	simm.s32 $0x1A4A0;
	[dreg:$0x1f] =	wrdreg s16  }
.LBB2_37:
0x2e: {  	_ =	swait.ge [sflag:s25], $0xF00  }
0x2f: {  	[sflag:s25] =	ssyncset.done $0x0  }
0x30: {  	s15 =	simm.s32 $0x18510;
	[sflag:s25] =	ssyncadd.s32 $0xFFFFF100  }
0x31: {  	[spmem:s4] =	stream.indirect.scatter.add.f32 [tilespmem:s6], [sflag:$0x7], $0x30, s15, s29, $0xb8;
	[tilespmem:$0x1E690] =	vst v63  }
0x32: {  	_ =	swait.ge [sflag:s5], $0xF00  }
0x33: {  	[sflag:s5] =	ssyncset.done $0x0  }
0x34: {  	[sflag:s5] =	ssyncadd.s32 $0xFFFFF100  }
0x35: {  	_ =	swait.ge [sflag:s26], $0xF00  }
0x36: {  	[sflag:s26] =	ssyncset.done $0x0  }
0x37: {  	s24 =	simm.s32 $0x18560;
	[sflag:s26] =	ssyncadd.s32 $0xFFFFF100  }
0x38: {  	[spmem:s4] =	stream.indirect.scatter.add.f32 [tilespmem:s9], [sflag:$0x7], $0x30, s24, s29, $0xb8;
	[tilespmem:$0x1E690] =	vst v63  }
0x39: {  	_ =	swait.ge [sflag:s5], $0xF00  }
0x3a: {  	[sflag:s5] =	ssyncset.done $0x0  }
0x3b: {  	[sflag:s5] =	ssyncadd.s32 $0xFFFFF100  }
0x3c: {  	_ =	swait.ge [sflag:s28], $0xF00  }
0x3d: {  	[sflag:s28] =	ssyncset.done $0x0  }
0x3e: {  	s16 =	simm.s32 $0x185B0;
	[sflag:s28] =	ssyncadd.s32 $0xFFFFF100  }
0x3f: {  	[spmem:s4] =	stream.indirect.scatter.add.f32 [tilespmem:s7], [sflag:$0x7], $0x30, s16, s29, $0xb8;
	[tilespmem:$0x1E690] =	vst v63  }
0x40: {  	_ =	swait.ge [sflag:s5], $0xF00  }
0x41: {  	[sflag:s5] =	ssyncset.done $0x0  }
0x42: {  	[sflag:s5] =	ssyncadd.s32 $0xFFFFF100  }
0x43: {  	_ =	swait.ge [sflag:s13], $0xF00  }
0x44: {  	[sflag:s13] =	ssyncset.done $0x0  }
0x45: {  	s24 =	simm.s32 $0x18600;
	[sflag:s13] =	ssyncadd.s32 $0xFFFFF100  }
0x46: {  	[spmem:s4] =	stream.indirect.scatter.add.f32 [tilespmem:s8], [sflag:$0x7], $0x30, s24, s29, $0xb8;
	[tilespmem:$0x1E690] =	vst v63  }
0x47: {  	_ =	swait.ge [sflag:s5], $0xF00  }
0x48: {  	[sflag:s5] =	ssyncset.done $0x0  }
0x49: {  	[sflag:s5] =	ssyncadd.s32 $0xFFFFF100  }
0x4a: {  	_ =	swait.ge [sflag:s11], $0xF00  }
0x4b: {  	[sflag:s11] =	ssyncset.done $0x0  }
0x4c: {  	s16 =	simm.s32 $0x18650;
	[sflag:s11] =	ssyncadd.s32 $0xFFFFF100  }
0x4d: {  	[spmem:s4] =	stream.indirect.scatter.add.f32 [tilespmem:s10], [sflag:$0x7], $0x30, s16, s29, $0xb8;
	[tilespmem:$0x1E690] =	vst v63  }
0x4e: {  	_ =	swait.ge [sflag:s5], $0xF00  }
0x4f: {  	[sflag:s5] =	ssyncset.done $0x0  }
0x50: {  	[sflag:s5] =	ssyncadd.s32 $0xFFFFF100  }
0x51: {  	s24 =	simm.s32 $0x6;
	[bflag:$0x0] =	sbarrier.arrive $0xFFFF  }
0x52: {  	_ =	swait.ge [sflag:s24], $0xEA6  }
0x53: {  	[sflag:s24] =	ssyncset.done $0x0  }
0x54: {  	[sflag:s24] =	ssyncadd.s32 $0xFFFFF15A;
	s24 =	sld [smem:$0x7F4]  }
0x55: {  	s12 =	sshrl.u32 s12, $0x3;
	s15 =	sshll.u32 s2, $0x6;
	s16 =	rddreg [dreg:$0x6]  }
0x56: {  	s15 =	sor.u32 $0x1C07, s15;
	s12 =	sadd.s32 s16, s12  }
0x57: {  	[hbm:s12], [sflag:s15] =	dma.local [spmem:s24], $0xEA6  }
0x58: {  	_ =	swait.ge [sflag:s5], $0xEA6  }
0x59: {  	s30 =	sadd.s32 $0x1, s30;
	s24 =	rddreg [dreg:$0xf]  }
0x5a: {  	p2 =	sne.s32 s30, s24  }
.Ltmp1:
0x5b: {  	_ = 	snop;
	(pc) =	sbr.rel @!p2 .LBB2_38-.Ltmp1, $3  }
0x5c: {  	_ =	sdelay $0x1  }
0x5d: {  	[sflag:s5] =	ssyncset.done $0x0  }
0x5e: {  	[sflag:s5] =	ssyncadd.s32 $0xFFFFF15A  }
.LBB2_1:
.Ltmp2:
0x5f: {  	(pc) =	sbr.rel @p0 .LBB2_13-.Ltmp2, $4  }
.Ltmp3:
0x60: {  	(pc) =	sbr.rel @!p0 .LBB2_2-.Ltmp3, $4  }
0x61: {  	_ = 	snop  }
0x62: {  	_ = 	snop  }
0x63: {  	[smem:$0x7F3] =	sst s30;
	s15 =	simm.s32 $0x0;
	s12 =	simm.s32 $0x0  }
0x64: {  	_ = 	snop  }
.LBB2_6:
0x65: {  	s15 =	sadd.s32 $0x1, s15  }
0x66: {  	p2 =	sne.s32 s15, $0x8  }
.Ltmp4:
0x67: {  	_ = 	snop;
	(pc) =	sbr.rel @!p2 .LBB2_7-.Ltmp4, $1  }
0x68: {  	_ =	sdelay $0x3  }
.LBB2_2:
0x69: {  	s12 =	sshll.u32 s15, $0x4  }
0x6a: {  	s12 =	sor.u32 s2, s12  }
0x6b: {  	p2 =	sgt.u32 s12, $0x7C  }
.Ltmp5:
0x6c: {  	_ = 	snop;
	(pc) =	sbr.rel @p2 .LBB2_6-.Ltmp5, $1  }
0x6d: {  	_ =	sdelay $0x3  }
0x6e: {  	s24 =	sld [smem:$0x7F5]  }
0x6f: {  	s16 =	smul.u32 $0xA, s12;
	_ =	sdelay $0x1  }
0x70: {  	s30 =	simm.s32 $0x0;
	s24 =	sadd.s32 s24, s16  }
0x71: {  	[tilespmem:s21], [sflag:$0x1] =	stream.linear.gather [hbm4b:s24+s30], $0x50, $0x38;
	[tilespmem:$0x1E690] =	vst v63  }
0x72: {  	s24 =	sld [smem:$0x7F6];
	_ =	sdelay $0x2  }
0x73: {  	s24 =	sadd.s32 s24, s16  }
0x74: {  	[tilespmem:s22], [sflag:$0x2] =	stream.linear.gather [hbm4b:s24+s30], $0x50, $0x38;
	[tilespmem:$0x1E690] =	vst v63  }
0x75: {  	s24 =	sld [smem:$0x7F7];
	_ =	sdelay $0x2  }
0x76: {  	s16 =	sadd.s32 s24, s16  }
0x77: {  	[tilespmem:s23], [sflag:$0x3] =	stream.linear.gather [hbm4b:s16+s30], $0x50, $0x38;
	[tilespmem:$0x1E690] =	vst v63  }
0x78: {  	s16 =	sld [smem:$0x7FB]  }
0x79: {  	s24 =	smul.u32 $0xA0, s12;
	_ =	sdelay $0x1  }
0x7a: {  	s16 =	sadd.s32 s16, s24;
	s24 =	simm.s32 $0x1D290  }
0x7b: {  	[tilespmem:s24], [sflag:$0x4] =	stream.linear.gather [hbm4b:s16+s30], $0x500, $0x38;
	[tilespmem:$0x1E690] =	vst v63  }
0x7c: {  	_ =	swait.ge [sflag:s25], $0x50  }
0x7d: {  	[sflag:s25] =	ssyncset.done $0x0  }
0x7e: {  	[sflag:s25] =	ssyncadd.s32 $0xFFFFFFB0  }
0x7f: {  	_ =	swait.ge [sflag:s26], $0x50  }
0x80: {  	[sflag:s26] =	ssyncset.done $0x0  }
0x81: {  	[sflag:s26] =	ssyncadd.s32 $0xFFFFFFB0  }
0x82: {  	_ =	swait.ge [sflag:s28], $0x50  }
0x83: {  	[sflag:s28] =	ssyncset.done $0x0  }
0x84: {  	s24 =	simm.s32 $0x1D790;
	[sflag:s28] =	ssyncadd.s32 $0xFFFFFFB0  }
0x85: {  	[tilespmem:s24], [sflag:$0x1] =	stream.indirect.gather [hbm4b:s1+s29], $0x10, s21, s29, $0xb8;
	[tilespmem:$0x1E690] =	vst v63  }
0x86: {  	_ = 	snop  }
0x87: {  	[tilespmem:s31], [sflag:$0x2] =	stream.indirect.gather [hbm4b:s1+s29], $0x10, s22, s29, $0xb8;
	[tilespmem:$0x1E690] =	vst v63  }
0x88: {  	_ = 	snop  }
0x89: {  	[tilespmem:s0], [sflag:$0x3] =	stream.indirect.gather [hbm4b:s1+s29], $0x10, s23, s29, $0xb8;
	[tilespmem:$0x1E690] =	vst v63  }
0x8a: {  	_ =	swait.ge [sflag:s25], $0x500  }
0x8b: {  	[sflag:s25] =	ssyncset.done $0x0  }
0x8c: {  	[sflag:s25] =	ssyncadd.s32 $0xFFFFFB00  }
0x8d: {  	_ =	swait.ge [sflag:s26], $0x500  }
0x8e: {  	[sflag:s26] =	ssyncset.done $0x0  }
0x8f: {  	[sflag:s26] =	ssyncadd.s32 $0xFFFFFB00  }
0x90: {  	_ =	swait.ge [sflag:s28], $0x500  }
0x91: {  	[sflag:s28] =	ssyncset.done $0x0  }
0x92: {  	[sflag:s28] =	ssyncadd.s32 $0xFFFFFB00  }
0x93: {  	_ =	swait.ge [sflag:s13], $0x500  }
0x94: {  	[sflag:s13] =	ssyncset.done $0x0  }
0x95: {  	s24 =	simm.s32 $0x0;
	[sflag:s13] =	ssyncadd.s32 $0xFFFFFB00  }
0x96: {  	v1 =	vld [tilespmem:s24+$0x1D290]  }
0x97: {  	v2 =	vld [tilespmem:s24+$0x1D790];
	_ =	sdelay $0x4  }
0x98: {  	v2 =	vmul.f32 v2, v1  }
0x99: {  	s16 =	simm.s32 $0x186B0  }
0x9a: {  	[tilespmem:s16+$0xFFFFFFF0] =	vst v2  }
0x9b: {  	v2 =	vld [tilespmem:s24+$0x1DC90];
	_ =	sdelay $0x4  }
0x9c: {  	v2 =	vmul.f32 v2, v1;
	_ =	sdelay $0x1  }
0x9d: {  	[tilespmem:s16+$0x0] =	vst v2  }
0x9e: {  	v2 =	vld [tilespmem:s24+$0x1E190];
	_ =	sdelay $0x4  }
0x9f: {  	v1 =	vmul.f32 v2, v1;
	_ =	sdelay $0x1  }
0xa0: {  	s24 =	simm.s32 $0x10;
	[tilespmem:s16+$0x10] =	vst v1  }
0xa1: {  	s30 =	simm.s32 $0x80;
	v1 =	vld [tilespmem:s24+$0x1D290]  }
.LBB2_4:
0xa2: {  	p2 =	sne.s32 s30, $0x13C0;
	v2 =	vld [tilespmem:s24+$0x1D790];
	_ =	sdelay $0x4  }
0xa3: {  	v2 =	vmul.f32 v2, v1  }
0xa4: {  	s16 =	sadd.s32 $0x30, s16  }
0xa5: {  	[tilespmem:s16+$0xFFFFFFF0] =	vst v2  }
0xa6: {  	v2 =	vld [tilespmem:s24+$0x1DC90];
	_ =	sdelay $0x4  }
0xa7: {  	v2 =	vmul.f32 v2, v1;
	_ =	sdelay $0x1  }
0xa8: {  	[tilespmem:s16+$0x0] =	vst v2  }
0xa9: {  	v2 =	vld [tilespmem:s24+$0x1E190];
	_ =	sdelay $0x3  }
.Ltmp6:
0xaa: {  	(pc) =	sbr.rel @p2 .LBB2_4-.Ltmp6, $3  }
0xab: {  	v1 =	vmul.f32 v2, v1;
	_ =	sdelay $0x1  }
0xac: {  	s24 =	sshra.s32 s30, $0x2;
	[tilespmem:s16+$0x10] =	vst v1  }
0xad: {  	s30 =	sadd.s32 $0x40, s30;
	v1 =	vld [tilespmem:s24+$0x1D290]  }
0xae: {  	v2 =	vld [tilespmem:s24+$0x1D790];
	_ =	sdelay $0x4  }
0xaf: {  	v2 =	vmul.f32 v2, v1  }
0xb0: {  	s16 =	sadd.s32 $0x30, s16  }
0xb1: {  	[tilespmem:s16+$0xFFFFFFF0] =	vst v2  }
0xb2: {  	v2 =	vld [tilespmem:s24+$0x1DC90];
	_ =	sdelay $0x4  }
0xb3: {  	v2 =	vmul.f32 v2, v1;
	_ =	sdelay $0x1  }
0xb4: {  	[tilespmem:s16+$0x0] =	vst v2  }
0xb5: {  	v2 =	vld [tilespmem:s24+$0x1E190];
	_ =	sdelay $0x4  }
0xb6: {  	s12 =	smul.u32 $0x1E0, s12;
	v1 =	vmul.f32 v2, v1;
	_ =	sdelay $0x1  }
.Ltmp7:
0xb7: {  	s30 =	simm.s32 $0x0;
	s12 =	sadd.s32 s17, s12;
	[tilespmem:s16+$0x10] =	vst v1;
	(pc) =	sbr.rel .LBB2_6-.Ltmp7, $4  }
0xb8: {  	[hbm4b:s12+s30] =	stream.linear.scatter [tilespmem:s6], [sflag:$0x7], $0xF00, $0x38;
	[tilespmem:$0x1E690] =	vst v63  }
0xb9: {  	_ =	swait.ge [sflag:s5], $0xF00  }
0xba: {  	[sflag:s5] =	ssyncset.done $0x0  }
0xbb: {  	[sflag:s5] =	ssyncadd.s32 $0xFFFFF100  }
.LBB2_16:
0xbc: {  	v2 =	vld [tilespmem:s24+$0x1D790];
	_ =	sdelay $0x4  }
0xbd: {  	v2 =	vmul.f32 v2, v1  }
0xbe: {  	s16 =	sadd.s32 $0x30, s16  }
0xbf: {  	[tilespmem:s16+$0xFFFFFFF0] =	vst v2  }
0xc0: {  	v2 =	vld [tilespmem:s24+$0x1DC90];
	_ =	sdelay $0x4  }
0xc1: {  	v2 =	vmul.f32 v2, v1;
	_ =	sdelay $0x1  }
0xc2: {  	[tilespmem:s16+$0x0] =	vst v2  }
0xc3: {  	v2 =	vld [tilespmem:s24+$0x1E190];
	_ =	sdelay $0x2  }
0xc4: {  	s15 =	smul.u32 $0xF00, s15;
	_ =	sdelay $0x1  }
0xc5: {  	s15 =	sshrl.u32 s15, $0x3;
	v1 =	vmul.f32 v2, v1  }
0xc6: {  	s15 =	sadd.s32 s17, s15  }
0xc7: {  	s30 =	simm.s32 $0x0;
	s15 =	sadd.s32 $0x1D4C0, s15;
	[tilespmem:s16+$0x10] =	vst v1  }
0xc8: {  	[hbm4b:s15+s30] =	stream.linear.scatter [tilespmem:s6], [sflag:$0x7], $0xF00, $0x38;
	[tilespmem:$0x1E690] =	vst v63  }
0xc9: {  	_ =	swait.ge [sflag:s5], $0xF00  }
0xca: {  	[sflag:s5] =	ssyncset.done $0x0  }
0xcb: {  	[sflag:s5] =	ssyncadd.s32 $0xFFFFF100  }
.LBB2_17:
0xcc: {  	s12 =	sadd.s32 $0x1, s12  }
0xcd: {  	p2 =	sne.s32 s12, $0x8  }
.Ltmp8:
0xce: {  	_ = 	snop;
	(pc) =	sbr.rel @!p2 .LBB2_18-.Ltmp8, $1  }
0xcf: {  	_ =	sdelay $0x3  }
.LBB2_13:
0xd0: {  	s15 =	sshll.u32 s12, $0x4  }
0xd1: {  	s15 =	sor.u32 s2, s15  }
0xd2: {  	p2 =	sgt.u32 s15, $0x7C  }
.Ltmp9:
0xd3: {  	_ = 	snop;
	(pc) =	sbr.rel @p2 .LBB2_17-.Ltmp9, $1  }
0xd4: {  	_ =	sdelay $0x3  }
0xd5: {  	s24 =	sld [smem:$0x7F8]  }
0xd6: {  	s16 =	smul.u32 $0xA, s15;
	_ =	sdelay $0x1  }
0xd7: {  	s30 =	simm.s32 $0x0;
	s24 =	sadd.s32 s24, s16  }
0xd8: {  	[tilespmem:s21], [sflag:$0x1] =	stream.linear.gather [hbm4b:s24+s30], $0x50, $0x38;
	[tilespmem:$0x1E690] =	vst v63  }
0xd9: {  	s24 =	sld [smem:$0x7F9];
	_ =	sdelay $0x2  }
0xda: {  	s24 =	sadd.s32 s24, s16  }
0xdb: {  	[tilespmem:s22], [sflag:$0x2] =	stream.linear.gather [hbm4b:s24+s30], $0x50, $0x38;
	[tilespmem:$0x1E690] =	vst v63  }
0xdc: {  	s24 =	sld [smem:$0x7FA];
	_ =	sdelay $0x2  }
0xdd: {  	s16 =	sadd.s32 s24, s16  }
0xde: {  	[tilespmem:s23], [sflag:$0x3] =	stream.linear.gather [hbm4b:s16+s30], $0x50, $0x38;
	[tilespmem:$0x1E690] =	vst v63  }
0xdf: {  	s16 =	sld [smem:$0x7FC]  }
0xe0: {  	s24 =	smul.u32 $0xA0, s15;
	_ =	sdelay $0x1  }
0xe1: {  	s16 =	sadd.s32 s16, s24;
	s24 =	simm.s32 $0x1D290  }
0xe2: {  	[tilespmem:s24], [sflag:$0x4] =	stream.linear.gather [hbm4b:s16+s30], $0x500, $0x38;
	[tilespmem:$0x1E690] =	vst v63  }
0xe3: {  	_ =	swait.ge [sflag:s25], $0x50  }
0xe4: {  	[sflag:s25] =	ssyncset.done $0x0  }
0xe5: {  	[sflag:s25] =	ssyncadd.s32 $0xFFFFFFB0  }
0xe6: {  	_ =	swait.ge [sflag:s26], $0x50  }
0xe7: {  	[sflag:s26] =	ssyncset.done $0x0  }
0xe8: {  	[sflag:s26] =	ssyncadd.s32 $0xFFFFFFB0  }
0xe9: {  	_ =	swait.ge [sflag:s28], $0x50  }
0xea: {  	[sflag:s28] =	ssyncset.done $0x0  }
0xeb: {  	s24 =	simm.s32 $0x1D790;
	[sflag:s28] =	ssyncadd.s32 $0xFFFFFFB0  }
0xec: {  	[tilespmem:s24], [sflag:$0x1] =	stream.indirect.gather [hbm4b:s1+s29], $0x10, s21, s29, $0xb8;
	[tilespmem:$0x1E690] =	vst v63  }
0xed: {  	_ = 	snop  }
0xee: {  	[tilespmem:s31], [sflag:$0x2] =	stream.indirect.gather [hbm4b:s1+s29], $0x10, s22, s29, $0xb8;
	[tilespmem:$0x1E690] =	vst v63  }
0xef: {  	_ = 	snop  }
0xf0: {  	[tilespmem:s0], [sflag:$0x3] =	stream.indirect.gather [hbm4b:s1+s29], $0x10, s23, s29, $0xb8;
	[tilespmem:$0x1E690] =	vst v63  }
0xf1: {  	_ =	swait.ge [sflag:s25], $0x500  }
0xf2: {  	[sflag:s25] =	ssyncset.done $0x0  }
0xf3: {  	[sflag:s25] =	ssyncadd.s32 $0xFFFFFB00  }
0xf4: {  	_ =	swait.ge [sflag:s26], $0x500  }
0xf5: {  	[sflag:s26] =	ssyncset.done $0x0  }
0xf6: {  	[sflag:s26] =	ssyncadd.s32 $0xFFFFFB00  }
0xf7: {  	_ =	swait.ge [sflag:s28], $0x500  }
0xf8: {  	[sflag:s28] =	ssyncset.done $0x0  }
0xf9: {  	[sflag:s28] =	ssyncadd.s32 $0xFFFFFB00  }
0xfa: {  	_ =	swait.ge [sflag:s13], $0x500  }
0xfb: {  	[sflag:s13] =	ssyncset.done $0x0  }
0xfc: {  	s24 =	simm.s32 $0x0;
	[sflag:s13] =	ssyncadd.s32 $0xFFFFFB00  }
0xfd: {  	v1 =	vld [tilespmem:s24+$0x1D290]  }
0xfe: {  	v2 =	vld [tilespmem:s24+$0x1D790];
	_ =	sdelay $0x4  }
0xff: {  	v2 =	vmul.f32 v2, v1  }
0x100: {  	s16 =	simm.s32 $0x186B0  }
0x101: {  	[tilespmem:s16+$0xFFFFFFF0] =	vst v2  }
0x102: {  	v2 =	vld [tilespmem:s24+$0x1DC90];
	_ =	sdelay $0x4  }
0x103: {  	v2 =	vmul.f32 v2, v1;
	_ =	sdelay $0x1  }
0x104: {  	[tilespmem:s16+$0x0] =	vst v2  }
0x105: {  	v2 =	vld [tilespmem:s24+$0x1E190];
	_ =	sdelay $0x4  }
0x106: {  	v1 =	vmul.f32 v2, v1;
	_ =	sdelay $0x1  }
0x107: {  	s24 =	simm.s32 $0x10;
	[tilespmem:s16+$0x10] =	vst v1  }
0x108: {  	s30 =	simm.s32 $0x80;
	v1 =	vld [tilespmem:s24+$0x1D290]  }
.LBB2_15:
0x109: {  	p2 =	sne.s32 s30, $0x13C0;
	v2 =	vld [tilespmem:s24+$0x1D790];
	_ =	sdelay $0x4  }
0x10a: {  	v2 =	vmul.f32 v2, v1  }
0x10b: {  	s16 =	sadd.s32 $0x30, s16  }
0x10c: {  	[tilespmem:s16+$0xFFFFFFF0] =	vst v2  }
0x10d: {  	v2 =	vld [tilespmem:s24+$0x1DC90];
	_ =	sdelay $0x4  }
0x10e: {  	v2 =	vmul.f32 v2, v1;
	_ =	sdelay $0x1  }
0x10f: {  	[tilespmem:s16+$0x0] =	vst v2  }
0x110: {  	v2 =	vld [tilespmem:s24+$0x1E190];
	_ =	sdelay $0x3  }
.Ltmp10:
0x111: {  	(pc) =	sbr.rel @p2 .LBB2_15-.Ltmp10, $3  }
0x112: {  	v1 =	vmul.f32 v2, v1;
	_ =	sdelay $0x1  }
0x113: {  	s24 =	sshra.s32 s30, $0x2;
	[tilespmem:s16+$0x10] =	vst v1  }
0x114: {  	s30 =	sadd.s32 $0x40, s30;
	v1 =	vld [tilespmem:s24+$0x1D290]  }
.Ltmp11:
0x115: {  	_ = 	snop;
	(pc) =	sbr.rel .LBB2_16-.Ltmp11, $1  }
0x116: {  	_ =	sdelay $0x3  }
.LBB2_7:
.Ltmp12:
0x117: {  	(pc) =	sbr.rel .LBB2_8-.Ltmp12, $2  }
0x118: {  	_ =	sdelay $0x2  }
0x119: {  	s12 =	simm.s32 $0x0  }
.LBB2_12:
0x11a: {  	s12 =	sadd.s32 $0x1, s12  }
0x11b: {  	p2 =	seq.s32 s12, $0x8  }
.Ltmp13:
0x11c: {  	_ = 	snop;
	(pc) =	sbr.rel @p2 .LBB2_24-.Ltmp13, $1  }
0x11d: {  	_ =	sdelay $0x3  }
.LBB2_8:
0x11e: {  	s15 =	sshll.u32 s12, $0x4  }
0x11f: {  	s15 =	sor.u32 s2, s15  }
0x120: {  	p2 =	sgt.u32 s15, $0x7C  }
.Ltmp14:
0x121: {  	_ = 	snop;
	(pc) =	sbr.rel @p2 .LBB2_12-.Ltmp14, $1  }
0x122: {  	_ =	sdelay $0x3  }
0x123: {  	s24 =	sld [smem:$0x7F5]  }
0x124: {  	s16 =	smul.u32 $0xA, s15;
	_ =	sdelay $0x1  }
0x125: {  	s30 =	simm.s32 $0x0;
	s24 =	sadd.s32 s24, s16  }
0x126: {  	[tilespmem:s21], [sflag:$0x1] =	stream.linear.gather [hbm4b:s24+s30], $0x50, $0x38;
	[tilespmem:$0x1E690] =	vst v63  }
0x127: {  	s24 =	sld [smem:$0x7F6];
	_ =	sdelay $0x2  }
0x128: {  	s24 =	sadd.s32 s24, s16  }
0x129: {  	[tilespmem:s22], [sflag:$0x2] =	stream.linear.gather [hbm4b:s24+s30], $0x50, $0x38;
	[tilespmem:$0x1E690] =	vst v63  }
0x12a: {  	s24 =	sld [smem:$0x7F7];
	_ =	sdelay $0x2  }
0x12b: {  	s16 =	sadd.s32 s24, s16  }
0x12c: {  	[tilespmem:s23], [sflag:$0x3] =	stream.linear.gather [hbm4b:s16+s30], $0x50, $0x38;
	[tilespmem:$0x1E690] =	vst v63  }
0x12d: {  	s16 =	sld [smem:$0x7FB]  }
0x12e: {  	s24 =	smul.u32 $0xA0, s15;
	_ =	sdelay $0x1  }
0x12f: {  	s16 =	sadd.s32 s16, s24;
	s24 =	simm.s32 $0x1D290  }
0x130: {  	[tilespmem:s24], [sflag:$0x4] =	stream.linear.gather [hbm4b:s16+s30], $0x500, $0x38;
	[tilespmem:$0x1E690] =	vst v63  }
0x131: {  	_ =	swait.ge [sflag:s25], $0x50  }
0x132: {  	[sflag:s25] =	ssyncset.done $0x0  }
0x133: {  	[sflag:s25] =	ssyncadd.s32 $0xFFFFFFB0  }
0x134: {  	_ =	swait.ge [sflag:s26], $0x50  }
0x135: {  	[sflag:s26] =	ssyncset.done $0x0  }
0x136: {  	[sflag:s26] =	ssyncadd.s32 $0xFFFFFFB0  }
0x137: {  	_ =	swait.ge [sflag:s28], $0x50  }
0x138: {  	[sflag:s28] =	ssyncset.done $0x0  }
0x139: {  	s24 =	simm.s32 $0x1D790;
	[sflag:s28] =	ssyncadd.s32 $0xFFFFFFB0  }
0x13a: {  	[tilespmem:s24], [sflag:$0x1] =	stream.indirect.gather [hbm4b:s14+s29], $0x10, s21, s29, $0xb8;
	[tilespmem:$0x1E690] =	vst v63  }
0x13b: {  	_ = 	snop  }
0x13c: {  	[tilespmem:s31], [sflag:$0x2] =	stream.indirect.gather [hbm4b:s14+s29], $0x10, s22, s29, $0xb8;
	[tilespmem:$0x1E690] =	vst v63  }
0x13d: {  	_ = 	snop  }
0x13e: {  	[tilespmem:s0], [sflag:$0x3] =	stream.indirect.gather [hbm4b:s14+s29], $0x10, s23, s29, $0xb8;
	[tilespmem:$0x1E690] =	vst v63  }
0x13f: {  	_ =	swait.ge [sflag:s25], $0x500  }
0x140: {  	[sflag:s25] =	ssyncset.done $0x0  }
0x141: {  	[sflag:s25] =	ssyncadd.s32 $0xFFFFFB00  }
0x142: {  	_ =	swait.ge [sflag:s26], $0x500  }
0x143: {  	[sflag:s26] =	ssyncset.done $0x0  }
0x144: {  	[sflag:s26] =	ssyncadd.s32 $0xFFFFFB00  }
0x145: {  	_ =	swait.ge [sflag:s28], $0x500  }
0x146: {  	[sflag:s28] =	ssyncset.done $0x0  }
0x147: {  	[sflag:s28] =	ssyncadd.s32 $0xFFFFFB00  }
0x148: {  	_ =	swait.ge [sflag:s13], $0x500  }
0x149: {  	[sflag:s13] =	ssyncset.done $0x0  }
0x14a: {  	s24 =	simm.s32 $0x0;
	[sflag:s13] =	ssyncadd.s32 $0xFFFFFB00  }
0x14b: {  	v1 =	vld [tilespmem:s24+$0x1D290]  }
0x14c: {  	v2 =	vld [tilespmem:s24+$0x1D790];
	_ =	sdelay $0x4  }
0x14d: {  	v2 =	vmul.f32 v2, v1  }
0x14e: {  	s16 =	simm.s32 $0x186B0  }
0x14f: {  	[tilespmem:s16+$0xFFFFFFF0] =	vst v2  }
0x150: {  	v2 =	vld [tilespmem:s24+$0x1DC90];
	_ =	sdelay $0x4  }
0x151: {  	v2 =	vmul.f32 v2, v1;
	_ =	sdelay $0x1  }
0x152: {  	[tilespmem:s16+$0x0] =	vst v2  }
0x153: {  	v2 =	vld [tilespmem:s24+$0x1E190];
	_ =	sdelay $0x4  }
0x154: {  	v1 =	vmul.f32 v2, v1;
	_ =	sdelay $0x1  }
0x155: {  	s24 =	simm.s32 $0x10;
	[tilespmem:s16+$0x10] =	vst v1  }
0x156: {  	s30 =	simm.s32 $0x80;
	v1 =	vld [tilespmem:s24+$0x1D290]  }
.LBB2_10:
0x157: {  	p2 =	sne.s32 s30, $0x13C0;
	v2 =	vld [tilespmem:s24+$0x1D790];
	_ =	sdelay $0x4  }
0x158: {  	v2 =	vmul.f32 v2, v1  }
0x159: {  	s16 =	sadd.s32 $0x30, s16  }
0x15a: {  	[tilespmem:s16+$0xFFFFFFF0] =	vst v2  }
0x15b: {  	v2 =	vld [tilespmem:s24+$0x1DC90];
	_ =	sdelay $0x4  }
0x15c: {  	v2 =	vmul.f32 v2, v1;
	_ =	sdelay $0x1  }
0x15d: {  	[tilespmem:s16+$0x0] =	vst v2  }
0x15e: {  	v2 =	vld [tilespmem:s24+$0x1E190];
	_ =	sdelay $0x3  }
.Ltmp15:
0x15f: {  	(pc) =	sbr.rel @p2 .LBB2_10-.Ltmp15, $3  }
0x160: {  	v1 =	vmul.f32 v2, v1;
	_ =	sdelay $0x1  }
0x161: {  	s24 =	sshra.s32 s30, $0x2;
	[tilespmem:s16+$0x10] =	vst v1  }
0x162: {  	s30 =	sadd.s32 $0x40, s30;
	v1 =	vld [tilespmem:s24+$0x1D290]  }
0x163: {  	v2 =	vld [tilespmem:s24+$0x1D790];
	_ =	sdelay $0x4  }
0x164: {  	v2 =	vmul.f32 v2, v1  }
0x165: {  	s16 =	sadd.s32 $0x30, s16  }
0x166: {  	[tilespmem:s16+$0xFFFFFFF0] =	vst v2  }
0x167: {  	v2 =	vld [tilespmem:s24+$0x1DC90];
	_ =	sdelay $0x4  }
0x168: {  	v2 =	vmul.f32 v2, v1;
	_ =	sdelay $0x1  }
0x169: {  	[tilespmem:s16+$0x0] =	vst v2  }
0x16a: {  	v2 =	vld [tilespmem:s24+$0x1E190];
	_ =	sdelay $0x2  }
0x16b: {  	s15 =	smul.u32 $0xF00, s15;
	_ =	sdelay $0x1  }
0x16c: {  	s15 =	sshrl.u32 s15, $0x3;
	v1 =	vmul.f32 v2, v1  }
0x16d: {  	s15 =	sadd.s32 s17, s15  }
.Ltmp16:
0x16e: {  	s30 =	simm.s32 $0x0;
	s15 =	sadd.s32 $0xEA60, s15;
	[tilespmem:s16+$0x10] =	vst v1;
	(pc) =	sbr.rel .LBB2_12-.Ltmp16, $4  }
0x16f: {  	[hbm4b:s15+s30] =	stream.linear.scatter [tilespmem:s6], [sflag:$0x7], $0xF00, $0x38;
	[tilespmem:$0x1E690] =	vst v63  }
0x170: {  	_ =	swait.ge [sflag:s5], $0xF00  }
0x171: {  	[sflag:s5] =	ssyncset.done $0x0  }
0x172: {  	[sflag:s5] =	ssyncadd.s32 $0xFFFFF100  }
.LBB2_18:
.Ltmp17:
0x173: {  	(pc) =	sbr.rel .LBB2_19-.Ltmp17, $2  }
0x174: {  	_ =	sdelay $0x2  }
0x175: {  	s12 =	simm.s32 $0x0  }
.LBB2_22:
0x176: {  	v2 =	vld [tilespmem:s24+$0x1D790];
	_ =	sdelay $0x4  }
0x177: {  	v2 =	vmul.f32 v2, v1  }
0x178: {  	s16 =	sadd.s32 $0x30, s16  }
0x179: {  	[tilespmem:s16+$0xFFFFFFF0] =	vst v2  }
0x17a: {  	v2 =	vld [tilespmem:s24+$0x1DC90];
	_ =	sdelay $0x4  }
0x17b: {  	v2 =	vmul.f32 v2, v1;
	_ =	sdelay $0x1  }
0x17c: {  	[tilespmem:s16+$0x0] =	vst v2  }
0x17d: {  	v2 =	vld [tilespmem:s24+$0x1E190];
	_ =	sdelay $0x2  }
0x17e: {  	s15 =	smul.u32 $0xF00, s15;
	_ =	sdelay $0x1  }
0x17f: {  	s15 =	sshrl.u32 s15, $0x3;
	v1 =	vmul.f32 v2, v1  }
0x180: {  	s15 =	sadd.s32 s17, s15  }
0x181: {  	s30 =	simm.s32 $0x0;
	s15 =	sadd.s32 $0x2BF20, s15;
	[tilespmem:s16+$0x10] =	vst v1  }
0x182: {  	[hbm4b:s15+s30] =	stream.linear.scatter [tilespmem:s6], [sflag:$0x7], $0xF00, $0x38;
	[tilespmem:$0x1E690] =	vst v63  }
0x183: {  	_ =	swait.ge [sflag:s5], $0xF00  }
0x184: {  	[sflag:s5] =	ssyncset.done $0x0  }
0x185: {  	[sflag:s5] =	ssyncadd.s32 $0xFFFFF100  }
.LBB2_23:
0x186: {  	s12 =	sadd.s32 $0x1, s12  }
0x187: {  	p2 =	sne.s32 s12, $0x8  }
.Ltmp18:
0x188: {  	_ = 	snop;
	(pc) =	sbr.rel @!p2 .LBB2_24-.Ltmp18, $1  }
0x189: {  	_ =	sdelay $0x3  }
.LBB2_19:
0x18a: {  	s15 =	sshll.u32 s12, $0x4  }
0x18b: {  	s15 =	sor.u32 s2, s15  }
0x18c: {  	p2 =	sgt.u32 s15, $0x7C  }
.Ltmp19:
0x18d: {  	_ = 	snop;
	(pc) =	sbr.rel @p2 .LBB2_23-.Ltmp19, $1  }
0x18e: {  	_ =	sdelay $0x3  }
0x18f: {  	s24 =	sld [smem:$0x7F8]  }
0x190: {  	s16 =	smul.u32 $0xA, s15;
	_ =	sdelay $0x1  }
0x191: {  	s30 =	simm.s32 $0x0;
	s24 =	sadd.s32 s24, s16  }
0x192: {  	[tilespmem:s21], [sflag:$0x1] =	stream.linear.gather [hbm4b:s24+s30], $0x50, $0x38;
	[tilespmem:$0x1E690] =	vst v63  }
0x193: {  	s24 =	sld [smem:$0x7F9];
	_ =	sdelay $0x2  }
0x194: {  	s24 =	sadd.s32 s24, s16  }
0x195: {  	[tilespmem:s22], [sflag:$0x2] =	stream.linear.gather [hbm4b:s24+s30], $0x50, $0x38;
	[tilespmem:$0x1E690] =	vst v63  }
0x196: {  	s24 =	sld [smem:$0x7FA];
	_ =	sdelay $0x2  }
0x197: {  	s16 =	sadd.s32 s24, s16  }
0x198: {  	[tilespmem:s23], [sflag:$0x3] =	stream.linear.gather [hbm4b:s16+s30], $0x50, $0x38;
	[tilespmem:$0x1E690] =	vst v63  }
0x199: {  	s16 =	sld [smem:$0x7FC]  }
0x19a: {  	s24 =	smul.u32 $0xA0, s15;
	_ =	sdelay $0x1  }
0x19b: {  	s16 =	sadd.s32 s16, s24;
	s24 =	simm.s32 $0x1D290  }
0x19c: {  	[tilespmem:s24], [sflag:$0x4] =	stream.linear.gather [hbm4b:s16+s30], $0x500, $0x38;
	[tilespmem:$0x1E690] =	vst v63  }
0x19d: {  	_ =	swait.ge [sflag:s25], $0x50  }
0x19e: {  	[sflag:s25] =	ssyncset.done $0x0  }
0x19f: {  	[sflag:s25] =	ssyncadd.s32 $0xFFFFFFB0  }
0x1a0: {  	_ =	swait.ge [sflag:s26], $0x50  }
0x1a1: {  	[sflag:s26] =	ssyncset.done $0x0  }
0x1a2: {  	[sflag:s26] =	ssyncadd.s32 $0xFFFFFFB0  }
0x1a3: {  	_ =	swait.ge [sflag:s28], $0x50  }
0x1a4: {  	[sflag:s28] =	ssyncset.done $0x0  }
0x1a5: {  	s24 =	simm.s32 $0x1D790;
	[sflag:s28] =	ssyncadd.s32 $0xFFFFFFB0  }
0x1a6: {  	[tilespmem:s24], [sflag:$0x1] =	stream.indirect.gather [hbm4b:s14+s29], $0x10, s21, s29, $0xb8;
	[tilespmem:$0x1E690] =	vst v63  }
0x1a7: {  	_ = 	snop  }
0x1a8: {  	[tilespmem:s31], [sflag:$0x2] =	stream.indirect.gather [hbm4b:s14+s29], $0x10, s22, s29, $0xb8;
	[tilespmem:$0x1E690] =	vst v63  }
0x1a9: {  	_ = 	snop  }
0x1aa: {  	[tilespmem:s0], [sflag:$0x3] =	stream.indirect.gather [hbm4b:s14+s29], $0x10, s23, s29, $0xb8;
	[tilespmem:$0x1E690] =	vst v63  }
0x1ab: {  	_ =	swait.ge [sflag:s25], $0x500  }
0x1ac: {  	[sflag:s25] =	ssyncset.done $0x0  }
0x1ad: {  	[sflag:s25] =	ssyncadd.s32 $0xFFFFFB00  }
0x1ae: {  	_ =	swait.ge [sflag:s26], $0x500  }
0x1af: {  	[sflag:s26] =	ssyncset.done $0x0  }
0x1b0: {  	[sflag:s26] =	ssyncadd.s32 $0xFFFFFB00  }
0x1b1: {  	_ =	swait.ge [sflag:s28], $0x500  }
0x1b2: {  	[sflag:s28] =	ssyncset.done $0x0  }
0x1b3: {  	[sflag:s28] =	ssyncadd.s32 $0xFFFFFB00  }
0x1b4: {  	_ =	swait.ge [sflag:s13], $0x500  }
0x1b5: {  	[sflag:s13] =	ssyncset.done $0x0  }
0x1b6: {  	s24 =	simm.s32 $0x0;
	[sflag:s13] =	ssyncadd.s32 $0xFFFFFB00  }
0x1b7: {  	v1 =	vld [tilespmem:s24+$0x1D290]  }
0x1b8: {  	v2 =	vld [tilespmem:s24+$0x1D790];
	_ =	sdelay $0x4  }
0x1b9: {  	v2 =	vmul.f32 v2, v1  }
0x1ba: {  	s16 =	simm.s32 $0x186B0  }
0x1bb: {  	[tilespmem:s16+$0xFFFFFFF0] =	vst v2  }
0x1bc: {  	v2 =	vld [tilespmem:s24+$0x1DC90];
	_ =	sdelay $0x4  }
0x1bd: {  	v2 =	vmul.f32 v2, v1;
	_ =	sdelay $0x1  }
0x1be: {  	[tilespmem:s16+$0x0] =	vst v2  }
0x1bf: {  	v2 =	vld [tilespmem:s24+$0x1E190];
	_ =	sdelay $0x4  }
0x1c0: {  	v1 =	vmul.f32 v2, v1;
	_ =	sdelay $0x1  }
0x1c1: {  	s24 =	simm.s32 $0x10;
	[tilespmem:s16+$0x10] =	vst v1  }
0x1c2: {  	s30 =	simm.s32 $0x80;
	v1 =	vld [tilespmem:s24+$0x1D290]  }
.LBB2_21:
0x1c3: {  	p2 =	sne.s32 s30, $0x13C0;
	v2 =	vld [tilespmem:s24+$0x1D790];
	_ =	sdelay $0x4  }
0x1c4: {  	v2 =	vmul.f32 v2, v1  }
0x1c5: {  	s16 =	sadd.s32 $0x30, s16  }
0x1c6: {  	[tilespmem:s16+$0xFFFFFFF0] =	vst v2  }
0x1c7: {  	v2 =	vld [tilespmem:s24+$0x1DC90];
	_ =	sdelay $0x4  }
0x1c8: {  	v2 =	vmul.f32 v2, v1;
	_ =	sdelay $0x1  }
0x1c9: {  	[tilespmem:s16+$0x0] =	vst v2  }
0x1ca: {  	v2 =	vld [tilespmem:s24+$0x1E190];
	_ =	sdelay $0x3  }
.Ltmp20:
0x1cb: {  	(pc) =	sbr.rel @p2 .LBB2_21-.Ltmp20, $3  }
0x1cc: {  	v1 =	vmul.f32 v2, v1;
	_ =	sdelay $0x1  }
0x1cd: {  	s24 =	sshra.s32 s30, $0x2;
	[tilespmem:s16+$0x10] =	vst v1  }
0x1ce: {  	s30 =	sadd.s32 $0x40, s30;
	v1 =	vld [tilespmem:s24+$0x1D290]  }
.Ltmp21:
0x1cf: {  	_ = 	snop;
	(pc) =	sbr.rel .LBB2_22-.Ltmp21, $1  }
0x1d0: {  	_ =	sdelay $0x3  }
.LBB2_24:
0x1d1: {  	s12 =	simm.s32 $0xC0;
	s15 =	simm.s32 $0x0  }
.LBB2_25:
0x1d2: {  	p2 =	sne.s32 s12, $0x3B40;
	[tilespmem:s15+$0x195C0] =	vst v0;
	s16 =	smov.u32 s12;
	s12 =	sadd.s32 $0xC0, s12  }
.Ltmp22:
0x1d3: {  	[tilespmem:s15+$0x195A0] =	vst v0;
	(pc) =	sbr.rel @p2 .LBB2_25-.Ltmp22, $2  }
0x1d4: {  	[tilespmem:s15+$0x195B0] =	vst v0;
	_ =	sdelay $0x2  }
0x1d5: {  	s15 =	sshra.s32 s16, $0x2  }
0x1d6: {  	[tilespmem:s15+$0x195C0] =	vst v0  }
0x1d7: {  	[tilespmem:s15+$0x195A0] =	vst v0  }
0x1d8: {  	[tilespmem:s15+$0x195B0] =	vst v0;
	s12 =	rddreg [dreg:$0x18];
	s15 =	simm.s32 $0x8  }
0x1d9: {  	[spmem:s12] =	stream.linear.scatter [tilespmem:s9], [sflag:$0x8], $0xF00, $0x38;
	[tilespmem:$0x1E690] =	vst v63  }
0x1da: {  	_ =	swait.ge [sflag:s15], $0xF00  }
0x1db: {  	[sflag:s15] =	ssyncset.done $0x0  }
0x1dc: {  	s30 =	rddreg [dreg:$0x19];
	[sflag:s15] =	ssyncadd.s32 $0xFFFFF100  }
0x1dd: {  	[spmem:s30] =	stream.linear.scatter [tilespmem:s9], [sflag:$0x7], $0xF00, $0x38;
	[tilespmem:$0x1E690] =	vst v63  }
0x1de: {  	_ =	swait.ge [sflag:s5], $0xF00  }
0x1df: {  	[sflag:s5] =	ssyncset.done $0x0  }
0x1e0: {  	s16 =	rddreg [dreg:$0x10];
	[sflag:s5] =	ssyncadd.s32 $0xFFFFF100  }
0x1e1: {  	[spmem:s16] =	stream.linear.scatter [tilespmem:s9], [sflag:$0x8], $0xF00, $0x38;
	[tilespmem:$0x1E690] =	vst v63  }
0x1e2: {  	_ =	swait.ge [sflag:s15], $0xF00  }
0x1e3: {  	[sflag:s15] =	ssyncset.done $0x0  }
0x1e4: {  	s24 =	rddreg [dreg:$0x11];
	[sflag:s15] =	ssyncadd.s32 $0xFFFFF100  }
0x1e5: {  	[spmem:s24] =	stream.linear.scatter [tilespmem:s9], [sflag:$0x7], $0xF00, $0x38;
	[tilespmem:$0x1E690] =	vst v63  }
0x1e6: {  	_ =	swait.ge [sflag:s5], $0xF00  }
0x1e7: {  	[sflag:s5] =	ssyncset.done $0x0  }
0x1e8: {  	s30 =	rddreg [dreg:$0x12];
	[sflag:s5] =	ssyncadd.s32 $0xFFFFF100  }
0x1e9: {  	[spmem:s30] =	stream.linear.scatter [tilespmem:s9], [sflag:$0x8], $0xF00, $0x38;
	[tilespmem:$0x1E690] =	vst v63  }
0x1ea: {  	_ =	swait.ge [sflag:s15], $0xF00  }
0x1eb: {  	[sflag:s15] =	ssyncset.done $0x0  }
0x1ec: {  	s16 =	rddreg [dreg:$0x13];
	[sflag:s15] =	ssyncadd.s32 $0xFFFFF100  }
0x1ed: {  	[spmem:s16] =	stream.linear.scatter [tilespmem:s9], [sflag:$0x7], $0xF00, $0x38;
	[tilespmem:$0x1E690] =	vst v63  }
0x1ee: {  	_ =	swait.ge [sflag:s5], $0xF00  }
0x1ef: {  	[sflag:s5] =	ssyncset.done $0x0  }
0x1f0: {  	s24 =	rddreg [dreg:$0x14];
	[sflag:s5] =	ssyncadd.s32 $0xFFFFF100  }
0x1f1: {  	[spmem:s24] =	stream.linear.scatter [tilespmem:s9], [sflag:$0x8], $0xF00, $0x38;
	[tilespmem:$0x1E690] =	vst v63  }
0x1f2: {  	_ =	swait.ge [sflag:s15], $0xF00  }
0x1f3: {  	[sflag:s15] =	ssyncset.done $0x0  }
0x1f4: {  	s30 =	rddreg [dreg:$0x15];
	[sflag:s15] =	ssyncadd.s32 $0xFFFFF100  }
0x1f5: {  	[spmem:s30] =	stream.linear.scatter [tilespmem:s9], [sflag:$0x7], $0xF00, $0x38;
	[tilespmem:$0x1E690] =	vst v63  }
0x1f6: {  	_ =	swait.ge [sflag:s5], $0xF00  }
0x1f7: {  	[sflag:s5] =	ssyncset.done $0x0  }
0x1f8: {  	s16 =	rddreg [dreg:$0x16];
	[sflag:s5] =	ssyncadd.s32 $0xFFFFF100  }
0x1f9: {  	[spmem:s16] =	stream.linear.scatter [tilespmem:s9], [sflag:$0x8], $0xF00, $0x38;
	[tilespmem:$0x1E690] =	vst v63  }
0x1fa: {  	_ =	swait.ge [sflag:s15], $0xF00  }
0x1fb: {  	[sflag:s15] =	ssyncset.done $0x0  }
0x1fc: {  	s24 =	rddreg [dreg:$0x17];
	[sflag:s15] =	ssyncadd.s32 $0xFFFFF100  }
0x1fd: {  	[spmem:s24] =	stream.linear.scatter [tilespmem:s9], [sflag:$0x7], $0xF00, $0x38;
	[tilespmem:$0x1E690] =	vst v63  }
0x1fe: {  	_ =	swait.ge [sflag:s5], $0xF00  }
0x1ff: {  	[sflag:s5] =	ssyncset.done $0x0  }
0x200: {  	s30 =	rddreg [dreg:$0x1a];
	[sflag:s5] =	ssyncadd.s32 $0xFFFFF100  }
0x201: {  	[spmem:s30] =	stream.linear.scatter [tilespmem:s9], [sflag:$0x8], $0xF00, $0x38;
	[tilespmem:$0x1E690] =	vst v63  }
0x202: {  	_ =	swait.ge [sflag:s15], $0xF00  }
0x203: {  	[sflag:s15] =	ssyncset.done $0x0  }
0x204: {  	s16 =	rddreg [dreg:$0x1b];
	[sflag:s15] =	ssyncadd.s32 $0xFFFFF100  }
0x205: {  	[spmem:s16] =	stream.linear.scatter [tilespmem:s9], [sflag:$0x7], $0xF00, $0x38;
	[tilespmem:$0x1E690] =	vst v63  }
0x206: {  	_ =	swait.ge [sflag:s5], $0xF00  }
0x207: {  	[sflag:s5] =	ssyncset.done $0x0  }
0x208: {  	s24 =	rddreg [dreg:$0x1c];
	[sflag:s5] =	ssyncadd.s32 $0xFFFFF100  }
0x209: {  	[spmem:s24] =	stream.linear.scatter [tilespmem:s9], [sflag:$0x8], $0xF00, $0x38;
	[tilespmem:$0x1E690] =	vst v63  }
0x20a: {  	_ =	swait.ge [sflag:s15], $0xF00  }
0x20b: {  	[sflag:s15] =	ssyncset.done $0x0  }
0x20c: {  	s30 =	rddreg [dreg:$0x1d];
	[sflag:s15] =	ssyncadd.s32 $0xFFFFF100  }
0x20d: {  	[spmem:s30] =	stream.linear.scatter [tilespmem:s9], [sflag:$0x7], $0xF00, $0x38;
	[tilespmem:$0x1E690] =	vst v63  }
0x20e: {  	_ =	swait.ge [sflag:s5], $0xF00  }
0x20f: {  	[sflag:s5] =	ssyncset.done $0x0  }
0x210: {  	s12 =	simm.s32 @!p1 $0x195A0;
	s15 =	rddreg [dreg:$0x1e];
	[sflag:s5] =	ssyncadd.s32 $0xFFFFF100  }
0x211: {  	[spmem:s15] =	stream.linear.scatter @!p1 [tilespmem:s12], [sflag:$0x8], $0xF00, $0x38;
	[tilespmem:$0x1E690] =	vst v63  }
0x212: {  	s15 =	simm.s32 @!p1 $0x8  }
0x213: {  	_ =	swait.ge @!p1 [sflag:s15], $0xF00  }
0x214: {  	[sflag:s15] =	ssyncset.done @!p1 $0x0  }
0x215: {  	[sflag:s15] =	ssyncadd.s32 @!p1 $0xFFFFF100;
	s15 =	rddreg [dreg:$0x1f]  }
0x216: {  	[spmem:s15] =	stream.linear.scatter @!p1 [tilespmem:s12], [sflag:$0x7], $0xF00, $0x38;
	[tilespmem:$0x1E690] =	vst v63  }
0x217: {  	s12 =	simm.s32 @!p1 $0x7  }
.Ltmp23:
0x218: {  	_ =	swait.ge @!p1 [sflag:s12], $0xF00;
	(pc) =	sbr.rel @p0 .LBB2_32-.Ltmp23, $4  }
0x219: {  	[sflag:s12] =	ssyncset.done @!p1 $0x0  }
0x21a: {  	[sflag:s12] =	ssyncadd.s32 @!p1 $0xFFFFF100  }
0x21b: {  	[bflag:$0x0] =	sbarrier.arrive $0xFFFF  }
0x21c: {  	s12 =	simm.s32 $0x0  }
0x21d: {  	s15 =	rddreg [dreg:$0x8];
	s16 =	simm.s32 $0xEA60  }
0x21e: {  	[tilespmem:s16], [sflag:$0x7] =	stream.linear.gather [hbm4b:s15+s12], $0x4E20, $0x38;
	[tilespmem:$0x1E690] =	vst v63  }
0x21f: {  	_ =	swait.ge [sflag:s5], $0x4E20  }
0x220: {  	[sflag:s5] =	ssyncset.done $0x0  }
0x221: {  	s24 =	simm.s32 $0x13880;
	s30 =	rddreg [dreg:$0x7];
	[sflag:s5] =	ssyncadd.s32 $0xFFFFB1E0  }
0x222: {  	[tilespmem:s24], [sflag:$0x7] =	stream.linear.gather [hbm4b:s30+s12], $0x4E20, $0x38;
	[tilespmem:$0x1E690] =	vst v63  }
0x223: {  	_ =	swait.ge [sflag:s5], $0x4E20  }
0x224: {  	[sflag:s5] =	ssyncset.done $0x0  }
0x225: {  	[sflag:s5] =	ssyncadd.s32 $0xFFFFB1E0  }
0x226: {  	[tilespmem:s6], [sflag:$0x1] =	stream.indirect.gather [hbm4b:s17+s29], $0x30, s16, s29, $0xb8;
	[tilespmem:$0x1E690] =	vst v63  }
0x227: {  	s30 =	simm.s32 $0xEAB0  }
0x228: {  	[tilespmem:s9], [sflag:$0x2] =	stream.indirect.gather [hbm4b:s17+s29], $0x30, s30, s29, $0xb8;
	[tilespmem:$0x1E690] =	vst v63  }
0x229: {  	s15 =	simm.s32 $0xEB00  }
0x22a: {  	[tilespmem:s7], [sflag:$0x3] =	stream.indirect.gather [hbm4b:s17+s29], $0x30, s15, s29, $0xb8;
	[tilespmem:$0x1E690] =	vst v63  }
0x22b: {  	s16 =	simm.s32 $0xEB50  }
0x22c: {  	[tilespmem:s8], [sflag:$0x4] =	stream.indirect.gather [hbm4b:s17+s29], $0x30, s16, s29, $0xb8;
	[tilespmem:$0x1E690] =	vst v63  }
0x22d: {  	s24 =	simm.s32 $0xEBA0  }
0x22e: {  	[tilespmem:s10], [sflag:$0x5] =	stream.indirect.gather [hbm4b:s17+s29], $0x30, s24, s29, $0xb8;
	[tilespmem:$0x1E690] =	vst v63  }
0x22f: {  	_ =	swait.ge [sflag:s25], $0xF00  }
0x230: {  	[sflag:s25] =	ssyncset.done $0x0  }
0x231: {  	s30 =	simm.s32 $0x13880;
	[sflag:s25] =	ssyncadd.s32 $0xFFFFF100  }
0x232: {  	[spmem:s3] =	stream.indirect.scatter.add.f32 [tilespmem:s6], [sflag:$0x7], $0x30, s30, s29, $0xb8;
	[tilespmem:$0x1E690] =	vst v63  }
0x233: {  	_ =	swait.ge [sflag:s5], $0xF00  }
0x234: {  	[sflag:s5] =	ssyncset.done $0x0  }
0x235: {  	s15 =	simm.s32 $0xEBF0;
	[sflag:s5] =	ssyncadd.s32 $0xFFFFF100  }
0x236: {  	[tilespmem:s6], [sflag:$0x1] =	stream.indirect.gather [hbm4b:s17+s29], $0x30, s15, s29, $0xb8;
	[tilespmem:$0x1E690] =	vst v63  }
0x237: {  	_ =	swait.ge [sflag:s26], $0xF00  }
0x238: {  	[sflag:s26] =	ssyncset.done $0x0  }
0x239: {  	s16 =	simm.s32 $0x138D0;
	[sflag:s26] =	ssyncadd.s32 $0xFFFFF100  }
0x23a: {  	[spmem:s3] =	stream.indirect.scatter.add.f32 [tilespmem:s9], [sflag:$0x7], $0x30, s16, s29, $0xb8;
	[tilespmem:$0x1E690] =	vst v63  }
0x23b: {  	_ =	swait.ge [sflag:s5], $0xF00  }
0x23c: {  	[sflag:s5] =	ssyncset.done $0x0  }
0x23d: {  	s24 =	simm.s32 $0xEC40;
	[sflag:s5] =	ssyncadd.s32 $0xFFFFF100  }
0x23e: {  	[tilespmem:s9], [sflag:$0x2] =	stream.indirect.gather [hbm4b:s17+s29], $0x30, s24, s29, $0xb8;
	[tilespmem:$0x1E690] =	vst v63  }
0x23f: {  	_ =	swait.ge [sflag:s28], $0xF00  }
0x240: {  	[sflag:s28] =	ssyncset.done $0x0  }
0x241: {  	s30 =	simm.s32 $0x13920;
	[sflag:s28] =	ssyncadd.s32 $0xFFFFF100  }
0x242: {  	[spmem:s3] =	stream.indirect.scatter.add.f32 [tilespmem:s7], [sflag:$0x7], $0x30, s30, s29, $0xb8;
	[tilespmem:$0x1E690] =	vst v63  }
0x243: {  	_ =	swait.ge [sflag:s5], $0xF00  }
0x244: {  	[sflag:s5] =	ssyncset.done $0x0  }
0x245: {  	s15 =	simm.s32 $0xEC90;
	[sflag:s5] =	ssyncadd.s32 $0xFFFFF100  }
0x246: {  	[tilespmem:s7], [sflag:$0x3] =	stream.indirect.gather [hbm4b:s17+s29], $0x30, s15, s29, $0xb8;
	[tilespmem:$0x1E690] =	vst v63  }
0x247: {  	_ =	swait.ge [sflag:s13], $0xF00  }
0x248: {  	[sflag:s13] =	ssyncset.done $0x0  }
0x249: {  	s16 =	simm.s32 $0x13970;
	[sflag:s13] =	ssyncadd.s32 $0xFFFFF100  }
0x24a: {  	[spmem:s3] =	stream.indirect.scatter.add.f32 [tilespmem:s8], [sflag:$0x7], $0x30, s16, s29, $0xb8;
	[tilespmem:$0x1E690] =	vst v63  }
0x24b: {  	_ =	swait.ge [sflag:s5], $0xF00  }
0x24c: {  	[sflag:s5] =	ssyncset.done $0x0  }
0x24d: {  	s24 =	simm.s32 $0xECE0;
	[sflag:s5] =	ssyncadd.s32 $0xFFFFF100  }
0x24e: {  	[tilespmem:s8], [sflag:$0x4] =	stream.indirect.gather [hbm4b:s17+s29], $0x30, s24, s29, $0xb8;
	[tilespmem:$0x1E690] =	vst v63  }
0x24f: {  	_ =	swait.ge [sflag:s11], $0xF00  }
0x250: {  	[sflag:s11] =	ssyncset.done $0x0  }
0x251: {  	s30 =	simm.s32 $0x139C0;
	[sflag:s11] =	ssyncadd.s32 $0xFFFFF100  }
0x252: {  	[spmem:s3] =	stream.indirect.scatter.add.f32 [tilespmem:s10], [sflag:$0x7], $0x30, s30, s29, $0xb8;
	[tilespmem:$0x1E690] =	vst v63  }
0x253: {  	_ =	swait.ge [sflag:s5], $0xF00  }
0x254: {  	[sflag:s5] =	ssyncset.done $0x0  }
0x255: {  	s12 =	simm.s32 $0x640;
	s15 =	simm.s32 $0xED30;
	[sflag:s5] =	ssyncadd.s32 $0xFFFFF100  }
.LBB2_28:
0x256: {  	[tilespmem:s10], [sflag:$0x5] =	stream.indirect.gather [hbm4b:s17+s29], $0x30, s15, s29, $0xb8;
	[tilespmem:$0x1E690] =	vst v63  }
0x257: {  	s15 =	smov.u32 s12  }
0x258: {  	p2 =	sne.s32 s12, $0x12C00;
	s12 =	sadd.s32 $0x640, s12;
	_ =	swait.ge [sflag:s25], $0xF00  }
0x259: {  	s15 =	sshra.s32 s15, $0x2;
	[sflag:s25] =	ssyncset.done $0x0  }
0x25a: {  	s16 =	sadd.s32 $0x13880, s15;
	[sflag:s25] =	ssyncadd.s32 $0xFFFFF100  }
0x25b: {  	[spmem:s3] =	stream.indirect.scatter.add.f32 [tilespmem:s6], [sflag:$0x7], $0x30, s16, s29, $0xb8;
	[tilespmem:$0x1E690] =	vst v63  }
0x25c: {  	_ =	swait.ge [sflag:s5], $0xF00  }
0x25d: {  	[sflag:s5] =	ssyncset.done $0x0  }
0x25e: {  	s16 =	sadd.s32 $0xEBF0, s15;
	[sflag:s5] =	ssyncadd.s32 $0xFFFFF100  }
0x25f: {  	[tilespmem:s6], [sflag:$0x1] =	stream.indirect.gather [hbm4b:s17+s29], $0x30, s16, s29, $0xb8;
	[tilespmem:$0x1E690] =	vst v63  }
0x260: {  	_ =	swait.ge [sflag:s26], $0xF00  }
0x261: {  	[sflag:s26] =	ssyncset.done $0x0  }
0x262: {  	s16 =	sadd.s32 $0x138D0, s15;
	[sflag:s26] =	ssyncadd.s32 $0xFFFFF100  }
0x263: {  	[spmem:s3] =	stream.indirect.scatter.add.f32 [tilespmem:s9], [sflag:$0x7], $0x30, s16, s29, $0xb8;
	[tilespmem:$0x1E690] =	vst v63  }
0x264: {  	_ =	swait.ge [sflag:s5], $0xF00  }
0x265: {  	[sflag:s5] =	ssyncset.done $0x0  }
0x266: {  	s16 =	sadd.s32 $0xEC40, s15;
	[sflag:s5] =	ssyncadd.s32 $0xFFFFF100  }
0x267: {  	[tilespmem:s9], [sflag:$0x2] =	stream.indirect.gather [hbm4b:s17+s29], $0x30, s16, s29, $0xb8;
	[tilespmem:$0x1E690] =	vst v63  }
0x268: {  	_ =	swait.ge [sflag:s28], $0xF00  }
0x269: {  	[sflag:s28] =	ssyncset.done $0x0  }
0x26a: {  	s16 =	sadd.s32 $0x13920, s15;
	[sflag:s28] =	ssyncadd.s32 $0xFFFFF100  }
0x26b: {  	[spmem:s3] =	stream.indirect.scatter.add.f32 [tilespmem:s7], [sflag:$0x7], $0x30, s16, s29, $0xb8;
	[tilespmem:$0x1E690] =	vst v63  }
0x26c: {  	_ =	swait.ge [sflag:s5], $0xF00  }
0x26d: {  	[sflag:s5] =	ssyncset.done $0x0  }
0x26e: {  	s16 =	sadd.s32 $0xEC90, s15;
	[sflag:s5] =	ssyncadd.s32 $0xFFFFF100  }
0x26f: {  	[tilespmem:s7], [sflag:$0x3] =	stream.indirect.gather [hbm4b:s17+s29], $0x30, s16, s29, $0xb8;
	[tilespmem:$0x1E690] =	vst v63  }
0x270: {  	_ =	swait.ge [sflag:s13], $0xF00  }
0x271: {  	[sflag:s13] =	ssyncset.done $0x0  }
0x272: {  	s16 =	sadd.s32 $0x13970, s15;
	[sflag:s13] =	ssyncadd.s32 $0xFFFFF100  }
0x273: {  	[spmem:s3] =	stream.indirect.scatter.add.f32 [tilespmem:s8], [sflag:$0x7], $0x30, s16, s29, $0xb8;
	[tilespmem:$0x1E690] =	vst v63  }
0x274: {  	_ =	swait.ge [sflag:s5], $0xF00  }
0x275: {  	[sflag:s5] =	ssyncset.done $0x0  }
0x276: {  	s16 =	sadd.s32 $0xECE0, s15;
	[sflag:s5] =	ssyncadd.s32 $0xFFFFF100  }
0x277: {  	[tilespmem:s8], [sflag:$0x4] =	stream.indirect.gather [hbm4b:s17+s29], $0x30, s16, s29, $0xb8;
	[tilespmem:$0x1E690] =	vst v63  }
0x278: {  	_ =	swait.ge [sflag:s11], $0xF00  }
0x279: {  	[sflag:s11] =	ssyncset.done $0x0  }
.Ltmp24:
0x27a: {  	s16 =	sadd.s32 $0x139C0, s15;
	[sflag:s11] =	ssyncadd.s32 $0xFFFFF100;
	(pc) =	sbr.rel @p2 .LBB2_28-.Ltmp24, $4  }
0x27b: {  	[spmem:s3] =	stream.indirect.scatter.add.f32 [tilespmem:s10], [sflag:$0x7], $0x30, s16, s29, $0xb8;
	[tilespmem:$0x1E690] =	vst v63  }
0x27c: {  	_ =	swait.ge [sflag:s5], $0xF00  }
0x27d: {  	[sflag:s5] =	ssyncset.done $0x0  }
0x27e: {  	s15 =	sadd.s32 $0xED30, s15;
	[sflag:s5] =	ssyncadd.s32 $0xFFFFF100  }
0x27f: {  	[tilespmem:s10], [sflag:$0x5] =	stream.indirect.gather [hbm4b:s17+s29], $0x30, s15, s29, $0xb8;
	[tilespmem:$0x1E690] =	vst v63  }
0x280: {  	_ =	swait.ge [sflag:s25], $0xF00  }
0x281: {  	[sflag:s25] =	ssyncset.done $0x0  }
0x282: {  	s12 =	simm.s32 $0x18510;
	[sflag:s25] =	ssyncadd.s32 $0xFFFFF100  }
0x283: {  	[spmem:s3] =	stream.indirect.scatter.add.f32 [tilespmem:s6], [sflag:$0x7], $0x30, s12, s29, $0xb8;
	[tilespmem:$0x1E690] =	vst v63  }
0x284: {  	_ =	swait.ge [sflag:s5], $0xF00  }
0x285: {  	[sflag:s5] =	ssyncset.done $0x0  }
0x286: {  	[sflag:s5] =	ssyncadd.s32 $0xFFFFF100  }
0x287: {  	_ =	swait.ge [sflag:s26], $0xF00  }
0x288: {  	[sflag:s26] =	ssyncset.done $0x0  }
0x289: {  	s16 =	simm.s32 $0x18560;
	[sflag:s26] =	ssyncadd.s32 $0xFFFFF100  }
0x28a: {  	[spmem:s3] =	stream.indirect.scatter.add.f32 [tilespmem:s9], [sflag:$0x7], $0x30, s16, s29, $0xb8;
	[tilespmem:$0x1E690] =	vst v63  }
0x28b: {  	_ =	swait.ge [sflag:s5], $0xF00  }
0x28c: {  	[sflag:s5] =	ssyncset.done $0x0  }
0x28d: {  	[sflag:s5] =	ssyncadd.s32 $0xFFFFF100  }
0x28e: {  	_ =	swait.ge [sflag:s28], $0xF00  }
0x28f: {  	[sflag:s28] =	ssyncset.done $0x0  }
0x290: {  	s24 =	simm.s32 $0x185B0;
	[sflag:s28] =	ssyncadd.s32 $0xFFFFF100  }
0x291: {  	[spmem:s3] =	stream.indirect.scatter.add.f32 [tilespmem:s7], [sflag:$0x7], $0x30, s24, s29, $0xb8;
	[tilespmem:$0x1E690] =	vst v63  }
0x292: {  	_ =	swait.ge [sflag:s5], $0xF00  }
0x293: {  	[sflag:s5] =	ssyncset.done $0x0  }
0x294: {  	[sflag:s5] =	ssyncadd.s32 $0xFFFFF100  }
0x295: {  	_ =	swait.ge [sflag:s13], $0xF00  }
0x296: {  	[sflag:s13] =	ssyncset.done $0x0  }
0x297: {  	s30 =	simm.s32 $0x18600;
	[sflag:s13] =	ssyncadd.s32 $0xFFFFF100  }
0x298: {  	[spmem:s3] =	stream.indirect.scatter.add.f32 [tilespmem:s8], [sflag:$0x7], $0x30, s30, s29, $0xb8;
	[tilespmem:$0x1E690] =	vst v63  }
0x299: {  	_ =	swait.ge [sflag:s5], $0xF00  }
0x29a: {  	[sflag:s5] =	ssyncset.done $0x0  }
0x29b: {  	[sflag:s5] =	ssyncadd.s32 $0xFFFFF100  }
0x29c: {  	_ =	swait.ge [sflag:s11], $0xF00  }
0x29d: {  	[sflag:s11] =	ssyncset.done $0x0  }
0x29e: {  	s15 =	simm.s32 $0x18650;
	[sflag:s11] =	ssyncadd.s32 $0xFFFFF100  }
0x29f: {  	[spmem:s3] =	stream.indirect.scatter.add.f32 [tilespmem:s10], [sflag:$0x7], $0x30, s15, s29, $0xb8;
	[tilespmem:$0x1E690] =	vst v63  }
0x2a0: {  	_ =	swait.ge [sflag:s5], $0xF00  }
0x2a1: {  	[sflag:s5] =	ssyncset.done $0x0  }
0x2a2: {  	[sflag:s5] =	ssyncadd.s32 $0xFFFFF100  }
0x2a3: {  	[bflag:$0x0] =	sbarrier.arrive $0xFFFF  }
0x2a4: {  	s16 =	sshll.u32 s2, $0x6;
	s24 =	rddreg [dreg:$0xa]  }
0x2a5: {  	s12 =	sor.u32 $0x1C06, s16;
	s16 =	rddreg [dreg:$0x9];
	s15 =	sshrl.u32 s24, $0x3  }
0x2a6: {  	[hbm:s16], [sflag:s12] =	dma.local [spmem:s15], $0xEA6  }
0x2a7: {  	s12 =	simm.s32 $0x0;
	s16 =	simm.s32 $0xEA60;
	s15 =	rddreg [dreg:$0xc]  }
0x2a8: {  	[tilespmem:s16], [sflag:$0x7] =	stream.linear.gather [hbm4b:s15+s12], $0x4E20, $0x38;
	[tilespmem:$0x1E690] =	vst v63  }
0x2a9: {  	_ =	swait.ge [sflag:s5], $0x4E20  }
0x2aa: {  	[sflag:s5] =	ssyncset.done $0x0  }
0x2ab: {  	s24 =	simm.s32 $0x13880;
	s30 =	rddreg [dreg:$0xb];
	[sflag:s5] =	ssyncadd.s32 $0xFFFFB1E0  }
0x2ac: {  	[tilespmem:s24], [sflag:$0x7] =	stream.linear.gather [hbm4b:s30+s12], $0x4E20, $0x38;
	[tilespmem:$0x1E690] =	vst v63  }
0x2ad: {  	_ =	swait.ge [sflag:s5], $0x4E20  }
0x2ae: {  	[sflag:s5] =	ssyncset.done $0x0  }
0x2af: {  	[sflag:s5] =	ssyncadd.s32 $0xFFFFB1E0  }
0x2b0: {  	[tilespmem:s6], [sflag:$0x1] =	stream.indirect.gather [hbm4b:s20+s29], $0x30, s16, s29, $0xb8;
	[tilespmem:$0x1E690] =	vst v63  }
0x2b1: {  	s30 =	simm.s32 $0xEAB0  }
0x2b2: {  	[tilespmem:s9], [sflag:$0x2] =	stream.indirect.gather [hbm4b:s20+s29], $0x30, s30, s29, $0xb8;
	[tilespmem:$0x1E690] =	vst v63  }
0x2b3: {  	s15 =	simm.s32 $0xEB00  }
0x2b4: {  	[tilespmem:s7], [sflag:$0x3] =	stream.indirect.gather [hbm4b:s20+s29], $0x30, s15, s29, $0xb8;
	[tilespmem:$0x1E690] =	vst v63  }
0x2b5: {  	s16 =	simm.s32 $0xEB50  }
0x2b6: {  	[tilespmem:s8], [sflag:$0x4] =	stream.indirect.gather [hbm4b:s20+s29], $0x30, s16, s29, $0xb8;
	[tilespmem:$0x1E690] =	vst v63  }
0x2b7: {  	s24 =	simm.s32 $0xEBA0  }
0x2b8: {  	[tilespmem:s10], [sflag:$0x5] =	stream.indirect.gather [hbm4b:s20+s29], $0x30, s24, s29, $0xb8;
	[tilespmem:$0x1E690] =	vst v63  }
0x2b9: {  	_ =	swait.ge [sflag:s25], $0xF00  }
0x2ba: {  	[sflag:s25] =	ssyncset.done $0x0  }
0x2bb: {  	s30 =	simm.s32 $0x13880;
	[sflag:s25] =	ssyncadd.s32 $0xFFFFF100  }
0x2bc: {  	[spmem:s4] =	stream.indirect.scatter.add.f32 [tilespmem:s6], [sflag:$0x7], $0x30, s30, s29, $0xb8;
	[tilespmem:$0x1E690] =	vst v63  }
0x2bd: {  	_ =	swait.ge [sflag:s5], $0xF00  }
0x2be: {  	[sflag:s5] =	ssyncset.done $0x0  }
0x2bf: {  	s15 =	simm.s32 $0xEBF0;
	[sflag:s5] =	ssyncadd.s32 $0xFFFFF100  }
0x2c0: {  	[tilespmem:s6], [sflag:$0x1] =	stream.indirect.gather [hbm4b:s20+s29], $0x30, s15, s29, $0xb8;
	[tilespmem:$0x1E690] =	vst v63  }
0x2c1: {  	_ =	swait.ge [sflag:s26], $0xF00  }
0x2c2: {  	[sflag:s26] =	ssyncset.done $0x0  }
0x2c3: {  	s16 =	simm.s32 $0x138D0;
	[sflag:s26] =	ssyncadd.s32 $0xFFFFF100  }
0x2c4: {  	[spmem:s4] =	stream.indirect.scatter.add.f32 [tilespmem:s9], [sflag:$0x7], $0x30, s16, s29, $0xb8;
	[tilespmem:$0x1E690] =	vst v63  }
0x2c5: {  	_ =	swait.ge [sflag:s5], $0xF00  }
0x2c6: {  	[sflag:s5] =	ssyncset.done $0x0  }
0x2c7: {  	s24 =	simm.s32 $0xEC40;
	[sflag:s5] =	ssyncadd.s32 $0xFFFFF100  }
0x2c8: {  	[tilespmem:s9], [sflag:$0x2] =	stream.indirect.gather [hbm4b:s20+s29], $0x30, s24, s29, $0xb8;
	[tilespmem:$0x1E690] =	vst v63  }
0x2c9: {  	_ =	swait.ge [sflag:s28], $0xF00  }
0x2ca: {  	[sflag:s28] =	ssyncset.done $0x0  }
0x2cb: {  	s30 =	simm.s32 $0x13920;
	[sflag:s28] =	ssyncadd.s32 $0xFFFFF100  }
0x2cc: {  	[spmem:s4] =	stream.indirect.scatter.add.f32 [tilespmem:s7], [sflag:$0x7], $0x30, s30, s29, $0xb8;
	[tilespmem:$0x1E690] =	vst v63  }
0x2cd: {  	_ =	swait.ge [sflag:s5], $0xF00  }
0x2ce: {  	[sflag:s5] =	ssyncset.done $0x0  }
0x2cf: {  	s15 =	simm.s32 $0xEC90;
	[sflag:s5] =	ssyncadd.s32 $0xFFFFF100  }
0x2d0: {  	[tilespmem:s7], [sflag:$0x3] =	stream.indirect.gather [hbm4b:s20+s29], $0x30, s15, s29, $0xb8;
	[tilespmem:$0x1E690] =	vst v63  }
0x2d1: {  	_ =	swait.ge [sflag:s13], $0xF00  }
0x2d2: {  	[sflag:s13] =	ssyncset.done $0x0  }
0x2d3: {  	s16 =	simm.s32 $0x13970;
	[sflag:s13] =	ssyncadd.s32 $0xFFFFF100  }
0x2d4: {  	[spmem:s4] =	stream.indirect.scatter.add.f32 [tilespmem:s8], [sflag:$0x7], $0x30, s16, s29, $0xb8;
	[tilespmem:$0x1E690] =	vst v63  }
0x2d5: {  	_ =	swait.ge [sflag:s5], $0xF00  }
0x2d6: {  	[sflag:s5] =	ssyncset.done $0x0  }
0x2d7: {  	s24 =	simm.s32 $0xECE0;
	[sflag:s5] =	ssyncadd.s32 $0xFFFFF100  }
0x2d8: {  	[tilespmem:s8], [sflag:$0x4] =	stream.indirect.gather [hbm4b:s20+s29], $0x30, s24, s29, $0xb8;
	[tilespmem:$0x1E690] =	vst v63  }
0x2d9: {  	_ =	swait.ge [sflag:s11], $0xF00  }
0x2da: {  	[sflag:s11] =	ssyncset.done $0x0  }
0x2db: {  	s30 =	simm.s32 $0x139C0;
	[sflag:s11] =	ssyncadd.s32 $0xFFFFF100  }
0x2dc: {  	[spmem:s4] =	stream.indirect.scatter.add.f32 [tilespmem:s10], [sflag:$0x7], $0x30, s30, s29, $0xb8;
	[tilespmem:$0x1E690] =	vst v63  }
0x2dd: {  	_ =	swait.ge [sflag:s5], $0xF00  }
0x2de: {  	[sflag:s5] =	ssyncset.done $0x0  }
0x2df: {  	s12 =	simm.s32 $0x640;
	s15 =	simm.s32 $0xED30;
	[sflag:s5] =	ssyncadd.s32 $0xFFFFF100  }
.LBB2_30:
0x2e0: {  	[tilespmem:s10], [sflag:$0x5] =	stream.indirect.gather [hbm4b:s20+s29], $0x30, s15, s29, $0xb8;
	[tilespmem:$0x1E690] =	vst v63  }
0x2e1: {  	s15 =	smov.u32 s12  }
0x2e2: {  	p2 =	seq.s32 s12, $0x12C00;
	s12 =	sadd.s32 $0x640, s12;
	_ =	swait.ge [sflag:s25], $0xF00  }
0x2e3: {  	s15 =	sshra.s32 s15, $0x2;
	[sflag:s25] =	ssyncset.done $0x0  }
0x2e4: {  	s16 =	sadd.s32 $0x13880, s15;
	[sflag:s25] =	ssyncadd.s32 $0xFFFFF100  }
0x2e5: {  	[spmem:s4] =	stream.indirect.scatter.add.f32 [tilespmem:s6], [sflag:$0x7], $0x30, s16, s29, $0xb8;
	[tilespmem:$0x1E690] =	vst v63  }
0x2e6: {  	_ =	swait.ge [sflag:s5], $0xF00  }
0x2e7: {  	[sflag:s5] =	ssyncset.done $0x0  }
0x2e8: {  	s16 =	sadd.s32 $0xEBF0, s15;
	[sflag:s5] =	ssyncadd.s32 $0xFFFFF100  }
0x2e9: {  	[tilespmem:s6], [sflag:$0x1] =	stream.indirect.gather [hbm4b:s20+s29], $0x30, s16, s29, $0xb8;
	[tilespmem:$0x1E690] =	vst v63  }
0x2ea: {  	_ =	swait.ge [sflag:s26], $0xF00  }
0x2eb: {  	[sflag:s26] =	ssyncset.done $0x0  }
0x2ec: {  	s16 =	sadd.s32 $0x138D0, s15;
	[sflag:s26] =	ssyncadd.s32 $0xFFFFF100  }
0x2ed: {  	[spmem:s4] =	stream.indirect.scatter.add.f32 [tilespmem:s9], [sflag:$0x7], $0x30, s16, s29, $0xb8;
	[tilespmem:$0x1E690] =	vst v63  }
0x2ee: {  	_ =	swait.ge [sflag:s5], $0xF00  }
0x2ef: {  	[sflag:s5] =	ssyncset.done $0x0  }
0x2f0: {  	s16 =	sadd.s32 $0xEC40, s15;
	[sflag:s5] =	ssyncadd.s32 $0xFFFFF100  }
0x2f1: {  	[tilespmem:s9], [sflag:$0x2] =	stream.indirect.gather [hbm4b:s20+s29], $0x30, s16, s29, $0xb8;
	[tilespmem:$0x1E690] =	vst v63  }
0x2f2: {  	_ =	swait.ge [sflag:s28], $0xF00  }
0x2f3: {  	[sflag:s28] =	ssyncset.done $0x0  }
0x2f4: {  	s16 =	sadd.s32 $0x13920, s15;
	[sflag:s28] =	ssyncadd.s32 $0xFFFFF100  }
0x2f5: {  	[spmem:s4] =	stream.indirect.scatter.add.f32 [tilespmem:s7], [sflag:$0x7], $0x30, s16, s29, $0xb8;
	[tilespmem:$0x1E690] =	vst v63  }
0x2f6: {  	_ =	swait.ge [sflag:s5], $0xF00  }
0x2f7: {  	[sflag:s5] =	ssyncset.done $0x0  }
0x2f8: {  	s16 =	sadd.s32 $0xEC90, s15;
	[sflag:s5] =	ssyncadd.s32 $0xFFFFF100  }
0x2f9: {  	[tilespmem:s7], [sflag:$0x3] =	stream.indirect.gather [hbm4b:s20+s29], $0x30, s16, s29, $0xb8;
	[tilespmem:$0x1E690] =	vst v63  }
0x2fa: {  	_ =	swait.ge [sflag:s13], $0xF00  }
0x2fb: {  	[sflag:s13] =	ssyncset.done $0x0  }
0x2fc: {  	s16 =	sadd.s32 $0x13970, s15;
	[sflag:s13] =	ssyncadd.s32 $0xFFFFF100  }
0x2fd: {  	[spmem:s4] =	stream.indirect.scatter.add.f32 [tilespmem:s8], [sflag:$0x7], $0x30, s16, s29, $0xb8;
	[tilespmem:$0x1E690] =	vst v63  }
0x2fe: {  	_ =	swait.ge [sflag:s5], $0xF00  }
0x2ff: {  	[sflag:s5] =	ssyncset.done $0x0  }
0x300: {  	s16 =	sadd.s32 $0xECE0, s15;
	[sflag:s5] =	ssyncadd.s32 $0xFFFFF100  }
0x301: {  	[tilespmem:s8], [sflag:$0x4] =	stream.indirect.gather [hbm4b:s20+s29], $0x30, s16, s29, $0xb8;
	[tilespmem:$0x1E690] =	vst v63  }
0x302: {  	_ =	swait.ge [sflag:s11], $0xF00  }
0x303: {  	[sflag:s11] =	ssyncset.done $0x0  }
.Ltmp25:
0x304: {  	s16 =	sadd.s32 $0x139C0, s15;
	[sflag:s11] =	ssyncadd.s32 $0xFFFFF100;
	(pc) =	sbr.rel @!p2 .LBB2_30-.Ltmp25, $4  }
0x305: {  	[spmem:s4] =	stream.indirect.scatter.add.f32 [tilespmem:s10], [sflag:$0x7], $0x30, s16, s29, $0xb8;
	[tilespmem:$0x1E690] =	vst v63  }
0x306: {  	_ =	swait.ge [sflag:s5], $0xF00  }
0x307: {  	[sflag:s5] =	ssyncset.done $0x0  }
0x308: {  	s15 =	sadd.s32 $0xED30, s15;
	[sflag:s5] =	ssyncadd.s32 $0xFFFFF100  }
.Ltmp26:
0x309: {  	(pc) =	sbr.rel .LBB2_37-.Ltmp26, $4  }
0x30a: {  	_ = 	snop  }
0x30b: {  	[tilespmem:s10], [sflag:$0x5] =	stream.indirect.gather [hbm4b:s20+s29], $0x30, s15, s29, $0xb8;
	[tilespmem:$0x1E690] =	vst v63  }
0x30c: {  	s12 =	rddreg [dreg:$0xe]  }
0x30d: {  	s30 =	sld [smem:$0x7F3]  }
.LBB2_32:
0x30e: {  	s15 =	rddreg [dreg:$0x7];
	s16 =	simm.s32 $0xEA60  }
0x30f: {  	[tilespmem:s16], [sflag:$0x7] =	stream.linear.gather [hbm4b:s15+s12], $0x4E20, $0x38;
	[tilespmem:$0x1E690] =	vst v63  }
0x310: {  	_ =	swait.ge [sflag:s5], $0x4E20  }
0x311: {  	[sflag:s5] =	ssyncset.done $0x0  }
0x312: {  	s24 =	simm.s32 $0x13880;
	s30 =	rddreg [dreg:$0x8];
	[sflag:s5] =	ssyncadd.s32 $0xFFFFB1E0  }
0x313: {  	[tilespmem:s24], [sflag:$0x7] =	stream.linear.gather [hbm4b:s30+s12], $0x4E20, $0x38;
	[tilespmem:$0x1E690] =	vst v63  }
0x314: {  	_ =	swait.ge [sflag:s5], $0x4E20  }
0x315: {  	[sflag:s5] =	ssyncset.done $0x0  }
0x316: {  	[sflag:s5] =	ssyncadd.s32 $0xFFFFB1E0  }
0x317: {  	[tilespmem:s6], [sflag:$0x1] =	stream.indirect.gather [hbm4b:s18+s29], $0x30, s16, s29, $0xb8;
	[tilespmem:$0x1E690] =	vst v63  }
0x318: {  	s30 =	simm.s32 $0xEAB0  }
0x319: {  	[tilespmem:s9], [sflag:$0x2] =	stream.indirect.gather [hbm4b:s18+s29], $0x30, s30, s29, $0xb8;
	[tilespmem:$0x1E690] =	vst v63  }
0x31a: {  	s15 =	simm.s32 $0xEB00  }
0x31b: {  	[tilespmem:s7], [sflag:$0x3] =	stream.indirect.gather [hbm4b:s18+s29], $0x30, s15, s29, $0xb8;
	[tilespmem:$0x1E690] =	vst v63  }
0x31c: {  	s16 =	simm.s32 $0xEB50  }
0x31d: {  	[tilespmem:s8], [sflag:$0x4] =	stream.indirect.gather [hbm4b:s18+s29], $0x30, s16, s29, $0xb8;
	[tilespmem:$0x1E690] =	vst v63  }
0x31e: {  	s24 =	simm.s32 $0xEBA0  }
0x31f: {  	[tilespmem:s10], [sflag:$0x5] =	stream.indirect.gather [hbm4b:s18+s29], $0x30, s24, s29, $0xb8;
	[tilespmem:$0x1E690] =	vst v63  }
0x320: {  	_ =	swait.ge [sflag:s25], $0xF00  }
0x321: {  	[sflag:s25] =	ssyncset.done $0x0  }
0x322: {  	s30 =	simm.s32 $0x13880;
	[sflag:s25] =	ssyncadd.s32 $0xFFFFF100  }
0x323: {  	[spmem:s3] =	stream.indirect.scatter.add.f32 [tilespmem:s6], [sflag:$0x7], $0x30, s30, s29, $0xb8;
	[tilespmem:$0x1E690] =	vst v63  }
0x324: {  	_ =	swait.ge [sflag:s5], $0xF00  }
0x325: {  	[sflag:s5] =	ssyncset.done $0x0  }
0x326: {  	s15 =	simm.s32 $0xEBF0;
	[sflag:s5] =	ssyncadd.s32 $0xFFFFF100  }
0x327: {  	[tilespmem:s6], [sflag:$0x1] =	stream.indirect.gather [hbm4b:s18+s29], $0x30, s15, s29, $0xb8;
	[tilespmem:$0x1E690] =	vst v63  }
0x328: {  	_ =	swait.ge [sflag:s26], $0xF00  }
0x329: {  	[sflag:s26] =	ssyncset.done $0x0  }
0x32a: {  	s16 =	simm.s32 $0x138D0;
	[sflag:s26] =	ssyncadd.s32 $0xFFFFF100  }
0x32b: {  	[spmem:s3] =	stream.indirect.scatter.add.f32 [tilespmem:s9], [sflag:$0x7], $0x30, s16, s29, $0xb8;
	[tilespmem:$0x1E690] =	vst v63  }
0x32c: {  	_ =	swait.ge [sflag:s5], $0xF00  }
0x32d: {  	[sflag:s5] =	ssyncset.done $0x0  }
0x32e: {  	s24 =	simm.s32 $0xEC40;
	[sflag:s5] =	ssyncadd.s32 $0xFFFFF100  }
0x32f: {  	[tilespmem:s9], [sflag:$0x2] =	stream.indirect.gather [hbm4b:s18+s29], $0x30, s24, s29, $0xb8;
	[tilespmem:$0x1E690] =	vst v63  }
0x330: {  	_ =	swait.ge [sflag:s28], $0xF00  }
0x331: {  	[sflag:s28] =	ssyncset.done $0x0  }
0x332: {  	s30 =	simm.s32 $0x13920;
	[sflag:s28] =	ssyncadd.s32 $0xFFFFF100  }
0x333: {  	[spmem:s3] =	stream.indirect.scatter.add.f32 [tilespmem:s7], [sflag:$0x7], $0x30, s30, s29, $0xb8;
	[tilespmem:$0x1E690] =	vst v63  }
0x334: {  	_ =	swait.ge [sflag:s5], $0xF00  }
0x335: {  	[sflag:s5] =	ssyncset.done $0x0  }
0x336: {  	s15 =	simm.s32 $0xEC90;
	[sflag:s5] =	ssyncadd.s32 $0xFFFFF100  }
0x337: {  	[tilespmem:s7], [sflag:$0x3] =	stream.indirect.gather [hbm4b:s18+s29], $0x30, s15, s29, $0xb8;
	[tilespmem:$0x1E690] =	vst v63  }
0x338: {  	_ =	swait.ge [sflag:s13], $0xF00  }
0x339: {  	[sflag:s13] =	ssyncset.done $0x0  }
0x33a: {  	s16 =	simm.s32 $0x13970;
	[sflag:s13] =	ssyncadd.s32 $0xFFFFF100  }
0x33b: {  	[spmem:s3] =	stream.indirect.scatter.add.f32 [tilespmem:s8], [sflag:$0x7], $0x30, s16, s29, $0xb8;
	[tilespmem:$0x1E690] =	vst v63  }
0x33c: {  	_ =	swait.ge [sflag:s5], $0xF00  }
0x33d: {  	[sflag:s5] =	ssyncset.done $0x0  }
0x33e: {  	s24 =	simm.s32 $0xECE0;
	[sflag:s5] =	ssyncadd.s32 $0xFFFFF100  }
0x33f: {  	[tilespmem:s8], [sflag:$0x4] =	stream.indirect.gather [hbm4b:s18+s29], $0x30, s24, s29, $0xb8;
	[tilespmem:$0x1E690] =	vst v63  }
0x340: {  	_ =	swait.ge [sflag:s11], $0xF00  }
0x341: {  	[sflag:s11] =	ssyncset.done $0x0  }
0x342: {  	s30 =	simm.s32 $0x139C0;
	[sflag:s11] =	ssyncadd.s32 $0xFFFFF100  }
0x343: {  	[spmem:s3] =	stream.indirect.scatter.add.f32 [tilespmem:s10], [sflag:$0x7], $0x30, s30, s29, $0xb8;
	[tilespmem:$0x1E690] =	vst v63  }
0x344: {  	_ =	swait.ge [sflag:s5], $0xF00  }
0x345: {  	[sflag:s5] =	ssyncset.done $0x0  }
0x346: {  	s12 =	simm.s32 $0x640;
	s15 =	simm.s32 $0xED30;
	[sflag:s5] =	ssyncadd.s32 $0xFFFFF100  }
.LBB2_33:
0x347: {  	[tilespmem:s10], [sflag:$0x5] =	stream.indirect.gather [hbm4b:s18+s29], $0x30, s15, s29, $0xb8;
	[tilespmem:$0x1E690] =	vst v63  }
0x348: {  	s15 =	smov.u32 s12  }
0x349: {  	p2 =	sne.s32 s12, $0x12C00;
	s12 =	sadd.s32 $0x640, s12;
	_ =	swait.ge [sflag:s25], $0xF00  }
0x34a: {  	s15 =	sshra.s32 s15, $0x2;
	[sflag:s25] =	ssyncset.done $0x0  }
0x34b: {  	s16 =	sadd.s32 $0x13880, s15;
	[sflag:s25] =	ssyncadd.s32 $0xFFFFF100  }
0x34c: {  	[spmem:s3] =	stream.indirect.scatter.add.f32 [tilespmem:s6], [sflag:$0x7], $0x30, s16, s29, $0xb8;
	[tilespmem:$0x1E690] =	vst v63  }
0x34d: {  	_ =	swait.ge [sflag:s5], $0xF00  }
0x34e: {  	[sflag:s5] =	ssyncset.done $0x0  }
0x34f: {  	s16 =	sadd.s32 $0xEBF0, s15;
	[sflag:s5] =	ssyncadd.s32 $0xFFFFF100  }
0x350: {  	[tilespmem:s6], [sflag:$0x1] =	stream.indirect.gather [hbm4b:s18+s29], $0x30, s16, s29, $0xb8;
	[tilespmem:$0x1E690] =	vst v63  }
0x351: {  	_ =	swait.ge [sflag:s26], $0xF00  }
0x352: {  	[sflag:s26] =	ssyncset.done $0x0  }
0x353: {  	s16 =	sadd.s32 $0x138D0, s15;
	[sflag:s26] =	ssyncadd.s32 $0xFFFFF100  }
0x354: {  	[spmem:s3] =	stream.indirect.scatter.add.f32 [tilespmem:s9], [sflag:$0x7], $0x30, s16, s29, $0xb8;
	[tilespmem:$0x1E690] =	vst v63  }
0x355: {  	_ =	swait.ge [sflag:s5], $0xF00  }
0x356: {  	[sflag:s5] =	ssyncset.done $0x0  }
0x357: {  	s16 =	sadd.s32 $0xEC40, s15;
	[sflag:s5] =	ssyncadd.s32 $0xFFFFF100  }
0x358: {  	[tilespmem:s9], [sflag:$0x2] =	stream.indirect.gather [hbm4b:s18+s29], $0x30, s16, s29, $0xb8;
	[tilespmem:$0x1E690] =	vst v63  }
0x359: {  	_ =	swait.ge [sflag:s28], $0xF00  }
0x35a: {  	[sflag:s28] =	ssyncset.done $0x0  }
0x35b: {  	s16 =	sadd.s32 $0x13920, s15;
	[sflag:s28] =	ssyncadd.s32 $0xFFFFF100  }
0x35c: {  	[spmem:s3] =	stream.indirect.scatter.add.f32 [tilespmem:s7], [sflag:$0x7], $0x30, s16, s29, $0xb8;
	[tilespmem:$0x1E690] =	vst v63  }
0x35d: {  	_ =	swait.ge [sflag:s5], $0xF00  }
0x35e: {  	[sflag:s5] =	ssyncset.done $0x0  }
0x35f: {  	s16 =	sadd.s32 $0xEC90, s15;
	[sflag:s5] =	ssyncadd.s32 $0xFFFFF100  }
0x360: {  	[tilespmem:s7], [sflag:$0x3] =	stream.indirect.gather [hbm4b:s18+s29], $0x30, s16, s29, $0xb8;
	[tilespmem:$0x1E690] =	vst v63  }
0x361: {  	_ =	swait.ge [sflag:s13], $0xF00  }
0x362: {  	[sflag:s13] =	ssyncset.done $0x0  }
0x363: {  	s16 =	sadd.s32 $0x13970, s15;
	[sflag:s13] =	ssyncadd.s32 $0xFFFFF100  }
0x364: {  	[spmem:s3] =	stream.indirect.scatter.add.f32 [tilespmem:s8], [sflag:$0x7], $0x30, s16, s29, $0xb8;
	[tilespmem:$0x1E690] =	vst v63  }
0x365: {  	_ =	swait.ge [sflag:s5], $0xF00  }
0x366: {  	[sflag:s5] =	ssyncset.done $0x0  }
0x367: {  	s16 =	sadd.s32 $0xECE0, s15;
	[sflag:s5] =	ssyncadd.s32 $0xFFFFF100  }
0x368: {  	[tilespmem:s8], [sflag:$0x4] =	stream.indirect.gather [hbm4b:s18+s29], $0x30, s16, s29, $0xb8;
	[tilespmem:$0x1E690] =	vst v63  }
0x369: {  	_ =	swait.ge [sflag:s11], $0xF00  }
0x36a: {  	[sflag:s11] =	ssyncset.done $0x0  }
.Ltmp27:
0x36b: {  	s16 =	sadd.s32 $0x139C0, s15;
	[sflag:s11] =	ssyncadd.s32 $0xFFFFF100;
	(pc) =	sbr.rel @p2 .LBB2_33-.Ltmp27, $4  }
0x36c: {  	[spmem:s3] =	stream.indirect.scatter.add.f32 [tilespmem:s10], [sflag:$0x7], $0x30, s16, s29, $0xb8;
	[tilespmem:$0x1E690] =	vst v63  }
0x36d: {  	_ =	swait.ge [sflag:s5], $0xF00  }
0x36e: {  	[sflag:s5] =	ssyncset.done $0x0  }
0x36f: {  	s15 =	sadd.s32 $0xED30, s15;
	[sflag:s5] =	ssyncadd.s32 $0xFFFFF100  }
0x370: {  	[tilespmem:s10], [sflag:$0x5] =	stream.indirect.gather [hbm4b:s18+s29], $0x30, s15, s29, $0xb8;
	[tilespmem:$0x1E690] =	vst v63  }
0x371: {  	_ =	swait.ge [sflag:s25], $0xF00  }
0x372: {  	[sflag:s25] =	ssyncset.done $0x0  }
0x373: {  	s12 =	simm.s32 $0x18510;
	[sflag:s25] =	ssyncadd.s32 $0xFFFFF100  }
0x374: {  	[spmem:s3] =	stream.indirect.scatter.add.f32 [tilespmem:s6], [sflag:$0x7], $0x30, s12, s29, $0xb8;
	[tilespmem:$0x1E690] =	vst v63  }
0x375: {  	_ =	swait.ge [sflag:s5], $0xF00  }
0x376: {  	[sflag:s5] =	ssyncset.done $0x0  }
0x377: {  	[sflag:s5] =	ssyncadd.s32 $0xFFFFF100  }
0x378: {  	_ =	swait.ge [sflag:s26], $0xF00  }
0x379: {  	[sflag:s26] =	ssyncset.done $0x0  }
0x37a: {  	s16 =	simm.s32 $0x18560;
	[sflag:s26] =	ssyncadd.s32 $0xFFFFF100  }
0x37b: {  	[spmem:s3] =	stream.indirect.scatter.add.f32 [tilespmem:s9], [sflag:$0x7], $0x30, s16, s29, $0xb8;
	[tilespmem:$0x1E690] =	vst v63  }
0x37c: {  	_ =	swait.ge [sflag:s5], $0xF00  }
0x37d: {  	[sflag:s5] =	ssyncset.done $0x0  }
0x37e: {  	[sflag:s5] =	ssyncadd.s32 $0xFFFFF100  }
0x37f: {  	_ =	swait.ge [sflag:s28], $0xF00  }
0x380: {  	[sflag:s28] =	ssyncset.done $0x0  }
0x381: {  	s24 =	simm.s32 $0x185B0;
	[sflag:s28] =	ssyncadd.s32 $0xFFFFF100  }
0x382: {  	[spmem:s3] =	stream.indirect.scatter.add.f32 [tilespmem:s7], [sflag:$0x7], $0x30, s24, s29, $0xb8;
	[tilespmem:$0x1E690] =	vst v63  }
0x383: {  	_ =	swait.ge [sflag:s5], $0xF00  }
0x384: {  	[sflag:s5] =	ssyncset.done $0x0  }
0x385: {  	[sflag:s5] =	ssyncadd.s32 $0xFFFFF100  }
0x386: {  	_ =	swait.ge [sflag:s13], $0xF00  }
0x387: {  	[sflag:s13] =	ssyncset.done $0x0  }
0x388: {  	s30 =	simm.s32 $0x18600;
	[sflag:s13] =	ssyncadd.s32 $0xFFFFF100  }
0x389: {  	[spmem:s3] =	stream.indirect.scatter.add.f32 [tilespmem:s8], [sflag:$0x7], $0x30, s30, s29, $0xb8;
	[tilespmem:$0x1E690] =	vst v63  }
0x38a: {  	_ =	swait.ge [sflag:s5], $0xF00  }
0x38b: {  	[sflag:s5] =	ssyncset.done $0x0  }
0x38c: {  	[sflag:s5] =	ssyncadd.s32 $0xFFFFF100  }
0x38d: {  	_ =	swait.ge [sflag:s11], $0xF00  }
0x38e: {  	[sflag:s11] =	ssyncset.done $0x0  }
0x38f: {  	s15 =	simm.s32 $0x18650;
	[sflag:s11] =	ssyncadd.s32 $0xFFFFF100  }
0x390: {  	[spmem:s3] =	stream.indirect.scatter.add.f32 [tilespmem:s10], [sflag:$0x7], $0x30, s15, s29, $0xb8;
	[tilespmem:$0x1E690] =	vst v63  }
0x391: {  	_ =	swait.ge [sflag:s5], $0xF00  }
0x392: {  	[sflag:s5] =	ssyncset.done $0x0  }
0x393: {  	[sflag:s5] =	ssyncadd.s32 $0xFFFFF100  }
0x394: {  	s16 =	sshll.u32 s2, $0x6;
	[bflag:$0x0] =	sbarrier.arrive $0xFFFF  }
0x395: {  	s12 =	sor.u32 $0x1C06, s16;
	s16 =	sld [smem:$0x7FD]  }
0x396: {  	s24 =	rddreg [dreg:$0xa]  }
0x397: {  	s15 =	sshrl.u32 s24, $0x3  }
0x398: {  	[hbm:s16], [sflag:s12] =	dma.local [spmem:s15], $0xEA6  }
0x399: {  	s12 =	simm.s32 $0x0;
	s16 =	simm.s32 $0xEA60;
	s15 =	rddreg [dreg:$0xb]  }
0x39a: {  	[tilespmem:s16], [sflag:$0x7] =	stream.linear.gather [hbm4b:s15+s12], $0x4E20, $0x38;
	[tilespmem:$0x1E690] =	vst v63  }
0x39b: {  	_ =	swait.ge [sflag:s5], $0x4E20  }
0x39c: {  	[sflag:s5] =	ssyncset.done $0x0  }
0x39d: {  	s24 =	simm.s32 $0x13880;
	s30 =	rddreg [dreg:$0xc];
	[sflag:s5] =	ssyncadd.s32 $0xFFFFB1E0  }
0x39e: {  	[tilespmem:s24], [sflag:$0x7] =	stream.linear.gather [hbm4b:s30+s12], $0x4E20, $0x38;
	[tilespmem:$0x1E690] =	vst v63  }
0x39f: {  	_ =	swait.ge [sflag:s5], $0x4E20  }
0x3a0: {  	[sflag:s5] =	ssyncset.done $0x0  }
0x3a1: {  	[sflag:s5] =	ssyncadd.s32 $0xFFFFB1E0  }
0x3a2: {  	[tilespmem:s6], [sflag:$0x1] =	stream.indirect.gather [hbm4b:s19+s29], $0x30, s16, s29, $0xb8;
	[tilespmem:$0x1E690] =	vst v63  }
0x3a3: {  	s30 =	simm.s32 $0xEAB0  }
0x3a4: {  	[tilespmem:s9], [sflag:$0x2] =	stream.indirect.gather [hbm4b:s19+s29], $0x30, s30, s29, $0xb8;
	[tilespmem:$0x1E690] =	vst v63  }
0x3a5: {  	s15 =	simm.s32 $0xEB00  }
0x3a6: {  	[tilespmem:s7], [sflag:$0x3] =	stream.indirect.gather [hbm4b:s19+s29], $0x30, s15, s29, $0xb8;
	[tilespmem:$0x1E690] =	vst v63  }
0x3a7: {  	s16 =	simm.s32 $0xEB50  }
0x3a8: {  	[tilespmem:s8], [sflag:$0x4] =	stream.indirect.gather [hbm4b:s19+s29], $0x30, s16, s29, $0xb8;
	[tilespmem:$0x1E690] =	vst v63  }
0x3a9: {  	s24 =	simm.s32 $0xEBA0  }
0x3aa: {  	[tilespmem:s10], [sflag:$0x5] =	stream.indirect.gather [hbm4b:s19+s29], $0x30, s24, s29, $0xb8;
	[tilespmem:$0x1E690] =	vst v63  }
0x3ab: {  	_ =	swait.ge [sflag:s25], $0xF00  }
0x3ac: {  	[sflag:s25] =	ssyncset.done $0x0  }
0x3ad: {  	s30 =	simm.s32 $0x13880;
	[sflag:s25] =	ssyncadd.s32 $0xFFFFF100  }
0x3ae: {  	[spmem:s4] =	stream.indirect.scatter.add.f32 [tilespmem:s6], [sflag:$0x7], $0x30, s30, s29, $0xb8;
	[tilespmem:$0x1E690] =	vst v63  }
0x3af: {  	_ =	swait.ge [sflag:s5], $0xF00  }
0x3b0: {  	[sflag:s5] =	ssyncset.done $0x0  }
0x3b1: {  	s15 =	simm.s32 $0xEBF0;
	[sflag:s5] =	ssyncadd.s32 $0xFFFFF100  }
0x3b2: {  	[tilespmem:s6], [sflag:$0x1] =	stream.indirect.gather [hbm4b:s19+s29], $0x30, s15, s29, $0xb8;
	[tilespmem:$0x1E690] =	vst v63  }
0x3b3: {  	_ =	swait.ge [sflag:s26], $0xF00  }
0x3b4: {  	[sflag:s26] =	ssyncset.done $0x0  }
0x3b5: {  	s16 =	simm.s32 $0x138D0;
	[sflag:s26] =	ssyncadd.s32 $0xFFFFF100  }
0x3b6: {  	[spmem:s4] =	stream.indirect.scatter.add.f32 [tilespmem:s9], [sflag:$0x7], $0x30, s16, s29, $0xb8;
	[tilespmem:$0x1E690] =	vst v63  }
0x3b7: {  	_ =	swait.ge [sflag:s5], $0xF00  }
0x3b8: {  	[sflag:s5] =	ssyncset.done $0x0  }
0x3b9: {  	s24 =	simm.s32 $0xEC40;
	[sflag:s5] =	ssyncadd.s32 $0xFFFFF100  }
0x3ba: {  	[tilespmem:s9], [sflag:$0x2] =	stream.indirect.gather [hbm4b:s19+s29], $0x30, s24, s29, $0xb8;
	[tilespmem:$0x1E690] =	vst v63  }
0x3bb: {  	_ =	swait.ge [sflag:s28], $0xF00  }
0x3bc: {  	[sflag:s28] =	ssyncset.done $0x0  }
0x3bd: {  	s30 =	simm.s32 $0x13920;
	[sflag:s28] =	ssyncadd.s32 $0xFFFFF100  }
0x3be: {  	[spmem:s4] =	stream.indirect.scatter.add.f32 [tilespmem:s7], [sflag:$0x7], $0x30, s30, s29, $0xb8;
	[tilespmem:$0x1E690] =	vst v63  }
0x3bf: {  	_ =	swait.ge [sflag:s5], $0xF00  }
0x3c0: {  	[sflag:s5] =	ssyncset.done $0x0  }
0x3c1: {  	s15 =	simm.s32 $0xEC90;
	[sflag:s5] =	ssyncadd.s32 $0xFFFFF100  }
0x3c2: {  	[tilespmem:s7], [sflag:$0x3] =	stream.indirect.gather [hbm4b:s19+s29], $0x30, s15, s29, $0xb8;
	[tilespmem:$0x1E690] =	vst v63  }
0x3c3: {  	_ =	swait.ge [sflag:s13], $0xF00  }
0x3c4: {  	[sflag:s13] =	ssyncset.done $0x0  }
0x3c5: {  	s16 =	simm.s32 $0x13970;
	[sflag:s13] =	ssyncadd.s32 $0xFFFFF100  }
0x3c6: {  	[spmem:s4] =	stream.indirect.scatter.add.f32 [tilespmem:s8], [sflag:$0x7], $0x30, s16, s29, $0xb8;
	[tilespmem:$0x1E690] =	vst v63  }
0x3c7: {  	_ =	swait.ge [sflag:s5], $0xF00  }
0x3c8: {  	[sflag:s5] =	ssyncset.done $0x0  }
0x3c9: {  	s24 =	simm.s32 $0xECE0;
	[sflag:s5] =	ssyncadd.s32 $0xFFFFF100  }
0x3ca: {  	[tilespmem:s8], [sflag:$0x4] =	stream.indirect.gather [hbm4b:s19+s29], $0x30, s24, s29, $0xb8;
	[tilespmem:$0x1E690] =	vst v63  }
0x3cb: {  	_ =	swait.ge [sflag:s11], $0xF00  }
0x3cc: {  	[sflag:s11] =	ssyncset.done $0x0  }
0x3cd: {  	s30 =	simm.s32 $0x139C0;
	[sflag:s11] =	ssyncadd.s32 $0xFFFFF100  }
0x3ce: {  	[spmem:s4] =	stream.indirect.scatter.add.f32 [tilespmem:s10], [sflag:$0x7], $0x30, s30, s29, $0xb8;
	[tilespmem:$0x1E690] =	vst v63  }
0x3cf: {  	_ =	swait.ge [sflag:s5], $0xF00  }
0x3d0: {  	[sflag:s5] =	ssyncset.done $0x0  }
0x3d1: {  	s12 =	simm.s32 $0x640;
	s15 =	simm.s32 $0xED30;
	[sflag:s5] =	ssyncadd.s32 $0xFFFFF100  }
.LBB2_35:
0x3d2: {  	[tilespmem:s10], [sflag:$0x5] =	stream.indirect.gather [hbm4b:s19+s29], $0x30, s15, s29, $0xb8;
	[tilespmem:$0x1E690] =	vst v63  }
0x3d3: {  	s15 =	smov.u32 s12  }
0x3d4: {  	p2 =	sne.s32 s12, $0x12C00;
	s12 =	sadd.s32 $0x640, s12;
	_ =	swait.ge [sflag:s25], $0xF00  }
0x3d5: {  	s15 =	sshra.s32 s15, $0x2;
	[sflag:s25] =	ssyncset.done $0x0  }
0x3d6: {  	s16 =	sadd.s32 $0x13880, s15;
	[sflag:s25] =	ssyncadd.s32 $0xFFFFF100  }
0x3d7: {  	[spmem:s4] =	stream.indirect.scatter.add.f32 [tilespmem:s6], [sflag:$0x7], $0x30, s16, s29, $0xb8;
	[tilespmem:$0x1E690] =	vst v63  }
0x3d8: {  	_ =	swait.ge [sflag:s5], $0xF00  }
0x3d9: {  	[sflag:s5] =	ssyncset.done $0x0  }
0x3da: {  	s16 =	sadd.s32 $0xEBF0, s15;
	[sflag:s5] =	ssyncadd.s32 $0xFFFFF100  }
0x3db: {  	[tilespmem:s6], [sflag:$0x1] =	stream.indirect.gather [hbm4b:s19+s29], $0x30, s16, s29, $0xb8;
	[tilespmem:$0x1E690] =	vst v63  }
0x3dc: {  	_ =	swait.ge [sflag:s26], $0xF00  }
0x3dd: {  	[sflag:s26] =	ssyncset.done $0x0  }
0x3de: {  	s16 =	sadd.s32 $0x138D0, s15;
	[sflag:s26] =	ssyncadd.s32 $0xFFFFF100  }
0x3df: {  	[spmem:s4] =	stream.indirect.scatter.add.f32 [tilespmem:s9], [sflag:$0x7], $0x30, s16, s29, $0xb8;
	[tilespmem:$0x1E690] =	vst v63  }
0x3e0: {  	_ =	swait.ge [sflag:s5], $0xF00  }
0x3e1: {  	[sflag:s5] =	ssyncset.done $0x0  }
0x3e2: {  	s16 =	sadd.s32 $0xEC40, s15;
	[sflag:s5] =	ssyncadd.s32 $0xFFFFF100  }
0x3e3: {  	[tilespmem:s9], [sflag:$0x2] =	stream.indirect.gather [hbm4b:s19+s29], $0x30, s16, s29, $0xb8;
	[tilespmem:$0x1E690] =	vst v63  }
0x3e4: {  	_ =	swait.ge [sflag:s28], $0xF00  }
0x3e5: {  	[sflag:s28] =	ssyncset.done $0x0  }
0x3e6: {  	s16 =	sadd.s32 $0x13920, s15;
	[sflag:s28] =	ssyncadd.s32 $0xFFFFF100  }
0x3e7: {  	[spmem:s4] =	stream.indirect.scatter.add.f32 [tilespmem:s7], [sflag:$0x7], $0x30, s16, s29, $0xb8;
	[tilespmem:$0x1E690] =	vst v63  }
0x3e8: {  	_ =	swait.ge [sflag:s5], $0xF00  }
0x3e9: {  	[sflag:s5] =	ssyncset.done $0x0  }
0x3ea: {  	s16 =	sadd.s32 $0xEC90, s15;
	[sflag:s5] =	ssyncadd.s32 $0xFFFFF100  }
0x3eb: {  	[tilespmem:s7], [sflag:$0x3] =	stream.indirect.gather [hbm4b:s19+s29], $0x30, s16, s29, $0xb8;
	[tilespmem:$0x1E690] =	vst v63  }
0x3ec: {  	_ =	swait.ge [sflag:s13], $0xF00  }
0x3ed: {  	[sflag:s13] =	ssyncset.done $0x0  }
0x3ee: {  	s16 =	sadd.s32 $0x13970, s15;
	[sflag:s13] =	ssyncadd.s32 $0xFFFFF100  }
0x3ef: {  	[spmem:s4] =	stream.indirect.scatter.add.f32 [tilespmem:s8], [sflag:$0x7], $0x30, s16, s29, $0xb8;
	[tilespmem:$0x1E690] =	vst v63  }
0x3f0: {  	_ =	swait.ge [sflag:s5], $0xF00  }
0x3f1: {  	[sflag:s5] =	ssyncset.done $0x0  }
0x3f2: {  	s16 =	sadd.s32 $0xECE0, s15;
	[sflag:s5] =	ssyncadd.s32 $0xFFFFF100  }
0x3f3: {  	[tilespmem:s8], [sflag:$0x4] =	stream.indirect.gather [hbm4b:s19+s29], $0x30, s16, s29, $0xb8;
	[tilespmem:$0x1E690] =	vst v63  }
0x3f4: {  	_ =	swait.ge [sflag:s11], $0xF00  }
0x3f5: {  	[sflag:s11] =	ssyncset.done $0x0  }
.Ltmp28:
0x3f6: {  	s16 =	sadd.s32 $0x139C0, s15;
	[sflag:s11] =	ssyncadd.s32 $0xFFFFF100;
	(pc) =	sbr.rel @p2 .LBB2_35-.Ltmp28, $4  }
0x3f7: {  	[spmem:s4] =	stream.indirect.scatter.add.f32 [tilespmem:s10], [sflag:$0x7], $0x30, s16, s29, $0xb8;
	[tilespmem:$0x1E690] =	vst v63  }
0x3f8: {  	_ =	swait.ge [sflag:s5], $0xF00  }
0x3f9: {  	[sflag:s5] =	ssyncset.done $0x0  }
0x3fa: {  	s15 =	sadd.s32 $0xED30, s15;
	[sflag:s5] =	ssyncadd.s32 $0xFFFFF100  }
.Ltmp29:
0x3fb: {  	(pc) =	sbr.rel .LBB2_37-.Ltmp29, $4  }
0x3fc: {  	_ = 	snop  }
0x3fd: {  	[tilespmem:s10], [sflag:$0x5] =	stream.indirect.gather [hbm4b:s19+s29], $0x30, s15, s29, $0xb8;
	[tilespmem:$0x1E690] =	vst v63  }
0x3fe: {  	s12 =	rddreg [dreg:$0xd]  }
0x3ff: {  	s30 =	sld [smem:$0x7F3]  }
.LBB2_38:
0x400: {  	_ =	sfence.sel $0x180000  }
0x401: {  	[bflag:$0x0] =	sbarrier.arrive $0xFFFF  }
0x402: {  	_ =	strace $0x90000047  }
0x403: {  	[bflag:$0x2] =	sbarrier.arrive $0xFFFF  }
0x404: {  	p0 =	sne.s32 s2, $0x0;
	s0 =	rddreg [dreg:$0x5]  }
0x405: {  	s0 =	sadd.s32 @!p0 $0x100000, s0  }
0x406: {  	[sflag:s0] =	ssyncadd.tile.s32 @!p0 $0x1;
	_ =	shalt  }
.Lfunc_end2:
_tile_overlayer_lowered:
.L_overlay_start_2:
0x407: {  	(tag) =	ssettag $0x2  }
0x408: {  	s0 =	rddreg [dreg:$0x0];
	s2 =	stileid.u32  }
0x409: {  	s1 =	rddreg [dreg:$0x1];
	p0 =	sne.s32 s2, $0x0  }
0x40a: {  	s3 =	rddreg [dreg:$0x2];
	[bflag:$0x3] =	sbarrier.arrive $0xFFFF;
	s2 =	simm.s32 @!p0 $0x1C07  }
0x40b: {  	[timem:s3], [sflag:s2] =	dma.local @!p0 [hbm:s0], s1  }
0x40c: {  	s0 =	simm.s32 @!p0 $0x7  }
0x40d: {  	_ =	swait.ge @!p0 [sflag:s0], s1  }
0x40e: {  	s1 =	ssub.s32 @!p0 $0x0, s1;
	[sflag:s0] =	ssyncset.done @!p0 $0x0  }
0x40f: {  	[sflag:s0] =	ssyncadd.s32 @!p0 s1  }
0x410: {  	[bflag:$0x3] =	sbarrier.arrive $0xFFFF  }
0x411: {  	_ =	shalt  }

</sc_bundles>
